<compile_context>
chip_gen: v7x
topology: tpu7x:2x2x1
jax: 0.10.2.dev20260603
libtpu: 0.0.44.dev20260713+nightly
codegen_flags: <defaults>
</compile_context>

<pallas_src>
import functools

import jax
import jax.numpy as jnp
from jax import lax
from jax.experimental import pallas as pl
from jax.experimental.pallas import tpu as pltpu
from jax.experimental.pallas import tpu_sc as plsc

N = 10000
E = 320000
D = 128
EPS = 1e-5

NC = 2
NS = 16
NW = NC * NS
CHUNK = 128
GSETS = 3
SSETS = 2
N_PAD = 10240
RPT = N_PAD // NS

QSIZES = (81920, 81920, 81920, 74240)
QOFFS = (0, 81920, 163840, 245760)
QBLOCK = (2048, 2048, 2048, 2560)


def _vmesh():
    return plsc.VectorSubcoreMesh(core_axis_name="c", subcore_axis_name="s",
                                  num_cores=NC, num_subcores=NS)


def _ln_rows(v, g, b):
    mu = jnp.mean(v, axis=-1, keepdims=True)
    d = v - mu
    var = jnp.mean(d * d, axis=-1, keepdims=True)
    return g * (d * lax.rsqrt(var + EPS)) + b


def _tc_qk(x, wqT, bq, wkT, bk):
    BN = 2000

    def body(x_r, wq_r, bq_r, wk_r, bk_r, q_r, k_r):
        xb = x_r[...]
        q_r[...] = jnp.dot(xb, wq_r[...], preferred_element_type=jnp.float32) + bq_r[...]
        k_r[...] = jnp.dot(xb, wk_r[...], preferred_element_type=jnp.float32) + bk_r[...]

    return pl.pallas_call(
        body,
        grid=(N // BN,),
        in_specs=[pl.BlockSpec((BN, D), lambda i: (i, 0)),
                  pl.BlockSpec((D, D), lambda i: (0, 0)),
                  pl.BlockSpec((1, D), lambda i: (0, 0)),
                  pl.BlockSpec((D, D), lambda i: (0, 0)),
                  pl.BlockSpec((1, D), lambda i: (0, 0))],
        out_specs=[pl.BlockSpec((BN, D), lambda i: (i, 0)),
                   pl.BlockSpec((BN, D), lambda i: (i, 0))],
        out_shape=[jax.ShapeDtypeStruct((N, D), jnp.float32)] * 2,
    )(x, wqT, bq, wkT, bk)


def _sc_gather(qall, kall, dst_q, src_q, eh):
    epw = eh // NW
    gch = epw // CHUNK
    grem = epw - gch * CHUNK
    gp = gch // GSETS
    gtail = gch - gp * GSETS

    @functools.partial(
        pl.kernel, mesh=_vmesh(),
        out_type=(jax.ShapeDtypeStruct((eh, D), jnp.float32),
                  jax.ShapeDtypeStruct((eh, D), jnp.float32)),
        scratch_types=[pltpu.VMEM((epw,), jnp.int32),
                       pltpu.VMEM((epw,), jnp.int32)]
                      + [pltpu.VMEM((CHUNK, D), jnp.float32)] * (2 * GSETS)
                      + [pltpu.SemaphoreType.DMA] * (2 * GSETS),
    )
    def k(q_hbm, k_hbm, dst_hbm, src_hbm, qd_hbm, ks_hbm, dsti, srci, *bufs):
        rqs = bufs[0:GSETS]
        rks = bufs[GSETS:2 * GSETS]
        gsems = bufs[2 * GSETS:3 * GSETS]
        ssems = bufs[3 * GSETS:4 * GSETS]
        wid = lax.axis_index("s") * NC + lax.axis_index("c")
        eb = wid * epw
        pltpu.sync_copy(dst_hbm.at[pl.ds(eb, epw)], dsti)
        pltpu.sync_copy(src_hbm.at[pl.ds(eb, epw)], srci)

        def issue_gather(c, s):
            pltpu.async_copy(q_hbm.at[dsti.at[pl.ds(c * CHUNK, CHUNK)]],
                             rqs[s], gsems[s])
            pltpu.async_copy(k_hbm.at[srci.at[pl.ds(c * CHUNK, CHUNK)]],
                             rks[s], gsems[s])

        def wait_gather(s):
            pltpu.make_async_copy(q_hbm.at[dsti.at[pl.ds(0, CHUNK)]],
                                  rqs[s], gsems[s]).wait()
            pltpu.make_async_copy(k_hbm.at[srci.at[pl.ds(0, CHUNK)]],
                                  rks[s], gsems[s]).wait()

        def issue_store(c, s):
            pltpu.async_copy(rqs[s], qd_hbm.at[pl.ds(eb + c * CHUNK, CHUNK)],
                             ssems[s])
            pltpu.async_copy(rks[s], ks_hbm.at[pl.ds(eb + c * CHUNK, CHUNK)],
                             ssems[s])

        def wait_store(s):
            pltpu.make_async_copy(rqs[s], qd_hbm.at[pl.ds(eb, CHUNK)],
                                  ssems[s]).wait()
            pltpu.make_async_copy(rks[s], ks_hbm.at[pl.ds(eb, CHUNK)],
                                  ssems[s]).wait()

        for s in range(GSETS):
            issue_gather(s, s)

        def body(j, carry):
            c = GSETS * j
            for s in range(GSETS):
                wait_gather(s)
                issue_store(c + s, s)
            for s in range(GSETS):
                wait_store(s)

                @pl.when(c + s + GSETS < gch)
                def _():
                    issue_gather(c + s + GSETS, s)

            return carry

        lax.fori_loop(0, gp, body, 0)

        for t in range(gtail):
            c = gp * GSETS + t
            wait_gather(t)
            issue_store(c, t)
            wait_store(t)

        if grem > 0:
            pltpu.async_copy(q_hbm.at[dsti.at[pl.ds(gch * CHUNK, grem)]],
                             rqs[0].at[pl.ds(0, grem)], gsems[0])
            pltpu.async_copy(k_hbm.at[srci.at[pl.ds(gch * CHUNK, grem)]],
                             rks[0].at[pl.ds(0, grem)], gsems[0])
            pltpu.make_async_copy(q_hbm.at[dsti.at[pl.ds(0, grem)]],
                                  rqs[0].at[pl.ds(0, grem)], gsems[0]).wait()
            pltpu.make_async_copy(k_hbm.at[srci.at[pl.ds(0, grem)]],
                                  rks[0].at[pl.ds(0, grem)], gsems[0]).wait()
            pltpu.sync_copy(rqs[0].at[pl.ds(0, grem)],
                            qd_hbm.at[pl.ds(eb + gch * CHUNK, grem)])
            pltpu.sync_copy(rks[0].at[pl.ds(0, grem)],
                            ks_hbm.at[pl.ds(eb + gch * CHUNK, grem)])

    return k(qall, kall, dst_q, src_q)


def _tc_edge(pc, qd, ks, weT, wcT, bc, ge, be, qi, e_prev=None):
    eh = QSIZES[qi]
    be_blk = QBLOCK[qi]
    hoff = QOFFS[qi] // be_blk

    def body(pc_r, qd_r, ks_r, we_r, wc_r, bc_r, ge_r, be_r, *rest):
        conn_r, e_r = rest[-2], rest[-1]
        pcb = pc_r[...]
        eh_v = jnp.dot(pcb, we_r[...], preferred_element_type=jnp.float32)
        c1 = jnp.maximum(qd_r[...] + ks_r[...] + eh_v, 0.0)
        conn = jnp.dot(c1, wc_r[...], preferred_element_type=jnp.float32) + bc_r[...]
        conn_r[...] = conn
        e_r[...] = _ln_rows(pcb + conn, ge_r[...], be_r[...])

    in_specs = [pl.BlockSpec((be_blk, D), lambda i: (i + hoff, 0)),
                pl.BlockSpec((be_blk, D), lambda i: (i, 0)),
                pl.BlockSpec((be_blk, D), lambda i: (i, 0)),
                pl.BlockSpec((D, D), lambda i: (0, 0)),
                pl.BlockSpec((D, D), lambda i: (0, 0)),
                pl.BlockSpec((1, D), lambda i: (0, 0)),
                pl.BlockSpec((1, D), lambda i: (0, 0)),
                pl.BlockSpec((1, D), lambda i: (0, 0))]
    args = (pc, qd, ks, weT, wcT, bc, ge, be)
    aliases = {}
    if e_prev is not None:
        in_specs.append(pl.BlockSpec(memory_space=pl.ANY))
        args = args + (e_prev,)
        aliases = {8: 1}

    return pl.pallas_call(
        body,
        grid=(eh // be_blk,),
        in_specs=in_specs,
        out_specs=[pl.BlockSpec((be_blk, D), lambda i: (i, 0)),
                   pl.BlockSpec((be_blk, D), lambda i: (i + hoff, 0))],
        out_shape=[jax.ShapeDtypeStruct((eh, D), jnp.float32),
                   jax.ShapeDtypeStruct((E, D), jnp.float32)],
        input_output_aliases=aliases,
    )(*args)


def _sc_scatter(conn_q, dst_q, zeros_nd, eh):
    epw = eh // NW
    gch = epw // CHUNK
    grem = epw - gch * CHUNK
    sgp = gch // SSETS
    stail = gch - sgp * SSETS

    @functools.partial(
        pl.kernel, mesh=_vmesh(),
        out_type=jax.ShapeDtypeStruct((NC, N_PAD, D), jnp.float32),
        scratch_types=[pltpu.VMEM_SHARED((N_PAD, D), jnp.float32),
                       pltpu.VMEM((max(grem, 8),), jnp.int32)]
                      + [pltpu.VMEM((CHUNK,), jnp.int32)] * SSETS
                      + [pltpu.VMEM((CHUNK, D), jnp.float32)] * SSETS
                      + [pltpu.SemaphoreType.DMA] * (2 * SSETS),
    )
    def k(conn_hbm, dst_hbm, zero_hbm, out_hbm, acc_sh, idx_rem, *bufs):
        idxs = bufs[0:SSETS]
        rows = bufs[SSETS:2 * SSETS]
        lsems = bufs[2 * SSETS:3 * SSETS]
        asems = bufs[3 * SSETS:4 * SSETS]
        cid = lax.axis_index("c")
        sid = lax.axis_index("s")
        wid = sid * NC + cid
        eb = wid * epw
        pltpu.sync_copy(zero_hbm.at[pl.ds(sid * RPT, RPT)],
                        acc_sh.at[pl.ds(sid * RPT, RPT)])
        plsc.subcore_barrier()

        def issue_load(c, s):
            base = eb + c * CHUNK
            pltpu.async_copy(dst_hbm.at[pl.ds(base, CHUNK)], idxs[s], lsems[s])
            pltpu.async_copy(conn_hbm.at[pl.ds(base, CHUNK)], rows[s], lsems[s])

        def wait_load(s):
            pltpu.make_async_copy(dst_hbm.at[pl.ds(0, CHUNK)],
                                  idxs[s], lsems[s]).wait()
            pltpu.make_async_copy(conn_hbm.at[pl.ds(0, CHUNK)],
                                  rows[s], lsems[s]).wait()

        def issue_scatter(s):
            pltpu.async_copy(rows[s], acc_sh.at[idxs[s]], asems[s], add=True)

        def wait_scatter(s):
            pltpu.make_async_copy(rows[s], acc_sh.at[idxs[s]], asems[s]).wait()

        for s in range(SSETS):
            issue_load(s, s)

        def body(j, carry):
            c = SSETS * j
            for s in range(SSETS):
                wait_load(s)
                issue_scatter(s)
            for s in range(SSETS):
                wait_scatter(s)

                @pl.when(c + s + SSETS < gch)
                def _():
                    issue_load(c + s + SSETS, s)

            return carry

        lax.fori_loop(0, sgp, body, 0)

        for t in range(stail):
            wait_load(t)
            issue_scatter(t)
            wait_scatter(t)

        if grem > 0:
            rbase = eb + gch * CHUNK
            pltpu.sync_copy(dst_hbm.at[pl.ds(rbase, grem)],
                            idx_rem.at[pl.ds(0, grem)])
            pltpu.sync_copy(conn_hbm.at[pl.ds(rbase, grem)],
                            rows[0].at[pl.ds(0, grem)])
            pltpu.sync_copy(rows[0].at[pl.ds(0, grem)],
                            acc_sh.at[idx_rem.at[pl.ds(0, grem)]], add=True)

        plsc.subcore_barrier()
        pltpu.sync_copy(acc_sh.at[pl.ds(sid * RPT, RPT)],
                        out_hbm.at[cid, pl.ds(sid * RPT, RPT)])

    return k(conn_q, dst_q, zeros_nd)


def _tc_node(x, parts, wnT, bn, gh, bh):
    BN = 2000
    nq = len(parts)

    def body(x_r, *rest):
        p_rs = rest[:nq]
        wn_r, bn_r, gh_r, bh_r, h_r = rest[nq:]
        agg = p_rs[0][0] + p_rs[0][1]
        for p_r in p_rs[1:]:
            agg = agg + p_r[0] + p_r[1]
        h = x_r[...] + jnp.dot(agg, wn_r[...], preferred_element_type=jnp.float32) + bn_r[...]
        h_r[...] = _ln_rows(h, gh_r[...], bh_r[...])

    return pl.pallas_call(
        body,
        grid=(N // BN,),
        in_specs=[pl.BlockSpec((BN, D), lambda i: (i, 0))]
                 + [pl.BlockSpec((NC, BN, D), lambda i: (0, i, 0))] * nq
                 + [pl.BlockSpec((D, D), lambda i: (0, 0)),
                    pl.BlockSpec((1, D), lambda i: (0, 0)),
                    pl.BlockSpec((1, D), lambda i: (0, 0)),
                    pl.BlockSpec((1, D), lambda i: (0, 0))],
        out_specs=pl.BlockSpec((BN, D), lambda i: (i, 0)),
        out_shape=jax.ShapeDtypeStruct((N, D), jnp.float32),
    )(x, *parts, wnT, bn, gh, bh)


def kernel(x, poly_conn, poly_index, WQ, bQ, WK, bK, WE, Wc, bc, Wn, bn,
           g_h, b_h, g_e, b_e):
    dst = poly_index[0]
    src = poly_index[1]
    nq = len(QSIZES)
    dst_q = [lax.slice(dst, (QOFFS[i],), (QOFFS[i] + QSIZES[i],))
             for i in range(nq)]
    src_q = [lax.slice(src, (QOFFS[i],), (QOFFS[i] + QSIZES[i],))
             for i in range(nq)]
    zeros_nd = jnp.zeros((N_PAD, D), jnp.float32)
    weT, wcT = WE.T, Wc.T
    bc_, ge_, be_ = bc[None], g_e[None], b_e[None]

    qall, kall = _tc_qk(x, WQ.T, bQ[None], WK.T, bK[None])

    gathered = {0: _sc_gather(qall, kall, dst_q[0], src_q[0], QSIZES[0])}
    conns = {}
    parts = []
    e_cur = None
    for i in range(nq):
        if i + 1 < nq:
            gathered[i + 1] = _sc_gather(qall, kall, dst_q[i + 1],
                                         src_q[i + 1], QSIZES[i + 1])
        qd_i, ks_i = gathered.pop(i)
        conn_i, e_cur = _tc_edge(poly_conn, qd_i, ks_i, weT, wcT, bc_,
                                 ge_, be_, i, e_cur)
        conns[i] = conn_i
        if i - 1 >= 0:
            parts.append(_sc_scatter(conns.pop(i - 1), dst_q[i - 1],
                                     zeros_nd, QSIZES[i - 1]))
    parts.append(_sc_scatter(conns.pop(nq - 1), dst_q[nq - 1],
                             zeros_nd, QSIZES[nq - 1]))

    h = _tc_node(x, parts, Wn.T, bn[None], g_h[None], b_h[None])
    return (h, e_cur)

# --- scband reference (transcript-rebuilt; emitter-appended) ---
"""Pipeline reference for scband-mbp-ginelayer-24824910970958 (READ-ONLY COPY).

The authoritative reference and input builder live on the scoring server;
editing this copy changes nothing except your own understanding.
"""

import jax, jax.numpy as jnp
import numpy as np

N = 10000
E_EDGES = 320000
D = 128
EPS = 1e-5


def _xavier(key, shape):
    fan_in, fan_out = shape[1], shape[0]
    std = float(np.sqrt(2.0 / (fan_in + fan_out)))
    return jax.random.normal(key, shape, jnp.float32) * std


def setup_inputs(seed: int = 0) -> dict:
    key = jax.random.key(seed)
    ks = jax.random.split(key, 16)
    x = jax.random.normal(ks[0], (N, D), jnp.float32)
    poly_conn = jax.random.normal(ks[1], (E_EDGES, D), jnp.float32)
    poly_index = jax.random.randint(ks[2], (2, E_EDGES), 0, N, jnp.int32)
    WQ = _xavier(ks[3], (D, D)); bQ = jnp.zeros((D,), jnp.float32)
    WK = _xavier(ks[4], (D, D)); bK = jnp.zeros((D,), jnp.float32)
    WE = _xavier(ks[5], (D, D))
    Wc = _xavier(ks[6], (D, D)); bc = jnp.zeros((D,), jnp.float32)
    Wn = _xavier(ks[7], (D, D)); bn = jnp.zeros((D,), jnp.float32)
    g_h = jnp.ones((D,), jnp.float32); b_h = jnp.zeros((D,), jnp.float32)
    g_e = jnp.ones((D,), jnp.float32); b_e = jnp.zeros((D,), jnp.float32)
    return {"x": x, "poly_conn": poly_conn, "poly_index": poly_index,
            "WQ": WQ, "bQ": bQ, "WK": WK, "bK": bK, "WE": WE,
            "Wc": Wc, "bc": bc, "Wn": Wn, "bn": bn,
            "g_h": g_h, "b_h": b_h, "g_e": g_e, "b_e": b_e}


def _ln(v, g, b):
    mu = jnp.mean(v, axis=-1, keepdims=True)
    var = jnp.var(v, axis=-1, keepdims=True)
    return g * (v - mu) / jnp.sqrt(var + EPS) + b


def reference(x, poly_conn, poly_index, WQ, bQ, WK, bK, WE, Wc, bc, Wn, bn, g_h, b_h, g_e, b_e):
    dst = poly_index[0]
    src = poly_index[1]
    # MbpGINEMessagePassing
    Eh = poly_conn @ WE.T
    Qall = x @ WQ.T + bQ
    Kall = x @ WK.T + bK
    conn1 = jnp.take(Qall, dst, axis=0) + jnp.take(Kall, src, axis=0) + Eh
    conn2 = jax.nn.relu(conn1)
    # attn_drop_prob = 0.0 -> identity dropout
    conn = conn2 @ Wc.T + bc
    agg = jax.ops.segment_sum(conn, dst, num_segments=N)
    # MbpGINELayer (drop_prob = 0.0, deg_scaler False)
    h = agg @ Wn.T + bn
    # residual
    h = x + h
    e = poly_conn + conn
    # layer norm
    h = _ln(h, g_h, b_h)
    e = _ln(e, g_e, b_e)
    return (h, e)

if __name__ == "__main__":
    import jax
    _d = setup_inputs()
    print(jax.jit(kernel)(*tuple(_d.values())))

</pallas_src>

<mosaic_0001>
#map = affine_map<(d0, d1) -> (0, 0)>
#map1 = affine_map<(d0, d1) -> (0)>
module attributes {stable_mosaic.version = 14 : i64} {
  func.func @k(%arg0: i32, %arg1: i32, %arg2: memref<10000x128xf32, #tpu.memory_space<hbm>>, %arg3: memref<10000x128xf32, #tpu.memory_space<hbm>>, %arg4: memref<81920xi32, #tpu.memory_space<hbm>>, %arg5: memref<81920xi32, #tpu.memory_space<hbm>>, %arg6: memref<81920x128xf32, #tpu.memory_space<hbm>>, %arg7: memref<81920x128xf32, #tpu.memory_space<hbm>>, %arg8: memref<2560xi32, #tpu.memory_space<vmem>>, %arg9: memref<2560xi32, #tpu.memory_space<vmem>>, %arg10: memref<128x128xf32, #tpu.memory_space<vmem>>, %arg11: memref<128x128xf32, #tpu.memory_space<vmem>>, %arg12: memref<128x128xf32, #tpu.memory_space<vmem>>, %arg13: memref<128x128xf32, #tpu.memory_space<vmem>>, %arg14: memref<128x128xf32, #tpu.memory_space<vmem>>, %arg15: memref<128x128xf32, #tpu.memory_space<vmem>>, %arg16: memref<!tpu.dma_semaphore, #tpu.memory_space<semaphore_mem>>, %arg17: memref<!tpu.dma_semaphore, #tpu.memory_space<semaphore_mem>>, %arg18: memref<!tpu.dma_semaphore, #tpu.memory_space<semaphore_mem>>, %arg19: memref<!tpu.dma_semaphore, #tpu.memory_space<semaphore_mem>>, %arg20: memref<!tpu.dma_semaphore, #tpu.memory_space<semaphore_mem>>, %arg21: memref<!tpu.dma_semaphore, #tpu.memory_space<semaphore_mem>>) attributes {dimension_semantics = [#tpu.dimension_semantics<core_parallel>, #tpu.dimension_semantics<subcore_parallel>], iteration_bounds = array<i64: 2, 16>, scalar_prefetch = 0 : i64, scratch_operands = 14 : i64, tpu.core_type = #tpu.core_type<sc_vector_subcore>, window_params = [{transform_indices = #map}, {transform_indices = #map}, {transform_indices = #map1}, {transform_indices = #map1}, {transform_indices = #map}, {transform_indices = #map}]} {
    %mul3A = arith.constant 2 : i32
    %mul3A_0 = arith.muli %arg1, %mul3A : i32
    %add3A = arith.addi %mul3A_0, %arg0 : i32
    %mul3A_1 = arith.constant 2560 : i32
    %mul3A_2 = arith.muli %add3A, %mul3A_1 : i32
    "tpu.region"() ({
      %run_scoped3A = tpu.sem_alloc : memref<!tpu.dma_semaphore, #tpu.memory_space<semaphore_mem>>
      %dma_start3A_96 = tpu.memref_slice %arg4[%mul3A_2] : memref<81920xi32, #tpu.memory_space<hbm>> -> memref<2560xi32, #tpu.memory_space<hbm>>
      %dma_start3A_97 = tpu.memref_slice %arg4[%mul3A_2] : memref<81920xi32, #tpu.memory_space<hbm>> -> memref<2560xi32, #tpu.memory_space<hbm>>
      tpu.enqueue_dma source(%dma_start3A_97 : memref<2560xi32, #tpu.memory_space<hbm>>) target(%arg8 : memref<2560xi32, #tpu.memory_space<vmem>>) target_semaphore(%run_scoped3A : memref<!tpu.dma_semaphore, #tpu.memory_space<semaphore_mem>>)
      %dma_wait3A_98 = tpu.memref_slice %arg4[%mul3A_2] : memref<81920xi32, #tpu.memory_space<hbm>> -> memref<2560xi32, #tpu.memory_space<hbm>>
      %dma_wait3A_99 = tpu.memref_slice %arg4[%mul3A_2] : memref<81920xi32, #tpu.memory_space<hbm>> -> memref<2560xi32, #tpu.memory_space<hbm>>
      tpu.wait_dma2 semaphore(%run_scoped3A : memref<!tpu.dma_semaphore, #tpu.memory_space<semaphore_mem>>) src(%dma_wait3A_99 : memref<2560xi32, #tpu.memory_space<hbm>>) dst(%arg8 : memref<2560xi32, #tpu.memory_space<vmem>>)
      tpu.yield
    }) : () -> ()
    "tpu.region"() ({
      %run_scoped3A = tpu.sem_alloc : memref<!tpu.dma_semaphore, #tpu.memory_space<semaphore_mem>>
      %dma_start3A_96 = tpu.memref_slice %arg5[%mul3A_2] : memref<81920xi32, #tpu.memory_space<hbm>> -> memref<2560xi32, #tpu.memory_space<hbm>>
      %dma_start3A_97 = tpu.memref_slice %arg5[%mul3A_2] : memref<81920xi32, #tpu.memory_space<hbm>> -> memref<2560xi32, #tpu.memory_space<hbm>>
      tpu.enqueue_dma source(%dma_start3A_97 : memref<2560xi32, #tpu.memory_space<hbm>>) target(%arg9 : memref<2560xi32, #tpu.memory_space<vmem>>) target_semaphore(%run_scoped3A : memref<!tpu.dma_semaphore, #tpu.memory_space<semaphore_mem>>)
      %dma_wait3A_98 = tpu.memref_slice %arg5[%mul3A_2] : memref<81920xi32, #tpu.memory_space<hbm>> -> memref<2560xi32, #tpu.memory_space<hbm>>
      %dma_wait3A_99 = tpu.memref_slice %arg5[%mul3A_2] : memref<81920xi32, #tpu.memory_space<hbm>> -> memref<2560xi32, #tpu.memory_space<hbm>>
      tpu.wait_dma2 semaphore(%run_scoped3A : memref<!tpu.dma_semaphore, #tpu.memory_space<semaphore_mem>>) src(%dma_wait3A_99 : memref<2560xi32, #tpu.memory_space<hbm>>) dst(%arg9 : memref<2560xi32, #tpu.memory_space<vmem>>)
      tpu.yield
    }) : () -> ()
    %dma_start3A = arith.constant 0 : i32
    %dma_start3A_3 = tpu.memref_slice %arg8[%dma_start3A] : memref<2560xi32, #tpu.memory_space<vmem>> -> memref<128xi32, #tpu.memory_space<vmem>>
    %dma_start3A_4 = arith.constant 0 : i32
    %dma_start3A_5 = arith.constant 0 : i32
    %dma_start3A_6 = tpu.memref_slice %arg2[%dma_start3A_4, %dma_start3A_5] : memref<10000x128xf32, #tpu.memory_space<hbm>> -> memref<10000x128xf32, #tpu.memory_space<hbm>>
    tpu.enqueue_indirect_dma source(%dma_start3A_6 : memref<10000x128xf32, #tpu.memory_space<hbm>>) target(%arg10 : memref<128x128xf32, #tpu.memory_space<vmem>>) offsets(%dma_start3A_3 : memref<128xi32, #tpu.memory_space<vmem>>) semaphore(%arg16 : memref<!tpu.dma_semaphore, #tpu.memory_space<semaphore_mem>>)
    %dma_start3A_7 = arith.constant 0 : i32
    %dma_start3A_8 = tpu.memref_slice %arg9[%dma_start3A_7] : memref<2560xi32, #tpu.memory_space<vmem>> -> memref<128xi32, #tpu.memory_space<vmem>>
    %dma_start3A_9 = arith.constant 0 : i32
    %dma_start3A_10 = arith.constant 0 : i32
    %dma_start3A_11 = tpu.memref_slice %arg3[%dma_start3A_9, %dma_start3A_10] : memref<10000x128xf32, #tpu.memory_space<hbm>> -> memref<10000x128xf32, #tpu.memory_space<hbm>>
    tpu.enqueue_indirect_dma source(%dma_start3A_11 : memref<10000x128xf32, #tpu.memory_space<hbm>>) target(%arg13 : memref<128x128xf32, #tpu.memory_space<vmem>>) offsets(%dma_start3A_8 : memref<128xi32, #tpu.memory_space<vmem>>) semaphore(%arg16 : memref<!tpu.dma_semaphore, #tpu.memory_space<semaphore_mem>>)
    %dma_start3A_12 = arith.constant 128 : i32
    %dma_start3A_13 = tpu.memref_slice %arg8[%dma_start3A_12] : memref<2560xi32, #tpu.memory_space<vmem>> -> memref<128xi32, #tpu.memory_space<vmem>>
    %dma_start3A_14 = arith.constant 0 : i32
    %dma_start3A_15 = arith.constant 0 : i32
    %dma_start3A_16 = tpu.memref_slice %arg2[%dma_start3A_14, %dma_start3A_15] : memref<10000x128xf32, #tpu.memory_space<hbm>> -> memref<10000x128xf32, #tpu.memory_space<hbm>>
    tpu.enqueue_indirect_dma source(%dma_start3A_16 : memref<10000x128xf32, #tpu.memory_space<hbm>>) target(%arg11 : memref<128x128xf32, #tpu.memory_space<vmem>>) offsets(%dma_start3A_13 : memref<128xi32, #tpu.memory_space<vmem>>) semaphore(%arg17 : memref<!tpu.dma_semaphore, #tpu.memory_space<semaphore_mem>>)
    %dma_start3A_17 = arith.constant 128 : i32
    %dma_start3A_18 = tpu.memref_slice %arg9[%dma_start3A_17] : memref<2560xi32, #tpu.memory_space<vmem>> -> memref<128xi32, #tpu.memory_space<vmem>>
    %dma_start3A_19 = arith.constant 0 : i32
    %dma_start3A_20 = arith.constant 0 : i32
    %dma_start3A_21 = tpu.memref_slice %arg3[%dma_start3A_19, %dma_start3A_20] : memref<10000x128xf32, #tpu.memory_space<hbm>> -> memref<10000x128xf32, #tpu.memory_space<hbm>>
    tpu.enqueue_indirect_dma source(%dma_start3A_21 : memref<10000x128xf32, #tpu.memory_space<hbm>>) target(%arg14 : memref<128x128xf32, #tpu.memory_space<vmem>>) offsets(%dma_start3A_18 : memref<128xi32, #tpu.memory_space<vmem>>) semaphore(%arg17 : memref<!tpu.dma_semaphore, #tpu.memory_space<semaphore_mem>>)
    %dma_start3A_22 = arith.constant 256 : i32
    %dma_start3A_23 = tpu.memref_slice %arg8[%dma_start3A_22] : memref<2560xi32, #tpu.memory_space<vmem>> -> memref<128xi32, #tpu.memory_space<vmem>>
    %dma_start3A_24 = arith.constant 0 : i32
    %dma_start3A_25 = arith.constant 0 : i32
    %dma_start3A_26 = tpu.memref_slice %arg2[%dma_start3A_24, %dma_start3A_25] : memref<10000x128xf32, #tpu.memory_space<hbm>> -> memref<10000x128xf32, #tpu.memory_space<hbm>>
    tpu.enqueue_indirect_dma source(%dma_start3A_26 : memref<10000x128xf32, #tpu.memory_space<hbm>>) target(%arg12 : memref<128x128xf32, #tpu.memory_space<vmem>>) offsets(%dma_start3A_23 : memref<128xi32, #tpu.memory_space<vmem>>) semaphore(%arg18 : memref<!tpu.dma_semaphore, #tpu.memory_space<semaphore_mem>>)
    %dma_start3A_27 = arith.constant 256 : i32
    %dma_start3A_28 = tpu.memref_slice %arg9[%dma_start3A_27] : memref<2560xi32, #tpu.memory_space<vmem>> -> memref<128xi32, #tpu.memory_space<vmem>>
    %dma_start3A_29 = arith.constant 0 : i32
    %dma_start3A_30 = arith.constant 0 : i32
    %dma_start3A_31 = tpu.memref_slice %arg3[%dma_start3A_29, %dma_start3A_30] : memref<10000x128xf32, #tpu.memory_space<hbm>> -> memref<10000x128xf32, #tpu.memory_space<hbm>>
    tpu.enqueue_indirect_dma source(%dma_start3A_31 : memref<10000x128xf32, #tpu.memory_space<hbm>>) target(%arg15 : memref<128x128xf32, #tpu.memory_space<vmem>>) offsets(%dma_start3A_28 : memref<128xi32, #tpu.memory_space<vmem>>) semaphore(%arg18 : memref<!tpu.dma_semaphore, #tpu.memory_space<semaphore_mem>>)
    %scan3A = arith.constant 0 : i32
    %scan3A_32 = arith.constant 0 : i32
    %scan3A_33 = arith.constant 6 : i32
    %scan3A_34 = arith.addi %scan3A_32, %scan3A_33 : i32
    %scan3A_35 = arith.constant 1 : i32
    scf.for %scan3A_96 = %scan3A_32 to %scan3A_34 step %scan3A_35  : i32 {
      %mul3A_97 = arith.constant 3 : i32
      %mul3A_98 = arith.muli %mul3A_97, %scan3A_96 : i32
      %dma_wait3A_99 = arith.constant 0 : i32
      %dma_wait3A_100 = tpu.memref_slice %arg8[%dma_wait3A_99] : memref<2560xi32, #tpu.memory_space<vmem>> -> memref<128xi32, #tpu.memory_space<vmem>>
      %dma_wait3A_101 = arith.constant 0 : i32
      %dma_wait3A_102 = arith.constant 0 : i32
      %dma_wait3A_103 = tpu.memref_slice %arg2[%dma_wait3A_101, %dma_wait3A_102] : memref<10000x128xf32, #tpu.memory_space<hbm>> -> memref<10000x128xf32, #tpu.memory_space<hbm>>
      tpu.wait_indirect_dma semaphore(%arg16 : memref<!tpu.dma_semaphore, #tpu.memory_space<semaphore_mem>>) src(%dma_wait3A_103 : memref<10000x128xf32, #tpu.memory_space<hbm>>) dst(%arg10 : memref<128x128xf32, #tpu.memory_space<vmem>>)
      %dma_wait3A_104 = arith.constant 0 : i32
      %dma_wait3A_105 = tpu.memref_slice %arg9[%dma_wait3A_104] : memref<2560xi32, #tpu.memory_space<vmem>> -> memref<128xi32, #tpu.memory_space<vmem>>
      %dma_wait3A_106 = arith.constant 0 : i32
      %dma_wait3A_107 = arith.constant 0 : i32
      %dma_wait3A_108 = tpu.memref_slice %arg3[%dma_wait3A_106, %dma_wait3A_107] : memref<10000x128xf32, #tpu.memory_space<hbm>> -> memref<10000x128xf32, #tpu.memory_space<hbm>>
      tpu.wait_indirect_dma semaphore(%arg16 : memref<!tpu.dma_semaphore, #tpu.memory_space<semaphore_mem>>) src(%dma_wait3A_108 : memref<10000x128xf32, #tpu.memory_space<hbm>>) dst(%arg13 : memref<128x128xf32, #tpu.memory_space<vmem>>)
      %add3A_109 = arith.constant 0 : i32
      %add3A_110 = arith.addi %mul3A_98, %add3A_109 : i32
      %mul3A_111 = arith.constant 128 : i32
      %mul3A_112 = arith.muli %add3A_110, %mul3A_111 : i32
      %add3A_113 = arith.addi %mul3A_2, %mul3A_112 : i32
      %dma_start3A_114 = arith.constant 0 : i32
      %dma_start3A_115 = tpu.memref_slice %arg6[%add3A_113, %dma_start3A_114] : memref<81920x128xf32, #tpu.memory_space<hbm>> -> memref<128x128xf32, #tpu.memory_space<hbm>>
      %dma_start3A_116 = arith.constant 0 : i32
      %dma_start3A_117 = tpu.memref_slice %arg6[%add3A_113, %dma_start3A_116] : memref<81920x128xf32, #tpu.memory_space<hbm>> -> memref<128x128xf32, #tpu.memory_space<hbm>>
      tpu.enqueue_dma source(%arg10 : memref<128x128xf32, #tpu.memory_space<vmem>>) target(%dma_start3A_117 : memref<128x128xf32, #tpu.memory_space<hbm>>) target_semaphore(%arg19 : memref<!tpu.dma_semaphore, #tpu.memory_space<semaphore_mem>>)
      %mul3A_118 = arith.constant 128 : i32
      %mul3A_119 = arith.muli %add3A_110, %mul3A_118 : i32
      %add3A_120 = arith.addi %mul3A_2, %mul3A_119 : i32
      %dma_start3A_121 = arith.constant 0 : i32
      %dma_start3A_122 = tpu.memref_slice %arg7[%add3A_120, %dma_start3A_121] : memref<81920x128xf32, #tpu.memory_space<hbm>> -> memref<128x128xf32, #tpu.memory_space<hbm>>
      %dma_start3A_123 = arith.constant 0 : i32
      %dma_start3A_124 = tpu.memref_slice %arg7[%add3A_120, %dma_start3A_123] : memref<81920x128xf32, #tpu.memory_space<hbm>> -> memref<128x128xf32, #tpu.memory_space<hbm>>
      tpu.enqueue_dma source(%arg13 : memref<128x128xf32, #tpu.memory_space<vmem>>) target(%dma_start3A_124 : memref<128x128xf32, #tpu.memory_space<hbm>>) target_semaphore(%arg19 : memref<!tpu.dma_semaphore, #tpu.memory_space<semaphore_mem>>)
      %dma_wait3A_125 = arith.constant 0 : i32
      %dma_wait3A_126 = tpu.memref_slice %arg8[%dma_wait3A_125] : memref<2560xi32, #tpu.memory_space<vmem>> -> memref<128xi32, #tpu.memory_space<vmem>>
      %dma_wait3A_127 = arith.constant 0 : i32
      %dma_wait3A_128 = arith.constant 0 : i32
      %dma_wait3A_129 = tpu.memref_slice %arg2[%dma_wait3A_127, %dma_wait3A_128] : memref<10000x128xf32, #tpu.memory_space<hbm>> -> memref<10000x128xf32, #tpu.memory_space<hbm>>
      tpu.wait_indirect_dma semaphore(%arg17 : memref<!tpu.dma_semaphore, #tpu.memory_space<semaphore_mem>>) src(%dma_wait3A_129 : memref<10000x128xf32, #tpu.memory_space<hbm>>) dst(%arg11 : memref<128x128xf32, #tpu.memory_space<vmem>>)
      %dma_wait3A_130 = arith.constant 0 : i32
      %dma_wait3A_131 = tpu.memref_slice %arg9[%dma_wait3A_130] : memref<2560xi32, #tpu.memory_space<vmem>> -> memref<128xi32, #tpu.memory_space<vmem>>
      %dma_wait3A_132 = arith.constant 0 : i32
      %dma_wait3A_133 = arith.constant 0 : i32
      %dma_wait3A_134 = tpu.memref_slice %arg3[%dma_wait3A_132, %dma_wait3A_133] : memref<10000x128xf32, #tpu.memory_space<hbm>> -> memref<10000x128xf32, #tpu.memory_space<hbm>>
      tpu.wait_indirect_dma semaphore(%arg17 : memref<!tpu.dma_semaphore, #tpu.memory_space<semaphore_mem>>) src(%dma_wait3A_134 : memref<10000x128xf32, #tpu.memory_space<hbm>>) dst(%arg14 : memref<128x128xf32, #tpu.memory_space<vmem>>)
      %add3A_135 = arith.constant 1 : i32
      %add3A_136 = arith.addi %mul3A_98, %add3A_135 : i32
      %mul3A_137 = arith.constant 128 : i32
      %mul3A_138 = arith.muli %add3A_136, %mul3A_137 : i32
      %add3A_139 = arith.addi %mul3A_2, %mul3A_138 : i32
      %dma_start3A_140 = arith.constant 0 : i32
      %dma_start3A_141 = tpu.memref_slice %arg6[%add3A_139, %dma_start3A_140] : memref<81920x128xf32, #tpu.memory_space<hbm>> -> memref<128x128xf32, #tpu.memory_space<hbm>>
      %dma_start3A_142 = arith.constant 0 : i32
      %dma_start3A_143 = tpu.memref_slice %arg6[%add3A_139, %dma_start3A_142] : memref<81920x128xf32, #tpu.memory_space<hbm>> -> memref<128x128xf32, #tpu.memory_space<hbm>>
      tpu.enqueue_dma source(%arg11 : memref<128x128xf32, #tpu.memory_space<vmem>>) target(%dma_start3A_143 : memref<128x128xf32, #tpu.memory_space<hbm>>) target_semaphore(%arg20 : memref<!tpu.dma_semaphore, #tpu.memory_space<semaphore_mem>>)
      %mul3A_144 = arith.constant 128 : i32
      %mul3A_145 = arith.muli %add3A_136, %mul3A_144 : i32
      %add3A_146 = arith.addi %mul3A_2, %mul3A_145 : i32
      %dma_start3A_147 = arith.constant 0 : i32
      %dma_start3A_148 = tpu.memref_slice %arg7[%add3A_146, %dma_start3A_147] : memref<81920x128xf32, #tpu.memory_space<hbm>> -> memref<128x128xf32, #tpu.memory_space<hbm>>
      %dma_start3A_149 = arith.constant 0 : i32
      %dma_start3A_150 = tpu.memref_slice %arg7[%add3A_146, %dma_start3A_149] : memref<81920x128xf32, #tpu.memory_space<hbm>> -> memref<128x128xf32, #tpu.memory_space<hbm>>
      tpu.enqueue_dma source(%arg14 : memref<128x128xf32, #tpu.memory_space<vmem>>) target(%dma_start3A_150 : memref<128x128xf32, #tpu.memory_space<hbm>>) target_semaphore(%arg20 : memref<!tpu.dma_semaphore, #tpu.memory_space<semaphore_mem>>)
      %dma_wait3A_151 = arith.constant 0 : i32
      %dma_wait3A_152 = tpu.memref_slice %arg8[%dma_wait3A_151] : memref<2560xi32, #tpu.memory_space<vmem>> -> memref<128xi32, #tpu.memory_space<vmem>>
      %dma_wait3A_153 = arith.constant 0 : i32
      %dma_wait3A_154 = arith.constant 0 : i32
      %dma_wait3A_155 = tpu.memref_slice %arg2[%dma_wait3A_153, %dma_wait3A_154] : memref<10000x128xf32, #tpu.memory_space<hbm>> -> memref<10000x128xf32, #tpu.memory_space<hbm>>
      tpu.wait_indirect_dma semaphore(%arg18 : memref<!tpu.dma_semaphore, #tpu.memory_space<semaphore_mem>>) src(%dma_wait3A_155 : memref<10000x128xf32, #tpu.memory_space<hbm>>) dst(%arg12 : memref<128x128xf32, #tpu.memory_space<vmem>>)
      %dma_wait3A_156 = arith.constant 0 : i32
      %dma_wait3A_157 = tpu.memref_slice %arg9[%dma_wait3A_156] : memref<2560xi32, #tpu.memory_space<vmem>> -> memref<128xi32, #tpu.memory_space<vmem>>
      %dma_wait3A_158 = arith.constant 0 : i32
      %dma_wait3A_159 = arith.constant 0 : i32
      %dma_wait3A_160 = tpu.memref_slice %arg3[%dma_wait3A_158, %dma_wait3A_159] : memref<10000x128xf32, #tpu.memory_space<hbm>> -> memref<10000x128xf32, #tpu.memory_space<hbm>>
      tpu.wait_indirect_dma semaphore(%arg18 : memref<!tpu.dma_semaphore, #tpu.memory_space<semaphore_mem>>) src(%dma_wait3A_160 : memref<10000x128xf32, #tpu.memory_space<hbm>>) dst(%arg15 : memref<128x128xf32, #tpu.memory_space<vmem>>)
      %add3A_161 = arith.constant 2 : i32
      %add3A_162 = arith.addi %mul3A_98, %add3A_161 : i32
      %mul3A_163 = arith.constant 128 : i32
      %mul3A_164 = arith.muli %add3A_162, %mul3A_163 : i32
      %add3A_165 = arith.addi %mul3A_2, %mul3A_164 : i32
      %dma_start3A_166 = arith.constant 0 : i32
      %dma_start3A_167 = tpu.memref_slice %arg6[%add3A_165, %dma_start3A_166] : memref<81920x128xf32, #tpu.memory_space<hbm>> -> memref<128x128xf32, #tpu.memory_space<hbm>>
      %dma_start3A_168 = arith.constant 0 : i32
      %dma_start3A_169 = tpu.memref_slice %arg6[%add3A_165, %dma_start3A_168] : memref<81920x128xf32, #tpu.memory_space<hbm>> -> memref<128x128xf32, #tpu.memory_space<hbm>>
      tpu.enqueue_dma source(%arg12 : memref<128x128xf32, #tpu.memory_space<vmem>>) target(%dma_start3A_169 : memref<128x128xf32, #tpu.memory_space<hbm>>) target_semaphore(%arg21 : memref<!tpu.dma_semaphore, #tpu.memory_space<semaphore_mem>>)
      %mul3A_170 = arith.constant 128 : i32
      %mul3A_171 = arith.muli %add3A_162, %mul3A_170 : i32
      %add3A_172 = arith.addi %mul3A_2, %mul3A_171 : i32
      %dma_start3A_173 = arith.constant 0 : i32
      %dma_start3A_174 = tpu.memref_slice %arg7[%add3A_172, %dma_start3A_173] : memref<81920x128xf32, #tpu.memory_space<hbm>> -> memref<128x128xf32, #tpu.memory_space<hbm>>
      %dma_start3A_175 = arith.constant 0 : i32
      %dma_start3A_176 = tpu.memref_slice %arg7[%add3A_172, %dma_start3A_175] : memref<81920x128xf32, #tpu.memory_space<hbm>> -> memref<128x128xf32, #tpu.memory_space<hbm>>
      tpu.enqueue_dma source(%arg15 : memref<128x128xf32, #tpu.memory_space<vmem>>) target(%dma_start3A_176 : memref<128x128xf32, #tpu.memory_space<hbm>>) target_semaphore(%arg21 : memref<!tpu.dma_semaphore, #tpu.memory_space<semaphore_mem>>)
      %dma_wait3A_177 = arith.constant 0 : i32
      %dma_wait3A_178 = tpu.memref_slice %arg6[%mul3A_2, %dma_wait3A_177] : memref<81920x128xf32, #tpu.memory_space<hbm>> -> memref<128x128xf32, #tpu.memory_space<hbm>>
      %dma_wait3A_179 = arith.constant 0 : i32
      %dma_wait3A_180 = tpu.memref_slice %arg6[%mul3A_2, %dma_wait3A_179] : memref<81920x128xf32, #tpu.memory_space<hbm>> -> memref<128x128xf32, #tpu.memory_space<hbm>>
      tpu.wait_dma2 semaphore(%arg19 : memref<!tpu.dma_semaphore, #tpu.memory_space<semaphore_mem>>) src(%arg10 : memref<128x128xf32, #tpu.memory_space<vmem>>) dst(%dma_wait3A_180 : memref<128x128xf32, #tpu.memory_space<hbm>>)
      %dma_wait3A_181 = arith.constant 0 : i32
      %dma_wait3A_182 = tpu.memref_slice %arg7[%mul3A_2, %dma_wait3A_181] : memref<81920x128xf32, #tpu.memory_space<hbm>> -> memref<128x128xf32, #tpu.memory_space<hbm>>
      %dma_wait3A_183 = arith.constant 0 : i32
      %dma_wait3A_184 = tpu.memref_slice %arg7[%mul3A_2, %dma_wait3A_183] : memref<81920x128xf32, #tpu.memory_space<hbm>> -> memref<128x128xf32, #tpu.memory_space<hbm>>
      tpu.wait_dma2 semaphore(%arg19 : memref<!tpu.dma_semaphore, #tpu.memory_space<semaphore_mem>>) src(%arg13 : memref<128x128xf32, #tpu.memory_space<vmem>>) dst(%dma_wait3A_184 : memref<128x128xf32, #tpu.memory_space<hbm>>)
      %add3A_185 = arith.constant 0 : i32
      %add3A_186 = arith.addi %mul3A_98, %add3A_185 : i32
      %add3A_187 = arith.constant 3 : i32
      %add3A_188 = arith.addi %add3A_186, %add3A_187 : i32
      %lt3A = arith.constant 20 : i32
      %lt3A_189 = arith.cmpi slt, %add3A_188, %lt3A : i32
      %convert_element_type3A = arith.extui %lt3A_189 : i1 to i32
      %cond3A = arith.constant 0 : i32
      %cond3A_190 = arith.cmpi ne, %convert_element_type3A, %cond3A : i32
      scf.if %cond3A_190 {
        %add3A_225 = arith.constant 0 : i32
        %add3A_226 = arith.addi %mul3A_98, %add3A_225 : i32
        %add3A_227 = arith.constant 3 : i32
        %add3A_228 = arith.addi %add3A_226, %add3A_227 : i32
        %mul3A_229 = arith.constant 128 : i32
        %mul3A_230 = arith.muli %add3A_228, %mul3A_229 : i32
        %dma_start3A_231 = tpu.memref_slice %arg8[%mul3A_230] : memref<2560xi32, #tpu.memory_space<vmem>> -> memref<128xi32, #tpu.memory_space<vmem>>
        %dma_start3A_232 = arith.constant 0 : i32
        %dma_start3A_233 = arith.constant 0 : i32
        %dma_start3A_234 = tpu.memref_slice %arg2[%dma_start3A_232, %dma_start3A_233] : memref<10000x128xf32, #tpu.memory_space<hbm>> -> memref<10000x128xf32, #tpu.memory_space<hbm>>
        tpu.enqueue_indirect_dma source(%dma_start3A_234 : memref<10000x128xf32, #tpu.memory_space<hbm>>) target(%arg10 : memref<128x128xf32, #tpu.memory_space<vmem>>) offsets(%dma_start3A_231 : memref<128xi32, #tpu.memory_space<vmem>>) semaphore(%arg16 : memref<!tpu.dma_semaphore, #tpu.memory_space<semaphore_mem>>)
        %mul3A_235 = arith.constant 128 : i32
        %mul3A_236 = arith.muli %add3A_228, %mul3A_235 : i32
        %dma_start3A_237 = tpu.memref_slice %arg9[%mul3A_236] : memref<2560xi32, #tpu.memory_space<vmem>> -> memref<128xi32, #tpu.memory_space<vmem>>
        %dma_start3A_238 = arith.constant 0 : i32
        %dma_start3A_239 = arith.constant 0 : i32
        %dma_start3A_240 = tpu.memref_slice %arg3[%dma_start3A_238, %dma_start3A_239] : memref<10000x128xf32, #tpu.memory_space<hbm>> -> memref<10000x128xf32, #tpu.memory_space<hbm>>
        tpu.enqueue_indirect_dma source(%dma_start3A_240 : memref<10000x128xf32, #tpu.memory_space<hbm>>) target(%arg13 : memref<128x128xf32, #tpu.memory_space<vmem>>) offsets(%dma_start3A_237 : memref<128xi32, #tpu.memory_space<vmem>>) semaphore(%arg16 : memref<!tpu.dma_semaphore, #tpu.memory_space<semaphore_mem>>)
      } else {
      }
      %dma_wait3A_191 = arith.constant 0 : i32
      %dma_wait3A_192 = tpu.memref_slice %arg6[%mul3A_2, %dma_wait3A_191] : memref<81920x128xf32, #tpu.memory_space<hbm>> -> memref<128x128xf32, #tpu.memory_space<hbm>>
      %dma_wait3A_193 = arith.constant 0 : i32
      %dma_wait3A_194 = tpu.memref_slice %arg6[%mul3A_2, %dma_wait3A_193] : memref<81920x128xf32, #tpu.memory_space<hbm>> -> memref<128x128xf32, #tpu.memory_space<hbm>>
      tpu.wait_dma2 semaphore(%arg20 : memref<!tpu.dma_semaphore, #tpu.memory_space<semaphore_mem>>) src(%arg11 : memref<128x128xf32, #tpu.memory_space<vmem>>) dst(%dma_wait3A_194 : memref<128x128xf32, #tpu.memory_space<hbm>>)
      %dma_wait3A_195 = arith.constant 0 : i32
      %dma_wait3A_196 = tpu.memref_slice %arg7[%mul3A_2, %dma_wait3A_195] : memref<81920x128xf32, #tpu.memory_space<hbm>> -> memref<128x128xf32, #tpu.memory_space<hbm>>
      %dma_wait3A_197 = arith.constant 0 : i32
      %dma_wait3A_198 = tpu.memref_slice %arg7[%mul3A_2, %dma_wait3A_197] : memref<81920x128xf32, #tpu.memory_space<hbm>> -> memref<128x128xf32, #tpu.memory_space<hbm>>
      tpu.wait_dma2 semaphore(%arg20 : memref<!tpu.dma_semaphore, #tpu.memory_space<semaphore_mem>>) src(%arg14 : memref<128x128xf32, #tpu.memory_space<vmem>>) dst(%dma_wait3A_198 : memref<128x128xf32, #tpu.memory_space<hbm>>)
      %add3A_199 = arith.constant 1 : i32
      %add3A_200 = arith.addi %mul3A_98, %add3A_199 : i32
      %add3A_201 = arith.constant 3 : i32
      %add3A_202 = arith.addi %add3A_200, %add3A_201 : i32
      %lt3A_203 = arith.constant 20 : i32
      %lt3A_204 = arith.cmpi slt, %add3A_202, %lt3A_203 : i32
      %convert_element_type3A_205 = arith.extui %lt3A_204 : i1 to i32
      %cond3A_206 = arith.constant 0 : i32
      %cond3A_207 = arith.cmpi ne, %convert_element_type3A_205, %cond3A_206 : i32
      scf.if %cond3A_207 {
        %add3A_225 = arith.constant 1 : i32
        %add3A_226 = arith.addi %mul3A_98, %add3A_225 : i32
        %add3A_227 = arith.constant 3 : i32
        %add3A_228 = arith.addi %add3A_226, %add3A_227 : i32
        %mul3A_229 = arith.constant 128 : i32
        %mul3A_230 = arith.muli %add3A_228, %mul3A_229 : i32
        %dma_start3A_231 = tpu.memref_slice %arg8[%mul3A_230] : memref<2560xi32, #tpu.memory_space<vmem>> -> memref<128xi32, #tpu.memory_space<vmem>>
        %dma_start3A_232 = arith.constant 0 : i32
        %dma_start3A_233 = arith.constant 0 : i32
        %dma_start3A_234 = tpu.memref_slice %arg2[%dma_start3A_232, %dma_start3A_233] : memref<10000x128xf32, #tpu.memory_space<hbm>> -> memref<10000x128xf32, #tpu.memory_space<hbm>>
        tpu.enqueue_indirect_dma source(%dma_start3A_234 : memref<10000x128xf32, #tpu.memory_space<hbm>>) target(%arg11 : memref<128x128xf32, #tpu.memory_space<vmem>>) offsets(%dma_start3A_231 : memref<128xi32, #tpu.memory_space<vmem>>) semaphore(%arg17 : memref<!tpu.dma_semaphore, #tpu.memory_space<semaphore_mem>>)
        %mul3A_235 = arith.constant 128 : i32
        %mul3A_236 = arith.muli %add3A_228, %mul3A_235 : i32
        %dma_start3A_237 = tpu.memref_slice %arg9[%mul3A_236] : memref<2560xi32, #tpu.memory_space<vmem>> -> memref<128xi32, #tpu.memory_space<vmem>>
        %dma_start3A_238 = arith.constant 0 : i32
        %dma_start3A_239 = arith.constant 0 : i32
        %dma_start3A_240 = tpu.memref_slice %arg3[%dma_start3A_238, %dma_start3A_239] : memref<10000x128xf32, #tpu.memory_space<hbm>> -> memref<10000x128xf32, #tpu.memory_space<hbm>>
        tpu.enqueue_indirect_dma source(%dma_start3A_240 : memref<10000x128xf32, #tpu.memory_space<hbm>>) target(%arg14 : memref<128x128xf32, #tpu.memory_space<vmem>>) offsets(%dma_start3A_237 : memref<128xi32, #tpu.memory_space<vmem>>) semaphore(%arg17 : memref<!tpu.dma_semaphore, #tpu.memory_space<semaphore_mem>>)
      } else {
      }
      %dma_wait3A_208 = arith.constant 0 : i32
      %dma_wait3A_209 = tpu.memref_slice %arg6[%mul3A_2, %dma_wait3A_208] : memref<81920x128xf32, #tpu.memory_space<hbm>> -> memref<128x128xf32, #tpu.memory_space<hbm>>
      %dma_wait3A_210 = arith.constant 0 : i32
      %dma_wait3A_211 = tpu.memref_slice %arg6[%mul3A_2, %dma_wait3A_210] : memref<81920x128xf32, #tpu.memory_space<hbm>> -> memref<128x128xf32, #tpu.memory_space<hbm>>
      tpu.wait_dma2 semaphore(%arg21 : memref<!tpu.dma_semaphore, #tpu.memory_space<semaphore_mem>>) src(%arg12 : memref<128x128xf32, #tpu.memory_space<vmem>>) dst(%dma_wait3A_211 : memref<128x128xf32, #tpu.memory_space<hbm>>)
      %dma_wait3A_212 = arith.constant 0 : i32
      %dma_wait3A_213 = tpu.memref_slice %arg7[%mul3A_2, %dma_wait3A_212] : memref<81920x128xf32, #tpu.memory_space<hbm>> -> memref<128x128xf32, #tpu.memory_space<hbm>>
      %dma_wait3A_214 = arith.constant 0 : i32
      %dma_wait3A_215 = tpu.memref_slice %arg7[%mul3A_2, %dma_wait3A_214] : memref<81920x128xf32, #tpu.memory_space<hbm>> -> memref<128x128xf32, #tpu.memory_space<hbm>>
      tpu.wait_dma2 semaphore(%arg21 : memref<!tpu.dma_semaphore, #tpu.memory_space<semaphore_mem>>) src(%arg15 : memref<128x128xf32, #tpu.memory_space<vmem>>) dst(%dma_wait3A_215 : memref<128x128xf32, #tpu.memory_space<hbm>>)
      %add3A_216 = arith.constant 2 : i32
      %add3A_217 = arith.addi %mul3A_98, %add3A_216 : i32
      %add3A_218 = arith.constant 3 : i32
      %add3A_219 = arith.addi %add3A_217, %add3A_218 : i32
      %lt3A_220 = arith.constant 20 : i32
      %lt3A_221 = arith.cmpi slt, %add3A_219, %lt3A_220 : i32
      %convert_element_type3A_222 = arith.extui %lt3A_221 : i1 to i32
      %cond3A_223 = arith.constant 0 : i32
      %cond3A_224 = arith.cmpi ne, %convert_element_type3A_222, %cond3A_223 : i32
      scf.if %cond3A_224 {
        %add3A_225 = arith.constant 2 : i32
        %add3A_226 = arith.addi %mul3A_98, %add3A_225 : i32
        %add3A_227 = arith.constant 3 : i32
        %add3A_228 = arith.addi %add3A_226, %add3A_227 : i32
        %mul3A_229 = arith.constant 128 : i32
        %mul3A_230 = arith.muli %add3A_228, %mul3A_229 : i32
        %dma_start3A_231 = tpu.memref_slice %arg8[%mul3A_230] : memref<2560xi32, #tpu.memory_space<vmem>> -> memref<128xi32, #tpu.memory_space<vmem>>
        %dma_start3A_232 = arith.constant 0 : i32
        %dma_start3A_233 = arith.constant 0 : i32
        %dma_start3A_234 = tpu.memref_slice %arg2[%dma_start3A_232, %dma_start3A_233] : memref<10000x128xf32, #tpu.memory_space<hbm>> -> memref<10000x128xf32, #tpu.memory_space<hbm>>
        tpu.enqueue_indirect_dma source(%dma_start3A_234 : memref<10000x128xf32, #tpu.memory_space<hbm>>) target(%arg12 : memref<128x128xf32, #tpu.memory_space<vmem>>) offsets(%dma_start3A_231 : memref<128xi32, #tpu.memory_space<vmem>>) semaphore(%arg18 : memref<!tpu.dma_semaphore, #tpu.memory_space<semaphore_mem>>)
        %mul3A_235 = arith.constant 128 : i32
        %mul3A_236 = arith.muli %add3A_228, %mul3A_235 : i32
        %dma_start3A_237 = tpu.memref_slice %arg9[%mul3A_236] : memref<2560xi32, #tpu.memory_space<vmem>> -> memref<128xi32, #tpu.memory_space<vmem>>
        %dma_start3A_238 = arith.constant 0 : i32
        %dma_start3A_239 = arith.constant 0 : i32
        %dma_start3A_240 = tpu.memref_slice %arg3[%dma_start3A_238, %dma_start3A_239] : memref<10000x128xf32, #tpu.memory_space<hbm>> -> memref<10000x128xf32, #tpu.memory_space<hbm>>
        tpu.enqueue_indirect_dma source(%dma_start3A_240 : memref<10000x128xf32, #tpu.memory_space<hbm>>) target(%arg15 : memref<128x128xf32, #tpu.memory_space<vmem>>) offsets(%dma_start3A_237 : memref<128xi32, #tpu.memory_space<vmem>>) semaphore(%arg18 : memref<!tpu.dma_semaphore, #tpu.memory_space<semaphore_mem>>)
      } else {
      }
    }
    %scan3A_36 = arith.constant 6 : i32
    %dma_wait3A = arith.constant 0 : i32
    %dma_wait3A_37 = tpu.memref_slice %arg8[%dma_wait3A] : memref<2560xi32, #tpu.memory_space<vmem>> -> memref<128xi32, #tpu.memory_space<vmem>>
    %dma_wait3A_38 = arith.constant 0 : i32
    %dma_wait3A_39 = arith.constant 0 : i32
    %dma_wait3A_40 = tpu.memref_slice %arg2[%dma_wait3A_38, %dma_wait3A_39] : memref<10000x128xf32, #tpu.memory_space<hbm>> -> memref<10000x128xf32, #tpu.memory_space<hbm>>
    tpu.wait_indirect_dma semaphore(%arg16 : memref<!tpu.dma_semaphore, #tpu.memory_space<semaphore_mem>>) src(%dma_wait3A_40 : memref<10000x128xf32, #tpu.memory_space<hbm>>) dst(%arg10 : memref<128x128xf32, #tpu.memory_space<vmem>>)
    %dma_wait3A_41 = arith.constant 0 : i32
    %dma_wait3A_42 = tpu.memref_slice %arg9[%dma_wait3A_41] : memref<2560xi32, #tpu.memory_space<vmem>> -> memref<128xi32, #tpu.memory_space<vmem>>
    %dma_wait3A_43 = arith.constant 0 : i32
    %dma_wait3A_44 = arith.constant 0 : i32
    %dma_wait3A_45 = tpu.memref_slice %arg3[%dma_wait3A_43, %dma_wait3A_44] : memref<10000x128xf32, #tpu.memory_space<hbm>> -> memref<10000x128xf32, #tpu.memory_space<hbm>>
    tpu.wait_indirect_dma semaphore(%arg16 : memref<!tpu.dma_semaphore, #tpu.memory_space<semaphore_mem>>) src(%dma_wait3A_45 : memref<10000x128xf32, #tpu.memory_space<hbm>>) dst(%arg13 : memref<128x128xf32, #tpu.memory_space<vmem>>)
    %add3A_46 = arith.constant 2304 : i32
    %add3A_47 = arith.addi %mul3A_2, %add3A_46 : i32
    %dma_start3A_48 = arith.constant 0 : i32
    %dma_start3A_49 = tpu.memref_slice %arg6[%add3A_47, %dma_start3A_48] : memref<81920x128xf32, #tpu.memory_space<hbm>> -> memref<128x128xf32, #tpu.memory_space<hbm>>
    %dma_start3A_50 = arith.constant 0 : i32
    %dma_start3A_51 = tpu.memref_slice %arg6[%add3A_47, %dma_start3A_50] : memref<81920x128xf32, #tpu.memory_space<hbm>> -> memref<128x128xf32, #tpu.memory_space<hbm>>
    tpu.enqueue_dma source(%arg10 : memref<128x128xf32, #tpu.memory_space<vmem>>) target(%dma_start3A_51 : memref<128x128xf32, #tpu.memory_space<hbm>>) target_semaphore(%arg19 : memref<!tpu.dma_semaphore, #tpu.memory_space<semaphore_mem>>)
    %add3A_52 = arith.constant 2304 : i32
    %add3A_53 = arith.addi %mul3A_2, %add3A_52 : i32
    %dma_start3A_54 = arith.constant 0 : i32
    %dma_start3A_55 = tpu.memref_slice %arg7[%add3A_53, %dma_start3A_54] : memref<81920x128xf32, #tpu.memory_space<hbm>> -> memref<128x128xf32, #tpu.memory_space<hbm>>
    %dma_start3A_56 = arith.constant 0 : i32
    %dma_start3A_57 = tpu.memref_slice %arg7[%add3A_53, %dma_start3A_56] : memref<81920x128xf32, #tpu.memory_space<hbm>> -> memref<128x128xf32, #tpu.memory_space<hbm>>
    tpu.enqueue_dma source(%arg13 : memref<128x128xf32, #tpu.memory_space<vmem>>) target(%dma_start3A_57 : memref<128x128xf32, #tpu.memory_space<hbm>>) target_semaphore(%arg19 : memref<!tpu.dma_semaphore, #tpu.memory_space<semaphore_mem>>)
    %dma_wait3A_58 = arith.constant 0 : i32
    %dma_wait3A_59 = tpu.memref_slice %arg6[%mul3A_2, %dma_wait3A_58] : memref<81920x128xf32, #tpu.memory_space<hbm>> -> memref<128x128xf32, #tpu.memory_space<hbm>>
    %dma_wait3A_60 = arith.constant 0 : i32
    %dma_wait3A_61 = tpu.memref_slice %arg6[%mul3A_2, %dma_wait3A_60] : memref<81920x128xf32, #tpu.memory_space<hbm>> -> memref<128x128xf32, #tpu.memory_space<hbm>>
    tpu.wait_dma2 semaphore(%arg19 : memref<!tpu.dma_semaphore, #tpu.memory_space<semaphore_mem>>) src(%arg10 : memref<128x128xf32, #tpu.memory_space<vmem>>) dst(%dma_wait3A_61 : memref<128x128xf32, #tpu.memory_space<hbm>>)
    %dma_wait3A_62 = arith.constant 0 : i32
    %dma_wait3A_63 = tpu.memref_slice %arg7[%mul3A_2, %dma_wait3A_62] : memref<81920x128xf32, #tpu.memory_space<hbm>> -> memref<128x128xf32, #tpu.memory_space<hbm>>
    %dma_wait3A_64 = arith.constant 0 : i32
    %dma_wait3A_65 = tpu.memref_slice %arg7[%mul3A_2, %dma_wait3A_64] : memref<81920x128xf32, #tpu.memory_space<hbm>> -> memref<128x128xf32, #tpu.memory_space<hbm>>
    tpu.wait_dma2 semaphore(%arg19 : memref<!tpu.dma_semaphore, #tpu.memory_space<semaphore_mem>>) src(%arg13 : memref<128x128xf32, #tpu.memory_space<vmem>>) dst(%dma_wait3A_65 : memref<128x128xf32, #tpu.memory_space<hbm>>)
    %dma_wait3A_66 = arith.constant 0 : i32
    %dma_wait3A_67 = tpu.memref_slice %arg8[%dma_wait3A_66] : memref<2560xi32, #tpu.memory_space<vmem>> -> memref<128xi32, #tpu.memory_space<vmem>>
    %dma_wait3A_68 = arith.constant 0 : i32
    %dma_wait3A_69 = arith.constant 0 : i32
    %dma_wait3A_70 = tpu.memref_slice %arg2[%dma_wait3A_68, %dma_wait3A_69] : memref<10000x128xf32, #tpu.memory_space<hbm>> -> memref<10000x128xf32, #tpu.memory_space<hbm>>
    tpu.wait_indirect_dma semaphore(%arg17 : memref<!tpu.dma_semaphore, #tpu.memory_space<semaphore_mem>>) src(%dma_wait3A_70 : memref<10000x128xf32, #tpu.memory_space<hbm>>) dst(%arg11 : memref<128x128xf32, #tpu.memory_space<vmem>>)
    %dma_wait3A_71 = arith.constant 0 : i32
    %dma_wait3A_72 = tpu.memref_slice %arg9[%dma_wait3A_71] : memref<2560xi32, #tpu.memory_space<vmem>> -> memref<128xi32, #tpu.memory_space<vmem>>
    %dma_wait3A_73 = arith.constant 0 : i32
    %dma_wait3A_74 = arith.constant 0 : i32
    %dma_wait3A_75 = tpu.memref_slice %arg3[%dma_wait3A_73, %dma_wait3A_74] : memref<10000x128xf32, #tpu.memory_space<hbm>> -> memref<10000x128xf32, #tpu.memory_space<hbm>>
    tpu.wait_indirect_dma semaphore(%arg17 : memref<!tpu.dma_semaphore, #tpu.memory_space<semaphore_mem>>) src(%dma_wait3A_75 : memref<10000x128xf32, #tpu.memory_space<hbm>>) dst(%arg14 : memref<128x128xf32, #tpu.memory_space<vmem>>)
    %add3A_76 = arith.constant 2432 : i32
    %add3A_77 = arith.addi %mul3A_2, %add3A_76 : i32
    %dma_start3A_78 = arith.constant 0 : i32
    %dma_start3A_79 = tpu.memref_slice %arg6[%add3A_77, %dma_start3A_78] : memref<81920x128xf32, #tpu.memory_space<hbm>> -> memref<128x128xf32, #tpu.memory_space<hbm>>
    %dma_start3A_80 = arith.constant 0 : i32
    %dma_start3A_81 = tpu.memref_slice %arg6[%add3A_77, %dma_start3A_80] : memref<81920x128xf32, #tpu.memory_space<hbm>> -> memref<128x128xf32, #tpu.memory_space<hbm>>
    tpu.enqueue_dma source(%arg11 : memref<128x128xf32, #tpu.memory_space<vmem>>) target(%dma_start3A_81 : memref<128x128xf32, #tpu.memory_space<hbm>>) target_semaphore(%arg20 : memref<!tpu.dma_semaphore, #tpu.memory_space<semaphore_mem>>)
    %add3A_82 = arith.constant 2432 : i32
    %add3A_83 = arith.addi %mul3A_2, %add3A_82 : i32
    %dma_start3A_84 = arith.constant 0 : i32
    %dma_start3A_85 = tpu.memref_slice %arg7[%add3A_83, %dma_start3A_84] : memref<81920x128xf32, #tpu.memory_space<hbm>> -> memref<128x128xf32, #tpu.memory_space<hbm>>
    %dma_start3A_86 = arith.constant 0 : i32
    %dma_start3A_87 = tpu.memref_slice %arg7[%add3A_83, %dma_start3A_86] : memref<81920x128xf32, #tpu.memory_space<hbm>> -> memref<128x128xf32, #tpu.memory_space<hbm>>
    tpu.enqueue_dma source(%arg14 : memref<128x128xf32, #tpu.memory_space<vmem>>) target(%dma_start3A_87 : memref<128x128xf32, #tpu.memory_space<hbm>>) target_semaphore(%arg20 : memref<!tpu.dma_semaphore, #tpu.memory_space<semaphore_mem>>)
    %dma_wait3A_88 = arith.constant 0 : i32
    %dma_wait3A_89 = tpu.memref_slice %arg6[%mul3A_2, %dma_wait3A_88] : memref<81920x128xf32, #tpu.memory_space<hbm>> -> memref<128x128xf32, #tpu.memory_space<hbm>>
    %dma_wait3A_90 = arith.constant 0 : i32
    %dma_wait3A_91 = tpu.memref_slice %arg6[%mul3A_2, %dma_wait3A_90] : memref<81920x128xf32, #tpu.memory_space<hbm>> -> memref<128x128xf32, #tpu.memory_space<hbm>>
    tpu.wait_dma2 semaphore(%arg20 : memref<!tpu.dma_semaphore, #tpu.memory_space<semaphore_mem>>) src(%arg11 : memref<128x128xf32, #tpu.memory_space<vmem>>) dst(%dma_wait3A_91 : memref<128x128xf32, #tpu.memory_space<hbm>>)
    %dma_wait3A_92 = arith.constant 0 : i32
    %dma_wait3A_93 = tpu.memref_slice %arg7[%mul3A_2, %dma_wait3A_92] : memref<81920x128xf32, #tpu.memory_space<hbm>> -> memref<128x128xf32, #tpu.memory_space<hbm>>
    %dma_wait3A_94 = arith.constant 0 : i32
    %dma_wait3A_95 = tpu.memref_slice %arg7[%mul3A_2, %dma_wait3A_94] : memref<81920x128xf32, #tpu.memory_space<hbm>> -> memref<128x128xf32, #tpu.memory_space<hbm>>
    tpu.wait_dma2 semaphore(%arg20 : memref<!tpu.dma_semaphore, #tpu.memory_space<semaphore_mem>>) src(%arg14 : memref<128x128xf32, #tpu.memory_space<vmem>>) dst(%dma_wait3A_95 : memref<128x128xf32, #tpu.memory_space<hbm>>)
    return
  }
}

#map = affine_map<(d0, d1) -> (0, 0)>
#map1 = affine_map<(d0, d1) -> (0)>
module attributes {stable_mosaic.version = 14 : i64} {
  func.func @k(%arg0: i32, %arg1: i32, %arg2: memref<10000x128xf32, #tpu.memory_space<hbm>>, %arg3: memref<10000x128xf32, #tpu.memory_space<hbm>>, %arg4: memref<81920xi32, #tpu.memory_space<hbm>>, %arg5: memref<81920xi32, #tpu.memory_space<hbm>>, %arg6: memref<81920x128xf32, #tpu.memory_space<hbm>>, %arg7: memref<81920x128xf32, #tpu.memory_space<hbm>>, %arg8: memref<2560xi32, #tpu.memory_space<vmem>>, %arg9: memref<2560xi32, #tpu.memory_space<vmem>>, %arg10: memref<128x128xf32, #tpu.memory_space<vmem>>, %arg11: memref<128x128xf32, #tpu.memory_space<vmem>>, %arg12: memref<128x128xf32, #tpu.memory_space<vmem>>, %arg13: memref<128x128xf32, #tpu.memory_space<vmem>>, %arg14: memref<128x128xf32, #tpu.memory_space<vmem>>, %arg15: memref<128x128xf32, #tpu.memory_space<vmem>>, %arg16: memref<!tpu.dma_semaphore, #tpu.memory_space<semaphore_mem>>, %arg17: memref<!tpu.dma_semaphore, #tpu.memory_space<semaphore_mem>>, %arg18: memref<!tpu.dma_semaphore, #tpu.memory_space<semaphore_mem>>, %arg19: memref<!tpu.dma_semaphore, #tpu.memory_space<semaphore_mem>>, %arg20: memref<!tpu.dma_semaphore, #tpu.memory_space<semaphore_mem>>, %arg21: memref<!tpu.dma_semaphore, #tpu.memory_space<semaphore_mem>>) attributes {dimension_semantics = [#tpu.dimension_semantics<core_parallel>, #tpu.dimension_semantics<subcore_parallel>], iteration_bounds = array<i64: 2, 16>, scalar_prefetch = 0 : i64, scratch_operands = 14 : i64, tpu.core_type = #tpu.core_type<sc_vector_subcore>, window_params = [{transform_indices = #map}, {transform_indices = #map}, {transform_indices = #map1}, {transform_indices = #map1}, {transform_indices = #map}, {transform_indices = #map}]} {
    %mul3A = arith.constant 2 : i32
    %mul3A_0 = arith.muli %arg1, %mul3A : i32
    %add3A = arith.addi %mul3A_0, %arg0 : i32
    %mul3A_1 = arith.constant 2560 : i32
    %mul3A_2 = arith.muli %add3A, %mul3A_1 : i32
    "tpu.region"() ({
      %run_scoped3A = tpu.sem_alloc : memref<!tpu.dma_semaphore, #tpu.memory_space<semaphore_mem>>
      %dma_start3A_96 = tpu.memref_slice %arg4[%mul3A_2] : memref<81920xi32, #tpu.memory_space<hbm>> -> memref<2560xi32, #tpu.memory_space<hbm>>
      %dma_start3A_97 = tpu.memref_slice %arg4[%mul3A_2] : memref<81920xi32, #tpu.memory_space<hbm>> -> memref<2560xi32, #tpu.memory_space<hbm>>
      tpu.enqueue_dma source(%dma_start3A_97 : memref<2560xi32, #tpu.memory_space<hbm>>) target(%arg8 : memref<2560xi32, #tpu.memory_space<vmem>>) target_semaphore(%run_scoped3A : memref<!tpu.dma_semaphore, #tpu.memory_space<semaphore_mem>>)
      %dma_wait3A_98 = tpu.memref_slice %arg4[%mul3A_2] : memref<81920xi32, #tpu.memory_space<hbm>> -> memref<2560xi32, #tpu.memory_space<hbm>>
      %dma_wait3A_99 = tpu.memref_slice %arg4[%mul3A_2] : memref<81920xi32, #tpu.memory_space<hbm>> -> memref<2560xi32, #tpu.memory_space<hbm>>
      tpu.wait_dma2 semaphore(%run_scoped3A : memref<!tpu.dma_semaphore, #tpu.memory_space<semaphore_mem>>) src(%dma_wait3A_99 : memref<2560xi32, #tpu.memory_space<hbm>>) dst(%arg8 : memref<2560xi32, #tpu.memory_space<vmem>>)
      tpu.yield
    }) : () -> ()
    "tpu.region"() ({
      %run_scoped3A = tpu.sem_alloc : memref<!tpu.dma_semaphore, #tpu.memory_space<semaphore_mem>>
      %dma_start3A_96 = tpu.memref_slice %arg5[%mul3A_2] : memref<81920xi32, #tpu.memory_space<hbm>> -> memref<2560xi32, #tpu.memory_space<hbm>>
      %dma_start3A_97 = tpu.memref_slice %arg5[%mul3A_2] : memref<81920xi32, #tpu.memory_space<hbm>> -> memref<2560xi32, #tpu.memory_space<hbm>>
      tpu.enqueue_dma source(%dma_start3A_97 : memref<2560xi32, #tpu.memory_space<hbm>>) target(%arg9 : memref<2560xi32, #tpu.memory_space<vmem>>) target_semaphore(%run_scoped3A : memref<!tpu.dma_semaphore, #tpu.memory_space<semaphore_mem>>)
      %dma_wait3A_98 = tpu.memref_slice %arg5[%mul3A_2] : memref<81920xi32, #tpu.memory_space<hbm>> -> memref<2560xi32, #tpu.memory_space<hbm>>
      %dma_wait3A_99 = tpu.memref_slice %arg5[%mul3A_2] : memref<81920xi32, #tpu.memory_space<hbm>> -> memref<2560xi32, #tpu.memory_space<hbm>>
      tpu.wait_dma2 semaphore(%run_scoped3A : memref<!tpu.dma_semaphore, #tpu.memory_space<semaphore_mem>>) src(%dma_wait3A_99 : memref<2560xi32, #tpu.memory_space<hbm>>) dst(%arg9 : memref<2560xi32, #tpu.memory_space<vmem>>)
      tpu.yield
    }) : () -> ()
    %dma_start3A = arith.constant 0 : i32
    %dma_start3A_3 = tpu.memref_slice %arg8[%dma_start3A] : memref<2560xi32, #tpu.memory_space<vmem>> -> memref<128xi32, #tpu.memory_space<vmem>>
    %dma_start3A_4 = arith.constant 0 : i32
    %dma_start3A_5 = arith.constant 0 : i32
    %dma_start3A_6 = tpu.memref_slice %arg2[%dma_start3A_4, %dma_start3A_5] : memref<10000x128xf32, #tpu.memory_space<hbm>> -> memref<10000x128xf32, #tpu.memory_space<hbm>>
    tpu.enqueue_indirect_dma source(%dma_start3A_6 : memref<10000x128xf32, #tpu.memory_space<hbm>>) target(%arg10 : memref<128x128xf32, #tpu.memory_space<vmem>>) offsets(%dma_start3A_3 : memref<128xi32, #tpu.memory_space<vmem>>) semaphore(%arg16 : memref<!tpu.dma_semaphore, #tpu.memory_space<semaphore_mem>>)
    %dma_start3A_7 = arith.constant 0 : i32
    %dma_start3A_8 = tpu.memref_slice %arg9[%dma_start3A_7] : memref<2560xi32, #tpu.memory_space<vmem>> -> memref<128xi32, #tpu.memory_space<vmem>>
    %dma_start3A_9 = arith.constant 0 : i32
    %dma_start3A_10 = arith.constant 0 : i32
    %dma_start3A_11 = tpu.memref_slice %arg3[%dma_start3A_9, %dma_start3A_10] : memref<10000x128xf32, #tpu.memory_space<hbm>> -> memref<10000x128xf32, #tpu.memory_space<hbm>>
    tpu.enqueue_indirect_dma source(%dma_start3A_11 : memref<10000x128xf32, #tpu.memory_space<hbm>>) target(%arg13 : memref<128x128xf32, #tpu.memory_space<vmem>>) offsets(%dma_start3A_8 : memref<128xi32, #tpu.memory_space<vmem>>) semaphore(%arg16 : memref<!tpu.dma_semaphore, #tpu.memory_space<semaphore_mem>>)
    %dma_start3A_12 = arith.constant 128 : i32
    %dma_start3A_13 = tpu.memref_slice %arg8[%dma_start3A_12] : memref<2560xi32, #tpu.memory_space<vmem>> -> memref<128xi32, #tpu.memory_space<vmem>>
    %dma_start3A_14 = arith.constant 0 : i32
    %dma_start3A_15 = arith.constant 0 : i32
    %dma_start3A_16 = tpu.memref_slice %arg2[%dma_start3A_14, %dma_start3A_15] : memref<10000x128xf32, #tpu.memory_space<hbm>> -> memref<10000x128xf32, #tpu.memory_space<hbm>>
    tpu.enqueue_indirect_dma source(%dma_start3A_16 : memref<10000x128xf32, #tpu.memory_space<hbm>>) target(%arg11 : memref<128x128xf32, #tpu.memory_space<vmem>>) offsets(%dma_start3A_13 : memref<128xi32, #tpu.memory_space<vmem>>) semaphore(%arg17 : memref<!tpu.dma_semaphore, #tpu.memory_space<semaphore_mem>>)
    %dma_start3A_17 = arith.constant 128 : i32
    %dma_start3A_18 = tpu.memref_slice %arg9[%dma_start3A_17] : memref<2560xi32, #tpu.memory_space<vmem>> -> memref<128xi32, #tpu.memory_space<vmem>>
    %dma_start3A_19 = arith.constant 0 : i32
    %dma_start3A_20 = arith.constant 0 : i32
    %dma_start3A_21 = tpu.memref_slice %arg3[%dma_start3A_19, %dma_start3A_20] : memref<10000x128xf32, #tpu.memory_space<hbm>> -> memref<10000x128xf32, #tpu.memory_space<hbm>>
    tpu.enqueue_indirect_dma source(%dma_start3A_21 : memref<10000x128xf32, #tpu.memory_space<hbm>>) target(%arg14 : memref<128x128xf32, #tpu.memory_space<vmem>>) offsets(%dma_start3A_18 : memref<128xi32, #tpu.memory_space<vmem>>) semaphore(%arg17 : memref<!tpu.dma_semaphore, #tpu.memory_space<semaphore_mem>>)
    %dma_start3A_22 = arith.constant 256 : i32
    %dma_start3A_23 = tpu.memref_slice %arg8[%dma_start3A_22] : memref<2560xi32, #tpu.memory_space<vmem>> -> memref<128xi32, #tpu.memory_space<vmem>>
    %dma_start3A_24 = arith.constant 0 : i32
    %dma_start3A_25 = arith.constant 0 : i32
    %dma_start3A_26 = tpu.memref_slice %arg2[%dma_start3A_24, %dma_start3A_25] : memref<10000x128xf32, #tpu.memory_space<hbm>> -> memref<10000x128xf32, #tpu.memory_space<hbm>>
    tpu.enqueue_indirect_dma source(%dma_start3A_26 : memref<10000x128xf32, #tpu.memory_space<hbm>>) target(%arg12 : memref<128x128xf32, #tpu.memory_space<vmem>>) offsets(%dma_start3A_23 : memref<128xi32, #tpu.memory_space<vmem>>) semaphore(%arg18 : memref<!tpu.dma_semaphore, #tpu.memory_space<semaphore_mem>>)
    %dma_start3A_27 = arith.constant 256 : i32
    %dma_start3A_28 = tpu.memref_slice %arg9[%dma_start3A_27] : memref<2560xi32, #tpu.memory_space<vmem>> -> memref<128xi32, #tpu.memory_space<vmem>>
    %dma_start3A_29 = arith.constant 0 : i32
    %dma_start3A_30 = arith.constant 0 : i32
    %dma_start3A_31 = tpu.memref_slice %arg3[%dma_start3A_29, %dma_start3A_30] : memref<10000x128xf32, #tpu.memory_space<hbm>> -> memref<10000x128xf32, #tpu.memory_space<hbm>>
    tpu.enqueue_indirect_dma source(%dma_start3A_31 : memref<10000x128xf32, #tpu.memory_space<hbm>>) target(%arg15 : memref<128x128xf32, #tpu.memory_space<vmem>>) offsets(%dma_start3A_28 : memref<128xi32, #tpu.memory_space<vmem>>) semaphore(%arg18 : memref<!tpu.dma_semaphore, #tpu.memory_space<semaphore_mem>>)
    %scan3A = arith.constant 0 : i32
    %scan3A_32 = arith.constant 0 : i32
    %scan3A_33 = arith.constant 6 : i32
    %scan3A_34 = arith.addi %scan3A_32, %scan3A_33 : i32
    %scan3A_35 = arith.constant 1 : i32
    scf.for %scan3A_96 = %scan3A_32 to %scan3A_34 step %scan3A_35  : i32 {
      %mul3A_97 = arith.constant 3 : i32
      %mul3A_98 = arith.muli %mul3A_97, %scan3A_96 : i32
      %dma_wait3A_99 = arith.constant 0 : i32
      %dma_wait3A_100 = tpu.memref_slice %arg8[%dma_wait3A_99] : memref<2560xi32, #tpu.memory_space<vmem>> -> memref<128xi32, #tpu.memory_space<vmem>>
      %dma_wait3A_101 = arith.constant 0 : i32
      %dma_wait3A_102 = arith.constant 0 : i32
      %dma_wait3A_103 = tpu.memref_slice %arg2[%dma_wait3A_101, %dma_wait3A_102] : memref<10000x128xf32, #tpu.memory_space<hbm>> -> memref<10000x128xf32, #tpu.memory_space<hbm>>
      tpu.wait_indirect_dma semaphore(%arg16 : memref<!tpu.dma_semaphore, #tpu.memory_space<semaphore_mem>>) src(%dma_wait3A_103 : memref<10000x128xf32, #tpu.memory_space<hbm>>) dst(%arg10 : memref<128x128xf32, #tpu.memory_space<vmem>>)
      %dma_wait3A_104 = arith.constant 0 : i32
      %dma_wait3A_105 = tpu.memref_slice %arg9[%dma_wait3A_104] : memref<2560xi32, #tpu.memory_space<vmem>> -> memref<128xi32, #tpu.memory_space<vmem>>
      %dma_wait3A_106 = arith.constant 0 : i32
      %dma_wait3A_107 = arith.constant 0 : i32
      %dma_wait3A_108 = tpu.memref_slice %arg3[%dma_wait3A_106, %dma_wait3A_107] : memref<10000x128xf32, #tpu.memory_space<hbm>> -> memref<10000x128xf32, #tpu.memory_space<hbm>>
      tpu.wait_indirect_dma semaphore(%arg16 : memref<!tpu.dma_semaphore, #tpu.memory_space<semaphore_mem>>) src(%dma_wait3A_108 : memref<10000x128xf32, #tpu.memory_space<hbm>>) dst(%arg13 : memref<128x128xf32, #tpu.memory_space<vmem>>)
      %add3A_109 = arith.constant 0 : i32
      %add3A_110 = arith.addi %mul3A_98, %add3A_109 : i32
      %mul3A_111 = arith.constant 128 : i32
      %mul3A_112 = arith.muli %add3A_110, %mul3A_111 : i32
      %add3A_113 = arith.addi %mul3A_2, %mul3A_112 : i32
      %dma_start3A_114 = arith.constant 0 : i32
      %dma_start3A_115 = tpu.memref_slice %arg6[%add3A_113, %dma_start3A_114] : memref<81920x128xf32, #tpu.memory_space<hbm>> -> memref<128x128xf32, #tpu.memory_space<hbm>>
      %dma_start3A_116 = arith.constant 0 : i32
      %dma_start3A_117 = tpu.memref_slice %arg6[%add3A_113, %dma_start3A_116] : memref<81920x128xf32, #tpu.memory_space<hbm>> -> memref<128x128xf32, #tpu.memory_space<hbm>>
      tpu.enqueue_dma source(%arg10 : memref<128x128xf32, #tpu.memory_space<vmem>>) target(%dma_start3A_117 : memref<128x128xf32, #tpu.memory_space<hbm>>) target_semaphore(%arg19 : memref<!tpu.dma_semaphore, #tpu.memory_space<semaphore_mem>>)
      %mul3A_118 = arith.constant 128 : i32
      %mul3A_119 = arith.muli %add3A_110, %mul3A_118 : i32
      %add3A_120 = arith.addi %mul3A_2, %mul3A_119 : i32
      %dma_start3A_121 = arith.constant 0 : i32
      %dma_start3A_122 = tpu.memref_slice %arg7[%add3A_120, %dma_start3A_121] : memref<81920x128xf32, #tpu.memory_space<hbm>> -> memref<128x128xf32, #tpu.memory_space<hbm>>
      %dma_start3A_123 = arith.constant 0 : i32
      %dma_start3A_124 = tpu.memref_slice %arg7[%add3A_120, %dma_start3A_123] : memref<81920x128xf32, #tpu.memory_space<hbm>> -> memref<128x128xf32, #tpu.memory_space<hbm>>
      tpu.enqueue_dma source(%arg13 : memref<128x128xf32, #tpu.memory_space<vmem>>) target(%dma_start3A_124 : memref<128x128xf32, #tpu.memory_space<hbm>>) target_semaphore(%arg19 : memref<!tpu.dma_semaphore, #tpu.memory_space<semaphore_mem>>)
      %dma_wait3A_125 = arith.constant 0 : i32
      %dma_wait3A_126 = tpu.memref_slice %arg8[%dma_wait3A_125] : memref<2560xi32, #tpu.memory_space<vmem>> -> memref<128xi32, #tpu.memory_space<vmem>>
      %dma_wait3A_127 = arith.constant 0 : i32
      %dma_wait3A_128 = arith.constant 0 : i32
      %dma_wait3A_129 = tpu.memref_slice %arg2[%dma_wait3A_127, %dma_wait3A_128] : memref<10000x128xf32, #tpu.memory_space<hbm>> -> memref<10000x128xf32, #tpu.memory_space<hbm>>
      tpu.wait_indirect_dma semaphore(%arg17 : memref<!tpu.dma_semaphore, #tpu.memory_space<semaphore_mem>>) src(%dma_wait3A_129 : memref<10000x128xf32, #tpu.memory_space<hbm>>) dst(%arg11 : memref<128x128xf32, #tpu.memory_space<vmem>>)
      %dma_wait3A_130 = arith.constant 0 : i32
      %dma_wait3A_131 = tpu.memref_slice %arg9[%dma_wait3A_130] : memref<2560xi32, #tpu.memory_space<vmem>> -> memref<128xi32, #tpu.memory_space<vmem>>
      %dma_wait3A_132 = arith.constant 0 : i32
      %dma_wait3A_133 = arith.constant 0 : i32
      %dma_wait3A_134 = tpu.memref_slice %arg3[%dma_wait3A_132, %dma_wait3A_133] : memref<10000x128xf32, #tpu.memory_space<hbm>> -> memref<10000x128xf32, #tpu.memory_space<hbm>>
      tpu.wait_indirect_dma semaphore(%arg17 : memref<!tpu.dma_semaphore, #tpu.memory_space<semaphore_mem>>) src(%dma_wait3A_134 : memref<10000x128xf32, #tpu.memory_space<hbm>>) dst(%arg14 : memref<128x128xf32, #tpu.memory_space<vmem>>)
      %add3A_135 = arith.constant 1 : i32
      %add3A_136 = arith.addi %mul3A_98, %add3A_135 : i32
      %mul3A_137 = arith.constant 128 : i32
      %mul3A_138 = arith.muli %add3A_136, %mul3A_137 : i32
      %add3A_139 = arith.addi %mul3A_2, %mul3A_138 : i32
      %dma_start3A_140 = arith.constant 0 : i32
      %dma_start3A_141 = tpu.memref_slice %arg6[%add3A_139, %dma_start3A_140] : memref<81920x128xf32, #tpu.memory_space<hbm>> -> memref<128x128xf32, #tpu.memory_space<hbm>>
      %dma_start3A_142 = arith.constant 0 : i32
      %dma_start3A_143 = tpu.memref_slice %arg6[%add3A_139, %dma_start3A_142] : memref<81920x128xf32, #tpu.memory_space<hbm>> -> memref<128x128xf32, #tpu.memory_space<hbm>>
      tpu.enqueue_dma source(%arg11 : memref<128x128xf32, #tpu.memory_space<vmem>>) target(%dma_start3A_143 : memref<128x128xf32, #tpu.memory_space<hbm>>) target_semaphore(%arg20 : memref<!tpu.dma_semaphore, #tpu.memory_space<semaphore_mem>>)
      %mul3A_144 = arith.constant 128 : i32
      %mul3A_145 = arith.muli %add3A_136, %mul3A_144 : i32
      %add3A_146 = arith.addi %mul3A_2, %mul3A_145 : i32
      %dma_start3A_147 = arith.constant 0 : i32
      %dma_start3A_148 = tpu.memref_slice %arg7[%add3A_146, %dma_start3A_147] : memref<81920x128xf32, #tpu.memory_space<hbm>> -> memref<128x128xf32, #tpu.memory_space<hbm>>
      %dma_start3A_149 = arith.constant 0 : i32
      %dma_start3A_150 = tpu.memref_slice %arg7[%add3A_146, %dma_start3A_149] : memref<81920x128xf32, #tpu.memory_space<hbm>> -> memref<128x128xf32, #tpu.memory_space<hbm>>
      tpu.enqueue_dma source(%arg14 : memref<128x128xf32, #tpu.memory_space<vmem>>) target(%dma_start3A_150 : memref<128x128xf32, #tpu.memory_space<hbm>>) target_semaphore(%arg20 : memref<!tpu.dma_semaphore, #tpu.memory_space<semaphore_mem>>)
      %dma_wait3A_151 = arith.constant 0 : i32
      %dma_wait3A_152 = tpu.memref_slice %arg8[%dma_wait3A_151] : memref<2560xi32, #tpu.memory_space<vmem>> -> memref<128xi32, #tpu.memory_space<vmem>>
      %dma_wait3A_153 = arith.constant 0 : i32
      %dma_wait3A_154 = arith.constant 0 : i32
      %dma_wait3A_155 = tpu.memref_slice %arg2[%dma_wait3A_153, %dma_wait3A_154] : memref<10000x128xf32, #tpu.memory_space<hbm>> -> memref<10000x128xf32, #tpu.memory_space<hbm>>
      tpu.wait_indirect_dma semaphore(%arg18 : memref<!tpu.dma_semaphore, #tpu.memory_space<semaphore_mem>>) src(%dma_wait3A_155 : memref<10000x128xf32, #tpu.memory_space<hbm>>) dst(%arg12 : memref<128x128xf32, #tpu.memory_space<vmem>>)
      %dma_wait3A_156 = arith.constant 0 : i32
      %dma_wait3A_157 = tpu.memref_slice %arg9[%dma_wait3A_156] : memref<2560xi32, #tpu.memory_space<vmem>> -> memref<128xi32, #tpu.memory_space<vmem>>
      %dma_wait3A_158 = arith.constant 0 : i32
      %dma_wait3A_159 = arith.constant 0 : i32
      %dma_wait3A_160 = tpu.memref_slice %arg3[%dma_wait3A_158, %dma_wait3A_159] : memref<10000x128xf32, #tpu.memory_space<hbm>> -> memref<10000x128xf32, #tpu.memory_space<hbm>>
      tpu.wait_indirect_dma semaphore(%arg18 : memref<!tpu.dma_semaphore, #tpu.memory_space<semaphore_mem>>) src(%dma_wait3A_160 : memref<10000x128xf32, #tpu.memory_space<hbm>>) dst(%arg15 : memref<128x128xf32, #tpu.memory_space<vmem>>)
      %add3A_161 = arith.constant 2 : i32
      %add3A_162 = arith.addi %mul3A_98, %add3A_161 : i32
      %mul3A_163 = arith.constant 128 : i32
      %mul3A_164 = arith.muli %add3A_162, %mul3A_163 : i32
      %add3A_165 = arith.addi %mul3A_2, %mul3A_164 : i32
      %dma_start3A_166 = arith.constant 0 : i32
      %dma_start3A_167 = tpu.memref_slice %arg6[%add3A_165, %dma_start3A_166] : memref<81920x128xf32, #tpu.memory_space<hbm>> -> memref<128x128xf32, #tpu.memory_space<hbm>>
      %dma_start3A_168 = arith.constant 0 : i32
      %dma_start3A_169 = tpu.memref_slice %arg6[%add3A_165, %dma_start3A_168] : memref<81920x128xf32, #tpu.memory_space<hbm>> -> memref<128x128xf32, #tpu.memory_space<hbm>>
      tpu.enqueue_dma source(%arg12 : memref<128x128xf32, #tpu.memory_space<vmem>>) target(%dma_start3A_169 : memref<128x128xf32, #tpu.memory_space<hbm>>) target_semaphore(%arg21 : memref<!tpu.dma_semaphore, #tpu.memory_space<semaphore_mem>>)
      %mul3A_170 = arith.constant 128 : i32
      %mul3A_171 = arith.muli %add3A_162, %mul3A_170 : i32
      %add3A_172 = arith.addi %mul3A_2, %mul3A_171 : i32
      %dma_start3A_173 = arith.constant 0 : i32
      %dma_start3A_174 = tpu.memref_slice %arg7[%add3A_172, %dma_start3A_173] : memref<81920x128xf32, #tpu.memory_space<hbm>> -> memref<128x128xf32, #tpu.memory_space<hbm>>
      %dma_start3A_175 = arith.constant 0 : i32
      %dma_start3A_176 = tpu.memref_slice %arg7[%add3A_172, %dma_start3A_175] : memref<81920x128xf32, #tpu.memory_space<hbm>> -> memref<128x128xf32, #tpu.memory_space<hbm>>
      tpu.enqueue_dma source(%arg15 : memref<128x128xf32, #tpu.memory_space<vmem>>) target(%dma_start3A_176 : memref<128x128xf32, #tpu.memory_space<hbm>>) target_semaphore(%arg21 : memref<!tpu.dma_semaphore, #tpu.memory_space<semaphore_mem>>)
      %dma_wait3A_177 = arith.constant 0 : i32
      %dma_wait3A_178 = tpu.memref_slice %arg6[%mul3A_2, %dma_wait3A_177] : memref<81920x128xf32, #tpu.memory_space<hbm>> -> memref<128x128xf32, #tpu.memory_space<hbm>>
      %dma_wait3A_179 = arith.constant 0 : i32
      %dma_wait3A_180 = tpu.memref_slice %arg6[%mul3A_2, %dma_wait3A_179] : memref<81920x128xf32, #tpu.memory_space<hbm>> -> memref<128x128xf32, #tpu.memory_space<hbm>>
      tpu.wait_dma2 semaphore(%arg19 : memref<!tpu.dma_semaphore, #tpu.memory_space<semaphore_mem>>) src(%arg10 : memref<128x128xf32, #tpu.memory_space<vmem>>) dst(%dma_wait3A_180 : memref<128x128xf32, #tpu.memory_space<hbm>>)
      %dma_wait3A_181 = arith.constant 0 : i32
      %dma_wait3A_182 = tpu.memref_slice %arg7[%mul3A_2, %dma_wait3A_181] : memref<81920x128xf32, #tpu.memory_space<hbm>> -> memref<128x128xf32, #tpu.memory_space<hbm>>
      %dma_wait3A_183 = arith.constant 0 : i32
      %dma_wait3A_184 = tpu.memref_slice %arg7[%mul3A_2, %dma_wait3A_183] : memref<81920x128xf32, #tpu.memory_space<hbm>> -> memref<128x128xf32, #tpu.memory_space<hbm>>
      tpu.wait_dma2 semaphore(%arg19 : memref<!tpu.dma_semaphore, #tpu.memory_space<semaphore_mem>>) src(%arg13 : memref<128x128xf32, #tpu.memory_space<vmem>>) dst(%dma_wait3A_184 : memref<128x128xf32, #tpu.memory_space<hbm>>)
      %add3A_185 = arith.constant 0 : i32
      %add3A_186 = arith.addi %mul3A_98, %add3A_185 : i32
      %add3A_187 = arith.constant 3 : i32
      %add3A_188 = arith.addi %add3A_186, %add3A_187 : i32
      %lt3A = arith.constant 20 : i32
      %lt3A_189 = arith.cmpi slt, %add3A_188, %lt3A : i32
      %convert_element_type3A = arith.extui %lt3A_189 : i1 to i32
      %cond3A = arith.constant 0 : i32
      %cond3A_190 = arith.cmpi ne, %convert_element_type3A, %cond3A : i32
      scf.if %cond3A_190 {
        %add3A_225 = arith.constant 0 : i32
        %add3A_226 = arith.addi %mul3A_98, %add3A_225 : i32
        %add3A_227 = arith.constant 3 : i32
        %add3A_228 = arith.addi %add3A_226, %add3A_227 : i32
        %mul3A_229 = arith.constant 128 : i32
        %mul3A_230 = arith.muli %add3A_228, %mul3A_229 : i32
        %dma_start3A_231 = tpu.memref_slice %arg8[%mul3A_230] : memref<2560xi32, #tpu.memory_space<vmem>> -> memref<128xi32, #tpu.memory_space<vmem>>
        %dma_start3A_232 = arith.constant 0 : i32
        %dma_start3A_233 = arith.constant 0 : i32
        %dma_start3A_234 = tpu.memref_slice %arg2[%dma_start3A_232, %dma_start3A_233] : memref<10000x128xf32, #tpu.memory_space<hbm>> -> memref<10000x128xf32, #tpu.memory_space<hbm>>
        tpu.enqueue_indirect_dma source(%dma_start3A_234 : memref<10000x128xf32, #tpu.memory_space<hbm>>) target(%arg10 : memref<128x128xf32, #tpu.memory_space<vmem>>) offsets(%dma_start3A_231 : memref<128xi32, #tpu.memory_space<vmem>>) semaphore(%arg16 : memref<!tpu.dma_semaphore, #tpu.memory_space<semaphore_mem>>)
        %mul3A_235 = arith.constant 128 : i32
        %mul3A_236 = arith.muli %add3A_228, %mul3A_235 : i32
        %dma_start3A_237 = tpu.memref_slice %arg9[%mul3A_236] : memref<2560xi32, #tpu.memory_space<vmem>> -> memref<128xi32, #tpu.memory_space<vmem>>
        %dma_start3A_238 = arith.constant 0 : i32
        %dma_start3A_239 = arith.constant 0 : i32
        %dma_start3A_240 = tpu.memref_slice %arg3[%dma_start3A_238, %dma_start3A_239] : memref<10000x128xf32, #tpu.memory_space<hbm>> -> memref<10000x128xf32, #tpu.memory_space<hbm>>
        tpu.enqueue_indirect_dma source(%dma_start3A_240 : memref<10000x128xf32, #tpu.memory_space<hbm>>) target(%arg13 : memref<128x128xf32, #tpu.memory_space<vmem>>) offsets(%dma_start3A_237 : memref<128xi32, #tpu.memory_space<vmem>>) semaphore(%arg16 : memref<!tpu.dma_semaphore, #tpu.memory_space<semaphore_mem>>)
      } else {
      }
      %dma_wait3A_191 = arith.constant 0 : i32
      %dma_wait3A_192 = tpu.memref_slice %arg6[%mul3A_2, %dma_wait3A_191] : memref<81920x128xf32, #tpu.memory_space<hbm>> -> memref<128x128xf32, #tpu.memory_space<hbm>>
      %dma_wait3A_193 = arith.constant 0 : i32
      %dma_wait3A_194 = tpu.memref_slice %arg6[%mul3A_2, %dma_wait3A_193] : memref<81920x128xf32, #tpu.memory_space<hbm>> -> memref<128x128xf32, #tpu.memory_space<hbm>>
      tpu.wait_dma2 semaphore(%arg20 : memref<!tpu.dma_semaphore, #tpu.memory_space<semaphore_mem>>) src(%arg11 : memref<128x128xf32, #tpu.memory_space<vmem>>) dst(%dma_wait3A_194 : memref<128x128xf32, #tpu.memory_space<hbm>>)
      %dma_wait3A_195 = arith.constant 0 : i32
      %dma_wait3A_196 = tpu.memref_slice %arg7[%mul3A_2, %dma_wait3A_195] : memref<81920x128xf32, #tpu.memory_space<hbm>> -> memref<128x128xf32, #tpu.memory_space<hbm>>
      %dma_wait3A_197 = arith.constant 0 : i32
      %dma_wait3A_198 = tpu.memref_slice %arg7[%mul3A_2, %dma_wait3A_197] : memref<81920x128xf32, #tpu.memory_space<hbm>> -> memref<128x128xf32, #tpu.memory_space<hbm>>
      tpu.wait_dma2 semaphore(%arg20 : memref<!tpu.dma_semaphore, #tpu.memory_space<semaphore_mem>>) src(%arg14 : memref<128x128xf32, #tpu.memory_space<vmem>>) dst(%dma_wait3A_198 : memref<128x128xf32, #tpu.memory_space<hbm>>)
      %add3A_199 = arith.constant 1 : i32
      %add3A_200 = arith.addi %mul3A_98, %add3A_199 : i32
      %add3A_201 = arith.constant 3 : i32
      %add3A_202 = arith.addi %add3A_200, %add3A_201 : i32
      %lt3A_203 = arith.constant 20 : i32
      %lt3A_204 = arith.cmpi slt, %add3A_202, %lt3A_203 : i32
      %convert_element_type3A_205 = arith.extui %lt3A_204 : i1 to i32
      %cond3A_206 = arith.constant 0 : i32
      %cond3A_207 = arith.cmpi ne, %convert_element_type3A_205, %cond3A_206 : i32
      scf.if %cond3A_207 {
        %add3A_225 = arith.constant 1 : i32
        %add3A_226 = arith.addi %mul3A_98, %add3A_225 : i32
        %add3A_227 = arith.constant 3 : i32
        %add3A_228 = arith.addi %add3A_226, %add3A_227 : i32
        %mul3A_229 = arith.constant 128 : i32
        %mul3A_230 = arith.muli %add3A_228, %mul3A_229 : i32
        %dma_start3A_231 = tpu.memref_slice %arg8[%mul3A_230] : memref<2560xi32, #tpu.memory_space<vmem>> -> memref<128xi32, #tpu.memory_space<vmem>>
        %dma_start3A_232 = arith.constant 0 : i32
        %dma_start3A_233 = arith.constant 0 : i32
        %dma_start3A_234 = tpu.memref_slice %arg2[%dma_start3A_232, %dma_start3A_233] : memref<10000x128xf32, #tpu.memory_space<hbm>> -> memref<10000x128xf32, #tpu.memory_space<hbm>>
        tpu.enqueue_indirect_dma source(%dma_start3A_234 : memref<10000x128xf32, #tpu.memory_space<hbm>>) target(%arg11 : memref<128x128xf32, #tpu.memory_space<vmem>>) offsets(%dma_start3A_231 : memref<128xi32, #tpu.memory_space<vmem>>) semaphore(%arg17 : memref<!tpu.dma_semaphore, #tpu.memory_space<semaphore_mem>>)
        %mul3A_235 = arith.constant 128 : i32
        %mul3A_236 = arith.muli %add3A_228, %mul3A_235 : i32
        %dma_start3A_237 = tpu.memref_slice %arg9[%mul3A_236] : memref<2560xi32, #tpu.memory_space<vmem>> -> memref<128xi32, #tpu.memory_space<vmem>>
        %dma_start3A_238 = arith.constant 0 : i32
        %dma_start3A_239 = arith.constant 0 : i32
        %dma_start3A_240 = tpu.memref_slice %arg3[%dma_start3A_238, %dma_start3A_239] : memref<10000x128xf32, #tpu.memory_space<hbm>> -> memref<10000x128xf32, #tpu.memory_space<hbm>>
        tpu.enqueue_indirect_dma source(%dma_start3A_240 : memref<10000x128xf32, #tpu.memory_space<hbm>>) target(%arg14 : memref<128x128xf32, #tpu.memory_space<vmem>>) offsets(%dma_start3A_237 : memref<128xi32, #tpu.memory_space<vmem>>) semaphore(%arg17 : memref<!tpu.dma_semaphore, #tpu.memory_space<semaphore_mem>>)
      } else {
      }
      %dma_wait3A_208 = arith.constant 0 : i32
      %dma_wait3A_209 = tpu.memref_slice %arg6[%mul3A_2, %dma_wait3A_208] : memref<81920x128xf32, #tpu.memory_space<hbm>> -> memref<128x128xf32, #tpu.memory_space<hbm>>
      %dma_wait3A_210 = arith.constant 0 : i32
      %dma_wait3A_211 = tpu.memref_slice %arg6[%mul3A_2, %dma_wait3A_210] : memref<81920x128xf32, #tpu.memory_space<hbm>> -> memref<128x128xf32, #tpu.memory_space<hbm>>
      tpu.wait_dma2 semaphore(%arg21 : memref<!tpu.dma_semaphore, #tpu.memory_space<semaphore_mem>>) src(%arg12 : memref<128x128xf32, #tpu.memory_space<vmem>>) dst(%dma_wait3A_211 : memref<128x128xf32, #tpu.memory_space<hbm>>)
      %dma_wait3A_212 = arith.constant 0 : i32
      %dma_wait3A_213 = tpu.memref_slice %arg7[%mul3A_2, %dma_wait3A_212] : memref<81920x128xf32, #tpu.memory_space<hbm>> -> memref<128x128xf32, #tpu.memory_space<hbm>>
      %dma_wait3A_214 = arith.constant 0 : i32
      %dma_wait3A_215 = tpu.memref_slice %arg7[%mul3A_2, %dma_wait3A_214] : memref<81920x128xf32, #tpu.memory_space<hbm>> -> memref<128x128xf32, #tpu.memory_space<hbm>>
      tpu.wait_dma2 semaphore(%arg21 : memref<!tpu.dma_semaphore, #tpu.memory_space<semaphore_mem>>) src(%arg15 : memref<128x128xf32, #tpu.memory_space<vmem>>) dst(%dma_wait3A_215 : memref<128x128xf32, #tpu.memory_space<hbm>>)
      %add3A_216 = arith.constant 2 : i32
      %add3A_217 = arith.addi %mul3A_98, %add3A_216 : i32
      %add3A_218 = arith.constant 3 : i32
      %add3A_219 = arith.addi %add3A_217, %add3A_218 : i32
      %lt3A_220 = arith.constant 20 : i32
      %lt3A_221 = arith.cmpi slt, %add3A_219, %lt3A_220 : i32
      %convert_element_type3A_222 = arith.extui %lt3A_221 : i1 to i32
      %cond3A_223 = arith.constant 0 : i32
      %cond3A_224 = arith.cmpi ne, %convert_element_type3A_222, %cond3A_223 : i32
      scf.if %cond3A_224 {
        %add3A_225 = arith.constant 2 : i32
        %add3A_226 = arith.addi %mul3A_98, %add3A_225 : i32
        %add3A_227 = arith.constant 3 : i32
        %add3A_228 = arith.addi %add3A_226, %add3A_227 : i32
        %mul3A_229 = arith.constant 128 : i32
        %mul3A_230 = arith.muli %add3A_228, %mul3A_229 : i32
        %dma_start3A_231 = tpu.memref_slice %arg8[%mul3A_230] : memref<2560xi32, #tpu.memory_space<vmem>> -> memref<128xi32, #tpu.memory_space<vmem>>
        %dma_start3A_232 = arith.constant 0 : i32
        %dma_start3A_233 = arith.constant 0 : i32
        %dma_start3A_234 = tpu.memref_slice %arg2[%dma_start3A_232, %dma_start3A_233] : memref<10000x128xf32, #tpu.memory_space<hbm>> -> memref<10000x128xf32, #tpu.memory_space<hbm>>
        tpu.enqueue_indirect_dma source(%dma_start3A_234 : memref<10000x128xf32, #tpu.memory_space<hbm>>) target(%arg12 : memref<128x128xf32, #tpu.memory_space<vmem>>) offsets(%dma_start3A_231 : memref<128xi32, #tpu.memory_space<vmem>>) semaphore(%arg18 : memref<!tpu.dma_semaphore, #tpu.memory_space<semaphore_mem>>)
        %mul3A_235 = arith.constant 128 : i32
        %mul3A_236 = arith.muli %add3A_228, %mul3A_235 : i32
        %dma_start3A_237 = tpu.memref_slice %arg9[%mul3A_236] : memref<2560xi32, #tpu.memory_space<vmem>> -> memref<128xi32, #tpu.memory_space<vmem>>
        %dma_start3A_238 = arith.constant 0 : i32
        %dma_start3A_239 = arith.constant 0 : i32
        %dma_start3A_240 = tpu.memref_slice %arg3[%dma_start3A_238, %dma_start3A_239] : memref<10000x128xf32, #tpu.memory_space<hbm>> -> memref<10000x128xf32, #tpu.memory_space<hbm>>
        tpu.enqueue_indirect_dma source(%dma_start3A_240 : memref<10000x128xf32, #tpu.memory_space<hbm>>) target(%arg15 : memref<128x128xf32, #tpu.memory_space<vmem>>) offsets(%dma_start3A_237 : memref<128xi32, #tpu.memory_space<vmem>>) semaphore(%arg18 : memref<!tpu.dma_semaphore, #tpu.memory_space<semaphore_mem>>)
      } else {
      }
    }
    %scan3A_36 = arith.constant 6 : i32
    %dma_wait3A = arith.constant 0 : i32
    %dma_wait3A_37 = tpu.memref_slice %arg8[%dma_wait3A] : memref<2560xi32, #tpu.memory_space<vmem>> -> memref<128xi32, #tpu.memory_space<vmem>>
    %dma_wait3A_38 = arith.constant 0 : i32
    %dma_wait3A_39 = arith.constant 0 : i32
    %dma_wait3A_40 = tpu.memref_slice %arg2[%dma_wait3A_38, %dma_wait3A_39] : memref<10000x128xf32, #tpu.memory_space<hbm>> -> memref<10000x128xf32, #tpu.memory_space<hbm>>
    tpu.wait_indirect_dma semaphore(%arg16 : memref<!tpu.dma_semaphore, #tpu.memory_space<semaphore_mem>>) src(%dma_wait3A_40 : memref<10000x128xf32, #tpu.memory_space<hbm>>) dst(%arg10 : memref<128x128xf32, #tpu.memory_space<vmem>>)
    %dma_wait3A_41 = arith.constant 0 : i32
    %dma_wait3A_42 = tpu.memref_slice %arg9[%dma_wait3A_41] : memref<2560xi32, #tpu.memory_space<vmem>> -> memref<128xi32, #tpu.memory_space<vmem>>
    %dma_wait3A_43 = arith.constant 0 : i32
    %dma_wait3A_44 = arith.constant 0 : i32
    %dma_wait3A_45 = tpu.memref_slice %arg3[%dma_wait3A_43, %dma_wait3A_44] : memref<10000x128xf32, #tpu.memory_space<hbm>> -> memref<10000x128xf32, #tpu.memory_space<hbm>>
    tpu.wait_indirect_dma semaphore(%arg16 : memref<!tpu.dma_semaphore, #tpu.memory_space<semaphore_mem>>) src(%dma_wait3A_45 : memref<10000x128xf32, #tpu.memory_space<hbm>>) dst(%arg13 : memref<128x128xf32, #tpu.memory_space<vmem>>)
    %add3A_46 = arith.constant 2304 : i32
    %add3A_47 = arith.addi %mul3A_2, %add3A_46 : i32
    %dma_start3A_48 = arith.constant 0 : i32
    %dma_start3A_49 = tpu.memref_slice %arg6[%add3A_47, %dma_start3A_48] : memref<81920x128xf32, #tpu.memory_space<hbm>> -> memref<128x128xf32, #tpu.memory_space<hbm>>
    %dma_start3A_50 = arith.constant 0 : i32
    %dma_start3A_51 = tpu.memref_slice %arg6[%add3A_47, %dma_start3A_50] : memref<81920x128xf32, #tpu.memory_space<hbm>> -> memref<128x128xf32, #tpu.memory_space<hbm>>
    tpu.enqueue_dma source(%arg10 : memref<128x128xf32, #tpu.memory_space<vmem>>) target(%dma_start3A_51 : memref<128x128xf32, #tpu.memory_space<hbm>>) target_semaphore(%arg19 : memref<!tpu.dma_semaphore, #tpu.memory_space<semaphore_mem>>)
    %add3A_52 = arith.constant 2304 : i32
    %add3A_53 = arith.addi %mul3A_2, %add3A_52 : i32
    %dma_start3A_54 = arith.constant 0 : i32
    %dma_start3A_55 = tpu.memref_slice %arg7[%add3A_53, %dma_start3A_54] : memref<81920x128xf32, #tpu.memory_space<hbm>> -> memref<128x128xf32, #tpu.memory_space<hbm>>
    %dma_start3A_56 = arith.constant 0 : i32
    %dma_start3A_57 = tpu.memref_slice %arg7[%add3A_53, %dma_start3A_56] : memref<81920x128xf32, #tpu.memory_space<hbm>> -> memref<128x128xf32, #tpu.memory_space<hbm>>
    tpu.enqueue_dma source(%arg13 : memref<128x128xf32, #tpu.memory_space<vmem>>) target(%dma_start3A_57 : memref<128x128xf32, #tpu.memory_space<hbm>>) target_semaphore(%arg19 : memref<!tpu.dma_semaphore, #tpu.memory_space<semaphore_mem>>)
    %dma_wait3A_58 = arith.constant 0 : i32
    %dma_wait3A_59 = tpu.memref_slice %arg6[%mul3A_2, %dma_wait3A_58] : memref<81920x128xf32, #tpu.memory_space<hbm>> -> memref<128x128xf32, #tpu.memory_space<hbm>>
    %dma_wait3A_60 = arith.constant 0 : i32
    %dma_wait3A_61 = tpu.memref_slice %arg6[%mul3A_2, %dma_wait3A_60] : memref<81920x128xf32, #tpu.memory_space<hbm>> -> memref<128x128xf32, #tpu.memory_space<hbm>>
    tpu.wait_dma2 semaphore(%arg19 : memref<!tpu.dma_semaphore, #tpu.memory_space<semaphore_mem>>) src(%arg10 : memref<128x128xf32, #tpu.memory_space<vmem>>) dst(%dma_wait3A_61 : memref<128x128xf32, #tpu.memory_space<hbm>>)
    %dma_wait3A_62 = arith.constant 0 : i32
    %dma_wait3A_63 = tpu.memref_slice %arg7[%mul3A_2, %dma_wait3A_62] : memref<81920x128xf32, #tpu.memory_space<hbm>> -> memref<128x128xf32, #tpu.memory_space<hbm>>
    %dma_wait3A_64 = arith.constant 0 : i32
    %dma_wait3A_65 = tpu.memref_slice %arg7[%mul3A_2, %dma_wait3A_64] : memref<81920x128xf32, #tpu.memory_space<hbm>> -> memref<128x128xf32, #tpu.memory_space<hbm>>
    tpu.wait_dma2 semaphore(%arg19 : memref<!tpu.dma_semaphore, #tpu.memory_space<semaphore_mem>>) src(%arg13 : memref<128x128xf32, #tpu.memory_space<vmem>>) dst(%dma_wait3A_65 : memref<128x128xf32, #tpu.memory_space<hbm>>)
    %dma_wait3A_66 = arith.constant 0 : i32
    %dma_wait3A_67 = tpu.memref_slice %arg8[%dma_wait3A_66] : memref<2560xi32, #tpu.memory_space<vmem>> -> memref<128xi32, #tpu.memory_space<vmem>>
    %dma_wait3A_68 = arith.constant 0 : i32
    %dma_wait3A_69 = arith.constant 0 : i32
    %dma_wait3A_70 = tpu.memref_slice %arg2[%dma_wait3A_68, %dma_wait3A_69] : memref<10000x128xf32, #tpu.memory_space<hbm>> -> memref<10000x128xf32, #tpu.memory_space<hbm>>
    tpu.wait_indirect_dma semaphore(%arg17 : memref<!tpu.dma_semaphore, #tpu.memory_space<semaphore_mem>>) src(%dma_wait3A_70 : memref<10000x128xf32, #tpu.memory_space<hbm>>) dst(%arg11 : memref<128x128xf32, #tpu.memory_space<vmem>>)
    %dma_wait3A_71 = arith.constant 0 : i32
    %dma_wait3A_72 = tpu.memref_slice %arg9[%dma_wait3A_71] : memref<2560xi32, #tpu.memory_space<vmem>> -> memref<128xi32, #tpu.memory_space<vmem>>
    %dma_wait3A_73 = arith.constant 0 : i32
    %dma_wait3A_74 = arith.constant 0 : i32
    %dma_wait3A_75 = tpu.memref_slice %arg3[%dma_wait3A_73, %dma_wait3A_74] : memref<10000x128xf32, #tpu.memory_space<hbm>> -> memref<10000x128xf32, #tpu.memory_space<hbm>>
    tpu.wait_indirect_dma semaphore(%arg17 : memref<!tpu.dma_semaphore, #tpu.memory_space<semaphore_mem>>) src(%dma_wait3A_75 : memref<10000x128xf32, #tpu.memory_space<hbm>>) dst(%arg14 : memref<128x128xf32, #tpu.memory_space<vmem>>)
    %add3A_76 = arith.constant 2432 : i32
    %add3A_77 = arith.addi %mul3A_2, %add3A_76 : i32
    %dma_start3A_78 = arith.constant 0 : i32
    %dma_start3A_79 = tpu.memref_slice %arg6[%add3A_77, %dma_start3A_78] : memref<81920x128xf32, #tpu.memory_space<hbm>> -> memref<128x128xf32, #tpu.memory_space<hbm>>
    %dma_start3A_80 = arith.constant 0 : i32
    %dma_start3A_81 = tpu.memref_slice %arg6[%add3A_77, %dma_start3A_80] : memref<81920x128xf32, #tpu.memory_space<hbm>> -> memref<128x128xf32, #tpu.memory_space<hbm>>
    tpu.enqueue_dma source(%arg11 : memref<128x128xf32, #tpu.memory_space<vmem>>) target(%dma_start3A_81 : memref<128x128xf32, #tpu.memory_space<hbm>>) target_semaphore(%arg20 : memref<!tpu.dma_semaphore, #tpu.memory_space<semaphore_mem>>)
    %add3A_82 = arith.constant 2432 : i32
    %add3A_83 = arith.addi %mul3A_2, %add3A_82 : i32
    %dma_start3A_84 = arith.constant 0 : i32
    %dma_start3A_85 = tpu.memref_slice %arg7[%add3A_83, %dma_start3A_84] : memref<81920x128xf32, #tpu.memory_space<hbm>> -> memref<128x128xf32, #tpu.memory_space<hbm>>
    %dma_start3A_86 = arith.constant 0 : i32
    %dma_start3A_87 = tpu.memref_slice %arg7[%add3A_83, %dma_start3A_86] : memref<81920x128xf32, #tpu.memory_space<hbm>> -> memref<128x128xf32, #tpu.memory_space<hbm>>
    tpu.enqueue_dma source(%arg14 : memref<128x128xf32, #tpu.memory_space<vmem>>) target(%dma_start3A_87 : memref<128x128xf32, #tpu.memory_space<hbm>>) target_semaphore(%arg20 : memref<!tpu.dma_semaphore, #tpu.memory_space<semaphore_mem>>)
    %dma_wait3A_88 = arith.constant 0 : i32
    %dma_wait3A_89 = tpu.memref_slice %arg6[%mul3A_2, %dma_wait3A_88] : memref<81920x128xf32, #tpu.memory_space<hbm>> -> memref<128x128xf32, #tpu.memory_space<hbm>>
    %dma_wait3A_90 = arith.constant 0 : i32
    %dma_wait3A_91 = tpu.memref_slice %arg6[%mul3A_2, %dma_wait3A_90] : memref<81920x128xf32, #tpu.memory_space<hbm>> -> memref<128x128xf32, #tpu.memory_space<hbm>>
    tpu.wait_dma2 semaphore(%arg20 : memref<!tpu.dma_semaphore, #tpu.memory_space<semaphore_mem>>) src(%arg11 : memref<128x128xf32, #tpu.memory_space<vmem>>) dst(%dma_wait3A_91 : memref<128x128xf32, #tpu.memory_space<hbm>>)
    %dma_wait3A_92 = arith.constant 0 : i32
    %dma_wait3A_93 = tpu.memref_slice %arg7[%mul3A_2, %dma_wait3A_92] : memref<81920x128xf32, #tpu.memory_space<hbm>> -> memref<128x128xf32, #tpu.memory_space<hbm>>
    %dma_wait3A_94 = arith.constant 0 : i32
    %dma_wait3A_95 = tpu.memref_slice %arg7[%mul3A_2, %dma_wait3A_94] : memref<81920x128xf32, #tpu.memory_space<hbm>> -> memref<128x128xf32, #tpu.memory_space<hbm>>
    tpu.wait_dma2 semaphore(%arg20 : memref<!tpu.dma_semaphore, #tpu.memory_space<semaphore_mem>>) src(%arg14 : memref<128x128xf32, #tpu.memory_space<vmem>>) dst(%dma_wait3A_95 : memref<128x128xf32, #tpu.memory_space<hbm>>)
    return
  }
}

#map = affine_map<(d0, d1) -> (0, 0)>
#map1 = affine_map<(d0, d1) -> (0)>
module attributes {stable_mosaic.version = 14 : i64} {
  func.func @k(%arg0: i32, %arg1: i32, %arg2: memref<10000x128xf32, #tpu.memory_space<hbm>>, %arg3: memref<10000x128xf32, #tpu.memory_space<hbm>>, %arg4: memref<74240xi32, #tpu.memory_space<hbm>>, %arg5: memref<74240xi32, #tpu.memory_space<hbm>>, %arg6: memref<74240x128xf32, #tpu.memory_space<hbm>>, %arg7: memref<74240x128xf32, #tpu.memory_space<hbm>>, %arg8: memref<2320xi32, #tpu.memory_space<vmem>>, %arg9: memref<2320xi32, #tpu.memory_space<vmem>>, %arg10: memref<128x128xf32, #tpu.memory_space<vmem>>, %arg11: memref<128x128xf32, #tpu.memory_space<vmem>>, %arg12: memref<128x128xf32, #tpu.memory_space<vmem>>, %arg13: memref<128x128xf32, #tpu.memory_space<vmem>>, %arg14: memref<128x128xf32, #tpu.memory_space<vmem>>, %arg15: memref<128x128xf32, #tpu.memory_space<vmem>>, %arg16: memref<!tpu.dma_semaphore, #tpu.memory_space<semaphore_mem>>, %arg17: memref<!tpu.dma_semaphore, #tpu.memory_space<semaphore_mem>>, %arg18: memref<!tpu.dma_semaphore, #tpu.memory_space<semaphore_mem>>, %arg19: memref<!tpu.dma_semaphore, #tpu.memory_space<semaphore_mem>>, %arg20: memref<!tpu.dma_semaphore, #tpu.memory_space<semaphore_mem>>, %arg21: memref<!tpu.dma_semaphore, #tpu.memory_space<semaphore_mem>>) attributes {dimension_semantics = [#tpu.dimension_semantics<core_parallel>, #tpu.dimension_semantics<subcore_parallel>], iteration_bounds = array<i64: 2, 16>, scalar_prefetch = 0 : i64, scratch_operands = 14 : i64, tpu.core_type = #tpu.core_type<sc_vector_subcore>, window_params = [{transform_indices = #map}, {transform_indices = #map}, {transform_indices = #map1}, {transform_indices = #map1}, {transform_indices = #map}, {transform_indices = #map}]} {
    %mul3A = arith.constant 2 : i32
    %mul3A_0 = arith.muli %arg1, %mul3A : i32
    %add3A = arith.addi %mul3A_0, %arg0 : i32
    %mul3A_1 = arith.constant 2320 : i32
    %mul3A_2 = arith.muli %add3A, %mul3A_1 : i32
    "tpu.region"() ({
      %run_scoped3A = tpu.sem_alloc : memref<!tpu.dma_semaphore, #tpu.memory_space<semaphore_mem>>
      %dma_start3A_72 = tpu.memref_slice %arg4[%mul3A_2] : memref<74240xi32, #tpu.memory_space<hbm>> -> memref<2320xi32, #tpu.memory_space<hbm>>
      %dma_start3A_73 = tpu.memref_slice %arg4[%mul3A_2] : memref<74240xi32, #tpu.memory_space<hbm>> -> memref<2320xi32, #tpu.memory_space<hbm>>
      tpu.enqueue_dma source(%dma_start3A_73 : memref<2320xi32, #tpu.memory_space<hbm>>) target(%arg8 : memref<2320xi32, #tpu.memory_space<vmem>>) target_semaphore(%run_scoped3A : memref<!tpu.dma_semaphore, #tpu.memory_space<semaphore_mem>>)
      %dma_wait3A_74 = tpu.memref_slice %arg4[%mul3A_2] : memref<74240xi32, #tpu.memory_space<hbm>> -> memref<2320xi32, #tpu.memory_space<hbm>>
      %dma_wait3A_75 = tpu.memref_slice %arg4[%mul3A_2] : memref<74240xi32, #tpu.memory_space<hbm>> -> memref<2320xi32, #tpu.memory_space<hbm>>
      tpu.wait_dma2 semaphore(%run_scoped3A : memref<!tpu.dma_semaphore, #tpu.memory_space<semaphore_mem>>) src(%dma_wait3A_75 : memref<2320xi32, #tpu.memory_space<hbm>>) dst(%arg8 : memref<2320xi32, #tpu.memory_space<vmem>>)
      tpu.yield
    }) : () -> ()
    "tpu.region"() ({
      %run_scoped3A = tpu.sem_alloc : memref<!tpu.dma_semaphore, #tpu.memory_space<semaphore_mem>>
      %dma_start3A_72 = tpu.memref_slice %arg5[%mul3A_2] : memref<74240xi32, #tpu.memory_space<hbm>> -> memref<2320xi32, #tpu.memory_space<hbm>>
      %dma_start3A_73 = tpu.memref_slice %arg5[%mul3A_2] : memref<74240xi32, #tpu.memory_space<hbm>> -> memref<2320xi32, #tpu.memory_space<hbm>>
      tpu.enqueue_dma source(%dma_start3A_73 : memref<2320xi32, #tpu.memory_space<hbm>>) target(%arg9 : memref<2320xi32, #tpu.memory_space<vmem>>) target_semaphore(%run_scoped3A : memref<!tpu.dma_semaphore, #tpu.memory_space<semaphore_mem>>)
      %dma_wait3A_74 = tpu.memref_slice %arg5[%mul3A_2] : memref<74240xi32, #tpu.memory_space<hbm>> -> memref<2320xi32, #tpu.memory_space<hbm>>
      %dma_wait3A_75 = tpu.memref_slice %arg5[%mul3A_2] : memref<74240xi32, #tpu.memory_space<hbm>> -> memref<2320xi32, #tpu.memory_space<hbm>>
      tpu.wait_dma2 semaphore(%run_scoped3A : memref<!tpu.dma_semaphore, #tpu.memory_space<semaphore_mem>>) src(%dma_wait3A_75 : memref<2320xi32, #tpu.memory_space<hbm>>) dst(%arg9 : memref<2320xi32, #tpu.memory_space<vmem>>)
      tpu.yield
    }) : () -> ()
    %dma_start3A = arith.constant 0 : i32
    %dma_start3A_3 = tpu.memref_slice %arg8[%dma_start3A] : memref<2320xi32, #tpu.memory_space<vmem>> -> memref<128xi32, #tpu.memory_space<vmem>>
    %dma_start3A_4 = arith.constant 0 : i32
    %dma_start3A_5 = arith.constant 0 : i32
    %dma_start3A_6 = tpu.memref_slice %arg2[%dma_start3A_4, %dma_start3A_5] : memref<10000x128xf32, #tpu.memory_space<hbm>> -> memref<10000x128xf32, #tpu.memory_space<hbm>>
    tpu.enqueue_indirect_dma source(%dma_start3A_6 : memref<10000x128xf32, #tpu.memory_space<hbm>>) target(%arg10 : memref<128x128xf32, #tpu.memory_space<vmem>>) offsets(%dma_start3A_3 : memref<128xi32, #tpu.memory_space<vmem>>) semaphore(%arg16 : memref<!tpu.dma_semaphore, #tpu.memory_space<semaphore_mem>>)
    %dma_start3A_7 = arith.constant 0 : i32
    %dma_start3A_8 = tpu.memref_slice %arg9[%dma_start3A_7] : memref<2320xi32, #tpu.memory_space<vmem>> -> memref<128xi32, #tpu.memory_space<vmem>>
    %dma_start3A_9 = arith.constant 0 : i32
    %dma_start3A_10 = arith.constant 0 : i32
    %dma_start3A_11 = tpu.memref_slice %arg3[%dma_start3A_9, %dma_start3A_10] : memref<10000x128xf32, #tpu.memory_space<hbm>> -> memref<10000x128xf32, #tpu.memory_space<hbm>>
    tpu.enqueue_indirect_dma source(%dma_start3A_11 : memref<10000x128xf32, #tpu.memory_space<hbm>>) target(%arg13 : memref<128x128xf32, #tpu.memory_space<vmem>>) offsets(%dma_start3A_8 : memref<128xi32, #tpu.memory_space<vmem>>) semaphore(%arg16 : memref<!tpu.dma_semaphore, #tpu.memory_space<semaphore_mem>>)
    %dma_start3A_12 = arith.constant 128 : i32
    %dma_start3A_13 = tpu.memref_slice %arg8[%dma_start3A_12] : memref<2320xi32, #tpu.memory_space<vmem>> -> memref<128xi32, #tpu.memory_space<vmem>>
    %dma_start3A_14 = arith.constant 0 : i32
    %dma_start3A_15 = arith.constant 0 : i32
    %dma_start3A_16 = tpu.memref_slice %arg2[%dma_start3A_14, %dma_start3A_15] : memref<10000x128xf32, #tpu.memory_space<hbm>> -> memref<10000x128xf32, #tpu.memory_space<hbm>>
    tpu.enqueue_indirect_dma source(%dma_start3A_16 : memref<10000x128xf32, #tpu.memory_space<hbm>>) target(%arg11 : memref<128x128xf32, #tpu.memory_space<vmem>>) offsets(%dma_start3A_13 : memref<128xi32, #tpu.memory_space<vmem>>) semaphore(%arg17 : memref<!tpu.dma_semaphore, #tpu.memory_space<semaphore_mem>>)
    %dma_start3A_17 = arith.constant 128 : i32
    %dma_start3A_18 = tpu.memref_slice %arg9[%dma_start3A_17] : memref<2320xi32, #tpu.memory_space<vmem>> -> memref<128xi32, #tpu.memory_space<vmem>>
    %dma_start3A_19 = arith.constant 0 : i32
    %dma_start3A_20 = arith.constant 0 : i32
    %dma_start3A_21 = tpu.memref_slice %arg3[%dma_start3A_19, %dma_start3A_20] : memref<10000x128xf32, #tpu.memory_space<hbm>> -> memref<10000x128xf32, #tpu.memory_space<hbm>>
    tpu.enqueue_indirect_dma source(%dma_start3A_21 : memref<10000x128xf32, #tpu.memory_space<hbm>>) target(%arg14 : memref<128x128xf32, #tpu.memory_space<vmem>>) offsets(%dma_start3A_18 : memref<128xi32, #tpu.memory_space<vmem>>) semaphore(%arg17 : memref<!tpu.dma_semaphore, #tpu.memory_space<semaphore_mem>>)
    %dma_start3A_22 = arith.constant 256 : i32
    %dma_start3A_23 = tpu.memref_slice %arg8[%dma_start3A_22] : memref<2320xi32, #tpu.memory_space<vmem>> -> memref<128xi32, #tpu.memory_space<vmem>>
    %dma_start3A_24 = arith.constant 0 : i32
    %dma_start3A_25 = arith.constant 0 : i32
    %dma_start3A_26 = tpu.memref_slice %arg2[%dma_start3A_24, %dma_start3A_25] : memref<10000x128xf32, #tpu.memory_space<hbm>> -> memref<10000x128xf32, #tpu.memory_space<hbm>>
    tpu.enqueue_indirect_dma source(%dma_start3A_26 : memref<10000x128xf32, #tpu.memory_space<hbm>>) target(%arg12 : memref<128x128xf32, #tpu.memory_space<vmem>>) offsets(%dma_start3A_23 : memref<128xi32, #tpu.memory_space<vmem>>) semaphore(%arg18 : memref<!tpu.dma_semaphore, #tpu.memory_space<semaphore_mem>>)
    %dma_start3A_27 = arith.constant 256 : i32
    %dma_start3A_28 = tpu.memref_slice %arg9[%dma_start3A_27] : memref<2320xi32, #tpu.memory_space<vmem>> -> memref<128xi32, #tpu.memory_space<vmem>>
    %dma_start3A_29 = arith.constant 0 : i32
    %dma_start3A_30 = arith.constant 0 : i32
    %dma_start3A_31 = tpu.memref_slice %arg3[%dma_start3A_29, %dma_start3A_30] : memref<10000x128xf32, #tpu.memory_space<hbm>> -> memref<10000x128xf32, #tpu.memory_space<hbm>>
    tpu.enqueue_indirect_dma source(%dma_start3A_31 : memref<10000x128xf32, #tpu.memory_space<hbm>>) target(%arg15 : memref<128x128xf32, #tpu.memory_space<vmem>>) offsets(%dma_start3A_28 : memref<128xi32, #tpu.memory_space<vmem>>) semaphore(%arg18 : memref<!tpu.dma_semaphore, #tpu.memory_space<semaphore_mem>>)
    %scan3A = arith.constant 0 : i32
    %scan3A_32 = arith.constant 0 : i32
    %scan3A_33 = arith.constant 6 : i32
    %scan3A_34 = arith.addi %scan3A_32, %scan3A_33 : i32
    %scan3A_35 = arith.constant 1 : i32
    scf.for %scan3A_72 = %scan3A_32 to %scan3A_34 step %scan3A_35  : i32 {
      %mul3A_73 = arith.constant 3 : i32
      %mul3A_74 = arith.muli %mul3A_73, %scan3A_72 : i32
      %dma_wait3A_75 = arith.constant 0 : i32
      %dma_wait3A_76 = tpu.memref_slice %arg8[%dma_wait3A_75] : memref<2320xi32, #tpu.memory_space<vmem>> -> memref<128xi32, #tpu.memory_space<vmem>>
      %dma_wait3A_77 = arith.constant 0 : i32
      %dma_wait3A_78 = arith.constant 0 : i32
      %dma_wait3A_79 = tpu.memref_slice %arg2[%dma_wait3A_77, %dma_wait3A_78] : memref<10000x128xf32, #tpu.memory_space<hbm>> -> memref<10000x128xf32, #tpu.memory_space<hbm>>
      tpu.wait_indirect_dma semaphore(%arg16 : memref<!tpu.dma_semaphore, #tpu.memory_space<semaphore_mem>>) src(%dma_wait3A_79 : memref<10000x128xf32, #tpu.memory_space<hbm>>) dst(%arg10 : memref<128x128xf32, #tpu.memory_space<vmem>>)
      %dma_wait3A_80 = arith.constant 0 : i32
      %dma_wait3A_81 = tpu.memref_slice %arg9[%dma_wait3A_80] : memref<2320xi32, #tpu.memory_space<vmem>> -> memref<128xi32, #tpu.memory_space<vmem>>
      %dma_wait3A_82 = arith.constant 0 : i32
      %dma_wait3A_83 = arith.constant 0 : i32
      %dma_wait3A_84 = tpu.memref_slice %arg3[%dma_wait3A_82, %dma_wait3A_83] : memref<10000x128xf32, #tpu.memory_space<hbm>> -> memref<10000x128xf32, #tpu.memory_space<hbm>>
      tpu.wait_indirect_dma semaphore(%arg16 : memref<!tpu.dma_semaphore, #tpu.memory_space<semaphore_mem>>) src(%dma_wait3A_84 : memref<10000x128xf32, #tpu.memory_space<hbm>>) dst(%arg13 : memref<128x128xf32, #tpu.memory_space<vmem>>)
      %add3A_85 = arith.constant 0 : i32
      %add3A_86 = arith.addi %mul3A_74, %add3A_85 : i32
      %mul3A_87 = arith.constant 128 : i32
      %mul3A_88 = arith.muli %add3A_86, %mul3A_87 : i32
      %add3A_89 = arith.addi %mul3A_2, %mul3A_88 : i32
      %dma_start3A_90 = arith.constant 0 : i32
      %dma_start3A_91 = tpu.memref_slice %arg6[%add3A_89, %dma_start3A_90] : memref<74240x128xf32, #tpu.memory_space<hbm>> -> memref<128x128xf32, #tpu.memory_space<hbm>>
      %dma_start3A_92 = arith.constant 0 : i32
      %dma_start3A_93 = tpu.memref_slice %arg6[%add3A_89, %dma_start3A_92] : memref<74240x128xf32, #tpu.memory_space<hbm>> -> memref<128x128xf32, #tpu.memory_space<hbm>>
      tpu.enqueue_dma source(%arg10 : memref<128x128xf32, #tpu.memory_space<vmem>>) target(%dma_start3A_93 : memref<128x128xf32, #tpu.memory_space<hbm>>) target_semaphore(%arg19 : memref<!tpu.dma_semaphore, #tpu.memory_space<semaphore_mem>>)
      %mul3A_94 = arith.constant 128 : i32
      %mul3A_95 = arith.muli %add3A_86, %mul3A_94 : i32
      %add3A_96 = arith.addi %mul3A_2, %mul3A_95 : i32
      %dma_start3A_97 = arith.constant 0 : i32
      %dma_start3A_98 = tpu.memref_slice %arg7[%add3A_96, %dma_start3A_97] : memref<74240x128xf32, #tpu.memory_space<hbm>> -> memref<128x128xf32, #tpu.memory_space<hbm>>
      %dma_start3A_99 = arith.constant 0 : i32
      %dma_start3A_100 = tpu.memref_slice %arg7[%add3A_96, %dma_start3A_99] : memref<74240x128xf32, #tpu.memory_space<hbm>> -> memref<128x128xf32, #tpu.memory_space<hbm>>
      tpu.enqueue_dma source(%arg13 : memref<128x128xf32, #tpu.memory_space<vmem>>) target(%dma_start3A_100 : memref<128x128xf32, #tpu.memory_space<hbm>>) target_semaphore(%arg19 : memref<!tpu.dma_semaphore, #tpu.memory_space<semaphore_mem>>)
      %dma_wait3A_101 = arith.constant 0 : i32
      %dma_wait3A_102 = tpu.memref_slice %arg8[%dma_wait3A_101] : memref<2320xi32, #tpu.memory_space<vmem>> -> memref<128xi32, #tpu.memory_space<vmem>>
      %dma_wait3A_103 = arith.constant 0 : i32
      %dma_wait3A_104 = arith.constant 0 : i32
      %dma_wait3A_105 = tpu.memref_slice %arg2[%dma_wait3A_103, %dma_wait3A_104] : memref<10000x128xf32, #tpu.memory_space<hbm>> -> memref<10000x128xf32, #tpu.memory_space<hbm>>
      tpu.wait_indirect_dma semaphore(%arg17 : memref<!tpu.dma_semaphore, #tpu.memory_space<semaphore_mem>>) src(%dma_wait3A_105 : memref<10000x128xf32, #tpu.memory_space<hbm>>) dst(%arg11 : memref<128x128xf32, #tpu.memory_space<vmem>>)
      %dma_wait3A_106 = arith.constant 0 : i32
      %dma_wait3A_107 = tpu.memref_slice %arg9[%dma_wait3A_106] : memref<2320xi32, #tpu.memory_space<vmem>> -> memref<128xi32, #tpu.memory_space<vmem>>
      %dma_wait3A_108 = arith.constant 0 : i32
      %dma_wait3A_109 = arith.constant 0 : i32
      %dma_wait3A_110 = tpu.memref_slice %arg3[%dma_wait3A_108, %dma_wait3A_109] : memref<10000x128xf32, #tpu.memory_space<hbm>> -> memref<10000x128xf32, #tpu.memory_space<hbm>>
      tpu.wait_indirect_dma semaphore(%arg17 : memref<!tpu.dma_semaphore, #tpu.memory_space<semaphore_mem>>) src(%dma_wait3A_110 : memref<10000x128xf32, #tpu.memory_space<hbm>>) dst(%arg14 : memref<128x128xf32, #tpu.memory_space<vmem>>)
      %add3A_111 = arith.constant 1 : i32
      %add3A_112 = arith.addi %mul3A_74, %add3A_111 : i32
      %mul3A_113 = arith.constant 128 : i32
      %mul3A_114 = arith.muli %add3A_112, %mul3A_113 : i32
      %add3A_115 = arith.addi %mul3A_2, %mul3A_114 : i32
      %dma_start3A_116 = arith.constant 0 : i32
      %dma_start3A_117 = tpu.memref_slice %arg6[%add3A_115, %dma_start3A_116] : memref<74240x128xf32, #tpu.memory_space<hbm>> -> memref<128x128xf32, #tpu.memory_space<hbm>>
      %dma_start3A_118 = arith.constant 0 : i32
      %dma_start3A_119 = tpu.memref_slice %arg6[%add3A_115, %dma_start3A_118] : memref<74240x128xf32, #tpu.memory_space<hbm>> -> memref<128x128xf32, #tpu.memory_space<hbm>>
      tpu.enqueue_dma source(%arg11 : memref<128x128xf32, #tpu.memory_space<vmem>>) target(%dma_start3A_119 : memref<128x128xf32, #tpu.memory_space<hbm>>) target_semaphore(%arg20 : memref<!tpu.dma_semaphore, #tpu.memory_space<semaphore_mem>>)
      %mul3A_120 = arith.constant 128 : i32
      %mul3A_121 = arith.muli %add3A_112, %mul3A_120 : i32
      %add3A_122 = arith.addi %mul3A_2, %mul3A_121 : i32
      %dma_start3A_123 = arith.constant 0 : i32
      %dma_start3A_124 = tpu.memref_slice %arg7[%add3A_122, %dma_start3A_123] : memref<74240x128xf32, #tpu.memory_space<hbm>> -> memref<128x128xf32, #tpu.memory_space<hbm>>
      %dma_start3A_125 = arith.constant 0 : i32
      %dma_start3A_126 = tpu.memref_slice %arg7[%add3A_122, %dma_start3A_125] : memref<74240x128xf32, #tpu.memory_space<hbm>> -> memref<128x128xf32, #tpu.memory_space<hbm>>
      tpu.enqueue_dma source(%arg14 : memref<128x128xf32, #tpu.memory_space<vmem>>) target(%dma_start3A_126 : memref<128x128xf32, #tpu.memory_space<hbm>>) target_semaphore(%arg20 : memref<!tpu.dma_semaphore, #tpu.memory_space<semaphore_mem>>)
      %dma_wait3A_127 = arith.constant 0 : i32
      %dma_wait3A_128 = tpu.memref_slice %arg8[%dma_wait3A_127] : memref<2320xi32, #tpu.memory_space<vmem>> -> memref<128xi32, #tpu.memory_space<vmem>>
      %dma_wait3A_129 = arith.constant 0 : i32
      %dma_wait3A_130 = arith.constant 0 : i32
      %dma_wait3A_131 = tpu.memref_slice %arg2[%dma_wait3A_129, %dma_wait3A_130] : memref<10000x128xf32, #tpu.memory_space<hbm>> -> memref<10000x128xf32, #tpu.memory_space<hbm>>
      tpu.wait_indirect_dma semaphore(%arg18 : memref<!tpu.dma_semaphore, #tpu.memory_space<semaphore_mem>>) src(%dma_wait3A_131 : memref<10000x128xf32, #tpu.memory_space<hbm>>) dst(%arg12 : memref<128x128xf32, #tpu.memory_space<vmem>>)
      %dma_wait3A_132 = arith.constant 0 : i32
      %dma_wait3A_133 = tpu.memref_slice %arg9[%dma_wait3A_132] : memref<2320xi32, #tpu.memory_space<vmem>> -> memref<128xi32, #tpu.memory_space<vmem>>
      %dma_wait3A_134 = arith.constant 0 : i32
      %dma_wait3A_135 = arith.constant 0 : i32
      %dma_wait3A_136 = tpu.memref_slice %arg3[%dma_wait3A_134, %dma_wait3A_135] : memref<10000x128xf32, #tpu.memory_space<hbm>> -> memref<10000x128xf32, #tpu.memory_space<hbm>>
      tpu.wait_indirect_dma semaphore(%arg18 : memref<!tpu.dma_semaphore, #tpu.memory_space<semaphore_mem>>) src(%dma_wait3A_136 : memref<10000x128xf32, #tpu.memory_space<hbm>>) dst(%arg15 : memref<128x128xf32, #tpu.memory_space<vmem>>)
      %add3A_137 = arith.constant 2 : i32
      %add3A_138 = arith.addi %mul3A_74, %add3A_137 : i32
      %mul3A_139 = arith.constant 128 : i32
      %mul3A_140 = arith.muli %add3A_138, %mul3A_139 : i32
      %add3A_141 = arith.addi %mul3A_2, %mul3A_140 : i32
      %dma_start3A_142 = arith.constant 0 : i32
      %dma_start3A_143 = tpu.memref_slice %arg6[%add3A_141, %dma_start3A_142] : memref<74240x128xf32, #tpu.memory_space<hbm>> -> memref<128x128xf32, #tpu.memory_space<hbm>>
      %dma_start3A_144 = arith.constant 0 : i32
      %dma_start3A_145 = tpu.memref_slice %arg6[%add3A_141, %dma_start3A_144] : memref<74240x128xf32, #tpu.memory_space<hbm>> -> memref<128x128xf32, #tpu.memory_space<hbm>>
      tpu.enqueue_dma source(%arg12 : memref<128x128xf32, #tpu.memory_space<vmem>>) target(%dma_start3A_145 : memref<128x128xf32, #tpu.memory_space<hbm>>) target_semaphore(%arg21 : memref<!tpu.dma_semaphore, #tpu.memory_space<semaphore_mem>>)
      %mul3A_146 = arith.constant 128 : i32
      %mul3A_147 = arith.muli %add3A_138, %mul3A_146 : i32
      %add3A_148 = arith.addi %mul3A_2, %mul3A_147 : i32
      %dma_start3A_149 = arith.constant 0 : i32
      %dma_start3A_150 = tpu.memref_slice %arg7[%add3A_148, %dma_start3A_149] : memref<74240x128xf32, #tpu.memory_space<hbm>> -> memref<128x128xf32, #tpu.memory_space<hbm>>
      %dma_start3A_151 = arith.constant 0 : i32
      %dma_start3A_152 = tpu.memref_slice %arg7[%add3A_148, %dma_start3A_151] : memref<74240x128xf32, #tpu.memory_space<hbm>> -> memref<128x128xf32, #tpu.memory_space<hbm>>
      tpu.enqueue_dma source(%arg15 : memref<128x128xf32, #tpu.memory_space<vmem>>) target(%dma_start3A_152 : memref<128x128xf32, #tpu.memory_space<hbm>>) target_semaphore(%arg21 : memref<!tpu.dma_semaphore, #tpu.memory_space<semaphore_mem>>)
      %dma_wait3A_153 = arith.constant 0 : i32
      %dma_wait3A_154 = tpu.memref_slice %arg6[%mul3A_2, %dma_wait3A_153] : memref<74240x128xf32, #tpu.memory_space<hbm>> -> memref<128x128xf32, #tpu.memory_space<hbm>>
      %dma_wait3A_155 = arith.constant 0 : i32
      %dma_wait3A_156 = tpu.memref_slice %arg6[%mul3A_2, %dma_wait3A_155] : memref<74240x128xf32, #tpu.memory_space<hbm>> -> memref<128x128xf32, #tpu.memory_space<hbm>>
      tpu.wait_dma2 semaphore(%arg19 : memref<!tpu.dma_semaphore, #tpu.memory_space<semaphore_mem>>) src(%arg10 : memref<128x128xf32, #tpu.memory_space<vmem>>) dst(%dma_wait3A_156 : memref<128x128xf32, #tpu.memory_space<hbm>>)
      %dma_wait3A_157 = arith.constant 0 : i32
      %dma_wait3A_158 = tpu.memref_slice %arg7[%mul3A_2, %dma_wait3A_157] : memref<74240x128xf32, #tpu.memory_space<hbm>> -> memref<128x128xf32, #tpu.memory_space<hbm>>
      %dma_wait3A_159 = arith.constant 0 : i32
      %dma_wait3A_160 = tpu.memref_slice %arg7[%mul3A_2, %dma_wait3A_159] : memref<74240x128xf32, #tpu.memory_space<hbm>> -> memref<128x128xf32, #tpu.memory_space<hbm>>
      tpu.wait_dma2 semaphore(%arg19 : memref<!tpu.dma_semaphore, #tpu.memory_space<semaphore_mem>>) src(%arg13 : memref<128x128xf32, #tpu.memory_space<vmem>>) dst(%dma_wait3A_160 : memref<128x128xf32, #tpu.memory_space<hbm>>)
      %add3A_161 = arith.constant 0 : i32
      %add3A_162 = arith.addi %mul3A_74, %add3A_161 : i32
      %add3A_163 = arith.constant 3 : i32
      %add3A_164 = arith.addi %add3A_162, %add3A_163 : i32
      %lt3A = arith.constant 18 : i32
      %lt3A_165 = arith.cmpi slt, %add3A_164, %lt3A : i32
      %convert_element_type3A = arith.extui %lt3A_165 : i1 to i32
      %cond3A = arith.constant 0 : i32
      %cond3A_166 = arith.cmpi ne, %convert_element_type3A, %cond3A : i32
      scf.if %cond3A_166 {
        %add3A_201 = arith.constant 0 : i32
        %add3A_202 = arith.addi %mul3A_74, %add3A_201 : i32
        %add3A_203 = arith.constant 3 : i32
        %add3A_204 = arith.addi %add3A_202, %add3A_203 : i32
        %mul3A_205 = arith.constant 128 : i32
        %mul3A_206 = arith.muli %add3A_204, %mul3A_205 : i32
        %dma_start3A_207 = tpu.memref_slice %arg8[%mul3A_206] : memref<2320xi32, #tpu.memory_space<vmem>> -> memref<128xi32, #tpu.memory_space<vmem>>
        %dma_start3A_208 = arith.constant 0 : i32
        %dma_start3A_209 = arith.constant 0 : i32
        %dma_start3A_210 = tpu.memref_slice %arg2[%dma_start3A_208, %dma_start3A_209] : memref<10000x128xf32, #tpu.memory_space<hbm>> -> memref<10000x128xf32, #tpu.memory_space<hbm>>
        tpu.enqueue_indirect_dma source(%dma_start3A_210 : memref<10000x128xf32, #tpu.memory_space<hbm>>) target(%arg10 : memref<128x128xf32, #tpu.memory_space<vmem>>) offsets(%dma_start3A_207 : memref<128xi32, #tpu.memory_space<vmem>>) semaphore(%arg16 : memref<!tpu.dma_semaphore, #tpu.memory_space<semaphore_mem>>)
        %mul3A_211 = arith.constant 128 : i32
        %mul3A_212 = arith.muli %add3A_204, %mul3A_211 : i32
        %dma_start3A_213 = tpu.memref_slice %arg9[%mul3A_212] : memref<2320xi32, #tpu.memory_space<vmem>> -> memref<128xi32, #tpu.memory_space<vmem>>
        %dma_start3A_214 = arith.constant 0 : i32
        %dma_start3A_215 = arith.constant 0 : i32
        %dma_start3A_216 = tpu.memref_slice %arg3[%dma_start3A_214, %dma_start3A_215] : memref<10000x128xf32, #tpu.memory_space<hbm>> -> memref<10000x128xf32, #tpu.memory_space<hbm>>
        tpu.enqueue_indirect_dma source(%dma_start3A_216 : memref<10000x128xf32, #tpu.memory_space<hbm>>) target(%arg13 : memref<128x128xf32, #tpu.memory_space<vmem>>) offsets(%dma_start3A_213 : memref<128xi32, #tpu.memory_space<vmem>>) semaphore(%arg16 : memref<!tpu.dma_semaphore, #tpu.memory_space<semaphore_mem>>)
      } else {
      }
      %dma_wait3A_167 = arith.constant 0 : i32
      %dma_wait3A_168 = tpu.memref_slice %arg6[%mul3A_2, %dma_wait3A_167] : memref<74240x128xf32, #tpu.memory_space<hbm>> -> memref<128x128xf32, #tpu.memory_space<hbm>>
      %dma_wait3A_169 = arith.constant 0 : i32
      %dma_wait3A_170 = tpu.memref_slice %arg6[%mul3A_2, %dma_wait3A_169] : memref<74240x128xf32, #tpu.memory_space<hbm>> -> memref<128x128xf32, #tpu.memory_space<hbm>>
      tpu.wait_dma2 semaphore(%arg20 : memref<!tpu.dma_semaphore, #tpu.memory_space<semaphore_mem>>) src(%arg11 : memref<128x128xf32, #tpu.memory_space<vmem>>) dst(%dma_wait3A_170 : memref<128x128xf32, #tpu.memory_space<hbm>>)
      %dma_wait3A_171 = arith.constant 0 : i32
      %dma_wait3A_172 = tpu.memref_slice %arg7[%mul3A_2, %dma_wait3A_171] : memref<74240x128xf32, #tpu.memory_space<hbm>> -> memref<128x128xf32, #tpu.memory_space<hbm>>
      %dma_wait3A_173 = arith.constant 0 : i32
      %dma_wait3A_174 = tpu.memref_slice %arg7[%mul3A_2, %dma_wait3A_173] : memref<74240x128xf32, #tpu.memory_space<hbm>> -> memref<128x128xf32, #tpu.memory_space<hbm>>
      tpu.wait_dma2 semaphore(%arg20 : memref<!tpu.dma_semaphore, #tpu.memory_space<semaphore_mem>>) src(%arg14 : memref<128x128xf32, #tpu.memory_space<vmem>>) dst(%dma_wait3A_174 : memref<128x128xf32, #tpu.memory_space<hbm>>)
      %add3A_175 = arith.constant 1 : i32
      %add3A_176 = arith.addi %mul3A_74, %add3A_175 : i32
      %add3A_177 = arith.constant 3 : i32
      %add3A_178 = arith.addi %add3A_176, %add3A_177 : i32
      %lt3A_179 = arith.constant 18 : i32
      %lt3A_180 = arith.cmpi slt, %add3A_178, %lt3A_179 : i32
      %convert_element_type3A_181 = arith.extui %lt3A_180 : i1 to i32
      %cond3A_182 = arith.constant 0 : i32
      %cond3A_183 = arith.cmpi ne, %convert_element_type3A_181, %cond3A_182 : i32
      scf.if %cond3A_183 {
        %add3A_201 = arith.constant 1 : i32
        %add3A_202 = arith.addi %mul3A_74, %add3A_201 : i32
        %add3A_203 = arith.constant 3 : i32
        %add3A_204 = arith.addi %add3A_202, %add3A_203 : i32
        %mul3A_205 = arith.constant 128 : i32
        %mul3A_206 = arith.muli %add3A_204, %mul3A_205 : i32
        %dma_start3A_207 = tpu.memref_slice %arg8[%mul3A_206] : memref<2320xi32, #tpu.memory_space<vmem>> -> memref<128xi32, #tpu.memory_space<vmem>>
        %dma_start3A_208 = arith.constant 0 : i32
        %dma_start3A_209 = arith.constant 0 : i32
        %dma_start3A_210 = tpu.memref_slice %arg2[%dma_start3A_208, %dma_start3A_209] : memref<10000x128xf32, #tpu.memory_space<hbm>> -> memref<10000x128xf32, #tpu.memory_space<hbm>>
        tpu.enqueue_indirect_dma source(%dma_start3A_210 : memref<10000x128xf32, #tpu.memory_space<hbm>>) target(%arg11 : memref<128x128xf32, #tpu.memory_space<vmem>>) offsets(%dma_start3A_207 : memref<128xi32, #tpu.memory_space<vmem>>) semaphore(%arg17 : memref<!tpu.dma_semaphore, #tpu.memory_space<semaphore_mem>>)
        %mul3A_211 = arith.constant 128 : i32
        %mul3A_212 = arith.muli %add3A_204, %mul3A_211 : i32
        %dma_start3A_213 = tpu.memref_slice %arg9[%mul3A_212] : memref<2320xi32, #tpu.memory_space<vmem>> -> memref<128xi32, #tpu.memory_space<vmem>>
        %dma_start3A_214 = arith.constant 0 : i32
        %dma_start3A_215 = arith.constant 0 : i32
        %dma_start3A_216 = tpu.memref_slice %arg3[%dma_start3A_214, %dma_start3A_215] : memref<10000x128xf32, #tpu.memory_space<hbm>> -> memref<10000x128xf32, #tpu.memory_space<hbm>>
        tpu.enqueue_indirect_dma source(%dma_start3A_216 : memref<10000x128xf32, #tpu.memory_space<hbm>>) target(%arg14 : memref<128x128xf32, #tpu.memory_space<vmem>>) offsets(%dma_start3A_213 : memref<128xi32, #tpu.memory_space<vmem>>) semaphore(%arg17 : memref<!tpu.dma_semaphore, #tpu.memory_space<semaphore_mem>>)
      } else {
      }
      %dma_wait3A_184 = arith.constant 0 : i32
      %dma_wait3A_185 = tpu.memref_slice %arg6[%mul3A_2, %dma_wait3A_184] : memref<74240x128xf32, #tpu.memory_space<hbm>> -> memref<128x128xf32, #tpu.memory_space<hbm>>
      %dma_wait3A_186 = arith.constant 0 : i32
      %dma_wait3A_187 = tpu.memref_slice %arg6[%mul3A_2, %dma_wait3A_186] : memref<74240x128xf32, #tpu.memory_space<hbm>> -> memref<128x128xf32, #tpu.memory_space<hbm>>
      tpu.wait_dma2 semaphore(%arg21 : memref<!tpu.dma_semaphore, #tpu.memory_space<semaphore_mem>>) src(%arg12 : memref<128x128xf32, #tpu.memory_space<vmem>>) dst(%dma_wait3A_187 : memref<128x128xf32, #tpu.memory_space<hbm>>)
      %dma_wait3A_188 = arith.constant 0 : i32
      %dma_wait3A_189 = tpu.memref_slice %arg7[%mul3A_2, %dma_wait3A_188] : memref<74240x128xf32, #tpu.memory_space<hbm>> -> memref<128x128xf32, #tpu.memory_space<hbm>>
      %dma_wait3A_190 = arith.constant 0 : i32
      %dma_wait3A_191 = tpu.memref_slice %arg7[%mul3A_2, %dma_wait3A_190] : memref<74240x128xf32, #tpu.memory_space<hbm>> -> memref<128x128xf32, #tpu.memory_space<hbm>>
      tpu.wait_dma2 semaphore(%arg21 : memref<!tpu.dma_semaphore, #tpu.memory_space<semaphore_mem>>) src(%arg15 : memref<128x128xf32, #tpu.memory_space<vmem>>) dst(%dma_wait3A_191 : memref<128x128xf32, #tpu.memory_space<hbm>>)
      %add3A_192 = arith.constant 2 : i32
      %add3A_193 = arith.addi %mul3A_74, %add3A_192 : i32
      %add3A_194 = arith.constant 3 : i32
      %add3A_195 = arith.addi %add3A_193, %add3A_194 : i32
      %lt3A_196 = arith.constant 18 : i32
      %lt3A_197 = arith.cmpi slt, %add3A_195, %lt3A_196 : i32
      %convert_element_type3A_198 = arith.extui %lt3A_197 : i1 to i32
      %cond3A_199 = arith.constant 0 : i32
      %cond3A_200 = arith.cmpi ne, %convert_element_type3A_198, %cond3A_199 : i32
      scf.if %cond3A_200 {
        %add3A_201 = arith.constant 2 : i32
        %add3A_202 = arith.addi %mul3A_74, %add3A_201 : i32
        %add3A_203 = arith.constant 3 : i32
        %add3A_204 = arith.addi %add3A_202, %add3A_203 : i32
        %mul3A_205 = arith.constant 128 : i32
        %mul3A_206 = arith.muli %add3A_204, %mul3A_205 : i32
        %dma_start3A_207 = tpu.memref_slice %arg8[%mul3A_206] : memref<2320xi32, #tpu.memory_space<vmem>> -> memref<128xi32, #tpu.memory_space<vmem>>
        %dma_start3A_208 = arith.constant 0 : i32
        %dma_start3A_209 = arith.constant 0 : i32
        %dma_start3A_210 = tpu.memref_slice %arg2[%dma_start3A_208, %dma_start3A_209] : memref<10000x128xf32, #tpu.memory_space<hbm>> -> memref<10000x128xf32, #tpu.memory_space<hbm>>
        tpu.enqueue_indirect_dma source(%dma_start3A_210 : memref<10000x128xf32, #tpu.memory_space<hbm>>) target(%arg12 : memref<128x128xf32, #tpu.memory_space<vmem>>) offsets(%dma_start3A_207 : memref<128xi32, #tpu.memory_space<vmem>>) semaphore(%arg18 : memref<!tpu.dma_semaphore, #tpu.memory_space<semaphore_mem>>)
        %mul3A_211 = arith.constant 128 : i32
        %mul3A_212 = arith.muli %add3A_204, %mul3A_211 : i32
        %dma_start3A_213 = tpu.memref_slice %arg9[%mul3A_212] : memref<2320xi32, #tpu.memory_space<vmem>> -> memref<128xi32, #tpu.memory_space<vmem>>
        %dma_start3A_214 = arith.constant 0 : i32
        %dma_start3A_215 = arith.constant 0 : i32
        %dma_start3A_216 = tpu.memref_slice %arg3[%dma_start3A_214, %dma_start3A_215] : memref<10000x128xf32, #tpu.memory_space<hbm>> -> memref<10000x128xf32, #tpu.memory_space<hbm>>
        tpu.enqueue_indirect_dma source(%dma_start3A_216 : memref<10000x128xf32, #tpu.memory_space<hbm>>) target(%arg15 : memref<128x128xf32, #tpu.memory_space<vmem>>) offsets(%dma_start3A_213 : memref<128xi32, #tpu.memory_space<vmem>>) semaphore(%arg18 : memref<!tpu.dma_semaphore, #tpu.memory_space<semaphore_mem>>)
      } else {
      }
    }
    %scan3A_36 = arith.constant 6 : i32
    %dma_start3A_37 = arith.constant 0 : i32
    %dma_start3A_38 = arith.constant 0 : i32
    %dma_start3A_39 = tpu.memref_slice %arg10[%dma_start3A_37, %dma_start3A_38] : memref<128x128xf32, #tpu.memory_space<vmem>> -> memref<16x128xf32, #tpu.memory_space<vmem>>
    %dma_start3A_40 = arith.constant 2304 : i32
    %dma_start3A_41 = tpu.memref_slice %arg8[%dma_start3A_40] : memref<2320xi32, #tpu.memory_space<vmem>> -> memref<16xi32, #tpu.memory_space<vmem>>
    %dma_start3A_42 = arith.constant 0 : i32
    %dma_start3A_43 = arith.constant 0 : i32
    %dma_start3A_44 = tpu.memref_slice %arg2[%dma_start3A_42, %dma_start3A_43] : memref<10000x128xf32, #tpu.memory_space<hbm>> -> memref<10000x128xf32, #tpu.memory_space<hbm>>
    tpu.enqueue_indirect_dma source(%dma_start3A_44 : memref<10000x128xf32, #tpu.memory_space<hbm>>) target(%dma_start3A_39 : memref<16x128xf32, #tpu.memory_space<vmem>>) offsets(%dma_start3A_41 : memref<16xi32, #tpu.memory_space<vmem>>) semaphore(%arg16 : memref<!tpu.dma_semaphore, #tpu.memory_space<semaphore_mem>>)
    %dma_start3A_45 = arith.constant 0 : i32
    %dma_start3A_46 = arith.constant 0 : i32
    %dma_start3A_47 = tpu.memref_slice %arg13[%dma_start3A_45, %dma_start3A_46] : memref<128x128xf32, #tpu.memory_space<vmem>> -> memref<16x128xf32, #tpu.memory_space<vmem>>
    %dma_start3A_48 = arith.constant 2304 : i32
    %dma_start3A_49 = tpu.memref_slice %arg9[%dma_start3A_48] : memref<2320xi32, #tpu.memory_space<vmem>> -> memref<16xi32, #tpu.memory_space<vmem>>
    %dma_start3A_50 = arith.constant 0 : i32
    %dma_start3A_51 = arith.constant 0 : i32
    %dma_start3A_52 = tpu.memref_slice %arg3[%dma_start3A_50, %dma_start3A_51] : memref<10000x128xf32, #tpu.memory_space<hbm>> -> memref<10000x128xf32, #tpu.memory_space<hbm>>
    tpu.enqueue_indirect_dma source(%dma_start3A_52 : memref<10000x128xf32, #tpu.memory_space<hbm>>) target(%dma_start3A_47 : memref<16x128xf32, #tpu.memory_space<vmem>>) offsets(%dma_start3A_49 : memref<16xi32, #tpu.memory_space<vmem>>) semaphore(%arg16 : memref<!tpu.dma_semaphore, #tpu.memory_space<semaphore_mem>>)
    %dma_wait3A = arith.constant 0 : i32
    %dma_wait3A_53 = arith.constant 0 : i32
    %dma_wait3A_54 = tpu.memref_slice %arg10[%dma_wait3A, %dma_wait3A_53] : memref<128x128xf32, #tpu.memory_space<vmem>> -> memref<16x128xf32, #tpu.memory_space<vmem>>
    %dma_wait3A_55 = arith.constant 0 : i32
    %dma_wait3A_56 = tpu.memref_slice %arg8[%dma_wait3A_55] : memref<2320xi32, #tpu.memory_space<vmem>> -> memref<16xi32, #tpu.memory_space<vmem>>
    %dma_wait3A_57 = arith.constant 0 : i32
    %dma_wait3A_58 = arith.constant 0 : i32
    %dma_wait3A_59 = tpu.memref_slice %arg2[%dma_wait3A_57, %dma_wait3A_58] : memref<10000x128xf32, #tpu.memory_space<hbm>> -> memref<10000x128xf32, #tpu.memory_space<hbm>>
    tpu.wait_indirect_dma semaphore(%arg16 : memref<!tpu.dma_semaphore, #tpu.memory_space<semaphore_mem>>) src(%dma_wait3A_59 : memref<10000x128xf32, #tpu.memory_space<hbm>>) dst(%dma_wait3A_54 : memref<16x128xf32, #tpu.memory_space<vmem>>)
    %dma_wait3A_60 = arith.constant 0 : i32
    %dma_wait3A_61 = arith.constant 0 : i32
    %dma_wait3A_62 = tpu.memref_slice %arg13[%dma_wait3A_60, %dma_wait3A_61] : memref<128x128xf32, #tpu.memory_space<vmem>> -> memref<16x128xf32, #tpu.memory_space<vmem>>
    %dma_wait3A_63 = arith.constant 0 : i32
    %dma_wait3A_64 = tpu.memref_slice %arg9[%dma_wait3A_63] : memref<2320xi32, #tpu.memory_space<vmem>> -> memref<16xi32, #tpu.memory_space<vmem>>
    %dma_wait3A_65 = arith.constant 0 : i32
    %dma_wait3A_66 = arith.constant 0 : i32
    %dma_wait3A_67 = tpu.memref_slice %arg3[%dma_wait3A_65, %dma_wait3A_66] : memref<10000x128xf32, #tpu.memory_space<hbm>> -> memref<10000x128xf32, #tpu.memory_space<hbm>>
    tpu.wait_indirect_dma semaphore(%arg16 : memref<!tpu.dma_semaphore, #tpu.memory_space<semaphore_mem>>) src(%dma_wait3A_67 : memref<10000x128xf32, #tpu.memory_space<hbm>>) dst(%dma_wait3A_62 : memref<16x128xf32, #tpu.memory_space<vmem>>)
    %add3A_68 = arith.constant 2304 : i32
    %add3A_69 = arith.addi %mul3A_2, %add3A_68 : i32
    "tpu.region"() ({
      %run_scoped3A = tpu.sem_alloc : memref<!tpu.dma_semaphore, #tpu.memory_space<semaphore_mem>>
      %dma_start3A_72 = arith.constant 0 : i32
      %dma_start3A_73 = arith.constant 0 : i32
      %dma_start3A_74 = tpu.memref_slice %arg10[%dma_start3A_72, %dma_start3A_73] : memref<128x128xf32, #tpu.memory_space<vmem>> -> memref<16x128xf32, #tpu.memory_space<vmem>>
      %dma_start3A_75 = arith.constant 0 : i32
      %dma_start3A_76 = tpu.memref_slice %arg6[%add3A_69, %dma_start3A_75] : memref<74240x128xf32, #tpu.memory_space<hbm>> -> memref<16x128xf32, #tpu.memory_space<hbm>>
      %dma_start3A_77 = arith.constant 0 : i32
      %dma_start3A_78 = tpu.memref_slice %arg6[%add3A_69, %dma_start3A_77] : memref<74240x128xf32, #tpu.memory_space<hbm>> -> memref<16x128xf32, #tpu.memory_space<hbm>>
      %dma_start3A_79 = arith.constant 0 : i32
      %dma_start3A_80 = arith.constant 0 : i32
      %dma_start3A_81 = tpu.memref_slice %arg10[%dma_start3A_79, %dma_start3A_80] : memref<128x128xf32, #tpu.memory_space<vmem>> -> memref<16x128xf32, #tpu.memory_space<vmem>>
      tpu.enqueue_dma source(%dma_start3A_81 : memref<16x128xf32, #tpu.memory_space<vmem>>) target(%dma_start3A_78 : memref<16x128xf32, #tpu.memory_space<hbm>>) target_semaphore(%run_scoped3A : memref<!tpu.dma_semaphore, #tpu.memory_space<semaphore_mem>>)
      %dma_wait3A_82 = arith.constant 0 : i32
      %dma_wait3A_83 = arith.constant 0 : i32
      %dma_wait3A_84 = tpu.memref_slice %arg10[%dma_wait3A_82, %dma_wait3A_83] : memref<128x128xf32, #tpu.memory_space<vmem>> -> memref<16x128xf32, #tpu.memory_space<vmem>>
      %dma_wait3A_85 = arith.constant 0 : i32
      %dma_wait3A_86 = tpu.memref_slice %arg6[%add3A_69, %dma_wait3A_85] : memref<74240x128xf32, #tpu.memory_space<hbm>> -> memref<16x128xf32, #tpu.memory_space<hbm>>
      %dma_wait3A_87 = arith.constant 0 : i32
      %dma_wait3A_88 = tpu.memref_slice %arg6[%add3A_69, %dma_wait3A_87] : memref<74240x128xf32, #tpu.memory_space<hbm>> -> memref<16x128xf32, #tpu.memory_space<hbm>>
      %dma_wait3A_89 = arith.constant 0 : i32
      %dma_wait3A_90 = arith.constant 0 : i32
      %dma_wait3A_91 = tpu.memref_slice %arg10[%dma_wait3A_89, %dma_wait3A_90] : memref<128x128xf32, #tpu.memory_space<vmem>> -> memref<16x128xf32, #tpu.memory_space<vmem>>
      tpu.wait_dma2 semaphore(%run_scoped3A : memref<!tpu.dma_semaphore, #tpu.memory_space<semaphore_mem>>) src(%dma_wait3A_91 : memref<16x128xf32, #tpu.memory_space<vmem>>) dst(%dma_wait3A_88 : memref<16x128xf32, #tpu.memory_space<hbm>>)
      tpu.yield
    }) : () -> ()
    %add3A_70 = arith.constant 2304 : i32
    %add3A_71 = arith.addi %mul3A_2, %add3A_70 : i32
    "tpu.region"() ({
      %run_scoped3A = tpu.sem_alloc : memref<!tpu.dma_semaphore, #tpu.memory_space<semaphore_mem>>
      %dma_start3A_72 = arith.constant 0 : i32
      %dma_start3A_73 = arith.constant 0 : i32
      %dma_start3A_74 = tpu.memref_slice %arg13[%dma_start3A_72, %dma_start3A_73] : memref<128x128xf32, #tpu.memory_space<vmem>> -> memref<16x128xf32, #tpu.memory_space<vmem>>
      %dma_start3A_75 = arith.constant 0 : i32
      %dma_start3A_76 = tpu.memref_slice %arg7[%add3A_71, %dma_start3A_75] : memref<74240x128xf32, #tpu.memory_space<hbm>> -> memref<16x128xf32, #tpu.memory_space<hbm>>
      %dma_start3A_77 = arith.constant 0 : i32
      %dma_start3A_78 = tpu.memref_slice %arg7[%add3A_71, %dma_start3A_77] : memref<74240x128xf32, #tpu.memory_space<hbm>> -> memref<16x128xf32, #tpu.memory_space<hbm>>
      %dma_start3A_79 = arith.constant 0 : i32
      %dma_start3A_80 = arith.constant 0 : i32
      %dma_start3A_81 = tpu.memref_slice %arg13[%dma_start3A_79, %dma_start3A_80] : memref<128x128xf32, #tpu.memory_space<vmem>> -> memref<16x128xf32, #tpu.memory_space<vmem>>
      tpu.enqueue_dma source(%dma_start3A_81 : memref<16x128xf32, #tpu.memory_space<vmem>>) target(%dma_start3A_78 : memref<16x128xf32, #tpu.memory_space<hbm>>) target_semaphore(%run_scoped3A : memref<!tpu.dma_semaphore, #tpu.memory_space<semaphore_mem>>)
      %dma_wait3A_82 = arith.constant 0 : i32
      %dma_wait3A_83 = arith.constant 0 : i32
      %dma_wait3A_84 = tpu.memref_slice %arg13[%dma_wait3A_82, %dma_wait3A_83] : memref<128x128xf32, #tpu.memory_space<vmem>> -> memref<16x128xf32, #tpu.memory_space<vmem>>
      %dma_wait3A_85 = arith.constant 0 : i32
      %dma_wait3A_86 = tpu.memref_slice %arg7[%add3A_71, %dma_wait3A_85] : memref<74240x128xf32, #tpu.memory_space<hbm>> -> memref<16x128xf32, #tpu.memory_space<hbm>>
      %dma_wait3A_87 = arith.constant 0 : i32
      %dma_wait3A_88 = tpu.memref_slice %arg7[%add3A_71, %dma_wait3A_87] : memref<74240x128xf32, #tpu.memory_space<hbm>> -> memref<16x128xf32, #tpu.memory_space<hbm>>
      %dma_wait3A_89 = arith.constant 0 : i32
      %dma_wait3A_90 = arith.constant 0 : i32
      %dma_wait3A_91 = tpu.memref_slice %arg13[%dma_wait3A_89, %dma_wait3A_90] : memref<128x128xf32, #tpu.memory_space<vmem>> -> memref<16x128xf32, #tpu.memory_space<vmem>>
      tpu.wait_dma2 semaphore(%run_scoped3A : memref<!tpu.dma_semaphore, #tpu.memory_space<semaphore_mem>>) src(%dma_wait3A_91 : memref<16x128xf32, #tpu.memory_space<vmem>>) dst(%dma_wait3A_88 : memref<16x128xf32, #tpu.memory_space<hbm>>)
      tpu.yield
    }) : () -> ()
    return
  }
}

#map = affine_map<(d0, d1) -> (0, 0)>
#map1 = affine_map<(d0, d1) -> (0)>
module attributes {stable_mosaic.version = 14 : i64} {
  func.func @k(%arg0: i32, %arg1: i32, %arg2: memref<10000x128xf32, #tpu.memory_space<hbm>>, %arg3: memref<10000x128xf32, #tpu.memory_space<hbm>>, %arg4: memref<81920xi32, #tpu.memory_space<hbm>>, %arg5: memref<81920xi32, #tpu.memory_space<hbm>>, %arg6: memref<81920x128xf32, #tpu.memory_space<hbm>>, %arg7: memref<81920x128xf32, #tpu.memory_space<hbm>>, %arg8: memref<2560xi32, #tpu.memory_space<vmem>>, %arg9: memref<2560xi32, #tpu.memory_space<vmem>>, %arg10: memref<128x128xf32, #tpu.memory_space<vmem>>, %arg11: memref<128x128xf32, #tpu.memory_space<vmem>>, %arg12: memref<128x128xf32, #tpu.memory_space<vmem>>, %arg13: memref<128x128xf32, #tpu.memory_space<vmem>>, %arg14: memref<128x128xf32, #tpu.memory_space<vmem>>, %arg15: memref<128x128xf32, #tpu.memory_space<vmem>>, %arg16: memref<!tpu.dma_semaphore, #tpu.memory_space<semaphore_mem>>, %arg17: memref<!tpu.dma_semaphore, #tpu.memory_space<semaphore_mem>>, %arg18: memref<!tpu.dma_semaphore, #tpu.memory_space<semaphore_mem>>, %arg19: memref<!tpu.dma_semaphore, #tpu.memory_space<semaphore_mem>>, %arg20: memref<!tpu.dma_semaphore, #tpu.memory_space<semaphore_mem>>, %arg21: memref<!tpu.dma_semaphore, #tpu.memory_space<semaphore_mem>>) attributes {dimension_semantics = [#tpu.dimension_semantics<core_parallel>, #tpu.dimension_semantics<subcore_parallel>], iteration_bounds = array<i64: 2, 16>, scalar_prefetch = 0 : i64, scratch_operands = 14 : i64, tpu.core_type = #tpu.core_type<sc_vector_subcore>, window_params = [{transform_indices = #map}, {transform_indices = #map}, {transform_indices = #map1}, {transform_indices = #map1}, {transform_indices = #map}, {transform_indices = #map}]} {
    %mul3A = arith.constant 2 : i32
    %mul3A_0 = arith.muli %arg1, %mul3A : i32
    %add3A = arith.addi %mul3A_0, %arg0 : i32
    %mul3A_1 = arith.constant 2560 : i32
    %mul3A_2 = arith.muli %add3A, %mul3A_1 : i32
    "tpu.region"() ({
      %run_scoped3A = tpu.sem_alloc : memref<!tpu.dma_semaphore, #tpu.memory_space<semaphore_mem>>
      %dma_start3A_96 = tpu.memref_slice %arg4[%mul3A_2] : memref<81920xi32, #tpu.memory_space<hbm>> -> memref<2560xi32, #tpu.memory_space<hbm>>
      %dma_start3A_97 = tpu.memref_slice %arg4[%mul3A_2] : memref<81920xi32, #tpu.memory_space<hbm>> -> memref<2560xi32, #tpu.memory_space<hbm>>
      tpu.enqueue_dma source(%dma_start3A_97 : memref<2560xi32, #tpu.memory_space<hbm>>) target(%arg8 : memref<2560xi32, #tpu.memory_space<vmem>>) target_semaphore(%run_scoped3A : memref<!tpu.dma_semaphore, #tpu.memory_space<semaphore_mem>>)
      %dma_wait3A_98 = tpu.memref_slice %arg4[%mul3A_2] : memref<81920xi32, #tpu.memory_space<hbm>> -> memref<2560xi32, #tpu.memory_space<hbm>>
      %dma_wait3A_99 = tpu.memref_slice %arg4[%mul3A_2] : memref<81920xi32, #tpu.memory_space<hbm>> -> memref<2560xi32, #tpu.memory_space<hbm>>
      tpu.wait_dma2 semaphore(%run_scoped3A : memref<!tpu.dma_semaphore, #tpu.memory_space<semaphore_mem>>) src(%dma_wait3A_99 : memref<2560xi32, #tpu.memory_space<hbm>>) dst(%arg8 : memref<2560xi32, #tpu.memory_space<vmem>>)
      tpu.yield
    }) : () -> ()
    "tpu.region"() ({
      %run_scoped3A = tpu.sem_alloc : memref<!tpu.dma_semaphore, #tpu.memory_space<semaphore_mem>>
      %dma_start3A_96 = tpu.memref_slice %arg5[%mul3A_2] : memref<81920xi32, #tpu.memory_space<hbm>> -> memref<2560xi32, #tpu.memory_space<hbm>>
      %dma_start3A_97 = tpu.memref_slice %arg5[%mul3A_2] : memref<81920xi32, #tpu.memory_space<hbm>> -> memref<2560xi32, #tpu.memory_space<hbm>>
      tpu.enqueue_dma source(%dma_start3A_97 : memref<2560xi32, #tpu.memory_space<hbm>>) target(%arg9 : memref<2560xi32, #tpu.memory_space<vmem>>) target_semaphore(%run_scoped3A : memref<!tpu.dma_semaphore, #tpu.memory_space<semaphore_mem>>)
      %dma_wait3A_98 = tpu.memref_slice %arg5[%mul3A_2] : memref<81920xi32, #tpu.memory_space<hbm>> -> memref<2560xi32, #tpu.memory_space<hbm>>
      %dma_wait3A_99 = tpu.memref_slice %arg5[%mul3A_2] : memref<81920xi32, #tpu.memory_space<hbm>> -> memref<2560xi32, #tpu.memory_space<hbm>>
      tpu.wait_dma2 semaphore(%run_scoped3A : memref<!tpu.dma_semaphore, #tpu.memory_space<semaphore_mem>>) src(%dma_wait3A_99 : memref<2560xi32, #tpu.memory_space<hbm>>) dst(%arg9 : memref<2560xi32, #tpu.memory_space<vmem>>)
      tpu.yield
    }) : () -> ()
    %dma_start3A = arith.constant 0 : i32
    %dma_start3A_3 = tpu.memref_slice %arg8[%dma_start3A] : memref<2560xi32, #tpu.memory_space<vmem>> -> memref<128xi32, #tpu.memory_space<vmem>>
    %dma_start3A_4 = arith.constant 0 : i32
    %dma_start3A_5 = arith.constant 0 : i32
    %dma_start3A_6 = tpu.memref_slice %arg2[%dma_start3A_4, %dma_start3A_5] : memref<10000x128xf32, #tpu.memory_space<hbm>> -> memref<10000x128xf32, #tpu.memory_space<hbm>>
    tpu.enqueue_indirect_dma source(%dma_start3A_6 : memref<10000x128xf32, #tpu.memory_space<hbm>>) target(%arg10 : memref<128x128xf32, #tpu.memory_space<vmem>>) offsets(%dma_start3A_3 : memref<128xi32, #tpu.memory_space<vmem>>) semaphore(%arg16 : memref<!tpu.dma_semaphore, #tpu.memory_space<semaphore_mem>>)
    %dma_start3A_7 = arith.constant 0 : i32
    %dma_start3A_8 = tpu.memref_slice %arg9[%dma_start3A_7] : memref<2560xi32, #tpu.memory_space<vmem>> -> memref<128xi32, #tpu.memory_space<vmem>>
    %dma_start3A_9 = arith.constant 0 : i32
    %dma_start3A_10 = arith.constant 0 : i32
    %dma_start3A_11 = tpu.memref_slice %arg3[%dma_start3A_9, %dma_start3A_10] : memref<10000x128xf32, #tpu.memory_space<hbm>> -> memref<10000x128xf32, #tpu.memory_space<hbm>>
    tpu.enqueue_indirect_dma source(%dma_start3A_11 : memref<10000x128xf32, #tpu.memory_space<hbm>>) target(%arg13 : memref<128x128xf32, #tpu.memory_space<vmem>>) offsets(%dma_start3A_8 : memref<128xi32, #tpu.memory_space<vmem>>) semaphore(%arg16 : memref<!tpu.dma_semaphore, #tpu.memory_space<semaphore_mem>>)
    %dma_start3A_12 = arith.constant 128 : i32
    %dma_start3A_13 = tpu.memref_slice %arg8[%dma_start3A_12] : memref<2560xi32, #tpu.memory_space<vmem>> -> memref<128xi32, #tpu.memory_space<vmem>>
    %dma_start3A_14 = arith.constant 0 : i32
    %dma_start3A_15 = arith.constant 0 : i32
    %dma_start3A_16 = tpu.memref_slice %arg2[%dma_start3A_14, %dma_start3A_15] : memref<10000x128xf32, #tpu.memory_space<hbm>> -> memref<10000x128xf32, #tpu.memory_space<hbm>>
    tpu.enqueue_indirect_dma source(%dma_start3A_16 : memref<10000x128xf32, #tpu.memory_space<hbm>>) target(%arg11 : memref<128x128xf32, #tpu.memory_space<vmem>>) offsets(%dma_start3A_13 : memref<128xi32, #tpu.memory_space<vmem>>) semaphore(%arg17 : memref<!tpu.dma_semaphore, #tpu.memory_space<semaphore_mem>>)
    %dma_start3A_17 = arith.constant 128 : i32
    %dma_start3A_18 = tpu.memref_slice %arg9[%dma_start3A_17] : memref<2560xi32, #tpu.memory_space<vmem>> -> memref<128xi32, #tpu.memory_space<vmem>>
    %dma_start3A_19 = arith.constant 0 : i32
    %dma_start3A_20 = arith.constant 0 : i32
    %dma_start3A_21 = tpu.memref_slice %arg3[%dma_start3A_19, %dma_start3A_20] : memref<10000x128xf32, #tpu.memory_space<hbm>> -> memref<10000x128xf32, #tpu.memory_space<hbm>>
    tpu.enqueue_indirect_dma source(%dma_start3A_21 : memref<10000x128xf32, #tpu.memory_space<hbm>>) target(%arg14 : memref<128x128xf32, #tpu.memory_space<vmem>>) offsets(%dma_start3A_18 : memref<128xi32, #tpu.memory_space<vmem>>) semaphore(%arg17 : memref<!tpu.dma_semaphore, #tpu.memory_space<semaphore_mem>>)
    %dma_start3A_22 = arith.constant 256 : i32
    %dma_start3A_23 = tpu.memref_slice %arg8[%dma_start3A_22] : memref<2560xi32, #tpu.memory_space<vmem>> -> memref<128xi32, #tpu.memory_space<vmem>>
    %dma_start3A_24 = arith.constant 0 : i32
    %dma_start3A_25 = arith.constant 0 : i32
    %dma_start3A_26 = tpu.memref_slice %arg2[%dma_start3A_24, %dma_start3A_25] : memref<10000x128xf32, #tpu.memory_space<hbm>> -> memref<10000x128xf32, #tpu.memory_space<hbm>>
    tpu.enqueue_indirect_dma source(%dma_start3A_26 : memref<10000x128xf32, #tpu.memory_space<hbm>>) target(%arg12 : memref<128x128xf32, #tpu.memory_space<vmem>>) offsets(%dma_start3A_23 : memref<128xi32, #tpu.memory_space<vmem>>) semaphore(%arg18 : memref<!tpu.dma_semaphore, #tpu.memory_space<semaphore_mem>>)
    %dma_start3A_27 = arith.constant 256 : i32
    %dma_start3A_28 = tpu.memref_slice %arg9[%dma_start3A_27] : memref<2560xi32, #tpu.memory_space<vmem>> -> memref<128xi32, #tpu.memory_space<vmem>>
    %dma_start3A_29 = arith.constant 0 : i32
    %dma_start3A_30 = arith.constant 0 : i32
    %dma_start3A_31 = tpu.memref_slice %arg3[%dma_start3A_29, %dma_start3A_30] : memref<10000x128xf32, #tpu.memory_space<hbm>> -> memref<10000x128xf32, #tpu.memory_space<hbm>>
    tpu.enqueue_indirect_dma source(%dma_start3A_31 : memref<10000x128xf32, #tpu.memory_space<hbm>>) target(%arg15 : memref<128x128xf32, #tpu.memory_space<vmem>>) offsets(%dma_start3A_28 : memref<128xi32, #tpu.memory_space<vmem>>) semaphore(%arg18 : memref<!tpu.dma_semaphore, #tpu.memory_space<semaphore_mem>>)
    %scan3A = arith.constant 0 : i32
    %scan3A_32 = arith.constant 0 : i32
    %scan3A_33 = arith.constant 6 : i32
    %scan3A_34 = arith.addi %scan3A_32, %scan3A_33 : i32
    %scan3A_35 = arith.constant 1 : i32
    scf.for %scan3A_96 = %scan3A_32 to %scan3A_34 step %scan3A_35  : i32 {
      %mul3A_97 = arith.constant 3 : i32
      %mul3A_98 = arith.muli %mul3A_97, %scan3A_96 : i32
      %dma_wait3A_99 = arith.constant 0 : i32
      %dma_wait3A_100 = tpu.memref_slice %arg8[%dma_wait3A_99] : memref<2560xi32, #tpu.memory_space<vmem>> -> memref<128xi32, #tpu.memory_space<vmem>>
      %dma_wait3A_101 = arith.constant 0 : i32
      %dma_wait3A_102 = arith.constant 0 : i32
      %dma_wait3A_103 = tpu.memref_slice %arg2[%dma_wait3A_101, %dma_wait3A_102] : memref<10000x128xf32, #tpu.memory_space<hbm>> -> memref<10000x128xf32, #tpu.memory_space<hbm>>
      tpu.wait_indirect_dma semaphore(%arg16 : memref<!tpu.dma_semaphore, #tpu.memory_space<semaphore_mem>>) src(%dma_wait3A_103 : memref<10000x128xf32, #tpu.memory_space<hbm>>) dst(%arg10 : memref<128x128xf32, #tpu.memory_space<vmem>>)
      %dma_wait3A_104 = arith.constant 0 : i32
      %dma_wait3A_105 = tpu.memref_slice %arg9[%dma_wait3A_104] : memref<2560xi32, #tpu.memory_space<vmem>> -> memref<128xi32, #tpu.memory_space<vmem>>
      %dma_wait3A_106 = arith.constant 0 : i32
      %dma_wait3A_107 = arith.constant 0 : i32
      %dma_wait3A_108 = tpu.memref_slice %arg3[%dma_wait3A_106, %dma_wait3A_107] : memref<10000x128xf32, #tpu.memory_space<hbm>> -> memref<10000x128xf32, #tpu.memory_space<hbm>>
      tpu.wait_indirect_dma semaphore(%arg16 : memref<!tpu.dma_semaphore, #tpu.memory_space<semaphore_mem>>) src(%dma_wait3A_108 : memref<10000x128xf32, #tpu.memory_space<hbm>>) dst(%arg13 : memref<128x128xf32, #tpu.memory_space<vmem>>)
      %add3A_109 = arith.constant 0 : i32
      %add3A_110 = arith.addi %mul3A_98, %add3A_109 : i32
      %mul3A_111 = arith.constant 128 : i32
      %mul3A_112 = arith.muli %add3A_110, %mul3A_111 : i32
      %add3A_113 = arith.addi %mul3A_2, %mul3A_112 : i32
      %dma_start3A_114 = arith.constant 0 : i32
      %dma_start3A_115 = tpu.memref_slice %arg6[%add3A_113, %dma_start3A_114] : memref<81920x128xf32, #tpu.memory_space<hbm>> -> memref<128x128xf32, #tpu.memory_space<hbm>>
      %dma_start3A_116 = arith.constant 0 : i32
      %dma_start3A_117 = tpu.memref_slice %arg6[%add3A_113, %dma_start3A_116] : memref<81920x128xf32, #tpu.memory_space<hbm>> -> memref<128x128xf32, #tpu.memory_space<hbm>>
      tpu.enqueue_dma source(%arg10 : memref<128x128xf32, #tpu.memory_space<vmem>>) target(%dma_start3A_117 : memref<128x128xf32, #tpu.memory_space<hbm>>) target_semaphore(%arg19 : memref<!tpu.dma_semaphore, #tpu.memory_space<semaphore_mem>>)
      %mul3A_118 = arith.constant 128 : i32
      %mul3A_119 = arith.muli %add3A_110, %mul3A_118 : i32
      %add3A_120 = arith.addi %mul3A_2, %mul3A_119 : i32
      %dma_start3A_121 = arith.constant 0 : i32
      %dma_start3A_122 = tpu.memref_slice %arg7[%add3A_120, %dma_start3A_121] : memref<81920x128xf32, #tpu.memory_space<hbm>> -> memref<128x128xf32, #tpu.memory_space<hbm>>
      %dma_start3A_123 = arith.constant 0 : i32
      %dma_start3A_124 = tpu.memref_slice %arg7[%add3A_120, %dma_start3A_123] : memref<81920x128xf32, #tpu.memory_space<hbm>> -> memref<128x128xf32, #tpu.memory_space<hbm>>
      tpu.enqueue_dma source(%arg13 : memref<128x128xf32, #tpu.memory_space<vmem>>) target(%dma_start3A_124 : memref<128x128xf32, #tpu.memory_space<hbm>>) target_semaphore(%arg19 : memref<!tpu.dma_semaphore, #tpu.memory_space<semaphore_mem>>)
      %dma_wait3A_125 = arith.constant 0 : i32
      %dma_wait3A_126 = tpu.memref_slice %arg8[%dma_wait3A_125] : memref<2560xi32, #tpu.memory_space<vmem>> -> memref<128xi32, #tpu.memory_space<vmem>>
      %dma_wait3A_127 = arith.constant 0 : i32
      %dma_wait3A_128 = arith.constant 0 : i32
      %dma_wait3A_129 = tpu.memref_slice %arg2[%dma_wait3A_127, %dma_wait3A_128] : memref<10000x128xf32, #tpu.memory_space<hbm>> -> memref<10000x128xf32, #tpu.memory_space<hbm>>
      tpu.wait_indirect_dma semaphore(%arg17 : memref<!tpu.dma_semaphore, #tpu.memory_space<semaphore_mem>>) src(%dma_wait3A_129 : memref<10000x128xf32, #tpu.memory_space<hbm>>) dst(%arg11 : memref<128x128xf32, #tpu.memory_space<vmem>>)
      %dma_wait3A_130 = arith.constant 0 : i32
      %dma_wait3A_131 = tpu.memref_slice %arg9[%dma_wait3A_130] : memref<2560xi32, #tpu.memory_space<vmem>> -> memref<128xi32, #tpu.memory_space<vmem>>
      %dma_wait3A_132 = arith.constant 0 : i32
      %dma_wait3A_133 = arith.constant 0 : i32
      %dma_wait3A_134 = tpu.memref_slice %arg3[%dma_wait3A_132, %dma_wait3A_133] : memref<10000x128xf32, #tpu.memory_space<hbm>> -> memref<10000x128xf32, #tpu.memory_space<hbm>>
      tpu.wait_indirect_dma semaphore(%arg17 : memref<!tpu.dma_semaphore, #tpu.memory_space<semaphore_mem>>) src(%dma_wait3A_134 : memref<10000x128xf32, #tpu.memory_space<hbm>>) dst(%arg14 : memref<128x128xf32, #tpu.memory_space<vmem>>)
      %add3A_135 = arith.constant 1 : i32
      %add3A_136 = arith.addi %mul3A_98, %add3A_135 : i32
      %mul3A_137 = arith.constant 128 : i32
      %mul3A_138 = arith.muli %add3A_136, %mul3A_137 : i32
      %add3A_139 = arith.addi %mul3A_2, %mul3A_138 : i32
      %dma_start3A_140 = arith.constant 0 : i32
      %dma_start3A_141 = tpu.memref_slice %arg6[%add3A_139, %dma_start3A_140] : memref<81920x128xf32, #tpu.memory_space<hbm>> -> memref<128x128xf32, #tpu.memory_space<hbm>>
      %dma_start3A_142 = arith.constant 0 : i32
      %dma_start3A_143 = tpu.memref_slice %arg6[%add3A_139, %dma_start3A_142] : memref<81920x128xf32, #tpu.memory_space<hbm>> -> memref<128x128xf32, #tpu.memory_space<hbm>>
      tpu.enqueue_dma source(%arg11 : memref<128x128xf32, #tpu.memory_space<vmem>>) target(%dma_start3A_143 : memref<128x128xf32, #tpu.memory_space<hbm>>) target_semaphore(%arg20 : memref<!tpu.dma_semaphore, #tpu.memory_space<semaphore_mem>>)
      %mul3A_144 = arith.constant 128 : i32
      %mul3A_145 = arith.muli %add3A_136, %mul3A_144 : i32
      %add3A_146 = arith.addi %mul3A_2, %mul3A_145 : i32
      %dma_start3A_147 = arith.constant 0 : i32
      %dma_start3A_148 = tpu.memref_slice %arg7[%add3A_146, %dma_start3A_147] : memref<81920x128xf32, #tpu.memory_space<hbm>> -> memref<128x128xf32, #tpu.memory_space<hbm>>
      %dma_start3A_149 = arith.constant 0 : i32
      %dma_start3A_150 = tpu.memref_slice %arg7[%add3A_146, %dma_start3A_149] : memref<81920x128xf32, #tpu.memory_space<hbm>> -> memref<128x128xf32, #tpu.memory_space<hbm>>
      tpu.enqueue_dma source(%arg14 : memref<128x128xf32, #tpu.memory_space<vmem>>) target(%dma_start3A_150 : memref<128x128xf32, #tpu.memory_space<hbm>>) target_semaphore(%arg20 : memref<!tpu.dma_semaphore, #tpu.memory_space<semaphore_mem>>)
      %dma_wait3A_151 = arith.constant 0 : i32
      %dma_wait3A_152 = tpu.memref_slice %arg8[%dma_wait3A_151] : memref<2560xi32, #tpu.memory_space<vmem>> -> memref<128xi32, #tpu.memory_space<vmem>>
      %dma_wait3A_153 = arith.constant 0 : i32
      %dma_wait3A_154 = arith.constant 0 : i32
      %dma_wait3A_155 = tpu.memref_slice %arg2[%dma_wait3A_153, %dma_wait3A_154] : memref<10000x128xf32, #tpu.memory_space<hbm>> -> memref<10000x128xf32, #tpu.memory_space<hbm>>
      tpu.wait_indirect_dma semaphore(%arg18 : memref<!tpu.dma_semaphore, #tpu.memory_space<semaphore_mem>>) src(%dma_wait3A_155 : memref<10000x128xf32, #tpu.memory_space<hbm>>) dst(%arg12 : memref<128x128xf32, #tpu.memory_space<vmem>>)
      %dma_wait3A_156 = arith.constant 0 : i32
      %dma_wait3A_157 = tpu.memref_slice %arg9[%dma_wait3A_156] : memref<2560xi32, #tpu.memory_space<vmem>> -> memref<128xi32, #tpu.memory_space<vmem>>
      %dma_wait3A_158 = arith.constant 0 : i32
      %dma_wait3A_159 = arith.constant 0 : i32
      %dma_wait3A_160 = tpu.memref_slice %arg3[%dma_wait3A_158, %dma_wait3A_159] : memref<10000x128xf32, #tpu.memory_space<hbm>> -> memref<10000x128xf32, #tpu.memory_space<hbm>>
      tpu.wait_indirect_dma semaphore(%arg18 : memref<!tpu.dma_semaphore, #tpu.memory_space<semaphore_mem>>) src(%dma_wait3A_160 : memref<10000x128xf32, #tpu.memory_space<hbm>>) dst(%arg15 : memref<128x128xf32, #tpu.memory_space<vmem>>)
      %add3A_161 = arith.constant 2 : i32
      %add3A_162 = arith.addi %mul3A_98, %add3A_161 : i32
      %mul3A_163 = arith.constant 128 : i32
      %mul3A_164 = arith.muli %add3A_162, %mul3A_163 : i32
      %add3A_165 = arith.addi %mul3A_2, %mul3A_164 : i32
      %dma_start3A_166 = arith.constant 0 : i32
      %dma_start3A_167 = tpu.memref_slice %arg6[%add3A_165, %dma_start3A_166] : memref<81920x128xf32, #tpu.memory_space<hbm>> -> memref<128x128xf32, #tpu.memory_space<hbm>>
      %dma_start3A_168 = arith.constant 0 : i32
      %dma_start3A_169 = tpu.memref_slice %arg6[%add3A_165, %dma_start3A_168] : memref<81920x128xf32, #tpu.memory_space<hbm>> -> memref<128x128xf32, #tpu.memory_space<hbm>>
      tpu.enqueue_dma source(%arg12 : memref<128x128xf32, #tpu.memory_space<vmem>>) target(%dma_start3A_169 : memref<128x128xf32, #tpu.memory_space<hbm>>) target_semaphore(%arg21 : memref<!tpu.dma_semaphore, #tpu.memory_space<semaphore_mem>>)
      %mul3A_170 = arith.constant 128 : i32
      %mul3A_171 = arith.muli %add3A_162, %mul3A_170 : i32
      %add3A_172 = arith.addi %mul3A_2, %mul3A_171 : i32
      %dma_start3A_173 = arith.constant 0 : i32
      %dma_start3A_174 = tpu.memref_slice %arg7[%add3A_172, %dma_start3A_173] : memref<81920x128xf32, #tpu.memory_space<hbm>> -> memref<128x128xf32, #tpu.memory_space<hbm>>
      %dma_start3A_175 = arith.constant 0 : i32
      %dma_start3A_176 = tpu.memref_slice %arg7[%add3A_172, %dma_start3A_175] : memref<81920x128xf32, #tpu.memory_space<hbm>> -> memref<128x128xf32, #tpu.memory_space<hbm>>
      tpu.enqueue_dma source(%arg15 : memref<128x128xf32, #tpu.memory_space<vmem>>) target(%dma_start3A_176 : memref<128x128xf32, #tpu.memory_space<hbm>>) target_semaphore(%arg21 : memref<!tpu.dma_semaphore, #tpu.memory_space<semaphore_mem>>)
      %dma_wait3A_177 = arith.constant 0 : i32
      %dma_wait3A_178 = tpu.memref_slice %arg6[%mul3A_2, %dma_wait3A_177] : memref<81920x128xf32, #tpu.memory_space<hbm>> -> memref<128x128xf32, #tpu.memory_space<hbm>>
      %dma_wait3A_179 = arith.constant 0 : i32
      %dma_wait3A_180 = tpu.memref_slice %arg6[%mul3A_2, %dma_wait3A_179] : memref<81920x128xf32, #tpu.memory_space<hbm>> -> memref<128x128xf32, #tpu.memory_space<hbm>>
      tpu.wait_dma2 semaphore(%arg19 : memref<!tpu.dma_semaphore, #tpu.memory_space<semaphore_mem>>) src(%arg10 : memref<128x128xf32, #tpu.memory_space<vmem>>) dst(%dma_wait3A_180 : memref<128x128xf32, #tpu.memory_space<hbm>>)
      %dma_wait3A_181 = arith.constant 0 : i32
      %dma_wait3A_182 = tpu.memref_slice %arg7[%mul3A_2, %dma_wait3A_181] : memref<81920x128xf32, #tpu.memory_space<hbm>> -> memref<128x128xf32, #tpu.memory_space<hbm>>
      %dma_wait3A_183 = arith.constant 0 : i32
      %dma_wait3A_184 = tpu.memref_slice %arg7[%mul3A_2, %dma_wait3A_183] : memref<81920x128xf32, #tpu.memory_space<hbm>> -> memref<128x128xf32, #tpu.memory_space<hbm>>
      tpu.wait_dma2 semaphore(%arg19 : memref<!tpu.dma_semaphore, #tpu.memory_space<semaphore_mem>>) src(%arg13 : memref<128x128xf32, #tpu.memory_space<vmem>>) dst(%dma_wait3A_184 : memref<128x128xf32, #tpu.memory_space<hbm>>)
      %add3A_185 = arith.constant 0 : i32
      %add3A_186 = arith.addi %mul3A_98, %add3A_185 : i32
      %add3A_187 = arith.constant 3 : i32
      %add3A_188 = arith.addi %add3A_186, %add3A_187 : i32
      %lt3A = arith.constant 20 : i32
      %lt3A_189 = arith.cmpi slt, %add3A_188, %lt3A : i32
      %convert_element_type3A = arith.extui %lt3A_189 : i1 to i32
      %cond3A = arith.constant 0 : i32
      %cond3A_190 = arith.cmpi ne, %convert_element_type3A, %cond3A : i32
      scf.if %cond3A_190 {
        %add3A_225 = arith.constant 0 : i32
        %add3A_226 = arith.addi %mul3A_98, %add3A_225 : i32
        %add3A_227 = arith.constant 3 : i32
        %add3A_228 = arith.addi %add3A_226, %add3A_227 : i32
        %mul3A_229 = arith.constant 128 : i32
        %mul3A_230 = arith.muli %add3A_228, %mul3A_229 : i32
        %dma_start3A_231 = tpu.memref_slice %arg8[%mul3A_230] : memref<2560xi32, #tpu.memory_space<vmem>> -> memref<128xi32, #tpu.memory_space<vmem>>
        %dma_start3A_232 = arith.constant 0 : i32
        %dma_start3A_233 = arith.constant 0 : i32
        %dma_start3A_234 = tpu.memref_slice %arg2[%dma_start3A_232, %dma_start3A_233] : memref<10000x128xf32, #tpu.memory_space<hbm>> -> memref<10000x128xf32, #tpu.memory_space<hbm>>
        tpu.enqueue_indirect_dma source(%dma_start3A_234 : memref<10000x128xf32, #tpu.memory_space<hbm>>) target(%arg10 : memref<128x128xf32, #tpu.memory_space<vmem>>) offsets(%dma_start3A_231 : memref<128xi32, #tpu.memory_space<vmem>>) semaphore(%arg16 : memref<!tpu.dma_semaphore, #tpu.memory_space<semaphore_mem>>)
        %mul3A_235 = arith.constant 128 : i32
        %mul3A_236 = arith.muli %add3A_228, %mul3A_235 : i32
        %dma_start3A_237 = tpu.memref_slice %arg9[%mul3A_236] : memref<2560xi32, #tpu.memory_space<vmem>> -> memref<128xi32, #tpu.memory_space<vmem>>
        %dma_start3A_238 = arith.constant 0 : i32
        %dma_start3A_239 = arith.constant 0 : i32
        %dma_start3A_240 = tpu.memref_slice %arg3[%dma_start3A_238, %dma_start3A_239] : memref<10000x128xf32, #tpu.memory_space<hbm>> -> memref<10000x128xf32, #tpu.memory_space<hbm>>
        tpu.enqueue_indirect_dma source(%dma_start3A_240 : memref<10000x128xf32, #tpu.memory_space<hbm>>) target(%arg13 : memref<128x128xf32, #tpu.memory_space<vmem>>) offsets(%dma_start3A_237 : memref<128xi32, #tpu.memory_space<vmem>>) semaphore(%arg16 : memref<!tpu.dma_semaphore, #tpu.memory_space<semaphore_mem>>)
      } else {
      }
      %dma_wait3A_191 = arith.constant 0 : i32
      %dma_wait3A_192 = tpu.memref_slice %arg6[%mul3A_2, %dma_wait3A_191] : memref<81920x128xf32, #tpu.memory_space<hbm>> -> memref<128x128xf32, #tpu.memory_space<hbm>>
      %dma_wait3A_193 = arith.constant 0 : i32
      %dma_wait3A_194 = tpu.memref_slice %arg6[%mul3A_2, %dma_wait3A_193] : memref<81920x128xf32, #tpu.memory_space<hbm>> -> memref<128x128xf32, #tpu.memory_space<hbm>>
      tpu.wait_dma2 semaphore(%arg20 : memref<!tpu.dma_semaphore, #tpu.memory_space<semaphore_mem>>) src(%arg11 : memref<128x128xf32, #tpu.memory_space<vmem>>) dst(%dma_wait3A_194 : memref<128x128xf32, #tpu.memory_space<hbm>>)
      %dma_wait3A_195 = arith.constant 0 : i32
      %dma_wait3A_196 = tpu.memref_slice %arg7[%mul3A_2, %dma_wait3A_195] : memref<81920x128xf32, #tpu.memory_space<hbm>> -> memref<128x128xf32, #tpu.memory_space<hbm>>
      %dma_wait3A_197 = arith.constant 0 : i32
      %dma_wait3A_198 = tpu.memref_slice %arg7[%mul3A_2, %dma_wait3A_197] : memref<81920x128xf32, #tpu.memory_space<hbm>> -> memref<128x128xf32, #tpu.memory_space<hbm>>
      tpu.wait_dma2 semaphore(%arg20 : memref<!tpu.dma_semaphore, #tpu.memory_space<semaphore_mem>>) src(%arg14 : memref<128x128xf32, #tpu.memory_space<vmem>>) dst(%dma_wait3A_198 : memref<128x128xf32, #tpu.memory_space<hbm>>)
      %add3A_199 = arith.constant 1 : i32
      %add3A_200 = arith.addi %mul3A_98, %add3A_199 : i32
      %add3A_201 = arith.constant 3 : i32
      %add3A_202 = arith.addi %add3A_200, %add3A_201 : i32
      %lt3A_203 = arith.constant 20 : i32
      %lt3A_204 = arith.cmpi slt, %add3A_202, %lt3A_203 : i32
      %convert_element_type3A_205 = arith.extui %lt3A_204 : i1 to i32
      %cond3A_206 = arith.constant 0 : i32
      %cond3A_207 = arith.cmpi ne, %convert_element_type3A_205, %cond3A_206 : i32
      scf.if %cond3A_207 {
        %add3A_225 = arith.constant 1 : i32
        %add3A_226 = arith.addi %mul3A_98, %add3A_225 : i32
        %add3A_227 = arith.constant 3 : i32
        %add3A_228 = arith.addi %add3A_226, %add3A_227 : i32
        %mul3A_229 = arith.constant 128 : i32
        %mul3A_230 = arith.muli %add3A_228, %mul3A_229 : i32
        %dma_start3A_231 = tpu.memref_slice %arg8[%mul3A_230] : memref<2560xi32, #tpu.memory_space<vmem>> -> memref<128xi32, #tpu.memory_space<vmem>>
        %dma_start3A_232 = arith.constant 0 : i32
        %dma_start3A_233 = arith.constant 0 : i32
        %dma_start3A_234 = tpu.memref_slice %arg2[%dma_start3A_232, %dma_start3A_233] : memref<10000x128xf32, #tpu.memory_space<hbm>> -> memref<10000x128xf32, #tpu.memory_space<hbm>>
        tpu.enqueue_indirect_dma source(%dma_start3A_234 : memref<10000x128xf32, #tpu.memory_space<hbm>>) target(%arg11 : memref<128x128xf32, #tpu.memory_space<vmem>>) offsets(%dma_start3A_231 : memref<128xi32, #tpu.memory_space<vmem>>) semaphore(%arg17 : memref<!tpu.dma_semaphore, #tpu.memory_space<semaphore_mem>>)
        %mul3A_235 = arith.constant 128 : i32
        %mul3A_236 = arith.muli %add3A_228, %mul3A_235 : i32
        %dma_start3A_237 = tpu.memref_slice %arg9[%mul3A_236] : memref<2560xi32, #tpu.memory_space<vmem>> -> memref<128xi32, #tpu.memory_space<vmem>>
        %dma_start3A_238 = arith.constant 0 : i32
        %dma_start3A_239 = arith.constant 0 : i32
        %dma_start3A_240 = tpu.memref_slice %arg3[%dma_start3A_238, %dma_start3A_239] : memref<10000x128xf32, #tpu.memory_space<hbm>> -> memref<10000x128xf32, #tpu.memory_space<hbm>>
        tpu.enqueue_indirect_dma source(%dma_start3A_240 : memref<10000x128xf32, #tpu.memory_space<hbm>>) target(%arg14 : memref<128x128xf32, #tpu.memory_space<vmem>>) offsets(%dma_start3A_237 : memref<128xi32, #tpu.memory_space<vmem>>) semaphore(%arg17 : memref<!tpu.dma_semaphore, #tpu.memory_space<semaphore_mem>>)
      } else {
      }
      %dma_wait3A_208 = arith.constant 0 : i32
      %dma_wait3A_209 = tpu.memref_slice %arg6[%mul3A_2, %dma_wait3A_208] : memref<81920x128xf32, #tpu.memory_space<hbm>> -> memref<128x128xf32, #tpu.memory_space<hbm>>
      %dma_wait3A_210 = arith.constant 0 : i32
      %dma_wait3A_211 = tpu.memref_slice %arg6[%mul3A_2, %dma_wait3A_210] : memref<81920x128xf32, #tpu.memory_space<hbm>> -> memref<128x128xf32, #tpu.memory_space<hbm>>
      tpu.wait_dma2 semaphore(%arg21 : memref<!tpu.dma_semaphore, #tpu.memory_space<semaphore_mem>>) src(%arg12 : memref<128x128xf32, #tpu.memory_space<vmem>>) dst(%dma_wait3A_211 : memref<128x128xf32, #tpu.memory_space<hbm>>)
      %dma_wait3A_212 = arith.constant 0 : i32
      %dma_wait3A_213 = tpu.memref_slice %arg7[%mul3A_2, %dma_wait3A_212] : memref<81920x128xf32, #tpu.memory_space<hbm>> -> memref<128x128xf32, #tpu.memory_space<hbm>>
      %dma_wait3A_214 = arith.constant 0 : i32
      %dma_wait3A_215 = tpu.memref_slice %arg7[%mul3A_2, %dma_wait3A_214] : memref<81920x128xf32, #tpu.memory_space<hbm>> -> memref<128x128xf32, #tpu.memory_space<hbm>>
      tpu.wait_dma2 semaphore(%arg21 : memref<!tpu.dma_semaphore, #tpu.memory_space<semaphore_mem>>) src(%arg15 : memref<128x128xf32, #tpu.memory_space<vmem>>) dst(%dma_wait3A_215 : memref<128x128xf32, #tpu.memory_space<hbm>>)
      %add3A_216 = arith.constant 2 : i32
      %add3A_217 = arith.addi %mul3A_98, %add3A_216 : i32
      %add3A_218 = arith.constant 3 : i32
      %add3A_219 = arith.addi %add3A_217, %add3A_218 : i32
      %lt3A_220 = arith.constant 20 : i32
      %lt3A_221 = arith.cmpi slt, %add3A_219, %lt3A_220 : i32
      %convert_element_type3A_222 = arith.extui %lt3A_221 : i1 to i32
      %cond3A_223 = arith.constant 0 : i32
      %cond3A_224 = arith.cmpi ne, %convert_element_type3A_222, %cond3A_223 : i32
      scf.if %cond3A_224 {
        %add3A_225 = arith.constant 2 : i32
        %add3A_226 = arith.addi %mul3A_98, %add3A_225 : i32
        %add3A_227 = arith.constant 3 : i32
        %add3A_228 = arith.addi %add3A_226, %add3A_227 : i32
        %mul3A_229 = arith.constant 128 : i32
        %mul3A_230 = arith.muli %add3A_228, %mul3A_229 : i32
        %dma_start3A_231 = tpu.memref_slice %arg8[%mul3A_230] : memref<2560xi32, #tpu.memory_space<vmem>> -> memref<128xi32, #tpu.memory_space<vmem>>
        %dma_start3A_232 = arith.constant 0 : i32
        %dma_start3A_233 = arith.constant 0 : i32
        %dma_start3A_234 = tpu.memref_slice %arg2[%dma_start3A_232, %dma_start3A_233] : memref<10000x128xf32, #tpu.memory_space<hbm>> -> memref<10000x128xf32, #tpu.memory_space<hbm>>
        tpu.enqueue_indirect_dma source(%dma_start3A_234 : memref<10000x128xf32, #tpu.memory_space<hbm>>) target(%arg12 : memref<128x128xf32, #tpu.memory_space<vmem>>) offsets(%dma_start3A_231 : memref<128xi32, #tpu.memory_space<vmem>>) semaphore(%arg18 : memref<!tpu.dma_semaphore, #tpu.memory_space<semaphore_mem>>)
        %mul3A_235 = arith.constant 128 : i32
        %mul3A_236 = arith.muli %add3A_228, %mul3A_235 : i32
        %dma_start3A_237 = tpu.memref_slice %arg9[%mul3A_236] : memref<2560xi32, #tpu.memory_space<vmem>> -> memref<128xi32, #tpu.memory_space<vmem>>
        %dma_start3A_238 = arith.constant 0 : i32
        %dma_start3A_239 = arith.constant 0 : i32
        %dma_start3A_240 = tpu.memref_slice %arg3[%dma_start3A_238, %dma_start3A_239] : memref<10000x128xf32, #tpu.memory_space<hbm>> -> memref<10000x128xf32, #tpu.memory_space<hbm>>
        tpu.enqueue_indirect_dma source(%dma_start3A_240 : memref<10000x128xf32, #tpu.memory_space<hbm>>) target(%arg15 : memref<128x128xf32, #tpu.memory_space<vmem>>) offsets(%dma_start3A_237 : memref<128xi32, #tpu.memory_space<vmem>>) semaphore(%arg18 : memref<!tpu.dma_semaphore, #tpu.memory_space<semaphore_mem>>)
      } else {
      }
    }
    %scan3A_36 = arith.constant 6 : i32
    %dma_wait3A = arith.constant 0 : i32
    %dma_wait3A_37 = tpu.memref_slice %arg8[%dma_wait3A] : memref<2560xi32, #tpu.memory_space<vmem>> -> memref<128xi32, #tpu.memory_space<vmem>>
    %dma_wait3A_38 = arith.constant 0 : i32
    %dma_wait3A_39 = arith.constant 0 : i32
    %dma_wait3A_40 = tpu.memref_slice %arg2[%dma_wait3A_38, %dma_wait3A_39] : memref<10000x128xf32, #tpu.memory_space<hbm>> -> memref<10000x128xf32, #tpu.memory_space<hbm>>
    tpu.wait_indirect_dma semaphore(%arg16 : memref<!tpu.dma_semaphore, #tpu.memory_space<semaphore_mem>>) src(%dma_wait3A_40 : memref<10000x128xf32, #tpu.memory_space<hbm>>) dst(%arg10 : memref<128x128xf32, #tpu.memory_space<vmem>>)
    %dma_wait3A_41 = arith.constant 0 : i32
    %dma_wait3A_42 = tpu.memref_slice %arg9[%dma_wait3A_41] : memref<2560xi32, #tpu.memory_space<vmem>> -> memref<128xi32, #tpu.memory_space<vmem>>
    %dma_wait3A_43 = arith.constant 0 : i32
    %dma_wait3A_44 = arith.constant 0 : i32
    %dma_wait3A_45 = tpu.memref_slice %arg3[%dma_wait3A_43, %dma_wait3A_44] : memref<10000x128xf32, #tpu.memory_space<hbm>> -> memref<10000x128xf32, #tpu.memory_space<hbm>>
    tpu.wait_indirect_dma semaphore(%arg16 : memref<!tpu.dma_semaphore, #tpu.memory_space<semaphore_mem>>) src(%dma_wait3A_45 : memref<10000x128xf32, #tpu.memory_space<hbm>>) dst(%arg13 : memref<128x128xf32, #tpu.memory_space<vmem>>)
    %add3A_46 = arith.constant 2304 : i32
    %add3A_47 = arith.addi %mul3A_2, %add3A_46 : i32
    %dma_start3A_48 = arith.constant 0 : i32
    %dma_start3A_49 = tpu.memref_slice %arg6[%add3A_47, %dma_start3A_48] : memref<81920x128xf32, #tpu.memory_space<hbm>> -> memref<128x128xf32, #tpu.memory_space<hbm>>
    %dma_start3A_50 = arith.constant 0 : i32
    %dma_start3A_51 = tpu.memref_slice %arg6[%add3A_47, %dma_start3A_50] : memref<81920x128xf32, #tpu.memory_space<hbm>> -> memref<128x128xf32, #tpu.memory_space<hbm>>
    tpu.enqueue_dma source(%arg10 : memref<128x128xf32, #tpu.memory_space<vmem>>) target(%dma_start3A_51 : memref<128x128xf32, #tpu.memory_space<hbm>>) target_semaphore(%arg19 : memref<!tpu.dma_semaphore, #tpu.memory_space<semaphore_mem>>)
    %add3A_52 = arith.constant 2304 : i32
    %add3A_53 = arith.addi %mul3A_2, %add3A_52 : i32
    %dma_start3A_54 = arith.constant 0 : i32
    %dma_start3A_55 = tpu.memref_slice %arg7[%add3A_53, %dma_start3A_54] : memref<81920x128xf32, #tpu.memory_space<hbm>> -> memref<128x128xf32, #tpu.memory_space<hbm>>
    %dma_start3A_56 = arith.constant 0 : i32
    %dma_start3A_57 = tpu.memref_slice %arg7[%add3A_53, %dma_start3A_56] : memref<81920x128xf32, #tpu.memory_space<hbm>> -> memref<128x128xf32, #tpu.memory_space<hbm>>
    tpu.enqueue_dma source(%arg13 : memref<128x128xf32, #tpu.memory_space<vmem>>) target(%dma_start3A_57 : memref<128x128xf32, #tpu.memory_space<hbm>>) target_semaphore(%arg19 : memref<!tpu.dma_semaphore, #tpu.memory_space<semaphore_mem>>)
    %dma_wait3A_58 = arith.constant 0 : i32
    %dma_wait3A_59 = tpu.memref_slice %arg6[%mul3A_2, %dma_wait3A_58] : memref<81920x128xf32, #tpu.memory_space<hbm>> -> memref<128x128xf32, #tpu.memory_space<hbm>>
    %dma_wait3A_60 = arith.constant 0 : i32
    %dma_wait3A_61 = tpu.memref_slice %arg6[%mul3A_2, %dma_wait3A_60] : memref<81920x128xf32, #tpu.memory_space<hbm>> -> memref<128x128xf32, #tpu.memory_space<hbm>>
    tpu.wait_dma2 semaphore(%arg19 : memref<!tpu.dma_semaphore, #tpu.memory_space<semaphore_mem>>) src(%arg10 : memref<128x128xf32, #tpu.memory_space<vmem>>) dst(%dma_wait3A_61 : memref<128x128xf32, #tpu.memory_space<hbm>>)
    %dma_wait3A_62 = arith.constant 0 : i32
    %dma_wait3A_63 = tpu.memref_slice %arg7[%mul3A_2, %dma_wait3A_62] : memref<81920x128xf32, #tpu.memory_space<hbm>> -> memref<128x128xf32, #tpu.memory_space<hbm>>
    %dma_wait3A_64 = arith.constant 0 : i32
    %dma_wait3A_65 = tpu.memref_slice %arg7[%mul3A_2, %dma_wait3A_64] : memref<81920x128xf32, #tpu.memory_space<hbm>> -> memref<128x128xf32, #tpu.memory_space<hbm>>
    tpu.wait_dma2 semaphore(%arg19 : memref<!tpu.dma_semaphore, #tpu.memory_space<semaphore_mem>>) src(%arg13 : memref<128x128xf32, #tpu.memory_space<vmem>>) dst(%dma_wait3A_65 : memref<128x128xf32, #tpu.memory_space<hbm>>)
    %dma_wait3A_66 = arith.constant 0 : i32
    %dma_wait3A_67 = tpu.memref_slice %arg8[%dma_wait3A_66] : memref<2560xi32, #tpu.memory_space<vmem>> -> memref<128xi32, #tpu.memory_space<vmem>>
    %dma_wait3A_68 = arith.constant 0 : i32
    %dma_wait3A_69 = arith.constant 0 : i32
    %dma_wait3A_70 = tpu.memref_slice %arg2[%dma_wait3A_68, %dma_wait3A_69] : memref<10000x128xf32, #tpu.memory_space<hbm>> -> memref<10000x128xf32, #tpu.memory_space<hbm>>
    tpu.wait_indirect_dma semaphore(%arg17 : memref<!tpu.dma_semaphore, #tpu.memory_space<semaphore_mem>>) src(%dma_wait3A_70 : memref<10000x128xf32, #tpu.memory_space<hbm>>) dst(%arg11 : memref<128x128xf32, #tpu.memory_space<vmem>>)
    %dma_wait3A_71 = arith.constant 0 : i32
    %dma_wait3A_72 = tpu.memref_slice %arg9[%dma_wait3A_71] : memref<2560xi32, #tpu.memory_space<vmem>> -> memref<128xi32, #tpu.memory_space<vmem>>
    %dma_wait3A_73 = arith.constant 0 : i32
    %dma_wait3A_74 = arith.constant 0 : i32
    %dma_wait3A_75 = tpu.memref_slice %arg3[%dma_wait3A_73, %dma_wait3A_74] : memref<10000x128xf32, #tpu.memory_space<hbm>> -> memref<10000x128xf32, #tpu.memory_space<hbm>>
    tpu.wait_indirect_dma semaphore(%arg17 : memref<!tpu.dma_semaphore, #tpu.memory_space<semaphore_mem>>) src(%dma_wait3A_75 : memref<10000x128xf32, #tpu.memory_space<hbm>>) dst(%arg14 : memref<128x128xf32, #tpu.memory_space<vmem>>)
    %add3A_76 = arith.constant 2432 : i32
    %add3A_77 = arith.addi %mul3A_2, %add3A_76 : i32
    %dma_start3A_78 = arith.constant 0 : i32
    %dma_start3A_79 = tpu.memref_slice %arg6[%add3A_77, %dma_start3A_78] : memref<81920x128xf32, #tpu.memory_space<hbm>> -> memref<128x128xf32, #tpu.memory_space<hbm>>
    %dma_start3A_80 = arith.constant 0 : i32
    %dma_start3A_81 = tpu.memref_slice %arg6[%add3A_77, %dma_start3A_80] : memref<81920x128xf32, #tpu.memory_space<hbm>> -> memref<128x128xf32, #tpu.memory_space<hbm>>
    tpu.enqueue_dma source(%arg11 : memref<128x128xf32, #tpu.memory_space<vmem>>) target(%dma_start3A_81 : memref<128x128xf32, #tpu.memory_space<hbm>>) target_semaphore(%arg20 : memref<!tpu.dma_semaphore, #tpu.memory_space<semaphore_mem>>)
    %add3A_82 = arith.constant 2432 : i32
    %add3A_83 = arith.addi %mul3A_2, %add3A_82 : i32
    %dma_start3A_84 = arith.constant 0 : i32
    %dma_start3A_85 = tpu.memref_slice %arg7[%add3A_83, %dma_start3A_84] : memref<81920x128xf32, #tpu.memory_space<hbm>> -> memref<128x128xf32, #tpu.memory_space<hbm>>
    %dma_start3A_86 = arith.constant 0 : i32
    %dma_start3A_87 = tpu.memref_slice %arg7[%add3A_83, %dma_start3A_86] : memref<81920x128xf32, #tpu.memory_space<hbm>> -> memref<128x128xf32, #tpu.memory_space<hbm>>
    tpu.enqueue_dma source(%arg14 : memref<128x128xf32, #tpu.memory_space<vmem>>) target(%dma_start3A_87 : memref<128x128xf32, #tpu.memory_space<hbm>>) target_semaphore(%arg20 : memref<!tpu.dma_semaphore, #tpu.memory_space<semaphore_mem>>)
    %dma_wait3A_88 = arith.constant 0 : i32
    %dma_wait3A_89 = tpu.memref_slice %arg6[%mul3A_2, %dma_wait3A_88] : memref<81920x128xf32, #tpu.memory_space<hbm>> -> memref<128x128xf32, #tpu.memory_space<hbm>>
    %dma_wait3A_90 = arith.constant 0 : i32
    %dma_wait3A_91 = tpu.memref_slice %arg6[%mul3A_2, %dma_wait3A_90] : memref<81920x128xf32, #tpu.memory_space<hbm>> -> memref<128x128xf32, #tpu.memory_space<hbm>>
    tpu.wait_dma2 semaphore(%arg20 : memref<!tpu.dma_semaphore, #tpu.memory_space<semaphore_mem>>) src(%arg11 : memref<128x128xf32, #tpu.memory_space<vmem>>) dst(%dma_wait3A_91 : memref<128x128xf32, #tpu.memory_space<hbm>>)
    %dma_wait3A_92 = arith.constant 0 : i32
    %dma_wait3A_93 = tpu.memref_slice %arg7[%mul3A_2, %dma_wait3A_92] : memref<81920x128xf32, #tpu.memory_space<hbm>> -> memref<128x128xf32, #tpu.memory_space<hbm>>
    %dma_wait3A_94 = arith.constant 0 : i32
    %dma_wait3A_95 = tpu.memref_slice %arg7[%mul3A_2, %dma_wait3A_94] : memref<81920x128xf32, #tpu.memory_space<hbm>> -> memref<128x128xf32, #tpu.memory_space<hbm>>
    tpu.wait_dma2 semaphore(%arg20 : memref<!tpu.dma_semaphore, #tpu.memory_space<semaphore_mem>>) src(%arg14 : memref<128x128xf32, #tpu.memory_space<vmem>>) dst(%dma_wait3A_95 : memref<128x128xf32, #tpu.memory_space<hbm>>)
    return
  }
}

#map = affine_map<(d0, d1) -> (0, 0)>
#map1 = affine_map<(d0, d1) -> (0)>
#map2 = affine_map<(d0, d1) -> (0, 0, 0)>
module attributes {stable_mosaic.version = 14 : i64} {
  func.func @k(%arg0: i32, %arg1: i32, %arg2: memref<81920x128xf32, #tpu.memory_space<hbm>>, %arg3: memref<81920xi32, #tpu.memory_space<hbm>>, %arg4: memref<10240x128xf32, #tpu.memory_space<hbm>>, %arg5: memref<2x10240x128xf32, #tpu.memory_space<hbm>>, %arg6: memref<10240x128xf32, #tpu.memory_space<vmem_shared>>, %arg7: memref<8xi32, #tpu.memory_space<vmem>>, %arg8: memref<128xi32, #tpu.memory_space<vmem>>, %arg9: memref<128xi32, #tpu.memory_space<vmem>>, %arg10: memref<128x128xf32, #tpu.memory_space<vmem>>, %arg11: memref<128x128xf32, #tpu.memory_space<vmem>>, %arg12: memref<!tpu.dma_semaphore, #tpu.memory_space<semaphore_mem>>, %arg13: memref<!tpu.dma_semaphore, #tpu.memory_space<semaphore_mem>>, %arg14: memref<!tpu.dma_semaphore, #tpu.memory_space<semaphore_mem>>, %arg15: memref<!tpu.dma_semaphore, #tpu.memory_space<semaphore_mem>>) attributes {dimension_semantics = [#tpu.dimension_semantics<core_parallel>, #tpu.dimension_semantics<subcore_parallel>], iteration_bounds = array<i64: 2, 16>, scalar_prefetch = 0 : i64, scratch_operands = 10 : i64, tpu.core_type = #tpu.core_type<sc_vector_subcore>, window_params = [{transform_indices = #map}, {transform_indices = #map1}, {transform_indices = #map}, {transform_indices = #map2}]} {
    %mul3A = arith.constant 2 : i32
    %mul3A_0 = arith.muli %arg1, %mul3A : i32
    %add3A = arith.addi %mul3A_0, %arg0 : i32
    %mul3A_1 = arith.constant 2560 : i32
    %mul3A_2 = arith.muli %add3A, %mul3A_1 : i32
    %mul3A_3 = arith.constant 640 : i32
    %mul3A_4 = arith.muli %arg1, %mul3A_3 : i32
    %mul3A_5 = arith.constant 640 : i32
    %mul3A_6 = arith.muli %arg1, %mul3A_5 : i32
    "tpu.region"() ({
      %run_scoped3A = tpu.sem_alloc : memref<!tpu.dma_semaphore, #tpu.memory_space<semaphore_mem>>
      %dma_start3A_32 = arith.constant 0 : i32
      %dma_start3A_33 = tpu.memref_slice %arg6[%mul3A_6, %dma_start3A_32] : memref<10240x128xf32, #tpu.memory_space<vmem_shared>> -> memref<640x128xf32, #tpu.memory_space<vmem_shared>>
      %dma_start3A_34 = arith.constant 0 : i32
      %dma_start3A_35 = tpu.memref_slice %arg4[%mul3A_4, %dma_start3A_34] : memref<10240x128xf32, #tpu.memory_space<hbm>> -> memref<640x128xf32, #tpu.memory_space<hbm>>
      tpu.enqueue_dma source(%dma_start3A_35 : memref<640x128xf32, #tpu.memory_space<hbm>>) target(%dma_start3A_33 : memref<640x128xf32, #tpu.memory_space<vmem_shared>>) target_semaphore(%run_scoped3A : memref<!tpu.dma_semaphore, #tpu.memory_space<semaphore_mem>>)
      %dma_wait3A = arith.constant 0 : i32
      %dma_wait3A_36 = tpu.memref_slice %arg6[%mul3A_6, %dma_wait3A] : memref<10240x128xf32, #tpu.memory_space<vmem_shared>> -> memref<640x128xf32, #tpu.memory_space<vmem_shared>>
      %dma_wait3A_37 = arith.constant 0 : i32
      %dma_wait3A_38 = tpu.memref_slice %arg4[%mul3A_4, %dma_wait3A_37] : memref<10240x128xf32, #tpu.memory_space<hbm>> -> memref<640x128xf32, #tpu.memory_space<hbm>>
      tpu.wait_dma2 semaphore(%run_scoped3A : memref<!tpu.dma_semaphore, #tpu.memory_space<semaphore_mem>>) src(%dma_wait3A_38 : memref<640x128xf32, #tpu.memory_space<hbm>>) dst(%dma_wait3A_36 : memref<640x128xf32, #tpu.memory_space<vmem_shared>>)
      tpu.yield
    }) : () -> ()
    %barrier3A = arith.constant 0 : index
    tpu.barrier barrier_id(%barrier3A)
    %add3A_7 = arith.constant 0 : i32
    %add3A_8 = arith.addi %mul3A_2, %add3A_7 : i32
    %dma_start3A = tpu.memref_slice %arg3[%add3A_8] : memref<81920xi32, #tpu.memory_space<hbm>> -> memref<128xi32, #tpu.memory_space<hbm>>
    %dma_start3A_9 = tpu.memref_slice %arg3[%add3A_8] : memref<81920xi32, #tpu.memory_space<hbm>> -> memref<128xi32, #tpu.memory_space<hbm>>
    tpu.enqueue_dma source(%dma_start3A_9 : memref<128xi32, #tpu.memory_space<hbm>>) target(%arg8 : memref<128xi32, #tpu.memory_space<vmem>>) target_semaphore(%arg12 : memref<!tpu.dma_semaphore, #tpu.memory_space<semaphore_mem>>)
    %dma_start3A_10 = arith.constant 0 : i32
    %dma_start3A_11 = tpu.memref_slice %arg2[%add3A_8, %dma_start3A_10] : memref<81920x128xf32, #tpu.memory_space<hbm>> -> memref<128x128xf32, #tpu.memory_space<hbm>>
    %dma_start3A_12 = arith.constant 0 : i32
    %dma_start3A_13 = tpu.memref_slice %arg2[%add3A_8, %dma_start3A_12] : memref<81920x128xf32, #tpu.memory_space<hbm>> -> memref<128x128xf32, #tpu.memory_space<hbm>>
    tpu.enqueue_dma source(%dma_start3A_13 : memref<128x128xf32, #tpu.memory_space<hbm>>) target(%arg10 : memref<128x128xf32, #tpu.memory_space<vmem>>) target_semaphore(%arg12 : memref<!tpu.dma_semaphore, #tpu.memory_space<semaphore_mem>>)
    %add3A_14 = arith.constant 128 : i32
    %add3A_15 = arith.addi %mul3A_2, %add3A_14 : i32
    %dma_start3A_16 = tpu.memref_slice %arg3[%add3A_15] : memref<81920xi32, #tpu.memory_space<hbm>> -> memref<128xi32, #tpu.memory_space<hbm>>
    %dma_start3A_17 = tpu.memref_slice %arg3[%add3A_15] : memref<81920xi32, #tpu.memory_space<hbm>> -> memref<128xi32, #tpu.memory_space<hbm>>
    tpu.enqueue_dma source(%dma_start3A_17 : memref<128xi32, #tpu.memory_space<hbm>>) target(%arg9 : memref<128xi32, #tpu.memory_space<vmem>>) target_semaphore(%arg13 : memref<!tpu.dma_semaphore, #tpu.memory_space<semaphore_mem>>)
    %dma_start3A_18 = arith.constant 0 : i32
    %dma_start3A_19 = tpu.memref_slice %arg2[%add3A_15, %dma_start3A_18] : memref<81920x128xf32, #tpu.memory_space<hbm>> -> memref<128x128xf32, #tpu.memory_space<hbm>>
    %dma_start3A_20 = arith.constant 0 : i32
    %dma_start3A_21 = tpu.memref_slice %arg2[%add3A_15, %dma_start3A_20] : memref<81920x128xf32, #tpu.memory_space<hbm>> -> memref<128x128xf32, #tpu.memory_space<hbm>>
    tpu.enqueue_dma source(%dma_start3A_21 : memref<128x128xf32, #tpu.memory_space<hbm>>) target(%arg11 : memref<128x128xf32, #tpu.memory_space<vmem>>) target_semaphore(%arg13 : memref<!tpu.dma_semaphore, #tpu.memory_space<semaphore_mem>>)
    %scan3A = arith.constant 0 : i32
    %scan3A_22 = arith.constant 0 : i32
    %scan3A_23 = arith.constant 10 : i32
    %scan3A_24 = arith.addi %scan3A_22, %scan3A_23 : i32
    %scan3A_25 = arith.constant 1 : i32
    scf.for %scan3A_32 = %scan3A_22 to %scan3A_24 step %scan3A_25  : i32 {
      %mul3A_33 = arith.constant 2 : i32
      %mul3A_34 = arith.muli %mul3A_33, %scan3A_32 : i32
      %dma_wait3A = arith.constant 0 : i32
      %dma_wait3A_35 = tpu.memref_slice %arg3[%dma_wait3A] : memref<81920xi32, #tpu.memory_space<hbm>> -> memref<128xi32, #tpu.memory_space<hbm>>
      %dma_wait3A_36 = arith.constant 0 : i32
      %dma_wait3A_37 = tpu.memref_slice %arg3[%dma_wait3A_36] : memref<81920xi32, #tpu.memory_space<hbm>> -> memref<128xi32, #tpu.memory_space<hbm>>
      tpu.wait_dma2 semaphore(%arg12 : memref<!tpu.dma_semaphore, #tpu.memory_space<semaphore_mem>>) src(%dma_wait3A_37 : memref<128xi32, #tpu.memory_space<hbm>>) dst(%arg8 : memref<128xi32, #tpu.memory_space<vmem>>)
      %dma_wait3A_38 = arith.constant 0 : i32
      %dma_wait3A_39 = arith.constant 0 : i32
      %dma_wait3A_40 = tpu.memref_slice %arg2[%dma_wait3A_38, %dma_wait3A_39] : memref<81920x128xf32, #tpu.memory_space<hbm>> -> memref<128x128xf32, #tpu.memory_space<hbm>>
      %dma_wait3A_41 = arith.constant 0 : i32
      %dma_wait3A_42 = arith.constant 0 : i32
      %dma_wait3A_43 = tpu.memref_slice %arg2[%dma_wait3A_41, %dma_wait3A_42] : memref<81920x128xf32, #tpu.memory_space<hbm>> -> memref<128x128xf32, #tpu.memory_space<hbm>>
      tpu.wait_dma2 semaphore(%arg12 : memref<!tpu.dma_semaphore, #tpu.memory_space<semaphore_mem>>) src(%dma_wait3A_43 : memref<128x128xf32, #tpu.memory_space<hbm>>) dst(%arg10 : memref<128x128xf32, #tpu.memory_space<vmem>>)
      %dma_start3A_44 = arith.constant 0 : i32
      %dma_start3A_45 = arith.constant 0 : i32
      %dma_start3A_46 = tpu.memref_slice %arg6[%dma_start3A_44, %dma_start3A_45] : memref<10240x128xf32, #tpu.memory_space<vmem_shared>> -> memref<10240x128xf32, #tpu.memory_space<vmem_shared>>
      tpu.enqueue_indirect_dma source(%arg10 : memref<128x128xf32, #tpu.memory_space<vmem>>) target(%dma_start3A_46 : memref<10240x128xf32, #tpu.memory_space<vmem_shared>>) offsets(%arg8 : memref<128xi32, #tpu.memory_space<vmem>>) semaphore(%arg14 : memref<!tpu.dma_semaphore, #tpu.memory_space<semaphore_mem>>) {add = true}
      %dma_wait3A_47 = arith.constant 0 : i32
      %dma_wait3A_48 = tpu.memref_slice %arg3[%dma_wait3A_47] : memref<81920xi32, #tpu.memory_space<hbm>> -> memref<128xi32, #tpu.memory_space<hbm>>
      %dma_wait3A_49 = arith.constant 0 : i32
      %dma_wait3A_50 = tpu.memref_slice %arg3[%dma_wait3A_49] : memref<81920xi32, #tpu.memory_space<hbm>> -> memref<128xi32, #tpu.memory_space<hbm>>
      tpu.wait_dma2 semaphore(%arg13 : memref<!tpu.dma_semaphore, #tpu.memory_space<semaphore_mem>>) src(%dma_wait3A_50 : memref<128xi32, #tpu.memory_space<hbm>>) dst(%arg9 : memref<128xi32, #tpu.memory_space<vmem>>)
      %dma_wait3A_51 = arith.constant 0 : i32
      %dma_wait3A_52 = arith.constant 0 : i32
      %dma_wait3A_53 = tpu.memref_slice %arg2[%dma_wait3A_51, %dma_wait3A_52] : memref<81920x128xf32, #tpu.memory_space<hbm>> -> memref<128x128xf32, #tpu.memory_space<hbm>>
      %dma_wait3A_54 = arith.constant 0 : i32
      %dma_wait3A_55 = arith.constant 0 : i32
      %dma_wait3A_56 = tpu.memref_slice %arg2[%dma_wait3A_54, %dma_wait3A_55] : memref<81920x128xf32, #tpu.memory_space<hbm>> -> memref<128x128xf32, #tpu.memory_space<hbm>>
      tpu.wait_dma2 semaphore(%arg13 : memref<!tpu.dma_semaphore, #tpu.memory_space<semaphore_mem>>) src(%dma_wait3A_56 : memref<128x128xf32, #tpu.memory_space<hbm>>) dst(%arg11 : memref<128x128xf32, #tpu.memory_space<vmem>>)
      %dma_start3A_57 = arith.constant 0 : i32
      %dma_start3A_58 = arith.constant 0 : i32
      %dma_start3A_59 = tpu.memref_slice %arg6[%dma_start3A_57, %dma_start3A_58] : memref<10240x128xf32, #tpu.memory_space<vmem_shared>> -> memref<10240x128xf32, #tpu.memory_space<vmem_shared>>
      tpu.enqueue_indirect_dma source(%arg11 : memref<128x128xf32, #tpu.memory_space<vmem>>) target(%dma_start3A_59 : memref<10240x128xf32, #tpu.memory_space<vmem_shared>>) offsets(%arg9 : memref<128xi32, #tpu.memory_space<vmem>>) semaphore(%arg15 : memref<!tpu.dma_semaphore, #tpu.memory_space<semaphore_mem>>) {add = true}
      %dma_wait3A_60 = arith.constant 0 : i32
      %dma_wait3A_61 = arith.constant 0 : i32
      %dma_wait3A_62 = tpu.memref_slice %arg6[%dma_wait3A_60, %dma_wait3A_61] : memref<10240x128xf32, #tpu.memory_space<vmem_shared>> -> memref<10240x128xf32, #tpu.memory_space<vmem_shared>>
      tpu.wait_indirect_dma semaphore(%arg14 : memref<!tpu.dma_semaphore, #tpu.memory_space<semaphore_mem>>) src(%arg10 : memref<128x128xf32, #tpu.memory_space<vmem>>) dst(%dma_wait3A_62 : memref<10240x128xf32, #tpu.memory_space<vmem_shared>>)
      %add3A_63 = arith.constant 0 : i32
      %add3A_64 = arith.addi %mul3A_34, %add3A_63 : i32
      %add3A_65 = arith.constant 2 : i32
      %add3A_66 = arith.addi %add3A_64, %add3A_65 : i32
      %lt3A = arith.constant 20 : i32
      %lt3A_67 = arith.cmpi slt, %add3A_66, %lt3A : i32
      %convert_element_type3A = arith.extui %lt3A_67 : i1 to i32
      %cond3A = arith.constant 0 : i32
      %cond3A_68 = arith.cmpi ne, %convert_element_type3A, %cond3A : i32
      scf.if %cond3A_68 {
        %add3A_81 = arith.constant 0 : i32
        %add3A_82 = arith.addi %mul3A_34, %add3A_81 : i32
        %add3A_83 = arith.constant 2 : i32
        %add3A_84 = arith.addi %add3A_82, %add3A_83 : i32
        %mul3A_85 = arith.constant 128 : i32
        %mul3A_86 = arith.muli %add3A_84, %mul3A_85 : i32
        %add3A_87 = arith.addi %mul3A_2, %mul3A_86 : i32
        %dma_start3A_88 = tpu.memref_slice %arg3[%add3A_87] : memref<81920xi32, #tpu.memory_space<hbm>> -> memref<128xi32, #tpu.memory_space<hbm>>
        %dma_start3A_89 = tpu.memref_slice %arg3[%add3A_87] : memref<81920xi32, #tpu.memory_space<hbm>> -> memref<128xi32, #tpu.memory_space<hbm>>
        tpu.enqueue_dma source(%dma_start3A_89 : memref<128xi32, #tpu.memory_space<hbm>>) target(%arg8 : memref<128xi32, #tpu.memory_space<vmem>>) target_semaphore(%arg12 : memref<!tpu.dma_semaphore, #tpu.memory_space<semaphore_mem>>)
        %dma_start3A_90 = arith.constant 0 : i32
        %dma_start3A_91 = tpu.memref_slice %arg2[%add3A_87, %dma_start3A_90] : memref<81920x128xf32, #tpu.memory_space<hbm>> -> memref<128x128xf32, #tpu.memory_space<hbm>>
        %dma_start3A_92 = arith.constant 0 : i32
        %dma_start3A_93 = tpu.memref_slice %arg2[%add3A_87, %dma_start3A_92] : memref<81920x128xf32, #tpu.memory_space<hbm>> -> memref<128x128xf32, #tpu.memory_space<hbm>>
        tpu.enqueue_dma source(%dma_start3A_93 : memref<128x128xf32, #tpu.memory_space<hbm>>) target(%arg10 : memref<128x128xf32, #tpu.memory_space<vmem>>) target_semaphore(%arg12 : memref<!tpu.dma_semaphore, #tpu.memory_space<semaphore_mem>>)
      } else {
      }
      %dma_wait3A_69 = arith.constant 0 : i32
      %dma_wait3A_70 = arith.constant 0 : i32
      %dma_wait3A_71 = tpu.memref_slice %arg6[%dma_wait3A_69, %dma_wait3A_70] : memref<10240x128xf32, #tpu.memory_space<vmem_shared>> -> memref<10240x128xf32, #tpu.memory_space<vmem_shared>>
      tpu.wait_indirect_dma semaphore(%arg15 : memref<!tpu.dma_semaphore, #tpu.memory_space<semaphore_mem>>) src(%arg11 : memref<128x128xf32, #tpu.memory_space<vmem>>) dst(%dma_wait3A_71 : memref<10240x128xf32, #tpu.memory_space<vmem_shared>>)
      %add3A_72 = arith.constant 1 : i32
      %add3A_73 = arith.addi %mul3A_34, %add3A_72 : i32
      %add3A_74 = arith.constant 2 : i32
      %add3A_75 = arith.addi %add3A_73, %add3A_74 : i32
      %lt3A_76 = arith.constant 20 : i32
      %lt3A_77 = arith.cmpi slt, %add3A_75, %lt3A_76 : i32
      %convert_element_type3A_78 = arith.extui %lt3A_77 : i1 to i32
      %cond3A_79 = arith.constant 0 : i32
      %cond3A_80 = arith.cmpi ne, %convert_element_type3A_78, %cond3A_79 : i32
      scf.if %cond3A_80 {
        %add3A_81 = arith.constant 1 : i32
        %add3A_82 = arith.addi %mul3A_34, %add3A_81 : i32
        %add3A_83 = arith.constant 2 : i32
        %add3A_84 = arith.addi %add3A_82, %add3A_83 : i32
        %mul3A_85 = arith.constant 128 : i32
        %mul3A_86 = arith.muli %add3A_84, %mul3A_85 : i32
        %add3A_87 = arith.addi %mul3A_2, %mul3A_86 : i32
        %dma_start3A_88 = tpu.memref_slice %arg3[%add3A_87] : memref<81920xi32, #tpu.memory_space<hbm>> -> memref<128xi32, #tpu.memory_space<hbm>>
        %dma_start3A_89 = tpu.memref_slice %arg3[%add3A_87] : memref<81920xi32, #tpu.memory_space<hbm>> -> memref<128xi32, #tpu.memory_space<hbm>>
        tpu.enqueue_dma source(%dma_start3A_89 : memref<128xi32, #tpu.memory_space<hbm>>) target(%arg9 : memref<128xi32, #tpu.memory_space<vmem>>) target_semaphore(%arg13 : memref<!tpu.dma_semaphore, #tpu.memory_space<semaphore_mem>>)
        %dma_start3A_90 = arith.constant 0 : i32
        %dma_start3A_91 = tpu.memref_slice %arg2[%add3A_87, %dma_start3A_90] : memref<81920x128xf32, #tpu.memory_space<hbm>> -> memref<128x128xf32, #tpu.memory_space<hbm>>
        %dma_start3A_92 = arith.constant 0 : i32
        %dma_start3A_93 = tpu.memref_slice %arg2[%add3A_87, %dma_start3A_92] : memref<81920x128xf32, #tpu.memory_space<hbm>> -> memref<128x128xf32, #tpu.memory_space<hbm>>
        tpu.enqueue_dma source(%dma_start3A_93 : memref<128x128xf32, #tpu.memory_space<hbm>>) target(%arg11 : memref<128x128xf32, #tpu.memory_space<vmem>>) target_semaphore(%arg13 : memref<!tpu.dma_semaphore, #tpu.memory_space<semaphore_mem>>)
      } else {
      }
    }
    %scan3A_26 = arith.constant 10 : i32
    %barrier3A_27 = arith.constant 0 : index
    tpu.barrier barrier_id(%barrier3A_27)
    %mul3A_28 = arith.constant 640 : i32
    %mul3A_29 = arith.muli %arg1, %mul3A_28 : i32
    %mul3A_30 = arith.constant 640 : i32
    %mul3A_31 = arith.muli %arg1, %mul3A_30 : i32
    "tpu.region"() ({
      %run_scoped3A = tpu.sem_alloc : memref<!tpu.dma_semaphore, #tpu.memory_space<semaphore_mem>>
      %dma_start3A_32 = arith.constant 0 : i32
      %dma_start3A_33 = tpu.memref_slice %arg5[%arg0, %mul3A_31, %dma_start3A_32] : memref<2x10240x128xf32, #tpu.memory_space<hbm>> -> memref<1x640x128xf32, #tpu.memory_space<hbm>>
      %dma_start3A_34 = tpu.memref_squeeze %dma_start3A_33 : memref<1x640x128xf32, #tpu.memory_space<hbm>> -> memref<640x128xf32, #tpu.memory_space<hbm>>
      %dma_start3A_35 = arith.constant 0 : i32
      %dma_start3A_36 = tpu.memref_slice %arg6[%mul3A_29, %dma_start3A_35] : memref<10240x128xf32, #tpu.memory_space<vmem_shared>> -> memref<640x128xf32, #tpu.memory_space<vmem_shared>>
      tpu.enqueue_dma source(%dma_start3A_36 : memref<640x128xf32, #tpu.memory_space<vmem_shared>>) target(%dma_start3A_34 : memref<640x128xf32, #tpu.memory_space<hbm>>) target_semaphore(%run_scoped3A : memref<!tpu.dma_semaphore, #tpu.memory_space<semaphore_mem>>)
      %dma_wait3A = arith.constant 0 : i32
      %dma_wait3A_37 = tpu.memref_slice %arg5[%arg0, %mul3A_31, %dma_wait3A] : memref<2x10240x128xf32, #tpu.memory_space<hbm>> -> memref<1x640x128xf32, #tpu.memory_space<hbm>>
      %dma_wait3A_38 = tpu.memref_squeeze %dma_wait3A_37 : memref<1x640x128xf32, #tpu.memory_space<hbm>> -> memref<640x128xf32, #tpu.memory_space<hbm>>
      %dma_wait3A_39 = arith.constant 0 : i32
      %dma_wait3A_40 = tpu.memref_slice %arg6[%mul3A_29, %dma_wait3A_39] : memref<10240x128xf32, #tpu.memory_space<vmem_shared>> -> memref<640x128xf32, #tpu.memory_space<vmem_shared>>
      tpu.wait_dma2 semaphore(%run_scoped3A : memref<!tpu.dma_semaphore, #tpu.memory_space<semaphore_mem>>) src(%dma_wait3A_40 : memref<640x128xf32, #tpu.memory_space<vmem_shared>>) dst(%dma_wait3A_38 : memref<640x128xf32, #tpu.memory_space<hbm>>)
      tpu.yield
    }) : () -> ()
    return
  }
}

#map = affine_map<(d0, d1) -> (0, 0)>
#map1 = affine_map<(d0, d1) -> (0)>
#map2 = affine_map<(d0, d1) -> (0, 0, 0)>
module attributes {stable_mosaic.version = 14 : i64} {
  func.func @k(%arg0: i32, %arg1: i32, %arg2: memref<81920x128xf32, #tpu.memory_space<hbm>>, %arg3: memref<81920xi32, #tpu.memory_space<hbm>>, %arg4: memref<10240x128xf32, #tpu.memory_space<hbm>>, %arg5: memref<2x10240x128xf32, #tpu.memory_space<hbm>>, %arg6: memref<10240x128xf32, #tpu.memory_space<vmem_shared>>, %arg7: memref<8xi32, #tpu.memory_space<vmem>>, %arg8: memref<128xi32, #tpu.memory_space<vmem>>, %arg9: memref<128xi32, #tpu.memory_space<vmem>>, %arg10: memref<128x128xf32, #tpu.memory_space<vmem>>, %arg11: memref<128x128xf32, #tpu.memory_space<vmem>>, %arg12: memref<!tpu.dma_semaphore, #tpu.memory_space<semaphore_mem>>, %arg13: memref<!tpu.dma_semaphore, #tpu.memory_space<semaphore_mem>>, %arg14: memref<!tpu.dma_semaphore, #tpu.memory_space<semaphore_mem>>, %arg15: memref<!tpu.dma_semaphore, #tpu.memory_space<semaphore_mem>>) attributes {dimension_semantics = [#tpu.dimension_semantics<core_parallel>, #tpu.dimension_semantics<subcore_parallel>], iteration_bounds = array<i64: 2, 16>, scalar_prefetch = 0 : i64, scratch_operands = 10 : i64, tpu.core_type = #tpu.core_type<sc_vector_subcore>, window_params = [{transform_indices = #map}, {transform_indices = #map1}, {transform_indices = #map}, {transform_indices = #map2}]} {
    %mul3A = arith.constant 2 : i32
    %mul3A_0 = arith.muli %arg1, %mul3A : i32
    %add3A = arith.addi %mul3A_0, %arg0 : i32
    %mul3A_1 = arith.constant 2560 : i32
    %mul3A_2 = arith.muli %add3A, %mul3A_1 : i32
    %mul3A_3 = arith.constant 640 : i32
    %mul3A_4 = arith.muli %arg1, %mul3A_3 : i32
    %mul3A_5 = arith.constant 640 : i32
    %mul3A_6 = arith.muli %arg1, %mul3A_5 : i32
    "tpu.region"() ({
      %run_scoped3A = tpu.sem_alloc : memref<!tpu.dma_semaphore, #tpu.memory_space<semaphore_mem>>
      %dma_start3A_32 = arith.constant 0 : i32
      %dma_start3A_33 = tpu.memref_slice %arg6[%mul3A_6, %dma_start3A_32] : memref<10240x128xf32, #tpu.memory_space<vmem_shared>> -> memref<640x128xf32, #tpu.memory_space<vmem_shared>>
      %dma_start3A_34 = arith.constant 0 : i32
      %dma_start3A_35 = tpu.memref_slice %arg4[%mul3A_4, %dma_start3A_34] : memref<10240x128xf32, #tpu.memory_space<hbm>> -> memref<640x128xf32, #tpu.memory_space<hbm>>
      tpu.enqueue_dma source(%dma_start3A_35 : memref<640x128xf32, #tpu.memory_space<hbm>>) target(%dma_start3A_33 : memref<640x128xf32, #tpu.memory_space<vmem_shared>>) target_semaphore(%run_scoped3A : memref<!tpu.dma_semaphore, #tpu.memory_space<semaphore_mem>>)
      %dma_wait3A = arith.constant 0 : i32
      %dma_wait3A_36 = tpu.memref_slice %arg6[%mul3A_6, %dma_wait3A] : memref<10240x128xf32, #tpu.memory_space<vmem_shared>> -> memref<640x128xf32, #tpu.memory_space<vmem_shared>>
      %dma_wait3A_37 = arith.constant 0 : i32
      %dma_wait3A_38 = tpu.memref_slice %arg4[%mul3A_4, %dma_wait3A_37] : memref<10240x128xf32, #tpu.memory_space<hbm>> -> memref<640x128xf32, #tpu.memory_space<hbm>>
      tpu.wait_dma2 semaphore(%run_scoped3A : memref<!tpu.dma_semaphore, #tpu.memory_space<semaphore_mem>>) src(%dma_wait3A_38 : memref<640x128xf32, #tpu.memory_space<hbm>>) dst(%dma_wait3A_36 : memref<640x128xf32, #tpu.memory_space<vmem_shared>>)
      tpu.yield
    }) : () -> ()
    %barrier3A = arith.constant 0 : index
    tpu.barrier barrier_id(%barrier3A)
    %add3A_7 = arith.constant 0 : i32
    %add3A_8 = arith.addi %mul3A_2, %add3A_7 : i32
    %dma_start3A = tpu.memref_slice %arg3[%add3A_8] : memref<81920xi32, #tpu.memory_space<hbm>> -> memref<128xi32, #tpu.memory_space<hbm>>
    %dma_start3A_9 = tpu.memref_slice %arg3[%add3A_8] : memref<81920xi32, #tpu.memory_space<hbm>> -> memref<128xi32, #tpu.memory_space<hbm>>
    tpu.enqueue_dma source(%dma_start3A_9 : memref<128xi32, #tpu.memory_space<hbm>>) target(%arg8 : memref<128xi32, #tpu.memory_space<vmem>>) target_semaphore(%arg12 : memref<!tpu.dma_semaphore, #tpu.memory_space<semaphore_mem>>)
    %dma_start3A_10 = arith.constant 0 : i32
    %dma_start3A_11 = tpu.memref_slice %arg2[%add3A_8, %dma_start3A_10] : memref<81920x128xf32, #tpu.memory_space<hbm>> -> memref<128x128xf32, #tpu.memory_space<hbm>>
    %dma_start3A_12 = arith.constant 0 : i32
    %dma_start3A_13 = tpu.memref_slice %arg2[%add3A_8, %dma_start3A_12] : memref<81920x128xf32, #tpu.memory_space<hbm>> -> memref<128x128xf32, #tpu.memory_space<hbm>>
    tpu.enqueue_dma source(%dma_start3A_13 : memref<128x128xf32, #tpu.memory_space<hbm>>) target(%arg10 : memref<128x128xf32, #tpu.memory_space<vmem>>) target_semaphore(%arg12 : memref<!tpu.dma_semaphore, #tpu.memory_space<semaphore_mem>>)
    %add3A_14 = arith.constant 128 : i32
    %add3A_15 = arith.addi %mul3A_2, %add3A_14 : i32
    %dma_start3A_16 = tpu.memref_slice %arg3[%add3A_15] : memref<81920xi32, #tpu.memory_space<hbm>> -> memref<128xi32, #tpu.memory_space<hbm>>
    %dma_start3A_17 = tpu.memref_slice %arg3[%add3A_15] : memref<81920xi32, #tpu.memory_space<hbm>> -> memref<128xi32, #tpu.memory_space<hbm>>
    tpu.enqueue_dma source(%dma_start3A_17 : memref<128xi32, #tpu.memory_space<hbm>>) target(%arg9 : memref<128xi32, #tpu.memory_space<vmem>>) target_semaphore(%arg13 : memref<!tpu.dma_semaphore, #tpu.memory_space<semaphore_mem>>)
    %dma_start3A_18 = arith.constant 0 : i32
    %dma_start3A_19 = tpu.memref_slice %arg2[%add3A_15, %dma_start3A_18] : memref<81920x128xf32, #tpu.memory_space<hbm>> -> memref<128x128xf32, #tpu.memory_space<hbm>>
    %dma_start3A_20 = arith.constant 0 : i32
    %dma_start3A_21 = tpu.memref_slice %arg2[%add3A_15, %dma_start3A_20] : memref<81920x128xf32, #tpu.memory_space<hbm>> -> memref<128x128xf32, #tpu.memory_space<hbm>>
    tpu.enqueue_dma source(%dma_start3A_21 : memref<128x128xf32, #tpu.memory_space<hbm>>) target(%arg11 : memref<128x128xf32, #tpu.memory_space<vmem>>) target_semaphore(%arg13 : memref<!tpu.dma_semaphore, #tpu.memory_space<semaphore_mem>>)
    %scan3A = arith.constant 0 : i32
    %scan3A_22 = arith.constant 0 : i32
    %scan3A_23 = arith.constant 10 : i32
    %scan3A_24 = arith.addi %scan3A_22, %scan3A_23 : i32
    %scan3A_25 = arith.constant 1 : i32
    scf.for %scan3A_32 = %scan3A_22 to %scan3A_24 step %scan3A_25  : i32 {
      %mul3A_33 = arith.constant 2 : i32
      %mul3A_34 = arith.muli %mul3A_33, %scan3A_32 : i32
      %dma_wait3A = arith.constant 0 : i32
      %dma_wait3A_35 = tpu.memref_slice %arg3[%dma_wait3A] : memref<81920xi32, #tpu.memory_space<hbm>> -> memref<128xi32, #tpu.memory_space<hbm>>
      %dma_wait3A_36 = arith.constant 0 : i32
      %dma_wait3A_37 = tpu.memref_slice %arg3[%dma_wait3A_36] : memref<81920xi32, #tpu.memory_space<hbm>> -> memref<128xi32, #tpu.memory_space<hbm>>
      tpu.wait_dma2 semaphore(%arg12 : memref<!tpu.dma_semaphore, #tpu.memory_space<semaphore_mem>>) src(%dma_wait3A_37 : memref<128xi32, #tpu.memory_space<hbm>>) dst(%arg8 : memref<128xi32, #tpu.memory_space<vmem>>)
      %dma_wait3A_38 = arith.constant 0 : i32
      %dma_wait3A_39 = arith.constant 0 : i32
      %dma_wait3A_40 = tpu.memref_slice %arg2[%dma_wait3A_38, %dma_wait3A_39] : memref<81920x128xf32, #tpu.memory_space<hbm>> -> memref<128x128xf32, #tpu.memory_space<hbm>>
      %dma_wait3A_41 = arith.constant 0 : i32
      %dma_wait3A_42 = arith.constant 0 : i32
      %dma_wait3A_43 = tpu.memref_slice %arg2[%dma_wait3A_41, %dma_wait3A_42] : memref<81920x128xf32, #tpu.memory_space<hbm>> -> memref<128x128xf32, #tpu.memory_space<hbm>>
      tpu.wait_dma2 semaphore(%arg12 : memref<!tpu.dma_semaphore, #tpu.memory_space<semaphore_mem>>) src(%dma_wait3A_43 : memref<128x128xf32, #tpu.memory_space<hbm>>) dst(%arg10 : memref<128x128xf32, #tpu.memory_space<vmem>>)
      %dma_start3A_44 = arith.constant 0 : i32
      %dma_start3A_45 = arith.constant 0 : i32
      %dma_start3A_46 = tpu.memref_slice %arg6[%dma_start3A_44, %dma_start3A_45] : memref<10240x128xf32, #tpu.memory_space<vmem_shared>> -> memref<10240x128xf32, #tpu.memory_space<vmem_shared>>
      tpu.enqueue_indirect_dma source(%arg10 : memref<128x128xf32, #tpu.memory_space<vmem>>) target(%dma_start3A_46 : memref<10240x128xf32, #tpu.memory_space<vmem_shared>>) offsets(%arg8 : memref<128xi32, #tpu.memory_space<vmem>>) semaphore(%arg14 : memref<!tpu.dma_semaphore, #tpu.memory_space<semaphore_mem>>) {add = true}
      %dma_wait3A_47 = arith.constant 0 : i32
      %dma_wait3A_48 = tpu.memref_slice %arg3[%dma_wait3A_47] : memref<81920xi32, #tpu.memory_space<hbm>> -> memref<128xi32, #tpu.memory_space<hbm>>
      %dma_wait3A_49 = arith.constant 0 : i32
      %dma_wait3A_50 = tpu.memref_slice %arg3[%dma_wait3A_49] : memref<81920xi32, #tpu.memory_space<hbm>> -> memref<128xi32, #tpu.memory_space<hbm>>
      tpu.wait_dma2 semaphore(%arg13 : memref<!tpu.dma_semaphore, #tpu.memory_space<semaphore_mem>>) src(%dma_wait3A_50 : memref<128xi32, #tpu.memory_space<hbm>>) dst(%arg9 : memref<128xi32, #tpu.memory_space<vmem>>)
      %dma_wait3A_51 = arith.constant 0 : i32
      %dma_wait3A_52 = arith.constant 0 : i32
      %dma_wait3A_53 = tpu.memref_slice %arg2[%dma_wait3A_51, %dma_wait3A_52] : memref<81920x128xf32, #tpu.memory_space<hbm>> -> memref<128x128xf32, #tpu.memory_space<hbm>>
      %dma_wait3A_54 = arith.constant 0 : i32
      %dma_wait3A_55 = arith.constant 0 : i32
      %dma_wait3A_56 = tpu.memref_slice %arg2[%dma_wait3A_54, %dma_wait3A_55] : memref<81920x128xf32, #tpu.memory_space<hbm>> -> memref<128x128xf32, #tpu.memory_space<hbm>>
      tpu.wait_dma2 semaphore(%arg13 : memref<!tpu.dma_semaphore, #tpu.memory_space<semaphore_mem>>) src(%dma_wait3A_56 : memref<128x128xf32, #tpu.memory_space<hbm>>) dst(%arg11 : memref<128x128xf32, #tpu.memory_space<vmem>>)
      %dma_start3A_57 = arith.constant 0 : i32
      %dma_start3A_58 = arith.constant 0 : i32
      %dma_start3A_59 = tpu.memref_slice %arg6[%dma_start3A_57, %dma_start3A_58] : memref<10240x128xf32, #tpu.memory_space<vmem_shared>> -> memref<10240x128xf32, #tpu.memory_space<vmem_shared>>
      tpu.enqueue_indirect_dma source(%arg11 : memref<128x128xf32, #tpu.memory_space<vmem>>) target(%dma_start3A_59 : memref<10240x128xf32, #tpu.memory_space<vmem_shared>>) offsets(%arg9 : memref<128xi32, #tpu.memory_space<vmem>>) semaphore(%arg15 : memref<!tpu.dma_semaphore, #tpu.memory_space<semaphore_mem>>) {add = true}
      %dma_wait3A_60 = arith.constant 0 : i32
      %dma_wait3A_61 = arith.constant 0 : i32
      %dma_wait3A_62 = tpu.memref_slice %arg6[%dma_wait3A_60, %dma_wait3A_61] : memref<10240x128xf32, #tpu.memory_space<vmem_shared>> -> memref<10240x128xf32, #tpu.memory_space<vmem_shared>>
      tpu.wait_indirect_dma semaphore(%arg14 : memref<!tpu.dma_semaphore, #tpu.memory_space<semaphore_mem>>) src(%arg10 : memref<128x128xf32, #tpu.memory_space<vmem>>) dst(%dma_wait3A_62 : memref<10240x128xf32, #tpu.memory_space<vmem_shared>>)
      %add3A_63 = arith.constant 0 : i32
      %add3A_64 = arith.addi %mul3A_34, %add3A_63 : i32
      %add3A_65 = arith.constant 2 : i32
      %add3A_66 = arith.addi %add3A_64, %add3A_65 : i32
      %lt3A = arith.constant 20 : i32
      %lt3A_67 = arith.cmpi slt, %add3A_66, %lt3A : i32
      %convert_element_type3A = arith.extui %lt3A_67 : i1 to i32
      %cond3A = arith.constant 0 : i32
      %cond3A_68 = arith.cmpi ne, %convert_element_type3A, %cond3A : i32
      scf.if %cond3A_68 {
        %add3A_81 = arith.constant 0 : i32
        %add3A_82 = arith.addi %mul3A_34, %add3A_81 : i32
        %add3A_83 = arith.constant 2 : i32
        %add3A_84 = arith.addi %add3A_82, %add3A_83 : i32
        %mul3A_85 = arith.constant 128 : i32
        %mul3A_86 = arith.muli %add3A_84, %mul3A_85 : i32
        %add3A_87 = arith.addi %mul3A_2, %mul3A_86 : i32
        %dma_start3A_88 = tpu.memref_slice %arg3[%add3A_87] : memref<81920xi32, #tpu.memory_space<hbm>> -> memref<128xi32, #tpu.memory_space<hbm>>
        %dma_start3A_89 = tpu.memref_slice %arg3[%add3A_87] : memref<81920xi32, #tpu.memory_space<hbm>> -> memref<128xi32, #tpu.memory_space<hbm>>
        tpu.enqueue_dma source(%dma_start3A_89 : memref<128xi32, #tpu.memory_space<hbm>>) target(%arg8 : memref<128xi32, #tpu.memory_space<vmem>>) target_semaphore(%arg12 : memref<!tpu.dma_semaphore, #tpu.memory_space<semaphore_mem>>)
        %dma_start3A_90 = arith.constant 0 : i32
        %dma_start3A_91 = tpu.memref_slice %arg2[%add3A_87, %dma_start3A_90] : memref<81920x128xf32, #tpu.memory_space<hbm>> -> memref<128x128xf32, #tpu.memory_space<hbm>>
        %dma_start3A_92 = arith.constant 0 : i32
        %dma_start3A_93 = tpu.memref_slice %arg2[%add3A_87, %dma_start3A_92] : memref<81920x128xf32, #tpu.memory_space<hbm>> -> memref<128x128xf32, #tpu.memory_space<hbm>>
        tpu.enqueue_dma source(%dma_start3A_93 : memref<128x128xf32, #tpu.memory_space<hbm>>) target(%arg10 : memref<128x128xf32, #tpu.memory_space<vmem>>) target_semaphore(%arg12 : memref<!tpu.dma_semaphore, #tpu.memory_space<semaphore_mem>>)
      } else {
      }
      %dma_wait3A_69 = arith.constant 0 : i32
      %dma_wait3A_70 = arith.constant 0 : i32
      %dma_wait3A_71 = tpu.memref_slice %arg6[%dma_wait3A_69, %dma_wait3A_70] : memref<10240x128xf32, #tpu.memory_space<vmem_shared>> -> memref<10240x128xf32, #tpu.memory_space<vmem_shared>>
      tpu.wait_indirect_dma semaphore(%arg15 : memref<!tpu.dma_semaphore, #tpu.memory_space<semaphore_mem>>) src(%arg11 : memref<128x128xf32, #tpu.memory_space<vmem>>) dst(%dma_wait3A_71 : memref<10240x128xf32, #tpu.memory_space<vmem_shared>>)
      %add3A_72 = arith.constant 1 : i32
      %add3A_73 = arith.addi %mul3A_34, %add3A_72 : i32
      %add3A_74 = arith.constant 2 : i32
      %add3A_75 = arith.addi %add3A_73, %add3A_74 : i32
      %lt3A_76 = arith.constant 20 : i32
      %lt3A_77 = arith.cmpi slt, %add3A_75, %lt3A_76 : i32
      %convert_element_type3A_78 = arith.extui %lt3A_77 : i1 to i32
      %cond3A_79 = arith.constant 0 : i32
      %cond3A_80 = arith.cmpi ne, %convert_element_type3A_78, %cond3A_79 : i32
      scf.if %cond3A_80 {
        %add3A_81 = arith.constant 1 : i32
        %add3A_82 = arith.addi %mul3A_34, %add3A_81 : i32
        %add3A_83 = arith.constant 2 : i32
        %add3A_84 = arith.addi %add3A_82, %add3A_83 : i32
        %mul3A_85 = arith.constant 128 : i32
        %mul3A_86 = arith.muli %add3A_84, %mul3A_85 : i32
        %add3A_87 = arith.addi %mul3A_2, %mul3A_86 : i32
        %dma_start3A_88 = tpu.memref_slice %arg3[%add3A_87] : memref<81920xi32, #tpu.memory_space<hbm>> -> memref<128xi32, #tpu.memory_space<hbm>>
        %dma_start3A_89 = tpu.memref_slice %arg3[%add3A_87] : memref<81920xi32, #tpu.memory_space<hbm>> -> memref<128xi32, #tpu.memory_space<hbm>>
        tpu.enqueue_dma source(%dma_start3A_89 : memref<128xi32, #tpu.memory_space<hbm>>) target(%arg9 : memref<128xi32, #tpu.memory_space<vmem>>) target_semaphore(%arg13 : memref<!tpu.dma_semaphore, #tpu.memory_space<semaphore_mem>>)
        %dma_start3A_90 = arith.constant 0 : i32
        %dma_start3A_91 = tpu.memref_slice %arg2[%add3A_87, %dma_start3A_90] : memref<81920x128xf32, #tpu.memory_space<hbm>> -> memref<128x128xf32, #tpu.memory_space<hbm>>
        %dma_start3A_92 = arith.constant 0 : i32
        %dma_start3A_93 = tpu.memref_slice %arg2[%add3A_87, %dma_start3A_92] : memref<81920x128xf32, #tpu.memory_space<hbm>> -> memref<128x128xf32, #tpu.memory_space<hbm>>
        tpu.enqueue_dma source(%dma_start3A_93 : memref<128x128xf32, #tpu.memory_space<hbm>>) target(%arg11 : memref<128x128xf32, #tpu.memory_space<vmem>>) target_semaphore(%arg13 : memref<!tpu.dma_semaphore, #tpu.memory_space<semaphore_mem>>)
      } else {
      }
    }
    %scan3A_26 = arith.constant 10 : i32
    %barrier3A_27 = arith.constant 0 : index
    tpu.barrier barrier_id(%barrier3A_27)
    %mul3A_28 = arith.constant 640 : i32
    %mul3A_29 = arith.muli %arg1, %mul3A_28 : i32
    %mul3A_30 = arith.constant 640 : i32
    %mul3A_31 = arith.muli %arg1, %mul3A_30 : i32
    "tpu.region"() ({
      %run_scoped3A = tpu.sem_alloc : memref<!tpu.dma_semaphore, #tpu.memory_space<semaphore_mem>>
      %dma_start3A_32 = arith.constant 0 : i32
      %dma_start3A_33 = tpu.memref_slice %arg5[%arg0, %mul3A_31, %dma_start3A_32] : memref<2x10240x128xf32, #tpu.memory_space<hbm>> -> memref<1x640x128xf32, #tpu.memory_space<hbm>>
      %dma_start3A_34 = tpu.memref_squeeze %dma_start3A_33 : memref<1x640x128xf32, #tpu.memory_space<hbm>> -> memref<640x128xf32, #tpu.memory_space<hbm>>
      %dma_start3A_35 = arith.constant 0 : i32
      %dma_start3A_36 = tpu.memref_slice %arg6[%mul3A_29, %dma_start3A_35] : memref<10240x128xf32, #tpu.memory_space<vmem_shared>> -> memref<640x128xf32, #tpu.memory_space<vmem_shared>>
      tpu.enqueue_dma source(%dma_start3A_36 : memref<640x128xf32, #tpu.memory_space<vmem_shared>>) target(%dma_start3A_34 : memref<640x128xf32, #tpu.memory_space<hbm>>) target_semaphore(%run_scoped3A : memref<!tpu.dma_semaphore, #tpu.memory_space<semaphore_mem>>)
      %dma_wait3A = arith.constant 0 : i32
      %dma_wait3A_37 = tpu.memref_slice %arg5[%arg0, %mul3A_31, %dma_wait3A] : memref<2x10240x128xf32, #tpu.memory_space<hbm>> -> memref<1x640x128xf32, #tpu.memory_space<hbm>>
      %dma_wait3A_38 = tpu.memref_squeeze %dma_wait3A_37 : memref<1x640x128xf32, #tpu.memory_space<hbm>> -> memref<640x128xf32, #tpu.memory_space<hbm>>
      %dma_wait3A_39 = arith.constant 0 : i32
      %dma_wait3A_40 = tpu.memref_slice %arg6[%mul3A_29, %dma_wait3A_39] : memref<10240x128xf32, #tpu.memory_space<vmem_shared>> -> memref<640x128xf32, #tpu.memory_space<vmem_shared>>
      tpu.wait_dma2 semaphore(%run_scoped3A : memref<!tpu.dma_semaphore, #tpu.memory_space<semaphore_mem>>) src(%dma_wait3A_40 : memref<640x128xf32, #tpu.memory_space<vmem_shared>>) dst(%dma_wait3A_38 : memref<640x128xf32, #tpu.memory_space<hbm>>)
      tpu.yield
    }) : () -> ()
    return
  }
}

#map = affine_map<(d0, d1) -> (0, 0)>
#map1 = affine_map<(d0, d1) -> (0)>
#map2 = affine_map<(d0, d1) -> (0, 0, 0)>
module attributes {stable_mosaic.version = 14 : i64} {
  func.func @k(%arg0: i32, %arg1: i32, %arg2: memref<81920x128xf32, #tpu.memory_space<hbm>>, %arg3: memref<81920xi32, #tpu.memory_space<hbm>>, %arg4: memref<10240x128xf32, #tpu.memory_space<hbm>>, %arg5: memref<2x10240x128xf32, #tpu.memory_space<hbm>>, %arg6: memref<10240x128xf32, #tpu.memory_space<vmem_shared>>, %arg7: memref<8xi32, #tpu.memory_space<vmem>>, %arg8: memref<128xi32, #tpu.memory_space<vmem>>, %arg9: memref<128xi32, #tpu.memory_space<vmem>>, %arg10: memref<128x128xf32, #tpu.memory_space<vmem>>, %arg11: memref<128x128xf32, #tpu.memory_space<vmem>>, %arg12: memref<!tpu.dma_semaphore, #tpu.memory_space<semaphore_mem>>, %arg13: memref<!tpu.dma_semaphore, #tpu.memory_space<semaphore_mem>>, %arg14: memref<!tpu.dma_semaphore, #tpu.memory_space<semaphore_mem>>, %arg15: memref<!tpu.dma_semaphore, #tpu.memory_space<semaphore_mem>>) attributes {dimension_semantics = [#tpu.dimension_semantics<core_parallel>, #tpu.dimension_semantics<subcore_parallel>], iteration_bounds = array<i64: 2, 16>, scalar_prefetch = 0 : i64, scratch_operands = 10 : i64, tpu.core_type = #tpu.core_type<sc_vector_subcore>, window_params = [{transform_indices = #map}, {transform_indices = #map1}, {transform_indices = #map}, {transform_indices = #map2}]} {
    %mul3A = arith.constant 2 : i32
    %mul3A_0 = arith.muli %arg1, %mul3A : i32
    %add3A = arith.addi %mul3A_0, %arg0 : i32
    %mul3A_1 = arith.constant 2560 : i32
    %mul3A_2 = arith.muli %add3A, %mul3A_1 : i32
    %mul3A_3 = arith.constant 640 : i32
    %mul3A_4 = arith.muli %arg1, %mul3A_3 : i32
    %mul3A_5 = arith.constant 640 : i32
    %mul3A_6 = arith.muli %arg1, %mul3A_5 : i32
    "tpu.region"() ({
      %run_scoped3A = tpu.sem_alloc : memref<!tpu.dma_semaphore, #tpu.memory_space<semaphore_mem>>
      %dma_start3A_32 = arith.constant 0 : i32
      %dma_start3A_33 = tpu.memref_slice %arg6[%mul3A_6, %dma_start3A_32] : memref<10240x128xf32, #tpu.memory_space<vmem_shared>> -> memref<640x128xf32, #tpu.memory_space<vmem_shared>>
      %dma_start3A_34 = arith.constant 0 : i32
      %dma_start3A_35 = tpu.memref_slice %arg4[%mul3A_4, %dma_start3A_34] : memref<10240x128xf32, #tpu.memory_space<hbm>> -> memref<640x128xf32, #tpu.memory_space<hbm>>
      tpu.enqueue_dma source(%dma_start3A_35 : memref<640x128xf32, #tpu.memory_space<hbm>>) target(%dma_start3A_33 : memref<640x128xf32, #tpu.memory_space<vmem_shared>>) target_semaphore(%run_scoped3A : memref<!tpu.dma_semaphore, #tpu.memory_space<semaphore_mem>>)
      %dma_wait3A = arith.constant 0 : i32
      %dma_wait3A_36 = tpu.memref_slice %arg6[%mul3A_6, %dma_wait3A] : memref<10240x128xf32, #tpu.memory_space<vmem_shared>> -> memref<640x128xf32, #tpu.memory_space<vmem_shared>>
      %dma_wait3A_37 = arith.constant 0 : i32
      %dma_wait3A_38 = tpu.memref_slice %arg4[%mul3A_4, %dma_wait3A_37] : memref<10240x128xf32, #tpu.memory_space<hbm>> -> memref<640x128xf32, #tpu.memory_space<hbm>>
      tpu.wait_dma2 semaphore(%run_scoped3A : memref<!tpu.dma_semaphore, #tpu.memory_space<semaphore_mem>>) src(%dma_wait3A_38 : memref<640x128xf32, #tpu.memory_space<hbm>>) dst(%dma_wait3A_36 : memref<640x128xf32, #tpu.memory_space<vmem_shared>>)
      tpu.yield
    }) : () -> ()
    %barrier3A = arith.constant 0 : index
    tpu.barrier barrier_id(%barrier3A)
    %add3A_7 = arith.constant 0 : i32
    %add3A_8 = arith.addi %mul3A_2, %add3A_7 : i32
    %dma_start3A = tpu.memref_slice %arg3[%add3A_8] : memref<81920xi32, #tpu.memory_space<hbm>> -> memref<128xi32, #tpu.memory_space<hbm>>
    %dma_start3A_9 = tpu.memref_slice %arg3[%add3A_8] : memref<81920xi32, #tpu.memory_space<hbm>> -> memref<128xi32, #tpu.memory_space<hbm>>
    tpu.enqueue_dma source(%dma_start3A_9 : memref<128xi32, #tpu.memory_space<hbm>>) target(%arg8 : memref<128xi32, #tpu.memory_space<vmem>>) target_semaphore(%arg12 : memref<!tpu.dma_semaphore, #tpu.memory_space<semaphore_mem>>)
    %dma_start3A_10 = arith.constant 0 : i32
    %dma_start3A_11 = tpu.memref_slice %arg2[%add3A_8, %dma_start3A_10] : memref<81920x128xf32, #tpu.memory_space<hbm>> -> memref<128x128xf32, #tpu.memory_space<hbm>>
    %dma_start3A_12 = arith.constant 0 : i32
    %dma_start3A_13 = tpu.memref_slice %arg2[%add3A_8, %dma_start3A_12] : memref<81920x128xf32, #tpu.memory_space<hbm>> -> memref<128x128xf32, #tpu.memory_space<hbm>>
    tpu.enqueue_dma source(%dma_start3A_13 : memref<128x128xf32, #tpu.memory_space<hbm>>) target(%arg10 : memref<128x128xf32, #tpu.memory_space<vmem>>) target_semaphore(%arg12 : memref<!tpu.dma_semaphore, #tpu.memory_space<semaphore_mem>>)
    %add3A_14 = arith.constant 128 : i32
    %add3A_15 = arith.addi %mul3A_2, %add3A_14 : i32
    %dma_start3A_16 = tpu.memref_slice %arg3[%add3A_15] : memref<81920xi32, #tpu.memory_space<hbm>> -> memref<128xi32, #tpu.memory_space<hbm>>
    %dma_start3A_17 = tpu.memref_slice %arg3[%add3A_15] : memref<81920xi32, #tpu.memory_space<hbm>> -> memref<128xi32, #tpu.memory_space<hbm>>
    tpu.enqueue_dma source(%dma_start3A_17 : memref<128xi32, #tpu.memory_space<hbm>>) target(%arg9 : memref<128xi32, #tpu.memory_space<vmem>>) target_semaphore(%arg13 : memref<!tpu.dma_semaphore, #tpu.memory_space<semaphore_mem>>)
    %dma_start3A_18 = arith.constant 0 : i32
    %dma_start3A_19 = tpu.memref_slice %arg2[%add3A_15, %dma_start3A_18] : memref<81920x128xf32, #tpu.memory_space<hbm>> -> memref<128x128xf32, #tpu.memory_space<hbm>>
    %dma_start3A_20 = arith.constant 0 : i32
    %dma_start3A_21 = tpu.memref_slice %arg2[%add3A_15, %dma_start3A_20] : memref<81920x128xf32, #tpu.memory_space<hbm>> -> memref<128x128xf32, #tpu.memory_space<hbm>>
    tpu.enqueue_dma source(%dma_start3A_21 : memref<128x128xf32, #tpu.memory_space<hbm>>) target(%arg11 : memref<128x128xf32, #tpu.memory_space<vmem>>) target_semaphore(%arg13 : memref<!tpu.dma_semaphore, #tpu.memory_space<semaphore_mem>>)
    %scan3A = arith.constant 0 : i32
    %scan3A_22 = arith.constant 0 : i32
    %scan3A_23 = arith.constant 10 : i32
    %scan3A_24 = arith.addi %scan3A_22, %scan3A_23 : i32
    %scan3A_25 = arith.constant 1 : i32
    scf.for %scan3A_32 = %scan3A_22 to %scan3A_24 step %scan3A_25  : i32 {
      %mul3A_33 = arith.constant 2 : i32
      %mul3A_34 = arith.muli %mul3A_33, %scan3A_32 : i32
      %dma_wait3A = arith.constant 0 : i32
      %dma_wait3A_35 = tpu.memref_slice %arg3[%dma_wait3A] : memref<81920xi32, #tpu.memory_space<hbm>> -> memref<128xi32, #tpu.memory_space<hbm>>
      %dma_wait3A_36 = arith.constant 0 : i32
      %dma_wait3A_37 = tpu.memref_slice %arg3[%dma_wait3A_36] : memref<81920xi32, #tpu.memory_space<hbm>> -> memref<128xi32, #tpu.memory_space<hbm>>
      tpu.wait_dma2 semaphore(%arg12 : memref<!tpu.dma_semaphore, #tpu.memory_space<semaphore_mem>>) src(%dma_wait3A_37 : memref<128xi32, #tpu.memory_space<hbm>>) dst(%arg8 : memref<128xi32, #tpu.memory_space<vmem>>)
      %dma_wait3A_38 = arith.constant 0 : i32
      %dma_wait3A_39 = arith.constant 0 : i32
      %dma_wait3A_40 = tpu.memref_slice %arg2[%dma_wait3A_38, %dma_wait3A_39] : memref<81920x128xf32, #tpu.memory_space<hbm>> -> memref<128x128xf32, #tpu.memory_space<hbm>>
      %dma_wait3A_41 = arith.constant 0 : i32
      %dma_wait3A_42 = arith.constant 0 : i32
      %dma_wait3A_43 = tpu.memref_slice %arg2[%dma_wait3A_41, %dma_wait3A_42] : memref<81920x128xf32, #tpu.memory_space<hbm>> -> memref<128x128xf32, #tpu.memory_space<hbm>>
      tpu.wait_dma2 semaphore(%arg12 : memref<!tpu.dma_semaphore, #tpu.memory_space<semaphore_mem>>) src(%dma_wait3A_43 : memref<128x128xf32, #tpu.memory_space<hbm>>) dst(%arg10 : memref<128x128xf32, #tpu.memory_space<vmem>>)
      %dma_start3A_44 = arith.constant 0 : i32
      %dma_start3A_45 = arith.constant 0 : i32
      %dma_start3A_46 = tpu.memref_slice %arg6[%dma_start3A_44, %dma_start3A_45] : memref<10240x128xf32, #tpu.memory_space<vmem_shared>> -> memref<10240x128xf32, #tpu.memory_space<vmem_shared>>
      tpu.enqueue_indirect_dma source(%arg10 : memref<128x128xf32, #tpu.memory_space<vmem>>) target(%dma_start3A_46 : memref<10240x128xf32, #tpu.memory_space<vmem_shared>>) offsets(%arg8 : memref<128xi32, #tpu.memory_space<vmem>>) semaphore(%arg14 : memref<!tpu.dma_semaphore, #tpu.memory_space<semaphore_mem>>) {add = true}
      %dma_wait3A_47 = arith.constant 0 : i32
      %dma_wait3A_48 = tpu.memref_slice %arg3[%dma_wait3A_47] : memref<81920xi32, #tpu.memory_space<hbm>> -> memref<128xi32, #tpu.memory_space<hbm>>
      %dma_wait3A_49 = arith.constant 0 : i32
      %dma_wait3A_50 = tpu.memref_slice %arg3[%dma_wait3A_49] : memref<81920xi32, #tpu.memory_space<hbm>> -> memref<128xi32, #tpu.memory_space<hbm>>
      tpu.wait_dma2 semaphore(%arg13 : memref<!tpu.dma_semaphore, #tpu.memory_space<semaphore_mem>>) src(%dma_wait3A_50 : memref<128xi32, #tpu.memory_space<hbm>>) dst(%arg9 : memref<128xi32, #tpu.memory_space<vmem>>)
      %dma_wait3A_51 = arith.constant 0 : i32
      %dma_wait3A_52 = arith.constant 0 : i32
      %dma_wait3A_53 = tpu.memref_slice %arg2[%dma_wait3A_51, %dma_wait3A_52] : memref<81920x128xf32, #tpu.memory_space<hbm>> -> memref<128x128xf32, #tpu.memory_space<hbm>>
      %dma_wait3A_54 = arith.constant 0 : i32
      %dma_wait3A_55 = arith.constant 0 : i32
      %dma_wait3A_56 = tpu.memref_slice %arg2[%dma_wait3A_54, %dma_wait3A_55] : memref<81920x128xf32, #tpu.memory_space<hbm>> -> memref<128x128xf32, #tpu.memory_space<hbm>>
      tpu.wait_dma2 semaphore(%arg13 : memref<!tpu.dma_semaphore, #tpu.memory_space<semaphore_mem>>) src(%dma_wait3A_56 : memref<128x128xf32, #tpu.memory_space<hbm>>) dst(%arg11 : memref<128x128xf32, #tpu.memory_space<vmem>>)
      %dma_start3A_57 = arith.constant 0 : i32
      %dma_start3A_58 = arith.constant 0 : i32
      %dma_start3A_59 = tpu.memref_slice %arg6[%dma_start3A_57, %dma_start3A_58] : memref<10240x128xf32, #tpu.memory_space<vmem_shared>> -> memref<10240x128xf32, #tpu.memory_space<vmem_shared>>
      tpu.enqueue_indirect_dma source(%arg11 : memref<128x128xf32, #tpu.memory_space<vmem>>) target(%dma_start3A_59 : memref<10240x128xf32, #tpu.memory_space<vmem_shared>>) offsets(%arg9 : memref<128xi32, #tpu.memory_space<vmem>>) semaphore(%arg15 : memref<!tpu.dma_semaphore, #tpu.memory_space<semaphore_mem>>) {add = true}
      %dma_wait3A_60 = arith.constant 0 : i32
      %dma_wait3A_61 = arith.constant 0 : i32
      %dma_wait3A_62 = tpu.memref_slice %arg6[%dma_wait3A_60, %dma_wait3A_61] : memref<10240x128xf32, #tpu.memory_space<vmem_shared>> -> memref<10240x128xf32, #tpu.memory_space<vmem_shared>>
      tpu.wait_indirect_dma semaphore(%arg14 : memref<!tpu.dma_semaphore, #tpu.memory_space<semaphore_mem>>) src(%arg10 : memref<128x128xf32, #tpu.memory_space<vmem>>) dst(%dma_wait3A_62 : memref<10240x128xf32, #tpu.memory_space<vmem_shared>>)
      %add3A_63 = arith.constant 0 : i32
      %add3A_64 = arith.addi %mul3A_34, %add3A_63 : i32
      %add3A_65 = arith.constant 2 : i32
      %add3A_66 = arith.addi %add3A_64, %add3A_65 : i32
      %lt3A = arith.constant 20 : i32
      %lt3A_67 = arith.cmpi slt, %add3A_66, %lt3A : i32
      %convert_element_type3A = arith.extui %lt3A_67 : i1 to i32
      %cond3A = arith.constant 0 : i32
      %cond3A_68 = arith.cmpi ne, %convert_element_type3A, %cond3A : i32
      scf.if %cond3A_68 {
        %add3A_81 = arith.constant 0 : i32
        %add3A_82 = arith.addi %mul3A_34, %add3A_81 : i32
        %add3A_83 = arith.constant 2 : i32
        %add3A_84 = arith.addi %add3A_82, %add3A_83 : i32
        %mul3A_85 = arith.constant 128 : i32
        %mul3A_86 = arith.muli %add3A_84, %mul3A_85 : i32
        %add3A_87 = arith.addi %mul3A_2, %mul3A_86 : i32
        %dma_start3A_88 = tpu.memref_slice %arg3[%add3A_87] : memref<81920xi32, #tpu.memory_space<hbm>> -> memref<128xi32, #tpu.memory_space<hbm>>
        %dma_start3A_89 = tpu.memref_slice %arg3[%add3A_87] : memref<81920xi32, #tpu.memory_space<hbm>> -> memref<128xi32, #tpu.memory_space<hbm>>
        tpu.enqueue_dma source(%dma_start3A_89 : memref<128xi32, #tpu.memory_space<hbm>>) target(%arg8 : memref<128xi32, #tpu.memory_space<vmem>>) target_semaphore(%arg12 : memref<!tpu.dma_semaphore, #tpu.memory_space<semaphore_mem>>)
        %dma_start3A_90 = arith.constant 0 : i32
        %dma_start3A_91 = tpu.memref_slice %arg2[%add3A_87, %dma_start3A_90] : memref<81920x128xf32, #tpu.memory_space<hbm>> -> memref<128x128xf32, #tpu.memory_space<hbm>>
        %dma_start3A_92 = arith.constant 0 : i32
        %dma_start3A_93 = tpu.memref_slice %arg2[%add3A_87, %dma_start3A_92] : memref<81920x128xf32, #tpu.memory_space<hbm>> -> memref<128x128xf32, #tpu.memory_space<hbm>>
        tpu.enqueue_dma source(%dma_start3A_93 : memref<128x128xf32, #tpu.memory_space<hbm>>) target(%arg10 : memref<128x128xf32, #tpu.memory_space<vmem>>) target_semaphore(%arg12 : memref<!tpu.dma_semaphore, #tpu.memory_space<semaphore_mem>>)
      } else {
      }
      %dma_wait3A_69 = arith.constant 0 : i32
      %dma_wait3A_70 = arith.constant 0 : i32
      %dma_wait3A_71 = tpu.memref_slice %arg6[%dma_wait3A_69, %dma_wait3A_70] : memref<10240x128xf32, #tpu.memory_space<vmem_shared>> -> memref<10240x128xf32, #tpu.memory_space<vmem_shared>>
      tpu.wait_indirect_dma semaphore(%arg15 : memref<!tpu.dma_semaphore, #tpu.memory_space<semaphore_mem>>) src(%arg11 : memref<128x128xf32, #tpu.memory_space<vmem>>) dst(%dma_wait3A_71 : memref<10240x128xf32, #tpu.memory_space<vmem_shared>>)
      %add3A_72 = arith.constant 1 : i32
      %add3A_73 = arith.addi %mul3A_34, %add3A_72 : i32
      %add3A_74 = arith.constant 2 : i32
      %add3A_75 = arith.addi %add3A_73, %add3A_74 : i32
      %lt3A_76 = arith.constant 20 : i32
      %lt3A_77 = arith.cmpi slt, %add3A_75, %lt3A_76 : i32
      %convert_element_type3A_78 = arith.extui %lt3A_77 : i1 to i32
      %cond3A_79 = arith.constant 0 : i32
      %cond3A_80 = arith.cmpi ne, %convert_element_type3A_78, %cond3A_79 : i32
      scf.if %cond3A_80 {
        %add3A_81 = arith.constant 1 : i32
        %add3A_82 = arith.addi %mul3A_34, %add3A_81 : i32
        %add3A_83 = arith.constant 2 : i32
        %add3A_84 = arith.addi %add3A_82, %add3A_83 : i32
        %mul3A_85 = arith.constant 128 : i32
        %mul3A_86 = arith.muli %add3A_84, %mul3A_85 : i32
        %add3A_87 = arith.addi %mul3A_2, %mul3A_86 : i32
        %dma_start3A_88 = tpu.memref_slice %arg3[%add3A_87] : memref<81920xi32, #tpu.memory_space<hbm>> -> memref<128xi32, #tpu.memory_space<hbm>>
        %dma_start3A_89 = tpu.memref_slice %arg3[%add3A_87] : memref<81920xi32, #tpu.memory_space<hbm>> -> memref<128xi32, #tpu.memory_space<hbm>>
        tpu.enqueue_dma source(%dma_start3A_89 : memref<128xi32, #tpu.memory_space<hbm>>) target(%arg9 : memref<128xi32, #tpu.memory_space<vmem>>) target_semaphore(%arg13 : memref<!tpu.dma_semaphore, #tpu.memory_space<semaphore_mem>>)
        %dma_start3A_90 = arith.constant 0 : i32
        %dma_start3A_91 = tpu.memref_slice %arg2[%add3A_87, %dma_start3A_90] : memref<81920x128xf32, #tpu.memory_space<hbm>> -> memref<128x128xf32, #tpu.memory_space<hbm>>
        %dma_start3A_92 = arith.constant 0 : i32
        %dma_start3A_93 = tpu.memref_slice %arg2[%add3A_87, %dma_start3A_92] : memref<81920x128xf32, #tpu.memory_space<hbm>> -> memref<128x128xf32, #tpu.memory_space<hbm>>
        tpu.enqueue_dma source(%dma_start3A_93 : memref<128x128xf32, #tpu.memory_space<hbm>>) target(%arg11 : memref<128x128xf32, #tpu.memory_space<vmem>>) target_semaphore(%arg13 : memref<!tpu.dma_semaphore, #tpu.memory_space<semaphore_mem>>)
      } else {
      }
    }
    %scan3A_26 = arith.constant 10 : i32
    %barrier3A_27 = arith.constant 0 : index
    tpu.barrier barrier_id(%barrier3A_27)
    %mul3A_28 = arith.constant 640 : i32
    %mul3A_29 = arith.muli %arg1, %mul3A_28 : i32
    %mul3A_30 = arith.constant 640 : i32
    %mul3A_31 = arith.muli %arg1, %mul3A_30 : i32
    "tpu.region"() ({
      %run_scoped3A = tpu.sem_alloc : memref<!tpu.dma_semaphore, #tpu.memory_space<semaphore_mem>>
      %dma_start3A_32 = arith.constant 0 : i32
      %dma_start3A_33 = tpu.memref_slice %arg5[%arg0, %mul3A_31, %dma_start3A_32] : memref<2x10240x128xf32, #tpu.memory_space<hbm>> -> memref<1x640x128xf32, #tpu.memory_space<hbm>>
      %dma_start3A_34 = tpu.memref_squeeze %dma_start3A_33 : memref<1x640x128xf32, #tpu.memory_space<hbm>> -> memref<640x128xf32, #tpu.memory_space<hbm>>
      %dma_start3A_35 = arith.constant 0 : i32
      %dma_start3A_36 = tpu.memref_slice %arg6[%mul3A_29, %dma_start3A_35] : memref<10240x128xf32, #tpu.memory_space<vmem_shared>> -> memref<640x128xf32, #tpu.memory_space<vmem_shared>>
      tpu.enqueue_dma source(%dma_start3A_36 : memref<640x128xf32, #tpu.memory_space<vmem_shared>>) target(%dma_start3A_34 : memref<640x128xf32, #tpu.memory_space<hbm>>) target_semaphore(%run_scoped3A : memref<!tpu.dma_semaphore, #tpu.memory_space<semaphore_mem>>)
      %dma_wait3A = arith.constant 0 : i32
      %dma_wait3A_37 = tpu.memref_slice %arg5[%arg0, %mul3A_31, %dma_wait3A] : memref<2x10240x128xf32, #tpu.memory_space<hbm>> -> memref<1x640x128xf32, #tpu.memory_space<hbm>>
      %dma_wait3A_38 = tpu.memref_squeeze %dma_wait3A_37 : memref<1x640x128xf32, #tpu.memory_space<hbm>> -> memref<640x128xf32, #tpu.memory_space<hbm>>
      %dma_wait3A_39 = arith.constant 0 : i32
      %dma_wait3A_40 = tpu.memref_slice %arg6[%mul3A_29, %dma_wait3A_39] : memref<10240x128xf32, #tpu.memory_space<vmem_shared>> -> memref<640x128xf32, #tpu.memory_space<vmem_shared>>
      tpu.wait_dma2 semaphore(%run_scoped3A : memref<!tpu.dma_semaphore, #tpu.memory_space<semaphore_mem>>) src(%dma_wait3A_40 : memref<640x128xf32, #tpu.memory_space<vmem_shared>>) dst(%dma_wait3A_38 : memref<640x128xf32, #tpu.memory_space<hbm>>)
      tpu.yield
    }) : () -> ()
    return
  }
}

#map = affine_map<(d0, d1) -> (0, 0)>
#map1 = affine_map<(d0, d1) -> (0)>
#map2 = affine_map<(d0, d1) -> (0, 0, 0)>
module attributes {stable_mosaic.version = 14 : i64} {
  func.func @k(%arg0: i32, %arg1: i32, %arg2: memref<74240x128xf32, #tpu.memory_space<hbm>>, %arg3: memref<74240xi32, #tpu.memory_space<hbm>>, %arg4: memref<10240x128xf32, #tpu.memory_space<hbm>>, %arg5: memref<2x10240x128xf32, #tpu.memory_space<hbm>>, %arg6: memref<10240x128xf32, #tpu.memory_space<vmem_shared>>, %arg7: memref<16xi32, #tpu.memory_space<vmem>>, %arg8: memref<128xi32, #tpu.memory_space<vmem>>, %arg9: memref<128xi32, #tpu.memory_space<vmem>>, %arg10: memref<128x128xf32, #tpu.memory_space<vmem>>, %arg11: memref<128x128xf32, #tpu.memory_space<vmem>>, %arg12: memref<!tpu.dma_semaphore, #tpu.memory_space<semaphore_mem>>, %arg13: memref<!tpu.dma_semaphore, #tpu.memory_space<semaphore_mem>>, %arg14: memref<!tpu.dma_semaphore, #tpu.memory_space<semaphore_mem>>, %arg15: memref<!tpu.dma_semaphore, #tpu.memory_space<semaphore_mem>>) attributes {dimension_semantics = [#tpu.dimension_semantics<core_parallel>, #tpu.dimension_semantics<subcore_parallel>], iteration_bounds = array<i64: 2, 16>, scalar_prefetch = 0 : i64, scratch_operands = 10 : i64, tpu.core_type = #tpu.core_type<sc_vector_subcore>, window_params = [{transform_indices = #map}, {transform_indices = #map1}, {transform_indices = #map}, {transform_indices = #map2}]} {
    %mul3A = arith.constant 2 : i32
    %mul3A_0 = arith.muli %arg1, %mul3A : i32
    %add3A = arith.addi %mul3A_0, %arg0 : i32
    %mul3A_1 = arith.constant 2320 : i32
    %mul3A_2 = arith.muli %add3A, %mul3A_1 : i32
    %mul3A_3 = arith.constant 640 : i32
    %mul3A_4 = arith.muli %arg1, %mul3A_3 : i32
    %mul3A_5 = arith.constant 640 : i32
    %mul3A_6 = arith.muli %arg1, %mul3A_5 : i32
    "tpu.region"() ({
      %run_scoped3A = tpu.sem_alloc : memref<!tpu.dma_semaphore, #tpu.memory_space<semaphore_mem>>
      %dma_start3A_34 = arith.constant 0 : i32
      %dma_start3A_35 = tpu.memref_slice %arg6[%mul3A_6, %dma_start3A_34] : memref<10240x128xf32, #tpu.memory_space<vmem_shared>> -> memref<640x128xf32, #tpu.memory_space<vmem_shared>>
      %dma_start3A_36 = arith.constant 0 : i32
      %dma_start3A_37 = tpu.memref_slice %arg4[%mul3A_4, %dma_start3A_36] : memref<10240x128xf32, #tpu.memory_space<hbm>> -> memref<640x128xf32, #tpu.memory_space<hbm>>
      tpu.enqueue_dma source(%dma_start3A_37 : memref<640x128xf32, #tpu.memory_space<hbm>>) target(%dma_start3A_35 : memref<640x128xf32, #tpu.memory_space<vmem_shared>>) target_semaphore(%run_scoped3A : memref<!tpu.dma_semaphore, #tpu.memory_space<semaphore_mem>>)
      %dma_wait3A = arith.constant 0 : i32
      %dma_wait3A_38 = tpu.memref_slice %arg6[%mul3A_6, %dma_wait3A] : memref<10240x128xf32, #tpu.memory_space<vmem_shared>> -> memref<640x128xf32, #tpu.memory_space<vmem_shared>>
      %dma_wait3A_39 = arith.constant 0 : i32
      %dma_wait3A_40 = tpu.memref_slice %arg4[%mul3A_4, %dma_wait3A_39] : memref<10240x128xf32, #tpu.memory_space<hbm>> -> memref<640x128xf32, #tpu.memory_space<hbm>>
      tpu.wait_dma2 semaphore(%run_scoped3A : memref<!tpu.dma_semaphore, #tpu.memory_space<semaphore_mem>>) src(%dma_wait3A_40 : memref<640x128xf32, #tpu.memory_space<hbm>>) dst(%dma_wait3A_38 : memref<640x128xf32, #tpu.memory_space<vmem_shared>>)
      tpu.yield
    }) : () -> ()
    %barrier3A = arith.constant 0 : index
    tpu.barrier barrier_id(%barrier3A)
    %add3A_7 = arith.constant 0 : i32
    %add3A_8 = arith.addi %mul3A_2, %add3A_7 : i32
    %dma_start3A = tpu.memref_slice %arg3[%add3A_8] : memref<74240xi32, #tpu.memory_space<hbm>> -> memref<128xi32, #tpu.memory_space<hbm>>
    %dma_start3A_9 = tpu.memref_slice %arg3[%add3A_8] : memref<74240xi32, #tpu.memory_space<hbm>> -> memref<128xi32, #tpu.memory_space<hbm>>
    tpu.enqueue_dma source(%dma_start3A_9 : memref<128xi32, #tpu.memory_space<hbm>>) target(%arg8 : memref<128xi32, #tpu.memory_space<vmem>>) target_semaphore(%arg12 : memref<!tpu.dma_semaphore, #tpu.memory_space<semaphore_mem>>)
    %dma_start3A_10 = arith.constant 0 : i32
    %dma_start3A_11 = tpu.memref_slice %arg2[%add3A_8, %dma_start3A_10] : memref<74240x128xf32, #tpu.memory_space<hbm>> -> memref<128x128xf32, #tpu.memory_space<hbm>>
    %dma_start3A_12 = arith.constant 0 : i32
    %dma_start3A_13 = tpu.memref_slice %arg2[%add3A_8, %dma_start3A_12] : memref<74240x128xf32, #tpu.memory_space<hbm>> -> memref<128x128xf32, #tpu.memory_space<hbm>>
    tpu.enqueue_dma source(%dma_start3A_13 : memref<128x128xf32, #tpu.memory_space<hbm>>) target(%arg10 : memref<128x128xf32, #tpu.memory_space<vmem>>) target_semaphore(%arg12 : memref<!tpu.dma_semaphore, #tpu.memory_space<semaphore_mem>>)
    %add3A_14 = arith.constant 128 : i32
    %add3A_15 = arith.addi %mul3A_2, %add3A_14 : i32
    %dma_start3A_16 = tpu.memref_slice %arg3[%add3A_15] : memref<74240xi32, #tpu.memory_space<hbm>> -> memref<128xi32, #tpu.memory_space<hbm>>
    %dma_start3A_17 = tpu.memref_slice %arg3[%add3A_15] : memref<74240xi32, #tpu.memory_space<hbm>> -> memref<128xi32, #tpu.memory_space<hbm>>
    tpu.enqueue_dma source(%dma_start3A_17 : memref<128xi32, #tpu.memory_space<hbm>>) target(%arg9 : memref<128xi32, #tpu.memory_space<vmem>>) target_semaphore(%arg13 : memref<!tpu.dma_semaphore, #tpu.memory_space<semaphore_mem>>)
    %dma_start3A_18 = arith.constant 0 : i32
    %dma_start3A_19 = tpu.memref_slice %arg2[%add3A_15, %dma_start3A_18] : memref<74240x128xf32, #tpu.memory_space<hbm>> -> memref<128x128xf32, #tpu.memory_space<hbm>>
    %dma_start3A_20 = arith.constant 0 : i32
    %dma_start3A_21 = tpu.memref_slice %arg2[%add3A_15, %dma_start3A_20] : memref<74240x128xf32, #tpu.memory_space<hbm>> -> memref<128x128xf32, #tpu.memory_space<hbm>>
    tpu.enqueue_dma source(%dma_start3A_21 : memref<128x128xf32, #tpu.memory_space<hbm>>) target(%arg11 : memref<128x128xf32, #tpu.memory_space<vmem>>) target_semaphore(%arg13 : memref<!tpu.dma_semaphore, #tpu.memory_space<semaphore_mem>>)
    %scan3A = arith.constant 0 : i32
    %scan3A_22 = arith.constant 0 : i32
    %scan3A_23 = arith.constant 9 : i32
    %scan3A_24 = arith.addi %scan3A_22, %scan3A_23 : i32
    %scan3A_25 = arith.constant 1 : i32
    scf.for %scan3A_34 = %scan3A_22 to %scan3A_24 step %scan3A_25  : i32 {
      %mul3A_35 = arith.constant 2 : i32
      %mul3A_36 = arith.muli %mul3A_35, %scan3A_34 : i32
      %dma_wait3A = arith.constant 0 : i32
      %dma_wait3A_37 = tpu.memref_slice %arg3[%dma_wait3A] : memref<74240xi32, #tpu.memory_space<hbm>> -> memref<128xi32, #tpu.memory_space<hbm>>
      %dma_wait3A_38 = arith.constant 0 : i32
      %dma_wait3A_39 = tpu.memref_slice %arg3[%dma_wait3A_38] : memref<74240xi32, #tpu.memory_space<hbm>> -> memref<128xi32, #tpu.memory_space<hbm>>
      tpu.wait_dma2 semaphore(%arg12 : memref<!tpu.dma_semaphore, #tpu.memory_space<semaphore_mem>>) src(%dma_wait3A_39 : memref<128xi32, #tpu.memory_space<hbm>>) dst(%arg8 : memref<128xi32, #tpu.memory_space<vmem>>)
      %dma_wait3A_40 = arith.constant 0 : i32
      %dma_wait3A_41 = arith.constant 0 : i32
      %dma_wait3A_42 = tpu.memref_slice %arg2[%dma_wait3A_40, %dma_wait3A_41] : memref<74240x128xf32, #tpu.memory_space<hbm>> -> memref<128x128xf32, #tpu.memory_space<hbm>>
      %dma_wait3A_43 = arith.constant 0 : i32
      %dma_wait3A_44 = arith.constant 0 : i32
      %dma_wait3A_45 = tpu.memref_slice %arg2[%dma_wait3A_43, %dma_wait3A_44] : memref<74240x128xf32, #tpu.memory_space<hbm>> -> memref<128x128xf32, #tpu.memory_space<hbm>>
      tpu.wait_dma2 semaphore(%arg12 : memref<!tpu.dma_semaphore, #tpu.memory_space<semaphore_mem>>) src(%dma_wait3A_45 : memref<128x128xf32, #tpu.memory_space<hbm>>) dst(%arg10 : memref<128x128xf32, #tpu.memory_space<vmem>>)
      %dma_start3A_46 = arith.constant 0 : i32
      %dma_start3A_47 = arith.constant 0 : i32
      %dma_start3A_48 = tpu.memref_slice %arg6[%dma_start3A_46, %dma_start3A_47] : memref<10240x128xf32, #tpu.memory_space<vmem_shared>> -> memref<10240x128xf32, #tpu.memory_space<vmem_shared>>
      tpu.enqueue_indirect_dma source(%arg10 : memref<128x128xf32, #tpu.memory_space<vmem>>) target(%dma_start3A_48 : memref<10240x128xf32, #tpu.memory_space<vmem_shared>>) offsets(%arg8 : memref<128xi32, #tpu.memory_space<vmem>>) semaphore(%arg14 : memref<!tpu.dma_semaphore, #tpu.memory_space<semaphore_mem>>) {add = true}
      %dma_wait3A_49 = arith.constant 0 : i32
      %dma_wait3A_50 = tpu.memref_slice %arg3[%dma_wait3A_49] : memref<74240xi32, #tpu.memory_space<hbm>> -> memref<128xi32, #tpu.memory_space<hbm>>
      %dma_wait3A_51 = arith.constant 0 : i32
      %dma_wait3A_52 = tpu.memref_slice %arg3[%dma_wait3A_51] : memref<74240xi32, #tpu.memory_space<hbm>> -> memref<128xi32, #tpu.memory_space<hbm>>
      tpu.wait_dma2 semaphore(%arg13 : memref<!tpu.dma_semaphore, #tpu.memory_space<semaphore_mem>>) src(%dma_wait3A_52 : memref<128xi32, #tpu.memory_space<hbm>>) dst(%arg9 : memref<128xi32, #tpu.memory_space<vmem>>)
      %dma_wait3A_53 = arith.constant 0 : i32
      %dma_wait3A_54 = arith.constant 0 : i32
      %dma_wait3A_55 = tpu.memref_slice %arg2[%dma_wait3A_53, %dma_wait3A_54] : memref<74240x128xf32, #tpu.memory_space<hbm>> -> memref<128x128xf32, #tpu.memory_space<hbm>>
      %dma_wait3A_56 = arith.constant 0 : i32
      %dma_wait3A_57 = arith.constant 0 : i32
      %dma_wait3A_58 = tpu.memref_slice %arg2[%dma_wait3A_56, %dma_wait3A_57] : memref<74240x128xf32, #tpu.memory_space<hbm>> -> memref<128x128xf32, #tpu.memory_space<hbm>>
      tpu.wait_dma2 semaphore(%arg13 : memref<!tpu.dma_semaphore, #tpu.memory_space<semaphore_mem>>) src(%dma_wait3A_58 : memref<128x128xf32, #tpu.memory_space<hbm>>) dst(%arg11 : memref<128x128xf32, #tpu.memory_space<vmem>>)
      %dma_start3A_59 = arith.constant 0 : i32
      %dma_start3A_60 = arith.constant 0 : i32
      %dma_start3A_61 = tpu.memref_slice %arg6[%dma_start3A_59, %dma_start3A_60] : memref<10240x128xf32, #tpu.memory_space<vmem_shared>> -> memref<10240x128xf32, #tpu.memory_space<vmem_shared>>
      tpu.enqueue_indirect_dma source(%arg11 : memref<128x128xf32, #tpu.memory_space<vmem>>) target(%dma_start3A_61 : memref<10240x128xf32, #tpu.memory_space<vmem_shared>>) offsets(%arg9 : memref<128xi32, #tpu.memory_space<vmem>>) semaphore(%arg15 : memref<!tpu.dma_semaphore, #tpu.memory_space<semaphore_mem>>) {add = true}
      %dma_wait3A_62 = arith.constant 0 : i32
      %dma_wait3A_63 = arith.constant 0 : i32
      %dma_wait3A_64 = tpu.memref_slice %arg6[%dma_wait3A_62, %dma_wait3A_63] : memref<10240x128xf32, #tpu.memory_space<vmem_shared>> -> memref<10240x128xf32, #tpu.memory_space<vmem_shared>>
      tpu.wait_indirect_dma semaphore(%arg14 : memref<!tpu.dma_semaphore, #tpu.memory_space<semaphore_mem>>) src(%arg10 : memref<128x128xf32, #tpu.memory_space<vmem>>) dst(%dma_wait3A_64 : memref<10240x128xf32, #tpu.memory_space<vmem_shared>>)
      %add3A_65 = arith.constant 0 : i32
      %add3A_66 = arith.addi %mul3A_36, %add3A_65 : i32
      %add3A_67 = arith.constant 2 : i32
      %add3A_68 = arith.addi %add3A_66, %add3A_67 : i32
      %lt3A = arith.constant 18 : i32
      %lt3A_69 = arith.cmpi slt, %add3A_68, %lt3A : i32
      %convert_element_type3A = arith.extui %lt3A_69 : i1 to i32
      %cond3A = arith.constant 0 : i32
      %cond3A_70 = arith.cmpi ne, %convert_element_type3A, %cond3A : i32
      scf.if %cond3A_70 {
        %add3A_83 = arith.constant 0 : i32
        %add3A_84 = arith.addi %mul3A_36, %add3A_83 : i32
        %add3A_85 = arith.constant 2 : i32
        %add3A_86 = arith.addi %add3A_84, %add3A_85 : i32
        %mul3A_87 = arith.constant 128 : i32
        %mul3A_88 = arith.muli %add3A_86, %mul3A_87 : i32
        %add3A_89 = arith.addi %mul3A_2, %mul3A_88 : i32
        %dma_start3A_90 = tpu.memref_slice %arg3[%add3A_89] : memref<74240xi32, #tpu.memory_space<hbm>> -> memref<128xi32, #tpu.memory_space<hbm>>
        %dma_start3A_91 = tpu.memref_slice %arg3[%add3A_89] : memref<74240xi32, #tpu.memory_space<hbm>> -> memref<128xi32, #tpu.memory_space<hbm>>
        tpu.enqueue_dma source(%dma_start3A_91 : memref<128xi32, #tpu.memory_space<hbm>>) target(%arg8 : memref<128xi32, #tpu.memory_space<vmem>>) target_semaphore(%arg12 : memref<!tpu.dma_semaphore, #tpu.memory_space<semaphore_mem>>)
        %dma_start3A_92 = arith.constant 0 : i32
        %dma_start3A_93 = tpu.memref_slice %arg2[%add3A_89, %dma_start3A_92] : memref<74240x128xf32, #tpu.memory_space<hbm>> -> memref<128x128xf32, #tpu.memory_space<hbm>>
        %dma_start3A_94 = arith.constant 0 : i32
        %dma_start3A_95 = tpu.memref_slice %arg2[%add3A_89, %dma_start3A_94] : memref<74240x128xf32, #tpu.memory_space<hbm>> -> memref<128x128xf32, #tpu.memory_space<hbm>>
        tpu.enqueue_dma source(%dma_start3A_95 : memref<128x128xf32, #tpu.memory_space<hbm>>) target(%arg10 : memref<128x128xf32, #tpu.memory_space<vmem>>) target_semaphore(%arg12 : memref<!tpu.dma_semaphore, #tpu.memory_space<semaphore_mem>>)
      } else {
      }
      %dma_wait3A_71 = arith.constant 0 : i32
      %dma_wait3A_72 = arith.constant 0 : i32
      %dma_wait3A_73 = tpu.memref_slice %arg6[%dma_wait3A_71, %dma_wait3A_72] : memref<10240x128xf32, #tpu.memory_space<vmem_shared>> -> memref<10240x128xf32, #tpu.memory_space<vmem_shared>>
      tpu.wait_indirect_dma semaphore(%arg15 : memref<!tpu.dma_semaphore, #tpu.memory_space<semaphore_mem>>) src(%arg11 : memref<128x128xf32, #tpu.memory_space<vmem>>) dst(%dma_wait3A_73 : memref<10240x128xf32, #tpu.memory_space<vmem_shared>>)
      %add3A_74 = arith.constant 1 : i32
      %add3A_75 = arith.addi %mul3A_36, %add3A_74 : i32
      %add3A_76 = arith.constant 2 : i32
      %add3A_77 = arith.addi %add3A_75, %add3A_76 : i32
      %lt3A_78 = arith.constant 18 : i32
      %lt3A_79 = arith.cmpi slt, %add3A_77, %lt3A_78 : i32
      %convert_element_type3A_80 = arith.extui %lt3A_79 : i1 to i32
      %cond3A_81 = arith.constant 0 : i32
      %cond3A_82 = arith.cmpi ne, %convert_element_type3A_80, %cond3A_81 : i32
      scf.if %cond3A_82 {
        %add3A_83 = arith.constant 1 : i32
        %add3A_84 = arith.addi %mul3A_36, %add3A_83 : i32
        %add3A_85 = arith.constant 2 : i32
        %add3A_86 = arith.addi %add3A_84, %add3A_85 : i32
        %mul3A_87 = arith.constant 128 : i32
        %mul3A_88 = arith.muli %add3A_86, %mul3A_87 : i32
        %add3A_89 = arith.addi %mul3A_2, %mul3A_88 : i32
        %dma_start3A_90 = tpu.memref_slice %arg3[%add3A_89] : memref<74240xi32, #tpu.memory_space<hbm>> -> memref<128xi32, #tpu.memory_space<hbm>>
        %dma_start3A_91 = tpu.memref_slice %arg3[%add3A_89] : memref<74240xi32, #tpu.memory_space<hbm>> -> memref<128xi32, #tpu.memory_space<hbm>>
        tpu.enqueue_dma source(%dma_start3A_91 : memref<128xi32, #tpu.memory_space<hbm>>) target(%arg9 : memref<128xi32, #tpu.memory_space<vmem>>) target_semaphore(%arg13 : memref<!tpu.dma_semaphore, #tpu.memory_space<semaphore_mem>>)
        %dma_start3A_92 = arith.constant 0 : i32
        %dma_start3A_93 = tpu.memref_slice %arg2[%add3A_89, %dma_start3A_92] : memref<74240x128xf32, #tpu.memory_space<hbm>> -> memref<128x128xf32, #tpu.memory_space<hbm>>
        %dma_start3A_94 = arith.constant 0 : i32
        %dma_start3A_95 = tpu.memref_slice %arg2[%add3A_89, %dma_start3A_94] : memref<74240x128xf32, #tpu.memory_space<hbm>> -> memref<128x128xf32, #tpu.memory_space<hbm>>
        tpu.enqueue_dma source(%dma_start3A_95 : memref<128x128xf32, #tpu.memory_space<hbm>>) target(%arg11 : memref<128x128xf32, #tpu.memory_space<vmem>>) target_semaphore(%arg13 : memref<!tpu.dma_semaphore, #tpu.memory_space<semaphore_mem>>)
      } else {
      }
    }
    %scan3A_26 = arith.constant 9 : i32
    %add3A_27 = arith.constant 2304 : i32
    %add3A_28 = arith.addi %mul3A_2, %add3A_27 : i32
    "tpu.region"() ({
      %run_scoped3A = tpu.sem_alloc : memref<!tpu.dma_semaphore, #tpu.memory_space<semaphore_mem>>
      %dma_start3A_34 = arith.constant 0 : i32
      %dma_start3A_35 = tpu.memref_slice %arg7[%dma_start3A_34] : memref<16xi32, #tpu.memory_space<vmem>> -> memref<16xi32, #tpu.memory_space<vmem>>
      %dma_start3A_36 = tpu.memref_slice %arg3[%add3A_28] : memref<74240xi32, #tpu.memory_space<hbm>> -> memref<16xi32, #tpu.memory_space<hbm>>
      %dma_start3A_37 = arith.constant 0 : i32
      %dma_start3A_38 = tpu.memref_slice %arg7[%dma_start3A_37] : memref<16xi32, #tpu.memory_space<vmem>> -> memref<16xi32, #tpu.memory_space<vmem>>
      %dma_start3A_39 = tpu.memref_slice %arg3[%add3A_28] : memref<74240xi32, #tpu.memory_space<hbm>> -> memref<16xi32, #tpu.memory_space<hbm>>
      tpu.enqueue_dma source(%dma_start3A_39 : memref<16xi32, #tpu.memory_space<hbm>>) target(%dma_start3A_38 : memref<16xi32, #tpu.memory_space<vmem>>) target_semaphore(%run_scoped3A : memref<!tpu.dma_semaphore, #tpu.memory_space<semaphore_mem>>)
      %dma_wait3A = arith.constant 0 : i32
      %dma_wait3A_40 = tpu.memref_slice %arg7[%dma_wait3A] : memref<16xi32, #tpu.memory_space<vmem>> -> memref<16xi32, #tpu.memory_space<vmem>>
      %dma_wait3A_41 = tpu.memref_slice %arg3[%add3A_28] : memref<74240xi32, #tpu.memory_space<hbm>> -> memref<16xi32, #tpu.memory_space<hbm>>
      %dma_wait3A_42 = arith.constant 0 : i32
      %dma_wait3A_43 = tpu.memref_slice %arg7[%dma_wait3A_42] : memref<16xi32, #tpu.memory_space<vmem>> -> memref<16xi32, #tpu.memory_space<vmem>>
      %dma_wait3A_44 = tpu.memref_slice %arg3[%add3A_28] : memref<74240xi32, #tpu.memory_space<hbm>> -> memref<16xi32, #tpu.memory_space<hbm>>
      tpu.wait_dma2 semaphore(%run_scoped3A : memref<!tpu.dma_semaphore, #tpu.memory_space<semaphore_mem>>) src(%dma_wait3A_44 : memref<16xi32, #tpu.memory_space<hbm>>) dst(%dma_wait3A_43 : memref<16xi32, #tpu.memory_space<vmem>>)
      tpu.yield
    }) : () -> ()
    "tpu.region"() ({
      %run_scoped3A = tpu.sem_alloc : memref<!tpu.dma_semaphore, #tpu.memory_space<semaphore_mem>>
      %dma_start3A_34 = arith.constant 0 : i32
      %dma_start3A_35 = arith.constant 0 : i32
      %dma_start3A_36 = tpu.memref_slice %arg10[%dma_start3A_34, %dma_start3A_35] : memref<128x128xf32, #tpu.memory_space<vmem>> -> memref<16x128xf32, #tpu.memory_space<vmem>>
      %dma_start3A_37 = arith.constant 0 : i32
      %dma_start3A_38 = tpu.memref_slice %arg2[%add3A_28, %dma_start3A_37] : memref<74240x128xf32, #tpu.memory_space<hbm>> -> memref<16x128xf32, #tpu.memory_space<hbm>>
      %dma_start3A_39 = arith.constant 0 : i32
      %dma_start3A_40 = arith.constant 0 : i32
      %dma_start3A_41 = tpu.memref_slice %arg10[%dma_start3A_39, %dma_start3A_40] : memref<128x128xf32, #tpu.memory_space<vmem>> -> memref<16x128xf32, #tpu.memory_space<vmem>>
      %dma_start3A_42 = arith.constant 0 : i32
      %dma_start3A_43 = tpu.memref_slice %arg2[%add3A_28, %dma_start3A_42] : memref<74240x128xf32, #tpu.memory_space<hbm>> -> memref<16x128xf32, #tpu.memory_space<hbm>>
      tpu.enqueue_dma source(%dma_start3A_43 : memref<16x128xf32, #tpu.memory_space<hbm>>) target(%dma_start3A_41 : memref<16x128xf32, #tpu.memory_space<vmem>>) target_semaphore(%run_scoped3A : memref<!tpu.dma_semaphore, #tpu.memory_space<semaphore_mem>>)
      %dma_wait3A = arith.constant 0 : i32
      %dma_wait3A_44 = arith.constant 0 : i32
      %dma_wait3A_45 = tpu.memref_slice %arg10[%dma_wait3A, %dma_wait3A_44] : memref<128x128xf32, #tpu.memory_space<vmem>> -> memref<16x128xf32, #tpu.memory_space<vmem>>
      %dma_wait3A_46 = arith.constant 0 : i32
      %dma_wait3A_47 = tpu.memref_slice %arg2[%add3A_28, %dma_wait3A_46] : memref<74240x128xf32, #tpu.memory_space<hbm>> -> memref<16x128xf32, #tpu.memory_space<hbm>>
      %dma_wait3A_48 = arith.constant 0 : i32
      %dma_wait3A_49 = arith.constant 0 : i32
      %dma_wait3A_50 = tpu.memref_slice %arg10[%dma_wait3A_48, %dma_wait3A_49] : memref<128x128xf32, #tpu.memory_space<vmem>> -> memref<16x128xf32, #tpu.memory_space<vmem>>
      %dma_wait3A_51 = arith.constant 0 : i32
      %dma_wait3A_52 = tpu.memref_slice %arg2[%add3A_28, %dma_wait3A_51] : memref<74240x128xf32, #tpu.memory_space<hbm>> -> memref<16x128xf32, #tpu.memory_space<hbm>>
      tpu.wait_dma2 semaphore(%run_scoped3A : memref<!tpu.dma_semaphore, #tpu.memory_space<semaphore_mem>>) src(%dma_wait3A_52 : memref<16x128xf32, #tpu.memory_space<hbm>>) dst(%dma_wait3A_50 : memref<16x128xf32, #tpu.memory_space<vmem>>)
      tpu.yield
    }) : () -> ()
    "tpu.region"() ({
      %run_scoped3A = tpu.sem_alloc : memref<!tpu.dma_semaphore, #tpu.memory_space<semaphore_mem>>
      %dma_start3A_34 = arith.constant 0 : i32
      %dma_start3A_35 = arith.constant 0 : i32
      %dma_start3A_36 = tpu.memref_slice %arg10[%dma_start3A_34, %dma_start3A_35] : memref<128x128xf32, #tpu.memory_space<vmem>> -> memref<16x128xf32, #tpu.memory_space<vmem>>
      %dma_start3A_37 = arith.constant 0 : i32
      %dma_start3A_38 = tpu.memref_slice %arg7[%dma_start3A_37] : memref<16xi32, #tpu.memory_space<vmem>> -> memref<16xi32, #tpu.memory_space<vmem>>
      %dma_start3A_39 = arith.constant 0 : i32
      %dma_start3A_40 = arith.constant 0 : i32
      %dma_start3A_41 = tpu.memref_slice %arg6[%dma_start3A_39, %dma_start3A_40] : memref<10240x128xf32, #tpu.memory_space<vmem_shared>> -> memref<10240x128xf32, #tpu.memory_space<vmem_shared>>
      tpu.enqueue_indirect_dma source(%dma_start3A_36 : memref<16x128xf32, #tpu.memory_space<vmem>>) target(%dma_start3A_41 : memref<10240x128xf32, #tpu.memory_space<vmem_shared>>) offsets(%dma_start3A_38 : memref<16xi32, #tpu.memory_space<vmem>>) semaphore(%run_scoped3A : memref<!tpu.dma_semaphore, #tpu.memory_space<semaphore_mem>>) {add = true}
      %dma_wait3A = arith.constant 0 : i32
      %dma_wait3A_42 = arith.constant 0 : i32
      %dma_wait3A_43 = tpu.memref_slice %arg10[%dma_wait3A, %dma_wait3A_42] : memref<128x128xf32, #tpu.memory_space<vmem>> -> memref<16x128xf32, #tpu.memory_space<vmem>>
      %dma_wait3A_44 = arith.constant 0 : i32
      %dma_wait3A_45 = tpu.memref_slice %arg7[%dma_wait3A_44] : memref<16xi32, #tpu.memory_space<vmem>> -> memref<16xi32, #tpu.memory_space<vmem>>
      %dma_wait3A_46 = arith.constant 0 : i32
      %dma_wait3A_47 = arith.constant 0 : i32
      %dma_wait3A_48 = tpu.memref_slice %arg6[%dma_wait3A_46, %dma_wait3A_47] : memref<10240x128xf32, #tpu.memory_space<vmem_shared>> -> memref<10240x128xf32, #tpu.memory_space<vmem_shared>>
      tpu.wait_indirect_dma semaphore(%run_scoped3A : memref<!tpu.dma_semaphore, #tpu.memory_space<semaphore_mem>>) src(%dma_wait3A_43 : memref<16x128xf32, #tpu.memory_space<vmem>>) dst(%dma_wait3A_48 : memref<10240x128xf32, #tpu.memory_space<vmem_shared>>)
      tpu.yield
    }) : () -> ()
    %barrier3A_29 = arith.constant 0 : index
    tpu.barrier barrier_id(%barrier3A_29)
    %mul3A_30 = arith.constant 640 : i32
    %mul3A_31 = arith.muli %arg1, %mul3A_30 : i32
    %mul3A_32 = arith.constant 640 : i32
    %mul3A_33 = arith.muli %arg1, %mul3A_32 : i32
    "tpu.region"() ({
      %run_scoped3A = tpu.sem_alloc : memref<!tpu.dma_semaphore, #tpu.memory_space<semaphore_mem>>
      %dma_start3A_34 = arith.constant 0 : i32
      %dma_start3A_35 = tpu.memref_slice %arg5[%arg0, %mul3A_33, %dma_start3A_34] : memref<2x10240x128xf32, #tpu.memory_space<hbm>> -> memref<1x640x128xf32, #tpu.memory_space<hbm>>
      %dma_start3A_36 = tpu.memref_squeeze %dma_start3A_35 : memref<1x640x128xf32, #tpu.memory_space<hbm>> -> memref<640x128xf32, #tpu.memory_space<hbm>>
      %dma_start3A_37 = arith.constant 0 : i32
      %dma_start3A_38 = tpu.memref_slice %arg6[%mul3A_31, %dma_start3A_37] : memref<10240x128xf32, #tpu.memory_space<vmem_shared>> -> memref<640x128xf32, #tpu.memory_space<vmem_shared>>
      tpu.enqueue_dma source(%dma_start3A_38 : memref<640x128xf32, #tpu.memory_space<vmem_shared>>) target(%dma_start3A_36 : memref<640x128xf32, #tpu.memory_space<hbm>>) target_semaphore(%run_scoped3A : memref<!tpu.dma_semaphore, #tpu.memory_space<semaphore_mem>>)
      %dma_wait3A = arith.constant 0 : i32
      %dma_wait3A_39 = tpu.memref_slice %arg5[%arg0, %mul3A_33, %dma_wait3A] : memref<2x10240x128xf32, #tpu.memory_space<hbm>> -> memref<1x640x128xf32, #tpu.memory_space<hbm>>
      %dma_wait3A_40 = tpu.memref_squeeze %dma_wait3A_39 : memref<1x640x128xf32, #tpu.memory_space<hbm>> -> memref<640x128xf32, #tpu.memory_space<hbm>>
      %dma_wait3A_41 = arith.constant 0 : i32
      %dma_wait3A_42 = tpu.memref_slice %arg6[%mul3A_31, %dma_wait3A_41] : memref<10240x128xf32, #tpu.memory_space<vmem_shared>> -> memref<640x128xf32, #tpu.memory_space<vmem_shared>>
      tpu.wait_dma2 semaphore(%run_scoped3A : memref<!tpu.dma_semaphore, #tpu.memory_space<semaphore_mem>>) src(%dma_wait3A_42 : memref<640x128xf32, #tpu.memory_space<vmem_shared>>) dst(%dma_wait3A_40 : memref<640x128xf32, #tpu.memory_space<hbm>>)
      tpu.yield
    }) : () -> ()
    return
  }
}

module attributes {stable_mosaic.version = 14 : i64} {
  func.func @body(%arg0: i32, %arg1: memref<2000x128xf32, #tpu.memory_space<vmem>>, %arg2: memref<128x128xf32, #tpu.memory_space<vmem>>, %arg3: memref<1x128xf32, #tpu.memory_space<vmem>>, %arg4: memref<128x128xf32, #tpu.memory_space<vmem>>, %arg5: memref<1x128xf32, #tpu.memory_space<vmem>>, %arg6: memref<2000x128xf32, #tpu.memory_space<vmem>>, %arg7: memref<2000x128xf32, #tpu.memory_space<vmem>>) attributes {dimension_semantics = [#tpu.dimension_semantics<arbitrary>], iteration_bounds = array<i64: 5>, scalar_prefetch = 0 : i64, scratch_operands = 0 : i64, tpu.core_type = #tpu.core_type<tc>, window_params = [{transform_indices = @transform_0, window_bounds = array<i64: 2000, 128>}, {pipeline_mode = #tpu.pipeline_mode<synchronous>, transform_indices = @transform_1, window_bounds = array<i64: 128, 128>}, {pipeline_mode = #tpu.pipeline_mode<synchronous>, transform_indices = @transform_2, window_bounds = array<i64: 1, 128>}, {pipeline_mode = #tpu.pipeline_mode<synchronous>, transform_indices = @transform_3, window_bounds = array<i64: 128, 128>}, {pipeline_mode = #tpu.pipeline_mode<synchronous>, transform_indices = @transform_4, window_bounds = array<i64: 1, 128>}, {transform_indices = @transform_5, window_bounds = array<i64: 2000, 128>}, {transform_indices = @transform_6, window_bounds = array<i64: 2000, 128>}]} {
    %get3A = arith.constant 0 : index
    %get3A_0 = arith.constant 0 : index
    %get3A_1 = vector.load %arg1[%get3A, %get3A_0] : memref<2000x128xf32, #tpu.memory_space<vmem>>, vector<2000x128xf32>
    %get3A_2 = arith.constant 0 : index
    %get3A_3 = arith.constant 0 : index
    %get3A_4 = vector.load %arg2[%get3A_2, %get3A_3] : memref<128x128xf32, #tpu.memory_space<vmem>>, vector<128x128xf32>
    %dot_general3A = arith.constant dense<0.000000e+00> : vector<2000x128xf32>
    %dot_general3A_5 = tpu.matmul %get3A_1, %get3A_4, %dot_general3A {dimension_numbers = #tpu.dot_dimension_numbers<[1], [0], [0], [1], [0, 0, 1, 1], [], []>, transpose_lhs_hint = false} : vector<2000x128xf32>, vector<128x128xf32>, vector<2000x128xf32> -> vector<2000x128xf32>
    %get3A_6 = arith.constant 0 : index
    %get3A_7 = arith.constant 0 : index
    %get3A_8 = vector.load %arg3[%get3A_6, %get3A_7] : memref<1x128xf32, #tpu.memory_space<vmem>>, vector<1x128xf32>
    %add3A = vector.broadcast %get3A_8 : vector<1x128xf32> to vector<2000x128xf32>
    %add3A_9 = arith.addf %dot_general3A_5, %add3A : vector<2000x128xf32>
    %swap3A = arith.constant 0 : index
    %swap3A_10 = arith.constant 0 : index
    %swap3A_11 = vector.load %arg6[%swap3A, %swap3A_10] : memref<2000x128xf32, #tpu.memory_space<vmem>>, vector<2000x128xf32>
    tpu.vector_store %arg6[%swap3A, %swap3A_10], %add3A_9 {strides = array<i32>} : memref<2000x128xf32, #tpu.memory_space<vmem>>, vector<2000x128xf32>,
    %get3A_12 = arith.constant 0 : index
    %get3A_13 = arith.constant 0 : index
    %get3A_14 = vector.load %arg4[%get3A_12, %get3A_13] : memref<128x128xf32, #tpu.memory_space<vmem>>, vector<128x128xf32>
    %dot_general3A_15 = arith.constant dense<0.000000e+00> : vector<2000x128xf32>
    %dot_general3A_16 = tpu.matmul %get3A_1, %get3A_14, %dot_general3A_15 {dimension_numbers = #tpu.dot_dimension_numbers<[1], [0], [0], [1], [0, 0, 1, 1], [], []>, transpose_lhs_hint = false} : vector<2000x128xf32>, vector<128x128xf32>, vector<2000x128xf32> -> vector<2000x128xf32>
    %get3A_17 = arith.constant 0 : index
    %get3A_18 = arith.constant 0 : index
    %get3A_19 = vector.load %arg5[%get3A_17, %get3A_18] : memref<1x128xf32, #tpu.memory_space<vmem>>, vector<1x128xf32>
    %add3A_20 = vector.broadcast %get3A_19 : vector<1x128xf32> to vector<2000x128xf32>
    %add3A_21 = arith.addf %dot_general3A_16, %add3A_20 : vector<2000x128xf32>
    %swap3A_22 = arith.constant 0 : index
    %swap3A_23 = arith.constant 0 : index
    %swap3A_24 = vector.load %arg7[%swap3A_22, %swap3A_23] : memref<2000x128xf32, #tpu.memory_space<vmem>>, vector<2000x128xf32>
    tpu.vector_store %arg7[%swap3A_22, %swap3A_23], %add3A_21 {strides = array<i32>} : memref<2000x128xf32, #tpu.memory_space<vmem>>, vector<2000x128xf32>,
    return
  }
  func.func @transform_0(%arg0: i32) -> (i32, i32) {
    %c0_i32 = arith.constant 0 : i32
    %c0_i32_0 = arith.constant 0 : i32
    return %arg0, %c0_i32 : i32, i32
  }
  func.func @transform_1(%arg0: i32) -> (i32, i32) {
    %c0_i32 = arith.constant 0 : i32
    %c0_i32_0 = arith.constant 0 : i32
    %c0_i32_1 = arith.constant 0 : i32
    return %c0_i32, %c0_i32_0 : i32, i32
  }
  func.func @transform_2(%arg0: i32) -> (i32, i32) {
    %c0_i32 = arith.constant 0 : i32
    %c0_i32_0 = arith.constant 0 : i32
    %c0_i32_1 = arith.constant 0 : i32
    return %c0_i32, %c0_i32_0 : i32, i32
  }
  func.func @transform_3(%arg0: i32) -> (i32, i32) {
    %c0_i32 = arith.constant 0 : i32
    %c0_i32_0 = arith.constant 0 : i32
    %c0_i32_1 = arith.constant 0 : i32
    return %c0_i32, %c0_i32_0 : i32, i32
  }
  func.func @transform_4(%arg0: i32) -> (i32, i32) {
    %c0_i32 = arith.constant 0 : i32
    %c0_i32_0 = arith.constant 0 : i32
    %c0_i32_1 = arith.constant 0 : i32
    return %c0_i32, %c0_i32_0 : i32, i32
  }
  func.func @transform_5(%arg0: i32) -> (i32, i32) {
    %c0_i32 = arith.constant 0 : i32
    %c0_i32_0 = arith.constant 0 : i32
    return %arg0, %c0_i32 : i32, i32
  }
  func.func @transform_6(%arg0: i32) -> (i32, i32) {
    %c0_i32 = arith.constant 0 : i32
    %c0_i32_0 = arith.constant 0 : i32
    return %arg0, %c0_i32 : i32, i32
  }
}

module attributes {stable_mosaic.version = 14 : i64} {
  func.func @body(%arg0: i32, %arg1: memref<2048x128xf32, #tpu.memory_space<vmem>>, %arg2: memref<2048x128xf32, #tpu.memory_space<vmem>>, %arg3: memref<2048x128xf32, #tpu.memory_space<vmem>>, %arg4: memref<128x128xf32, #tpu.memory_space<vmem>>, %arg5: memref<128x128xf32, #tpu.memory_space<vmem>>, %arg6: memref<1x128xf32, #tpu.memory_space<vmem>>, %arg7: memref<1x128xf32, #tpu.memory_space<vmem>>, %arg8: memref<1x128xf32, #tpu.memory_space<vmem>>, %arg9: memref<2048x128xf32, #tpu.memory_space<vmem>>, %arg10: memref<2048x128xf32, #tpu.memory_space<vmem>>) attributes {dimension_semantics = [#tpu.dimension_semantics<arbitrary>], iteration_bounds = array<i64: 40>, scalar_prefetch = 0 : i64, scratch_operands = 0 : i64, tpu.core_type = #tpu.core_type<tc>, window_params = [{transform_indices = @transform_0, window_bounds = array<i64: 2048, 128>}, {transform_indices = @transform_1, window_bounds = array<i64: 2048, 128>}, {transform_indices = @transform_2, window_bounds = array<i64: 2048, 128>}, {pipeline_mode = #tpu.pipeline_mode<synchronous>, transform_indices = @transform_3, window_bounds = array<i64: 128, 128>}, {pipeline_mode = #tpu.pipeline_mode<synchronous>, transform_indices = @transform_4, window_bounds = array<i64: 128, 128>}, {pipeline_mode = #tpu.pipeline_mode<synchronous>, transform_indices = @transform_5, window_bounds = array<i64: 1, 128>}, {pipeline_mode = #tpu.pipeline_mode<synchronous>, transform_indices = @transform_6, window_bounds = array<i64: 1, 128>}, {pipeline_mode = #tpu.pipeline_mode<synchronous>, transform_indices = @transform_7, window_bounds = array<i64: 1, 128>}, {transform_indices = @transform_8, window_bounds = array<i64: 2048, 128>}, {transform_indices = @transform_9, window_bounds = array<i64: 2048, 128>}]} {
    %get3A = arith.constant 0 : index
    %get3A_0 = arith.constant 0 : index
    %get3A_1 = vector.load %arg1[%get3A, %get3A_0] : memref<2048x128xf32, #tpu.memory_space<vmem>>, vector<2048x128xf32>
    %get3A_2 = arith.constant 0 : index
    %get3A_3 = arith.constant 0 : index
    %get3A_4 = vector.load %arg4[%get3A_2, %get3A_3] : memref<128x128xf32, #tpu.memory_space<vmem>>, vector<128x128xf32>
    %dot_general3A = arith.constant dense<0.000000e+00> : vector<2048x128xf32>
    %dot_general3A_5 = tpu.matmul %get3A_1, %get3A_4, %dot_general3A {dimension_numbers = #tpu.dot_dimension_numbers<[1], [0], [0], [1], [0, 0, 1, 1], [], []>, transpose_lhs_hint = false} : vector<2048x128xf32>, vector<128x128xf32>, vector<2048x128xf32> -> vector<2048x128xf32>
    %get3A_6 = arith.constant 0 : index
    %get3A_7 = arith.constant 0 : index
    %get3A_8 = vector.load %arg2[%get3A_6, %get3A_7] : memref<2048x128xf32, #tpu.memory_space<vmem>>, vector<2048x128xf32>
    %get3A_9 = arith.constant 0 : index
    %get3A_10 = arith.constant 0 : index
    %get3A_11 = vector.load %arg3[%get3A_9, %get3A_10] : memref<2048x128xf32, #tpu.memory_space<vmem>>, vector<2048x128xf32>
    %add3A = arith.addf %get3A_8, %get3A_11 : vector<2048x128xf32>
    %add3A_12 = arith.addf %add3A, %dot_general3A_5 : vector<2048x128xf32>
    %max3A = arith.constant 0.000000e+00 : f32
    %max3A_13 = vector.broadcast %max3A : f32 to vector<2048x128xf32>
    %max3A_14 = arith.maximumf %add3A_12, %max3A_13 : vector<2048x128xf32>
    %get3A_15 = arith.constant 0 : index
    %get3A_16 = arith.constant 0 : index
    %get3A_17 = vector.load %arg5[%get3A_15, %get3A_16] : memref<128x128xf32, #tpu.memory_space<vmem>>, vector<128x128xf32>
    %dot_general3A_18 = arith.constant dense<0.000000e+00> : vector<2048x128xf32>
    %dot_general3A_19 = tpu.matmul %max3A_14, %get3A_17, %dot_general3A_18 {dimension_numbers = #tpu.dot_dimension_numbers<[1], [0], [0], [1], [0, 0, 1, 1], [], []>, transpose_lhs_hint = false} : vector<2048x128xf32>, vector<128x128xf32>, vector<2048x128xf32> -> vector<2048x128xf32>
    %get3A_20 = arith.constant 0 : index
    %get3A_21 = arith.constant 0 : index
    %get3A_22 = vector.load %arg6[%get3A_20, %get3A_21] : memref<1x128xf32, #tpu.memory_space<vmem>>, vector<1x128xf32>
    %add3A_23 = vector.broadcast %get3A_22 : vector<1x128xf32> to vector<2048x128xf32>
    %add3A_24 = arith.addf %dot_general3A_19, %add3A_23 : vector<2048x128xf32>
    %swap3A = arith.constant 0 : index
    %swap3A_25 = arith.constant 0 : index
    %swap3A_26 = vector.load %arg9[%swap3A, %swap3A_25] : memref<2048x128xf32, #tpu.memory_space<vmem>>, vector<2048x128xf32>
    tpu.vector_store %arg9[%swap3A, %swap3A_25], %add3A_24 {strides = array<i32>} : memref<2048x128xf32, #tpu.memory_space<vmem>>, vector<2048x128xf32>,
    %add3A_27 = arith.addf %get3A_1, %add3A_24 : vector<2048x128xf32>
    %get3A_28 = arith.constant 0 : index
    %get3A_29 = arith.constant 0 : index
    %get3A_30 = vector.load %arg7[%get3A_28, %get3A_29] : memref<1x128xf32, #tpu.memory_space<vmem>>, vector<1x128xf32>
    %get3A_31 = arith.constant 0 : index
    %get3A_32 = arith.constant 0 : index
    %get3A_33 = vector.load %arg8[%get3A_31, %get3A_32] : memref<1x128xf32, #tpu.memory_space<vmem>>, vector<1x128xf32>
    %reduce_sum3A = arith.constant dense<0.000000e+00> : vector<2048xf32>
    %reduce_sum3A_34 = vector.multi_reduction <add>, %add3A_27, %reduce_sum3A [1] : vector<2048x128xf32> to vector<2048xf32>
    %broadcast_in_dim3A = vector.shape_cast %reduce_sum3A_34 : vector<2048xf32> to vector<2048x1xf32>
    %div3A = arith.constant 1.280000e+02 : f32
    %div3A_35 = vector.broadcast %div3A : f32 to vector<2048x1xf32>
    %div3A_36 = arith.divf %broadcast_in_dim3A, %div3A_35 : vector<2048x1xf32>
    %sub3A = vector.broadcast %div3A_36 : vector<2048x1xf32> to vector<2048x128xf32>
    %sub3A_37 = arith.subf %add3A_27, %sub3A : vector<2048x128xf32>
    %mul3A = arith.mulf %sub3A_37, %sub3A_37 : vector<2048x128xf32>
    %reduce_sum3A_38 = arith.constant dense<0.000000e+00> : vector<2048xf32>
    %reduce_sum3A_39 = vector.multi_reduction <add>, %mul3A, %reduce_sum3A_38 [1] : vector<2048x128xf32> to vector<2048xf32>
    %broadcast_in_dim3A_40 = vector.shape_cast %reduce_sum3A_39 : vector<2048xf32> to vector<2048x1xf32>
    %div3A_41 = arith.constant 1.280000e+02 : f32
    %div3A_42 = vector.broadcast %div3A_41 : f32 to vector<2048x1xf32>
    %div3A_43 = arith.divf %broadcast_in_dim3A_40, %div3A_42 : vector<2048x1xf32>
    %add3A_44 = arith.constant 9.99999974E-6 : f32
    %add3A_45 = vector.broadcast %add3A_44 : f32 to vector<2048x1xf32>
    %add3A_46 = arith.addf %div3A_43, %add3A_45 : vector<2048x1xf32>
    %rsqrt3A = math.rsqrt %add3A_46 : vector<2048x1xf32>
    %mul3A_47 = vector.broadcast %rsqrt3A : vector<2048x1xf32> to vector<2048x128xf32>
    %mul3A_48 = arith.mulf %sub3A_37, %mul3A_47 : vector<2048x128xf32>
    %mul3A_49 = vector.broadcast %get3A_30 : vector<1x128xf32> to vector<2048x128xf32>
    %mul3A_50 = arith.mulf %mul3A_49, %mul3A_48 : vector<2048x128xf32>
    %add3A_51 = vector.broadcast %get3A_33 : vector<1x128xf32> to vector<2048x128xf32>
    %add3A_52 = arith.addf %mul3A_50, %add3A_51 : vector<2048x128xf32>
    %swap3A_53 = arith.constant 0 : index
    %swap3A_54 = arith.constant 0 : index
    %swap3A_55 = vector.load %arg10[%swap3A_53, %swap3A_54] : memref<2048x128xf32, #tpu.memory_space<vmem>>, vector<2048x128xf32>
    tpu.vector_store %arg10[%swap3A_53, %swap3A_54], %add3A_52 {strides = array<i32>} : memref<2048x128xf32, #tpu.memory_space<vmem>>, vector<2048x128xf32>,
    return
  }
  func.func @transform_0(%arg0: i32) -> (i32, i32) {
    %add3A = arith.constant 0 : i32
    %add3A_0 = arith.addi %arg0, %add3A : i32
    %c0_i32 = arith.constant 0 : i32
    %c0_i32_1 = arith.constant 0 : i32
    return %add3A_0, %c0_i32 : i32, i32
  }
  func.func @transform_1(%arg0: i32) -> (i32, i32) {
    %c0_i32 = arith.constant 0 : i32
    %c0_i32_0 = arith.constant 0 : i32
    return %arg0, %c0_i32 : i32, i32
  }
  func.func @transform_2(%arg0: i32) -> (i32, i32) {
    %c0_i32 = arith.constant 0 : i32
    %c0_i32_0 = arith.constant 0 : i32
    return %arg0, %c0_i32 : i32, i32
  }
  func.func @transform_3(%arg0: i32) -> (i32, i32) {
    %c0_i32 = arith.constant 0 : i32
    %c0_i32_0 = arith.constant 0 : i32
    %c0_i32_1 = arith.constant 0 : i32
    return %c0_i32, %c0_i32_0 : i32, i32
  }
  func.func @transform_4(%arg0: i32) -> (i32, i32) {
    %c0_i32 = arith.constant 0 : i32
    %c0_i32_0 = arith.constant 0 : i32
    %c0_i32_1 = arith.constant 0 : i32
    return %c0_i32, %c0_i32_0 : i32, i32
  }
  func.func @transform_5(%arg0: i32) -> (i32, i32) {
    %c0_i32 = arith.constant 0 : i32
    %c0_i32_0 = arith.constant 0 : i32
    %c0_i32_1 = arith.constant 0 : i32
    return %c0_i32, %c0_i32_0 : i32, i32
  }
  func.func @transform_6(%arg0: i32) -> (i32, i32) {
    %c0_i32 = arith.constant 0 : i32
    %c0_i32_0 = arith.constant 0 : i32
    %c0_i32_1 = arith.constant 0 : i32
    return %c0_i32, %c0_i32_0 : i32, i32
  }
  func.func @transform_7(%arg0: i32) -> (i32, i32) {
    %c0_i32 = arith.constant 0 : i32
    %c0_i32_0 = arith.constant 0 : i32
    %c0_i32_1 = arith.constant 0 : i32
    return %c0_i32, %c0_i32_0 : i32, i32
  }
  func.func @transform_8(%arg0: i32) -> (i32, i32) {
    %c0_i32 = arith.constant 0 : i32
    %c0_i32_0 = arith.constant 0 : i32
    return %arg0, %c0_i32 : i32, i32
  }
  func.func @transform_9(%arg0: i32) -> (i32, i32) {
    %add3A = arith.constant 0 : i32
    %add3A_0 = arith.addi %arg0, %add3A : i32
    %c0_i32 = arith.constant 0 : i32
    %c0_i32_1 = arith.constant 0 : i32
    return %add3A_0, %c0_i32 : i32, i32
  }
}

module attributes {stable_mosaic.version = 14 : i64} {
  func.func @body(%arg0: i32, %arg1: memref<2048x128xf32, #tpu.memory_space<vmem>>, %arg2: memref<2048x128xf32, #tpu.memory_space<vmem>>, %arg3: memref<2048x128xf32, #tpu.memory_space<vmem>>, %arg4: memref<128x128xf32, #tpu.memory_space<vmem>>, %arg5: memref<128x128xf32, #tpu.memory_space<vmem>>, %arg6: memref<1x128xf32, #tpu.memory_space<vmem>>, %arg7: memref<1x128xf32, #tpu.memory_space<vmem>>, %arg8: memref<1x128xf32, #tpu.memory_space<vmem>>, %arg9: memref<320000x128xf32, #tpu.memory_space<any>>, %arg10: memref<2048x128xf32, #tpu.memory_space<vmem>>, %arg11: memref<2048x128xf32, #tpu.memory_space<vmem>>) attributes {dimension_semantics = [#tpu.dimension_semantics<arbitrary>], iteration_bounds = array<i64: 40>, scalar_prefetch = 0 : i64, scratch_operands = 0 : i64, tpu.core_type = #tpu.core_type<tc>, window_params = [{transform_indices = @transform_0, window_bounds = array<i64: 2048, 128>}, {transform_indices = @transform_1, window_bounds = array<i64: 2048, 128>}, {transform_indices = @transform_2, window_bounds = array<i64: 2048, 128>}, {pipeline_mode = #tpu.pipeline_mode<synchronous>, transform_indices = @transform_3, window_bounds = array<i64: 128, 128>}, {pipeline_mode = #tpu.pipeline_mode<synchronous>, transform_indices = @transform_4, window_bounds = array<i64: 128, 128>}, {pipeline_mode = #tpu.pipeline_mode<synchronous>, transform_indices = @transform_5, window_bounds = array<i64: 1, 128>}, {pipeline_mode = #tpu.pipeline_mode<synchronous>, transform_indices = @transform_6, window_bounds = array<i64: 1, 128>}, {pipeline_mode = #tpu.pipeline_mode<synchronous>, transform_indices = @transform_7, window_bounds = array<i64: 1, 128>}, {}, {transform_indices = @transform_9, window_bounds = array<i64: 2048, 128>}, {transform_indices = @transform_10, window_bounds = array<i64: 2048, 128>}]} {
    %get3A = arith.constant 0 : index
    %get3A_0 = arith.constant 0 : index
    %get3A_1 = vector.load %arg1[%get3A, %get3A_0] : memref<2048x128xf32, #tpu.memory_space<vmem>>, vector<2048x128xf32>
    %get3A_2 = arith.constant 0 : index
    %get3A_3 = arith.constant 0 : index
    %get3A_4 = vector.load %arg4[%get3A_2, %get3A_3] : memref<128x128xf32, #tpu.memory_space<vmem>>, vector<128x128xf32>
    %dot_general3A = arith.constant dense<0.000000e+00> : vector<2048x128xf32>
    %dot_general3A_5 = tpu.matmul %get3A_1, %get3A_4, %dot_general3A {dimension_numbers = #tpu.dot_dimension_numbers<[1], [0], [0], [1], [0, 0, 1, 1], [], []>, transpose_lhs_hint = false} : vector<2048x128xf32>, vector<128x128xf32>, vector<2048x128xf32> -> vector<2048x128xf32>
    %get3A_6 = arith.constant 0 : index
    %get3A_7 = arith.constant 0 : index
    %get3A_8 = vector.load %arg2[%get3A_6, %get3A_7] : memref<2048x128xf32, #tpu.memory_space<vmem>>, vector<2048x128xf32>
    %get3A_9 = arith.constant 0 : index
    %get3A_10 = arith.constant 0 : index
    %get3A_11 = vector.load %arg3[%get3A_9, %get3A_10] : memref<2048x128xf32, #tpu.memory_space<vmem>>, vector<2048x128xf32>
    %add3A = arith.addf %get3A_8, %get3A_11 : vector<2048x128xf32>
    %add3A_12 = arith.addf %add3A, %dot_general3A_5 : vector<2048x128xf32>
    %max3A = arith.constant 0.000000e+00 : f32
    %max3A_13 = vector.broadcast %max3A : f32 to vector<2048x128xf32>
    %max3A_14 = arith.maximumf %add3A_12, %max3A_13 : vector<2048x128xf32>
    %get3A_15 = arith.constant 0 : index
    %get3A_16 = arith.constant 0 : index
    %get3A_17 = vector.load %arg5[%get3A_15, %get3A_16] : memref<128x128xf32, #tpu.memory_space<vmem>>, vector<128x128xf32>
    %dot_general3A_18 = arith.constant dense<0.000000e+00> : vector<2048x128xf32>
    %dot_general3A_19 = tpu.matmul %max3A_14, %get3A_17, %dot_general3A_18 {dimension_numbers = #tpu.dot_dimension_numbers<[1], [0], [0], [1], [0, 0, 1, 1], [], []>, transpose_lhs_hint = false} : vector<2048x128xf32>, vector<128x128xf32>, vector<2048x128xf32> -> vector<2048x128xf32>
    %get3A_20 = arith.constant 0 : index
    %get3A_21 = arith.constant 0 : index
    %get3A_22 = vector.load %arg6[%get3A_20, %get3A_21] : memref<1x128xf32, #tpu.memory_space<vmem>>, vector<1x128xf32>
    %add3A_23 = vector.broadcast %get3A_22 : vector<1x128xf32> to vector<2048x128xf32>
    %add3A_24 = arith.addf %dot_general3A_19, %add3A_23 : vector<2048x128xf32>
    %swap3A = arith.constant 0 : index
    %swap3A_25 = arith.constant 0 : index
    %swap3A_26 = vector.load %arg10[%swap3A, %swap3A_25] : memref<2048x128xf32, #tpu.memory_space<vmem>>, vector<2048x128xf32>
    tpu.vector_store %arg10[%swap3A, %swap3A_25], %add3A_24 {strides = array<i32>} : memref<2048x128xf32, #tpu.memory_space<vmem>>, vector<2048x128xf32>,
    %add3A_27 = arith.addf %get3A_1, %add3A_24 : vector<2048x128xf32>
    %get3A_28 = arith.constant 0 : index
    %get3A_29 = arith.constant 0 : index
    %get3A_30 = vector.load %arg7[%get3A_28, %get3A_29] : memref<1x128xf32, #tpu.memory_space<vmem>>, vector<1x128xf32>
    %get3A_31 = arith.constant 0 : index
    %get3A_32 = arith.constant 0 : index
    %get3A_33 = vector.load %arg8[%get3A_31, %get3A_32] : memref<1x128xf32, #tpu.memory_space<vmem>>, vector<1x128xf32>
    %reduce_sum3A = arith.constant dense<0.000000e+00> : vector<2048xf32>
    %reduce_sum3A_34 = vector.multi_reduction <add>, %add3A_27, %reduce_sum3A [1] : vector<2048x128xf32> to vector<2048xf32>
    %broadcast_in_dim3A = vector.shape_cast %reduce_sum3A_34 : vector<2048xf32> to vector<2048x1xf32>
    %div3A = arith.constant 1.280000e+02 : f32
    %div3A_35 = vector.broadcast %div3A : f32 to vector<2048x1xf32>
    %div3A_36 = arith.divf %broadcast_in_dim3A, %div3A_35 : vector<2048x1xf32>
    %sub3A = vector.broadcast %div3A_36 : vector<2048x1xf32> to vector<2048x128xf32>
    %sub3A_37 = arith.subf %add3A_27, %sub3A : vector<2048x128xf32>
    %mul3A = arith.mulf %sub3A_37, %sub3A_37 : vector<2048x128xf32>
    %reduce_sum3A_38 = arith.constant dense<0.000000e+00> : vector<2048xf32>
    %reduce_sum3A_39 = vector.multi_reduction <add>, %mul3A, %reduce_sum3A_38 [1] : vector<2048x128xf32> to vector<2048xf32>
    %broadcast_in_dim3A_40 = vector.shape_cast %reduce_sum3A_39 : vector<2048xf32> to vector<2048x1xf32>
    %div3A_41 = arith.constant 1.280000e+02 : f32
    %div3A_42 = vector.broadcast %div3A_41 : f32 to vector<2048x1xf32>
    %div3A_43 = arith.divf %broadcast_in_dim3A_40, %div3A_42 : vector<2048x1xf32>
    %add3A_44 = arith.constant 9.99999974E-6 : f32
    %add3A_45 = vector.broadcast %add3A_44 : f32 to vector<2048x1xf32>
    %add3A_46 = arith.addf %div3A_43, %add3A_45 : vector<2048x1xf32>
    %rsqrt3A = math.rsqrt %add3A_46 : vector<2048x1xf32>
    %mul3A_47 = vector.broadcast %rsqrt3A : vector<2048x1xf32> to vector<2048x128xf32>
    %mul3A_48 = arith.mulf %sub3A_37, %mul3A_47 : vector<2048x128xf32>
    %mul3A_49 = vector.broadcast %get3A_30 : vector<1x128xf32> to vector<2048x128xf32>
    %mul3A_50 = arith.mulf %mul3A_49, %mul3A_48 : vector<2048x128xf32>
    %add3A_51 = vector.broadcast %get3A_33 : vector<1x128xf32> to vector<2048x128xf32>
    %add3A_52 = arith.addf %mul3A_50, %add3A_51 : vector<2048x128xf32>
    %swap3A_53 = arith.constant 0 : index
    %swap3A_54 = arith.constant 0 : index
    %swap3A_55 = vector.load %arg11[%swap3A_53, %swap3A_54] : memref<2048x128xf32, #tpu.memory_space<vmem>>, vector<2048x128xf32>
    tpu.vector_store %arg11[%swap3A_53, %swap3A_54], %add3A_52 {strides = array<i32>} : memref<2048x128xf32, #tpu.memory_space<vmem>>, vector<2048x128xf32>,
    return
  }
  func.func @transform_0(%arg0: i32) -> (i32, i32) {
    %add3A = arith.constant 40 : i32
    %add3A_0 = arith.addi %arg0, %add3A : i32
    %c0_i32 = arith.constant 0 : i32
    %c0_i32_1 = arith.constant 0 : i32
    return %add3A_0, %c0_i32 : i32, i32
  }
  func.func @transform_1(%arg0: i32) -> (i32, i32) {
    %c0_i32 = arith.constant 0 : i32
    %c0_i32_0 = arith.constant 0 : i32
    return %arg0, %c0_i32 : i32, i32
  }
  func.func @transform_2(%arg0: i32) -> (i32, i32) {
    %c0_i32 = arith.constant 0 : i32
    %c0_i32_0 = arith.constant 0 : i32
    return %arg0, %c0_i32 : i32, i32
  }
  func.func @transform_3(%arg0: i32) -> (i32, i32) {
    %c0_i32 = arith.constant 0 : i32
    %c0_i32_0 = arith.constant 0 : i32
    %c0_i32_1 = arith.constant 0 : i32
    return %c0_i32, %c0_i32_0 : i32, i32
  }
  func.func @transform_4(%arg0: i32) -> (i32, i32) {
    %c0_i32 = arith.constant 0 : i32
    %c0_i32_0 = arith.constant 0 : i32
    %c0_i32_1 = arith.constant 0 : i32
    return %c0_i32, %c0_i32_0 : i32, i32
  }
  func.func @transform_5(%arg0: i32) -> (i32, i32) {
    %c0_i32 = arith.constant 0 : i32
    %c0_i32_0 = arith.constant 0 : i32
    %c0_i32_1 = arith.constant 0 : i32
    return %c0_i32, %c0_i32_0 : i32, i32
  }
  func.func @transform_6(%arg0: i32) -> (i32, i32) {
    %c0_i32 = arith.constant 0 : i32
    %c0_i32_0 = arith.constant 0 : i32
    %c0_i32_1 = arith.constant 0 : i32
    return %c0_i32, %c0_i32_0 : i32, i32
  }
  func.func @transform_7(%arg0: i32) -> (i32, i32) {
    %c0_i32 = arith.constant 0 : i32
    %c0_i32_0 = arith.constant 0 : i32
    %c0_i32_1 = arith.constant 0 : i32
    return %c0_i32, %c0_i32_0 : i32, i32
  }
  func.func @transform_9(%arg0: i32) -> (i32, i32) {
    %c0_i32 = arith.constant 0 : i32
    %c0_i32_0 = arith.constant 0 : i32
    return %arg0, %c0_i32 : i32, i32
  }
  func.func @transform_10(%arg0: i32) -> (i32, i32) {
    %add3A = arith.constant 40 : i32
    %add3A_0 = arith.addi %arg0, %add3A : i32
    %c0_i32 = arith.constant 0 : i32
    %c0_i32_1 = arith.constant 0 : i32
    return %add3A_0, %c0_i32 : i32, i32
  }
}

module attributes {stable_mosaic.version = 14 : i64} {
  func.func @body(%arg0: i32, %arg1: memref<2048x128xf32, #tpu.memory_space<vmem>>, %arg2: memref<2048x128xf32, #tpu.memory_space<vmem>>, %arg3: memref<2048x128xf32, #tpu.memory_space<vmem>>, %arg4: memref<128x128xf32, #tpu.memory_space<vmem>>, %arg5: memref<128x128xf32, #tpu.memory_space<vmem>>, %arg6: memref<1x128xf32, #tpu.memory_space<vmem>>, %arg7: memref<1x128xf32, #tpu.memory_space<vmem>>, %arg8: memref<1x128xf32, #tpu.memory_space<vmem>>, %arg9: memref<320000x128xf32, #tpu.memory_space<any>>, %arg10: memref<2048x128xf32, #tpu.memory_space<vmem>>, %arg11: memref<2048x128xf32, #tpu.memory_space<vmem>>) attributes {dimension_semantics = [#tpu.dimension_semantics<arbitrary>], iteration_bounds = array<i64: 40>, scalar_prefetch = 0 : i64, scratch_operands = 0 : i64, tpu.core_type = #tpu.core_type<tc>, window_params = [{transform_indices = @transform_0, window_bounds = array<i64: 2048, 128>}, {transform_indices = @transform_1, window_bounds = array<i64: 2048, 128>}, {transform_indices = @transform_2, window_bounds = array<i64: 2048, 128>}, {pipeline_mode = #tpu.pipeline_mode<synchronous>, transform_indices = @transform_3, window_bounds = array<i64: 128, 128>}, {pipeline_mode = #tpu.pipeline_mode<synchronous>, transform_indices = @transform_4, window_bounds = array<i64: 128, 128>}, {pipeline_mode = #tpu.pipeline_mode<synchronous>, transform_indices = @transform_5, window_bounds = array<i64: 1, 128>}, {pipeline_mode = #tpu.pipeline_mode<synchronous>, transform_indices = @transform_6, window_bounds = array<i64: 1, 128>}, {pipeline_mode = #tpu.pipeline_mode<synchronous>, transform_indices = @transform_7, window_bounds = array<i64: 1, 128>}, {}, {transform_indices = @transform_9, window_bounds = array<i64: 2048, 128>}, {transform_indices = @transform_10, window_bounds = array<i64: 2048, 128>}]} {
    %get3A = arith.constant 0 : index
    %get3A_0 = arith.constant 0 : index
    %get3A_1 = vector.load %arg1[%get3A, %get3A_0] : memref<2048x128xf32, #tpu.memory_space<vmem>>, vector<2048x128xf32>
    %get3A_2 = arith.constant 0 : index
    %get3A_3 = arith.constant 0 : index
    %get3A_4 = vector.load %arg4[%get3A_2, %get3A_3] : memref<128x128xf32, #tpu.memory_space<vmem>>, vector<128x128xf32>
    %dot_general3A = arith.constant dense<0.000000e+00> : vector<2048x128xf32>
    %dot_general3A_5 = tpu.matmul %get3A_1, %get3A_4, %dot_general3A {dimension_numbers = #tpu.dot_dimension_numbers<[1], [0], [0], [1], [0, 0, 1, 1], [], []>, transpose_lhs_hint = false} : vector<2048x128xf32>, vector<128x128xf32>, vector<2048x128xf32> -> vector<2048x128xf32>
    %get3A_6 = arith.constant 0 : index
    %get3A_7 = arith.constant 0 : index
    %get3A_8 = vector.load %arg2[%get3A_6, %get3A_7] : memref<2048x128xf32, #tpu.memory_space<vmem>>, vector<2048x128xf32>
    %get3A_9 = arith.constant 0 : index
    %get3A_10 = arith.constant 0 : index
    %get3A_11 = vector.load %arg3[%get3A_9, %get3A_10] : memref<2048x128xf32, #tpu.memory_space<vmem>>, vector<2048x128xf32>
    %add3A = arith.addf %get3A_8, %get3A_11 : vector<2048x128xf32>
    %add3A_12 = arith.addf %add3A, %dot_general3A_5 : vector<2048x128xf32>
    %max3A = arith.constant 0.000000e+00 : f32
    %max3A_13 = vector.broadcast %max3A : f32 to vector<2048x128xf32>
    %max3A_14 = arith.maximumf %add3A_12, %max3A_13 : vector<2048x128xf32>
    %get3A_15 = arith.constant 0 : index
    %get3A_16 = arith.constant 0 : index
    %get3A_17 = vector.load %arg5[%get3A_15, %get3A_16] : memref<128x128xf32, #tpu.memory_space<vmem>>, vector<128x128xf32>
    %dot_general3A_18 = arith.constant dense<0.000000e+00> : vector<2048x128xf32>
    %dot_general3A_19 = tpu.matmul %max3A_14, %get3A_17, %dot_general3A_18 {dimension_numbers = #tpu.dot_dimension_numbers<[1], [0], [0], [1], [0, 0, 1, 1], [], []>, transpose_lhs_hint = false} : vector<2048x128xf32>, vector<128x128xf32>, vector<2048x128xf32> -> vector<2048x128xf32>
    %get3A_20 = arith.constant 0 : index
    %get3A_21 = arith.constant 0 : index
    %get3A_22 = vector.load %arg6[%get3A_20, %get3A_21] : memref<1x128xf32, #tpu.memory_space<vmem>>, vector<1x128xf32>
    %add3A_23 = vector.broadcast %get3A_22 : vector<1x128xf32> to vector<2048x128xf32>
    %add3A_24 = arith.addf %dot_general3A_19, %add3A_23 : vector<2048x128xf32>
    %swap3A = arith.constant 0 : index
    %swap3A_25 = arith.constant 0 : index
    %swap3A_26 = vector.load %arg10[%swap3A, %swap3A_25] : memref<2048x128xf32, #tpu.memory_space<vmem>>, vector<2048x128xf32>
    tpu.vector_store %arg10[%swap3A, %swap3A_25], %add3A_24 {strides = array<i32>} : memref<2048x128xf32, #tpu.memory_space<vmem>>, vector<2048x128xf32>,
    %add3A_27 = arith.addf %get3A_1, %add3A_24 : vector<2048x128xf32>
    %get3A_28 = arith.constant 0 : index
    %get3A_29 = arith.constant 0 : index
    %get3A_30 = vector.load %arg7[%get3A_28, %get3A_29] : memref<1x128xf32, #tpu.memory_space<vmem>>, vector<1x128xf32>
    %get3A_31 = arith.constant 0 : index
    %get3A_32 = arith.constant 0 : index
    %get3A_33 = vector.load %arg8[%get3A_31, %get3A_32] : memref<1x128xf32, #tpu.memory_space<vmem>>, vector<1x128xf32>
    %reduce_sum3A = arith.constant dense<0.000000e+00> : vector<2048xf32>
    %reduce_sum3A_34 = vector.multi_reduction <add>, %add3A_27, %reduce_sum3A [1] : vector<2048x128xf32> to vector<2048xf32>
    %broadcast_in_dim3A = vector.shape_cast %reduce_sum3A_34 : vector<2048xf32> to vector<2048x1xf32>
    %div3A = arith.constant 1.280000e+02 : f32
    %div3A_35 = vector.broadcast %div3A : f32 to vector<2048x1xf32>
    %div3A_36 = arith.divf %broadcast_in_dim3A, %div3A_35 : vector<2048x1xf32>
    %sub3A = vector.broadcast %div3A_36 : vector<2048x1xf32> to vector<2048x128xf32>
    %sub3A_37 = arith.subf %add3A_27, %sub3A : vector<2048x128xf32>
    %mul3A = arith.mulf %sub3A_37, %sub3A_37 : vector<2048x128xf32>
    %reduce_sum3A_38 = arith.constant dense<0.000000e+00> : vector<2048xf32>
    %reduce_sum3A_39 = vector.multi_reduction <add>, %mul3A, %reduce_sum3A_38 [1] : vector<2048x128xf32> to vector<2048xf32>
    %broadcast_in_dim3A_40 = vector.shape_cast %reduce_sum3A_39 : vector<2048xf32> to vector<2048x1xf32>
    %div3A_41 = arith.constant 1.280000e+02 : f32
    %div3A_42 = vector.broadcast %div3A_41 : f32 to vector<2048x1xf32>
    %div3A_43 = arith.divf %broadcast_in_dim3A_40, %div3A_42 : vector<2048x1xf32>
    %add3A_44 = arith.constant 9.99999974E-6 : f32
    %add3A_45 = vector.broadcast %add3A_44 : f32 to vector<2048x1xf32>
    %add3A_46 = arith.addf %div3A_43, %add3A_45 : vector<2048x1xf32>
    %rsqrt3A = math.rsqrt %add3A_46 : vector<2048x1xf32>
    %mul3A_47 = vector.broadcast %rsqrt3A : vector<2048x1xf32> to vector<2048x128xf32>
    %mul3A_48 = arith.mulf %sub3A_37, %mul3A_47 : vector<2048x128xf32>
    %mul3A_49 = vector.broadcast %get3A_30 : vector<1x128xf32> to vector<2048x128xf32>
    %mul3A_50 = arith.mulf %mul3A_49, %mul3A_48 : vector<2048x128xf32>
    %add3A_51 = vector.broadcast %get3A_33 : vector<1x128xf32> to vector<2048x128xf32>
    %add3A_52 = arith.addf %mul3A_50, %add3A_51 : vector<2048x128xf32>
    %swap3A_53 = arith.constant 0 : index
    %swap3A_54 = arith.constant 0 : index
    %swap3A_55 = vector.load %arg11[%swap3A_53, %swap3A_54] : memref<2048x128xf32, #tpu.memory_space<vmem>>, vector<2048x128xf32>
    tpu.vector_store %arg11[%swap3A_53, %swap3A_54], %add3A_52 {strides = array<i32>} : memref<2048x128xf32, #tpu.memory_space<vmem>>, vector<2048x128xf32>,
    return
  }
  func.func @transform_0(%arg0: i32) -> (i32, i32) {
    %add3A = arith.constant 80 : i32
    %add3A_0 = arith.addi %arg0, %add3A : i32
    %c0_i32 = arith.constant 0 : i32
    %c0_i32_1 = arith.constant 0 : i32
    return %add3A_0, %c0_i32 : i32, i32
  }
  func.func @transform_1(%arg0: i32) -> (i32, i32) {
    %c0_i32 = arith.constant 0 : i32
    %c0_i32_0 = arith.constant 0 : i32
    return %arg0, %c0_i32 : i32, i32
  }
  func.func @transform_2(%arg0: i32) -> (i32, i32) {
    %c0_i32 = arith.constant 0 : i32
    %c0_i32_0 = arith.constant 0 : i32
    return %arg0, %c0_i32 : i32, i32
  }
  func.func @transform_3(%arg0: i32) -> (i32, i32) {
    %c0_i32 = arith.constant 0 : i32
    %c0_i32_0 = arith.constant 0 : i32
    %c0_i32_1 = arith.constant 0 : i32
    return %c0_i32, %c0_i32_0 : i32, i32
  }
  func.func @transform_4(%arg0: i32) -> (i32, i32) {
    %c0_i32 = arith.constant 0 : i32
    %c0_i32_0 = arith.constant 0 : i32
    %c0_i32_1 = arith.constant 0 : i32
    return %c0_i32, %c0_i32_0 : i32, i32
  }
  func.func @transform_5(%arg0: i32) -> (i32, i32) {
    %c0_i32 = arith.constant 0 : i32
    %c0_i32_0 = arith.constant 0 : i32
    %c0_i32_1 = arith.constant 0 : i32
    return %c0_i32, %c0_i32_0 : i32, i32
  }
  func.func @transform_6(%arg0: i32) -> (i32, i32) {
    %c0_i32 = arith.constant 0 : i32
    %c0_i32_0 = arith.constant 0 : i32
    %c0_i32_1 = arith.constant 0 : i32
    return %c0_i32, %c0_i32_0 : i32, i32
  }
  func.func @transform_7(%arg0: i32) -> (i32, i32) {
    %c0_i32 = arith.constant 0 : i32
    %c0_i32_0 = arith.constant 0 : i32
    %c0_i32_1 = arith.constant 0 : i32
    return %c0_i32, %c0_i32_0 : i32, i32
  }
  func.func @transform_9(%arg0: i32) -> (i32, i32) {
    %c0_i32 = arith.constant 0 : i32
    %c0_i32_0 = arith.constant 0 : i32
    return %arg0, %c0_i32 : i32, i32
  }
  func.func @transform_10(%arg0: i32) -> (i32, i32) {
    %add3A = arith.constant 80 : i32
    %add3A_0 = arith.addi %arg0, %add3A : i32
    %c0_i32 = arith.constant 0 : i32
    %c0_i32_1 = arith.constant 0 : i32
    return %add3A_0, %c0_i32 : i32, i32
  }
}

module attributes {stable_mosaic.version = 14 : i64} {
  func.func @body(%arg0: i32, %arg1: memref<2560x128xf32, #tpu.memory_space<vmem>>, %arg2: memref<2560x128xf32, #tpu.memory_space<vmem>>, %arg3: memref<2560x128xf32, #tpu.memory_space<vmem>>, %arg4: memref<128x128xf32, #tpu.memory_space<vmem>>, %arg5: memref<128x128xf32, #tpu.memory_space<vmem>>, %arg6: memref<1x128xf32, #tpu.memory_space<vmem>>, %arg7: memref<1x128xf32, #tpu.memory_space<vmem>>, %arg8: memref<1x128xf32, #tpu.memory_space<vmem>>, %arg9: memref<320000x128xf32, #tpu.memory_space<any>>, %arg10: memref<2560x128xf32, #tpu.memory_space<vmem>>, %arg11: memref<2560x128xf32, #tpu.memory_space<vmem>>) attributes {dimension_semantics = [#tpu.dimension_semantics<arbitrary>], iteration_bounds = array<i64: 29>, scalar_prefetch = 0 : i64, scratch_operands = 0 : i64, tpu.core_type = #tpu.core_type<tc>, window_params = [{transform_indices = @transform_0, window_bounds = array<i64: 2560, 128>}, {transform_indices = @transform_1, window_bounds = array<i64: 2560, 128>}, {transform_indices = @transform_2, window_bounds = array<i64: 2560, 128>}, {pipeline_mode = #tpu.pipeline_mode<synchronous>, transform_indices = @transform_3, window_bounds = array<i64: 128, 128>}, {pipeline_mode = #tpu.pipeline_mode<synchronous>, transform_indices = @transform_4, window_bounds = array<i64: 128, 128>}, {pipeline_mode = #tpu.pipeline_mode<synchronous>, transform_indices = @transform_5, window_bounds = array<i64: 1, 128>}, {pipeline_mode = #tpu.pipeline_mode<synchronous>, transform_indices = @transform_6, window_bounds = array<i64: 1, 128>}, {pipeline_mode = #tpu.pipeline_mode<synchronous>, transform_indices = @transform_7, window_bounds = array<i64: 1, 128>}, {}, {transform_indices = @transform_9, window_bounds = array<i64: 2560, 128>}, {transform_indices = @transform_10, window_bounds = array<i64: 2560, 128>}]} {
    %get3A = arith.constant 0 : index
    %get3A_0 = arith.constant 0 : index
    %get3A_1 = vector.load %arg1[%get3A, %get3A_0] : memref<2560x128xf32, #tpu.memory_space<vmem>>, vector<2560x128xf32>
    %get3A_2 = arith.constant 0 : index
    %get3A_3 = arith.constant 0 : index
    %get3A_4 = vector.load %arg4[%get3A_2, %get3A_3] : memref<128x128xf32, #tpu.memory_space<vmem>>, vector<128x128xf32>
    %dot_general3A = arith.constant dense<0.000000e+00> : vector<2560x128xf32>
    %dot_general3A_5 = tpu.matmul %get3A_1, %get3A_4, %dot_general3A {dimension_numbers = #tpu.dot_dimension_numbers<[1], [0], [0], [1], [0, 0, 1, 1], [], []>, transpose_lhs_hint = false} : vector<2560x128xf32>, vector<128x128xf32>, vector<2560x128xf32> -> vector<2560x128xf32>
    %get3A_6 = arith.constant 0 : index
    %get3A_7 = arith.constant 0 : index
    %get3A_8 = vector.load %arg2[%get3A_6, %get3A_7] : memref<2560x128xf32, #tpu.memory_space<vmem>>, vector<2560x128xf32>
    %get3A_9 = arith.constant 0 : index
    %get3A_10 = arith.constant 0 : index
    %get3A_11 = vector.load %arg3[%get3A_9, %get3A_10] : memref<2560x128xf32, #tpu.memory_space<vmem>>, vector<2560x128xf32>
    %add3A = arith.addf %get3A_8, %get3A_11 : vector<2560x128xf32>
    %add3A_12 = arith.addf %add3A, %dot_general3A_5 : vector<2560x128xf32>
    %max3A = arith.constant 0.000000e+00 : f32
    %max3A_13 = vector.broadcast %max3A : f32 to vector<2560x128xf32>
    %max3A_14 = arith.maximumf %add3A_12, %max3A_13 : vector<2560x128xf32>
    %get3A_15 = arith.constant 0 : index
    %get3A_16 = arith.constant 0 : index
    %get3A_17 = vector.load %arg5[%get3A_15, %get3A_16] : memref<128x128xf32, #tpu.memory_space<vmem>>, vector<128x128xf32>
    %dot_general3A_18 = arith.constant dense<0.000000e+00> : vector<2560x128xf32>
    %dot_general3A_19 = tpu.matmul %max3A_14, %get3A_17, %dot_general3A_18 {dimension_numbers = #tpu.dot_dimension_numbers<[1], [0], [0], [1], [0, 0, 1, 1], [], []>, transpose_lhs_hint = false} : vector<2560x128xf32>, vector<128x128xf32>, vector<2560x128xf32> -> vector<2560x128xf32>
    %get3A_20 = arith.constant 0 : index
    %get3A_21 = arith.constant 0 : index
    %get3A_22 = vector.load %arg6[%get3A_20, %get3A_21] : memref<1x128xf32, #tpu.memory_space<vmem>>, vector<1x128xf32>
    %add3A_23 = vector.broadcast %get3A_22 : vector<1x128xf32> to vector<2560x128xf32>
    %add3A_24 = arith.addf %dot_general3A_19, %add3A_23 : vector<2560x128xf32>
    %swap3A = arith.constant 0 : index
    %swap3A_25 = arith.constant 0 : index
    %swap3A_26 = vector.load %arg10[%swap3A, %swap3A_25] : memref<2560x128xf32, #tpu.memory_space<vmem>>, vector<2560x128xf32>
    tpu.vector_store %arg10[%swap3A, %swap3A_25], %add3A_24 {strides = array<i32>} : memref<2560x128xf32, #tpu.memory_space<vmem>>, vector<2560x128xf32>,
    %add3A_27 = arith.addf %get3A_1, %add3A_24 : vector<2560x128xf32>
    %get3A_28 = arith.constant 0 : index
    %get3A_29 = arith.constant 0 : index
    %get3A_30 = vector.load %arg7[%get3A_28, %get3A_29] : memref<1x128xf32, #tpu.memory_space<vmem>>, vector<1x128xf32>
    %get3A_31 = arith.constant 0 : index
    %get3A_32 = arith.constant 0 : index
    %get3A_33 = vector.load %arg8[%get3A_31, %get3A_32] : memref<1x128xf32, #tpu.memory_space<vmem>>, vector<1x128xf32>
    %reduce_sum3A = arith.constant dense<0.000000e+00> : vector<2560xf32>
    %reduce_sum3A_34 = vector.multi_reduction <add>, %add3A_27, %reduce_sum3A [1] : vector<2560x128xf32> to vector<2560xf32>
    %broadcast_in_dim3A = vector.shape_cast %reduce_sum3A_34 : vector<2560xf32> to vector<2560x1xf32>
    %div3A = arith.constant 1.280000e+02 : f32
    %div3A_35 = vector.broadcast %div3A : f32 to vector<2560x1xf32>
    %div3A_36 = arith.divf %broadcast_in_dim3A, %div3A_35 : vector<2560x1xf32>
    %sub3A = vector.broadcast %div3A_36 : vector<2560x1xf32> to vector<2560x128xf32>
    %sub3A_37 = arith.subf %add3A_27, %sub3A : vector<2560x128xf32>
    %mul3A = arith.mulf %sub3A_37, %sub3A_37 : vector<2560x128xf32>
    %reduce_sum3A_38 = arith.constant dense<0.000000e+00> : vector<2560xf32>
    %reduce_sum3A_39 = vector.multi_reduction <add>, %mul3A, %reduce_sum3A_38 [1] : vector<2560x128xf32> to vector<2560xf32>
    %broadcast_in_dim3A_40 = vector.shape_cast %reduce_sum3A_39 : vector<2560xf32> to vector<2560x1xf32>
    %div3A_41 = arith.constant 1.280000e+02 : f32
    %div3A_42 = vector.broadcast %div3A_41 : f32 to vector<2560x1xf32>
    %div3A_43 = arith.divf %broadcast_in_dim3A_40, %div3A_42 : vector<2560x1xf32>
    %add3A_44 = arith.constant 9.99999974E-6 : f32
    %add3A_45 = vector.broadcast %add3A_44 : f32 to vector<2560x1xf32>
    %add3A_46 = arith.addf %div3A_43, %add3A_45 : vector<2560x1xf32>
    %rsqrt3A = math.rsqrt %add3A_46 : vector<2560x1xf32>
    %mul3A_47 = vector.broadcast %rsqrt3A : vector<2560x1xf32> to vector<2560x128xf32>
    %mul3A_48 = arith.mulf %sub3A_37, %mul3A_47 : vector<2560x128xf32>
    %mul3A_49 = vector.broadcast %get3A_30 : vector<1x128xf32> to vector<2560x128xf32>
    %mul3A_50 = arith.mulf %mul3A_49, %mul3A_48 : vector<2560x128xf32>
    %add3A_51 = vector.broadcast %get3A_33 : vector<1x128xf32> to vector<2560x128xf32>
    %add3A_52 = arith.addf %mul3A_50, %add3A_51 : vector<2560x128xf32>
    %swap3A_53 = arith.constant 0 : index
    %swap3A_54 = arith.constant 0 : index
    %swap3A_55 = vector.load %arg11[%swap3A_53, %swap3A_54] : memref<2560x128xf32, #tpu.memory_space<vmem>>, vector<2560x128xf32>
    tpu.vector_store %arg11[%swap3A_53, %swap3A_54], %add3A_52 {strides = array<i32>} : memref<2560x128xf32, #tpu.memory_space<vmem>>, vector<2560x128xf32>,
    return
  }
  func.func @transform_0(%arg0: i32) -> (i32, i32) {
    %add3A = arith.constant 96 : i32
    %add3A_0 = arith.addi %arg0, %add3A : i32
    %c0_i32 = arith.constant 0 : i32
    %c0_i32_1 = arith.constant 0 : i32
    return %add3A_0, %c0_i32 : i32, i32
  }
  func.func @transform_1(%arg0: i32) -> (i32, i32) {
    %c0_i32 = arith.constant 0 : i32
    %c0_i32_0 = arith.constant 0 : i32
    return %arg0, %c0_i32 : i32, i32
  }
  func.func @transform_2(%arg0: i32) -> (i32, i32) {
    %c0_i32 = arith.constant 0 : i32
    %c0_i32_0 = arith.constant 0 : i32
    return %arg0, %c0_i32 : i32, i32
  }
  func.func @transform_3(%arg0: i32) -> (i32, i32) {
    %c0_i32 = arith.constant 0 : i32
    %c0_i32_0 = arith.constant 0 : i32
    %c0_i32_1 = arith.constant 0 : i32
    return %c0_i32, %c0_i32_0 : i32, i32
  }
  func.func @transform_4(%arg0: i32) -> (i32, i32) {
    %c0_i32 = arith.constant 0 : i32
    %c0_i32_0 = arith.constant 0 : i32
    %c0_i32_1 = arith.constant 0 : i32
    return %c0_i32, %c0_i32_0 : i32, i32
  }
  func.func @transform_5(%arg0: i32) -> (i32, i32) {
    %c0_i32 = arith.constant 0 : i32
    %c0_i32_0 = arith.constant 0 : i32
    %c0_i32_1 = arith.constant 0 : i32
    return %c0_i32, %c0_i32_0 : i32, i32
  }
  func.func @transform_6(%arg0: i32) -> (i32, i32) {
    %c0_i32 = arith.constant 0 : i32
    %c0_i32_0 = arith.constant 0 : i32
    %c0_i32_1 = arith.constant 0 : i32
    return %c0_i32, %c0_i32_0 : i32, i32
  }
  func.func @transform_7(%arg0: i32) -> (i32, i32) {
    %c0_i32 = arith.constant 0 : i32
    %c0_i32_0 = arith.constant 0 : i32
    %c0_i32_1 = arith.constant 0 : i32
    return %c0_i32, %c0_i32_0 : i32, i32
  }
  func.func @transform_9(%arg0: i32) -> (i32, i32) {
    %c0_i32 = arith.constant 0 : i32
    %c0_i32_0 = arith.constant 0 : i32
    return %arg0, %c0_i32 : i32, i32
  }
  func.func @transform_10(%arg0: i32) -> (i32, i32) {
    %add3A = arith.constant 96 : i32
    %add3A_0 = arith.addi %arg0, %add3A : i32
    %c0_i32 = arith.constant 0 : i32
    %c0_i32_1 = arith.constant 0 : i32
    return %add3A_0, %c0_i32 : i32, i32
  }
}

module attributes {stable_mosaic.version = 14 : i64} {
  func.func @body(%arg0: i32, %arg1: memref<2000x128xf32, #tpu.memory_space<vmem>>, %arg2: memref<2x2000x128xf32, #tpu.memory_space<vmem>>, %arg3: memref<2x2000x128xf32, #tpu.memory_space<vmem>>, %arg4: memref<2x2000x128xf32, #tpu.memory_space<vmem>>, %arg5: memref<2x2000x128xf32, #tpu.memory_space<vmem>>, %arg6: memref<128x128xf32, #tpu.memory_space<vmem>>, %arg7: memref<1x128xf32, #tpu.memory_space<vmem>>, %arg8: memref<1x128xf32, #tpu.memory_space<vmem>>, %arg9: memref<1x128xf32, #tpu.memory_space<vmem>>, %arg10: memref<2000x128xf32, #tpu.memory_space<vmem>>) attributes {dimension_semantics = [#tpu.dimension_semantics<arbitrary>], iteration_bounds = array<i64: 5>, scalar_prefetch = 0 : i64, scratch_operands = 0 : i64, tpu.core_type = #tpu.core_type<tc>, window_params = [{transform_indices = @transform_0, window_bounds = array<i64: 2000, 128>}, {transform_indices = @transform_1, window_bounds = array<i64: 2, 2000, 128>}, {transform_indices = @transform_2, window_bounds = array<i64: 2, 2000, 128>}, {transform_indices = @transform_3, window_bounds = array<i64: 2, 2000, 128>}, {transform_indices = @transform_4, window_bounds = array<i64: 2, 2000, 128>}, {pipeline_mode = #tpu.pipeline_mode<synchronous>, transform_indices = @transform_5, window_bounds = array<i64: 128, 128>}, {pipeline_mode = #tpu.pipeline_mode<synchronous>, transform_indices = @transform_6, window_bounds = array<i64: 1, 128>}, {pipeline_mode = #tpu.pipeline_mode<synchronous>, transform_indices = @transform_7, window_bounds = array<i64: 1, 128>}, {pipeline_mode = #tpu.pipeline_mode<synchronous>, transform_indices = @transform_8, window_bounds = array<i64: 1, 128>}, {transform_indices = @transform_9, window_bounds = array<i64: 2000, 128>}]} {
    %get3A = arith.constant 0 : index
    %get3A_0 = arith.constant 0 : index
    %get3A_1 = arith.constant 0 : index
    %get3A_2 = vector.load %arg2[%get3A, %get3A_0, %get3A_1] : memref<2x2000x128xf32, #tpu.memory_space<vmem>>, vector<1x2000x128xf32>
    %get3A_3 = vector.shape_cast %get3A_2 : vector<1x2000x128xf32> to vector<2000x128xf32>
    %get3A_4 = arith.constant 1 : index
    %get3A_5 = arith.constant 0 : index
    %get3A_6 = arith.constant 0 : index
    %get3A_7 = vector.load %arg2[%get3A_4, %get3A_5, %get3A_6] : memref<2x2000x128xf32, #tpu.memory_space<vmem>>, vector<1x2000x128xf32>
    %get3A_8 = vector.shape_cast %get3A_7 : vector<1x2000x128xf32> to vector<2000x128xf32>
    %add3A = arith.addf %get3A_3, %get3A_8 : vector<2000x128xf32>
    %get3A_9 = arith.constant 0 : index
    %get3A_10 = arith.constant 0 : index
    %get3A_11 = arith.constant 0 : index
    %get3A_12 = vector.load %arg3[%get3A_9, %get3A_10, %get3A_11] : memref<2x2000x128xf32, #tpu.memory_space<vmem>>, vector<1x2000x128xf32>
    %get3A_13 = vector.shape_cast %get3A_12 : vector<1x2000x128xf32> to vector<2000x128xf32>
    %add3A_14 = arith.addf %add3A, %get3A_13 : vector<2000x128xf32>
    %get3A_15 = arith.constant 1 : index
    %get3A_16 = arith.constant 0 : index
    %get3A_17 = arith.constant 0 : index
    %get3A_18 = vector.load %arg3[%get3A_15, %get3A_16, %get3A_17] : memref<2x2000x128xf32, #tpu.memory_space<vmem>>, vector<1x2000x128xf32>
    %get3A_19 = vector.shape_cast %get3A_18 : vector<1x2000x128xf32> to vector<2000x128xf32>
    %add3A_20 = arith.addf %add3A_14, %get3A_19 : vector<2000x128xf32>
    %get3A_21 = arith.constant 0 : index
    %get3A_22 = arith.constant 0 : index
    %get3A_23 = arith.constant 0 : index
    %get3A_24 = vector.load %arg4[%get3A_21, %get3A_22, %get3A_23] : memref<2x2000x128xf32, #tpu.memory_space<vmem>>, vector<1x2000x128xf32>
    %get3A_25 = vector.shape_cast %get3A_24 : vector<1x2000x128xf32> to vector<2000x128xf32>
    %add3A_26 = arith.addf %add3A_20, %get3A_25 : vector<2000x128xf32>
    %get3A_27 = arith.constant 1 : index
    %get3A_28 = arith.constant 0 : index
    %get3A_29 = arith.constant 0 : index
    %get3A_30 = vector.load %arg4[%get3A_27, %get3A_28, %get3A_29] : memref<2x2000x128xf32, #tpu.memory_space<vmem>>, vector<1x2000x128xf32>
    %get3A_31 = vector.shape_cast %get3A_30 : vector<1x2000x128xf32> to vector<2000x128xf32>
    %add3A_32 = arith.addf %add3A_26, %get3A_31 : vector<2000x128xf32>
    %get3A_33 = arith.constant 0 : index
    %get3A_34 = arith.constant 0 : index
    %get3A_35 = arith.constant 0 : index
    %get3A_36 = vector.load %arg5[%get3A_33, %get3A_34, %get3A_35] : memref<2x2000x128xf32, #tpu.memory_space<vmem>>, vector<1x2000x128xf32>
    %get3A_37 = vector.shape_cast %get3A_36 : vector<1x2000x128xf32> to vector<2000x128xf32>
    %add3A_38 = arith.addf %add3A_32, %get3A_37 : vector<2000x128xf32>
    %get3A_39 = arith.constant 1 : index
    %get3A_40 = arith.constant 0 : index
    %get3A_41 = arith.constant 0 : index
    %get3A_42 = vector.load %arg5[%get3A_39, %get3A_40, %get3A_41] : memref<2x2000x128xf32, #tpu.memory_space<vmem>>, vector<1x2000x128xf32>
    %get3A_43 = vector.shape_cast %get3A_42 : vector<1x2000x128xf32> to vector<2000x128xf32>
    %add3A_44 = arith.addf %add3A_38, %get3A_43 : vector<2000x128xf32>
    %get3A_45 = arith.constant 0 : index
    %get3A_46 = arith.constant 0 : index
    %get3A_47 = vector.load %arg1[%get3A_45, %get3A_46] : memref<2000x128xf32, #tpu.memory_space<vmem>>, vector<2000x128xf32>
    %get3A_48 = arith.constant 0 : index
    %get3A_49 = arith.constant 0 : index
    %get3A_50 = vector.load %arg6[%get3A_48, %get3A_49] : memref<128x128xf32, #tpu.memory_space<vmem>>, vector<128x128xf32>
    %dot_general3A = arith.constant dense<0.000000e+00> : vector<2000x128xf32>
    %dot_general3A_51 = tpu.matmul %add3A_44, %get3A_50, %dot_general3A {dimension_numbers = #tpu.dot_dimension_numbers<[1], [0], [0], [1], [0, 0, 1, 1], [], []>, transpose_lhs_hint = false} : vector<2000x128xf32>, vector<128x128xf32>, vector<2000x128xf32> -> vector<2000x128xf32>
    %add3A_52 = arith.addf %get3A_47, %dot_general3A_51 : vector<2000x128xf32>
    %get3A_53 = arith.constant 0 : index
    %get3A_54 = arith.constant 0 : index
    %get3A_55 = vector.load %arg7[%get3A_53, %get3A_54] : memref<1x128xf32, #tpu.memory_space<vmem>>, vector<1x128xf32>
    %add3A_56 = vector.broadcast %get3A_55 : vector<1x128xf32> to vector<2000x128xf32>
    %add3A_57 = arith.addf %add3A_52, %add3A_56 : vector<2000x128xf32>
    %get3A_58 = arith.constant 0 : index
    %get3A_59 = arith.constant 0 : index
    %get3A_60 = vector.load %arg8[%get3A_58, %get3A_59] : memref<1x128xf32, #tpu.memory_space<vmem>>, vector<1x128xf32>
    %get3A_61 = arith.constant 0 : index
    %get3A_62 = arith.constant 0 : index
    %get3A_63 = vector.load %arg9[%get3A_61, %get3A_62] : memref<1x128xf32, #tpu.memory_space<vmem>>, vector<1x128xf32>
    %reduce_sum3A = arith.constant dense<0.000000e+00> : vector<2000xf32>
    %reduce_sum3A_64 = vector.multi_reduction <add>, %add3A_57, %reduce_sum3A [1] : vector<2000x128xf32> to vector<2000xf32>
    %broadcast_in_dim3A = vector.shape_cast %reduce_sum3A_64 : vector<2000xf32> to vector<2000x1xf32>
    %div3A = arith.constant 1.280000e+02 : f32
    %div3A_65 = vector.broadcast %div3A : f32 to vector<2000x1xf32>
    %div3A_66 = arith.divf %broadcast_in_dim3A, %div3A_65 : vector<2000x1xf32>
    %sub3A = vector.broadcast %div3A_66 : vector<2000x1xf32> to vector<2000x128xf32>
    %sub3A_67 = arith.subf %add3A_57, %sub3A : vector<2000x128xf32>
    %mul3A = arith.mulf %sub3A_67, %sub3A_67 : vector<2000x128xf32>
    %reduce_sum3A_68 = arith.constant dense<0.000000e+00> : vector<2000xf32>
    %reduce_sum3A_69 = vector.multi_reduction <add>, %mul3A, %reduce_sum3A_68 [1] : vector<2000x128xf32> to vector<2000xf32>
    %broadcast_in_dim3A_70 = vector.shape_cast %reduce_sum3A_69 : vector<2000xf32> to vector<2000x1xf32>
    %div3A_71 = arith.constant 1.280000e+02 : f32
    %div3A_72 = vector.broadcast %div3A_71 : f32 to vector<2000x1xf32>
    %div3A_73 = arith.divf %broadcast_in_dim3A_70, %div3A_72 : vector<2000x1xf32>
    %add3A_74 = arith.constant 9.99999974E-6 : f32
    %add3A_75 = vector.broadcast %add3A_74 : f32 to vector<2000x1xf32>
    %add3A_76 = arith.addf %div3A_73, %add3A_75 : vector<2000x1xf32>
    %rsqrt3A = math.rsqrt %add3A_76 : vector<2000x1xf32>
    %mul3A_77 = vector.broadcast %rsqrt3A : vector<2000x1xf32> to vector<2000x128xf32>
    %mul3A_78 = arith.mulf %sub3A_67, %mul3A_77 : vector<2000x128xf32>
    %mul3A_79 = vector.broadcast %get3A_60 : vector<1x128xf32> to vector<2000x128xf32>
    %mul3A_80 = arith.mulf %mul3A_79, %mul3A_78 : vector<2000x128xf32>
    %add3A_81 = vector.broadcast %get3A_63 : vector<1x128xf32> to vector<2000x128xf32>
    %add3A_82 = arith.addf %mul3A_80, %add3A_81 : vector<2000x128xf32>
    %swap3A = arith.constant 0 : index
    %swap3A_83 = arith.constant 0 : index
    %swap3A_84 = vector.load %arg10[%swap3A, %swap3A_83] : memref<2000x128xf32, #tpu.memory_space<vmem>>, vector<2000x128xf32>
    tpu.vector_store %arg10[%swap3A, %swap3A_83], %add3A_82 {strides = array<i32>} : memref<2000x128xf32, #tpu.memory_space<vmem>>, vector<2000x128xf32>,
    return
  }
  func.func @transform_0(%arg0: i32) -> (i32, i32) {
    %c0_i32 = arith.constant 0 : i32
    %c0_i32_0 = arith.constant 0 : i32
    return %arg0, %c0_i32 : i32, i32
  }
  func.func @transform_1(%arg0: i32) -> (i32, i32, i32) {
    %c0_i32 = arith.constant 0 : i32
    %c0_i32_0 = arith.constant 0 : i32
    %c0_i32_1 = arith.constant 0 : i32
    return %c0_i32, %arg0, %c0_i32_0 : i32, i32, i32
  }
  func.func @transform_2(%arg0: i32) -> (i32, i32, i32) {
    %c0_i32 = arith.constant 0 : i32
    %c0_i32_0 = arith.constant 0 : i32
    %c0_i32_1 = arith.constant 0 : i32
    return %c0_i32, %arg0, %c0_i32_0 : i32, i32, i32
  }
  func.func @transform_3(%arg0: i32) -> (i32, i32, i32) {
    %c0_i32 = arith.constant 0 : i32
    %c0_i32_0 = arith.constant 0 : i32
    %c0_i32_1 = arith.constant 0 : i32
    return %c0_i32, %arg0, %c0_i32_0 : i32, i32, i32
  }
  func.func @transform_4(%arg0: i32) -> (i32, i32, i32) {
    %c0_i32 = arith.constant 0 : i32
    %c0_i32_0 = arith.constant 0 : i32
    %c0_i32_1 = arith.constant 0 : i32
    return %c0_i32, %arg0, %c0_i32_0 : i32, i32, i32
  }
  func.func @transform_5(%arg0: i32) -> (i32, i32) {
    %c0_i32 = arith.constant 0 : i32
    %c0_i32_0 = arith.constant 0 : i32
    %c0_i32_1 = arith.constant 0 : i32
    return %c0_i32, %c0_i32_0 : i32, i32
  }
  func.func @transform_6(%arg0: i32) -> (i32, i32) {
    %c0_i32 = arith.constant 0 : i32
    %c0_i32_0 = arith.constant 0 : i32
    %c0_i32_1 = arith.constant 0 : i32
    return %c0_i32, %c0_i32_0 : i32, i32
  }
  func.func @transform_7(%arg0: i32) -> (i32, i32) {
    %c0_i32 = arith.constant 0 : i32
    %c0_i32_0 = arith.constant 0 : i32
    %c0_i32_1 = arith.constant 0 : i32
    return %c0_i32, %c0_i32_0 : i32, i32
  }
  func.func @transform_8(%arg0: i32) -> (i32, i32) {
    %c0_i32 = arith.constant 0 : i32
    %c0_i32_0 = arith.constant 0 : i32
    %c0_i32_1 = arith.constant 0 : i32
    return %c0_i32, %c0_i32_0 : i32, i32
  }
  func.func @transform_9(%arg0: i32) -> (i32, i32) {
    %c0_i32 = arith.constant 0 : i32
    %c0_i32_0 = arith.constant 0 : i32
    return %arg0, %c0_i32 : i32, i32
  }
}

</mosaic_0001>

<sc_bundles>
// kernel: kernel.16.cloned.1.call-start
scs
__scs_entry_jumppad:
0x0: {  	(pc) =	sbr.rel $0x88, $3  }
0x1: {  	(tag) =	ssettag $0x0;
	lr =	simm.s32 $0x1  }
0x2: {  	[smem:$0x3F91] =	sst lr;
	_ =	strace $0xD0000000  }
0x3: {  	_ = 	snop  }
0x4: {  	_ = 	snop  }
0x5: {  	_ = 	snop  }
0x6: {  	_ = 	snop  }
0x7: {  	_ = 	snop  }
__scs_overlays_trampoline_lowered:
0x8: {  	[smem:$0x3FA0] =	sst s0  }
0x9: {  	[smem:$0x3FA1] =	sst s1  }
0xa: {  	[smem:$0x3FA2] =	sst s2  }
0xb: {  	[smem:$0x3FA3] =	sst s3  }
0xc: {  	[smem:$0x3FA4] =	sst s4  }
0xd: {  	[smem:$0x3FA5] =	sst s5  }
0xe: {  	[smem:$0x3FA6] =	sst s6  }
0xf: {  	[smem:$0x3FA7] =	sst s7  }
0x10: {  	[smem:$0x3FA8] =	sst s8  }
0x11: {  	[smem:$0x3FA9] =	sst s9;
	s0 =	simm.s32 @!p0 $0x0  }
0x12: {  	s1 =	sld [smem:$0x3F8F];
	s0 =	simm.s32 @p0 $0x1  }
0x13: {  	[smem:$0x3FAA] =	sst s0;
	s0 =	simm.s32 @!p1 $0x0  }
0x14: {  	s2 =	sld [smem:$0x3F8E];
	s0 =	simm.s32 @p1 $0x1  }
0x15: {  	[smem:$0x3FAB] =	sst s0;
	s0 =	simm.s32 @!p2 $0x0  }
0x16: {  	s3 =	sld [smem:$0x3FDB];
	s0 =	simm.s32 @p2 $0x1  }
0x17: {  	s4 =	simm.s32 $0x1BF5;
	[smem:$0x3FAD] =	sst s0  }
0x18: {  	s0 =	sld [smem:$0x3F90];
	_ =	swait.ge [sflag:s4], $0x0  }
0x19: {  	s7 =	sld [smem:$0x3F91]  }
0x1a: {  	s8 =	sadd.s32 $0xFFFFE003, lr  }
0x1b: {  	s9 =	sadd.s32 $0xFFFFFEF7, lr;
	s5 =	simm.s32 $0xFFFFFFFF;
	p2 =	slt.u32 s8, $0xFFFFF086  }
0x1c: {  	p1 =	slt.u32 s9, $0xF7A;
	s5 =	simm.s32 @!p2 $0x0  }
0x1d: {  	s5 =	simm.s32 @p1 $0x1;
	p0 =	seq.s32 s7, s2  }
0x1e: {  	s7 =	smul.u32 @!p0 $0xF7A, s2;
	p2 =	seq.s32 @!p0 s5, $0x0  }
0x1f: {  	s9 =	smul.u32 $0xF7A, s1;
	s8 =	simm.s32 @!p0 $0x1BF5;
	p2 =	por !p2, p0  }
0x20: {  	[sflag:s8] =	ssyncset.s32 @!p0 $0xFFFFF086;
	s6 =	sadd.s32 @!p0 s3, s7;
	s7 =	simm.s32 @!p0 $0x108  }
0x21: {  	s3 =	sadd.s32 s3, s9;
	s6 =	sadd.s32 @!p0 $0x88, s6;
	s7 =	simm.s32 @p2 $0x1082  }
0x22: {  	[simem:s7], [sflag:s8] =	dma.local @!p0 [hbm:s6], $0xF7A  }
0x23: {  	s9 =	sor.u32 $0xD0000000, s2;
	s6 =	simm.s32 $0x108;
	_ =	swait.ge @!p0 [sflag:s8], $0x0  }
0x24: {  	s3 =	sadd.s32 $0x88, s3;
	s6 =	simm.s32 @!p1 $0x1082;
	[sflag:s4] =	ssyncset.s32 $0xFFFFF086  }
0x25: {  	[simem:s6], [sflag:s4] =	dma.local [hbm:s3], $0xF7A  }
0x26: {  	[smem:$0x3F91] =	sst s1;
	(tag) =	ssettag s2;
	_ =	strace s9  }
0x27: {  	s1 =	sld [smem:$0x3FA1]  }
0x28: {  	s2 =	sld [smem:$0x3FA2]  }
0x29: {  	s4 =	sld [smem:$0x3FA4]  }
0x2a: {  	p0 =	seq.s32 s5, $0x0;
	s5 =	sld [smem:$0x3FA5]  }
0x2b: {  	s6 =	sld [smem:$0x3FA6]  }
0x2c: {  	s7 =	sld [smem:$0x3FA7]  }
0x2d: {  	s3 =	simm.s32 $0x108;
	s8 =	sld [smem:$0x3FA8]  }
0x2e: {  	s3 =	simm.s32 @!p0 $0x1082;
	s9 =	sld [smem:$0x3FA9]  }
0x2f: {  	lr =	sadd.s32 s0, s3;
	s0 =	sld [smem:$0x3FA0]  }
0x30: {  	s3 =	sld [smem:$0x3FA3]  }
0x31: {  	[smem:$0x3FAC] =	sst s10  }
0x32: {  	s10 =	sld [smem:$0x3FAA];
	_ =	sdelay $0x3  }
0x33: {  	p0 =	seq.s32 s10, $0x1;
	s10 =	sld [smem:$0x3FAC];
	_ =	sdelay $0x3  }
0x34: {  	[smem:$0x3FAC] =	sst s10  }
0x35: {  	s10 =	sld [smem:$0x3FAB];
	_ =	sdelay $0x3  }
0x36: {  	p1 =	seq.s32 s10, $0x1;
	s10 =	sld [smem:$0x3FAC];
	_ =	sdelay $0x3  }
0x37: {  	[smem:$0x3FAC] =	sst s10  }
0x38: {  	s10 =	sld [smem:$0x3FAD]  }
0x39: {  	_ = 	snop;
	(pc) =	sbr.ind lr, $3  }
0x3a: {  	_ = 	snop  }
0x3b: {  	_ = 	snop  }
0x3c: {  	p2 =	seq.s32 s10, $0x1;
	s10 =	sld [smem:$0x3FAC]  }
0x3d: {  	_ =	shalt  }
0x3e: {  	_ =	shalt  }
0x3f: {  	_ =	shalt  }
0x40: {  	_ =	shalt  }
0x41: {  	_ =	shalt  }
0x42: {  	_ =	shalt  }
0x43: {  	_ =	shalt  }
0x44: {  	_ =	shalt  }
0x45: {  	_ =	shalt  }
0x46: {  	_ =	shalt  }
0x47: {  	_ =	shalt  }
0x48: {  	_ =	shalt  }
0x49: {  	_ =	shalt  }
0x4a: {  	_ =	shalt  }
0x4b: {  	_ =	shalt  }
0x4c: {  	_ =	shalt  }
0x4d: {  	_ =	shalt  }
0x4e: {  	_ =	shalt  }
0x4f: {  	_ =	shalt  }
0x50: {  	_ =	shalt  }
0x51: {  	_ =	shalt  }
0x52: {  	_ =	shalt  }
0x53: {  	_ =	shalt  }
0x54: {  	_ =	shalt  }
0x55: {  	_ =	shalt  }
0x56: {  	_ =	shalt  }
0x57: {  	_ =	shalt  }
0x58: {  	_ =	shalt  }
0x59: {  	_ =	shalt  }
0x5a: {  	_ =	shalt  }
0x5b: {  	_ =	shalt  }
0x5c: {  	_ =	shalt  }
0x5d: {  	_ =	shalt  }
0x5e: {  	_ =	shalt  }
0x5f: {  	_ =	shalt  }
0x60: {  	_ =	shalt  }
0x61: {  	_ =	shalt  }
0x62: {  	_ =	shalt  }
0x63: {  	_ =	shalt  }
0x64: {  	_ =	shalt  }
0x65: {  	_ =	shalt  }
0x66: {  	_ =	shalt  }
0x67: {  	_ =	shalt  }
0x68: {  	_ =	shalt  }
0x69: {  	_ =	shalt  }
0x6a: {  	_ =	shalt  }
0x6b: {  	_ =	shalt  }
0x6c: {  	_ =	shalt  }
0x6d: {  	_ =	shalt  }
0x6e: {  	_ =	shalt  }
0x6f: {  	_ =	shalt  }
0x70: {  	_ =	shalt  }
0x71: {  	_ =	shalt  }
0x72: {  	_ =	shalt  }
0x73: {  	_ =	shalt  }
0x74: {  	_ =	shalt  }
0x75: {  	_ =	shalt  }
0x76: {  	_ =	shalt  }
0x77: {  	_ =	shalt  }
0x78: {  	_ =	shalt  }
0x79: {  	_ =	shalt  }
0x7a: {  	_ =	shalt  }
0x7b: {  	_ =	shalt  }
0x7c: {  	_ =	shalt  }
0x7d: {  	_ =	shalt  }
0x7e: {  	_ =	shalt  }
0x7f: {  	_ =	shalt  }
0x80: {  	_ =	shalt  }
0x81: {  	_ =	shalt  }
0x82: {  	_ =	shalt  }
0x83: {  	_ =	shalt  }
0x84: {  	_ =	shalt  }
0x85: {  	_ =	shalt  }
0x86: {  	_ =	shalt  }
0x87: {  	_ =	shalt  }
.Lfunc_end0:
.L_simem_size_0:
called_computation_lowered:
.L_overlay_start_0:
0x88: {  	s2 =	sld [smem:$0x3FD9]  }
0x89: {  	s3 =	sld [smem:$0x3FFE];
	_ =	sdelay $0x1  }
0x8a: {  	s1 =	srdreg.scid  }
0x8b: {  	s0 =	sand.u32 $0x1, s1  }
0x8c: {  	s14 =	sshll.u32 s0, $0xA;
	s2 =	sadd.s32 s3, s2  }
0x8d: {  	s2 =	sadd.s32 s2, s14  }
0x8e: {  	[smem:$0x3FB8] =	sst s2  }
0x8f: {  	_ = 	snop  }
0x90: {  	s2 =	sld [smem:$0x3FD0];
	_ =	sdelay $0x2  }
0x91: {  	s15 =	simm.s32 $0xD;
	s4 =	simm.s32 $0x10  }
0x92: {  	[smem:s4], [sflag:s15] =	dma.local [hbm:s2], $0x1  }
0x93: {  	_ =	swait.eq [sflag:s15], $0x1  }
0x94: {  	[sflag:s15] =	ssyncset.done $0x0  }
0x95: {  	s16 =	sld [smem:$0x10];
	[sflag:s15] =	ssyncadd.s32 $0xFFFFFFFF  }
0x96: {  	s17 =	sld [smem:$0x11];
	(tm) =	ssettm $0x1  }
0x97: {  	s18 =	sld [smem:$0x3FFB];
	_ =	sdelay $0x3  }
0x98: {  	_ =	strace s18  }
0x99: {  	s4 =	sld [smem:$0x3FFC];
	_ =	sdelay $0x3  }
0x9a: {  	_ =	strace s4  }
0x9b: {  	s4 =	sld [smem:$0x3FFD];
	_ =	sdelay $0x3  }
0x9c: {  	_ =	strace s4  }
0x9d: {  	_ =	strace $0x8FFFFFFF  }
0x9e: {  	s19 =	sld [smem:$0x3FDB];
	_ =	sdelay $0x1  }
0x9f: {  	s5 =	simm.s32 $_scs_section_size  }
0xa0: {  	s6 =	simm.s32 $_size__tile_overlayer_lowered;
	s7 =	simm.s32 $_tile_overlayer_lowered  }
0xa1: {  	s22 =	simm.s32 $0x1BFF;
	s21 =	sshll.u32 s7, $0x1;
	s4 =	sadd.s32 s5, s19  }
0xa2: {  	s8 =	simm.s32 $0x0;
	s20 =	sshll.u32 s6, $0x1;
	s6 =	sadd.s32 s21, s4  }
0xa3: {  	[timem:s8], [sflag:s22] =	dma.local [hbm:s6], s20  }
0xa4: {  	_ =	swait.ge [sflag:s22], s20  }
0xa5: {  	s5 =	ssub.s32 $0x0, s20;
	[sflag:s22] =	ssyncset.done $0x0  }
0xa6: {  	[sflag:s22] =	ssyncadd.s32 s5;
	_ =	sdelay $0x1  }
0xa7: {  	s23 =	simm.s32 $0x1B8B  }
0xa8: {  	_ =	swait.ge [sflag:s23], $0x1  }
0xa9: {  	[sflag:s23] =	ssyncset.done $0x0  }
0xaa: {  	s25 =	simm.s32 $0x1B8E;
	s24 =	sld [smem:$0x3FFE];
	[sflag:s23] =	ssyncadd.s32 $0xFFFFFFFF  }
0xab: {  	s26 =	simm.s32 $execute0_lowered;
	[smem:$0x3FD2] =	sst s25  }
0xac: {  	s6 =	sshll.u32 s26, $0x1;
	_ =	strace $0x80000046;
	[dreg:$0x1] =	wrdreg $0xFFFFFFFF  }
0xad: {  	s28 =	simm.s32 $_size_execute0_lowered;
	s4 =	sadd.s32 s4, s6;
	[dreg:$0x0] =	wrdreg $0x0  }
0xae: {  	s6 =	sshll.u32 s28, $0x1;
	[dreg:$0x2] =	wrdreg s4  }
0xaf: {  	[dreg:$0x3] =	wrdreg s6  }
0xb0: {  	[dreg:$0x4] =	wrdreg $0xC0  }
0xb1: {  	_ =	task [dreg:s8], $0x5FFFF  }
0xb2: {  	[dreg:$0x1] =	wrdreg $0xFFFFFFFF  }
0xb3: {  	[dreg:$0x0] =	wrdreg $0x60  }
0xb4: {  	[dreg:$0x2] =	wrdreg s16  }
0xb5: {  	[dreg:$0x3] =	wrdreg s24  }
0xb6: {  	[dreg:$0x4] =	wrdreg s17  }
0xb7: {  	[dreg:$0x5] =	wrdreg $0x9  }
0xb8: {  	_ =	task.clear_ibuf [dreg:s8], $0x6FFFF;
	_ =	strace $0x90000046  }
0xb9: {  	s29 =	simm.s32 $0x9;
	_ =	strace $0x80000048  }
0xba: {  	_ =	swait.ge [sflag:s29], $0x1  }
0xbb: {  	[sflag:s29] =	ssyncadd.s32 $0xFFFFFFFF  }
0xbc: {  	_ =	strace $0x90000048  }
0xbd: {  	_ =	sfence  }
0xbe: {  	s30 =	sld [smem:$0x0];
	_ =	sdelay $0x2  }
0xbf: {  	s31 =	sshll.u32 s1, $0xD;
	s1 =	sshrl.u32 s1, $0x2  }
0xc0: {  	s3 =	sand.u32 $0x4000, s31;
	s1 =	sadd.s32 s1, s30  }
0xc1: {  	s0 =	sor.u32 s3, s0;
	s1 =	sshll.u32 s1, $0x11  }
0xc2: {  	s0 =	sor.u32 s1, s0  }
0xc3: {  	s0 =	sadd.s32 $0x8F2B, s0  }
0xc4: {  	[sflag:s0] =	ssyncadd.remote.s32 $0x1  }
0xc5: {  	_ =	sfence.sel $0xFFFF  }
0xc6: {  	[dreg:$0x0] =	wrdreg $0xFFFFFFFF;
	(pc) =	sbr.abs _section_cstart, $3  }
0xc7: {  	[dreg:$0x1] =	wrdreg $0xFFFFFFFF  }
0xc8: {  	_ =	task.clear_ibuf [dreg:s8], $0x2FFFF;
	_ =	strace $0x9FFFFFFF  }
0xc9: {  	(tm) =	ssettm $0x7FFFFFFF  }
tec
execute0_lowered:
.L_overlay_start_1:
0x0: {  	(tag) =	ssettag $0x1  }
0x1: {  	s1 =	rddreg [dreg:$0x0]  }
0x2: {  	s0 =	srdreg.scid;
	s2 =	rddreg [dreg:$0x1]  }
0x3: {  	s14 =	stileid.u32;
	s6 =	rddreg [dreg:$0x2];
	s15 =	simm.s32 $0xA00  }
0x4: {  	s16 =	simm.s32 $0x80;
	s17 =	simm.s32 $0x1400;
	s18 =	simm.s32 $0xD400  }
0x5: {  	s19 =	simm.s32 $0x5400;
	s28 =	simm.s32 $0x2;
	s29 =	simm.s32 $0x3  }
0x6: {  	s30 =	simm.s32 $0x4;
	s0 =	sand.u32 $0x1, s0;
	s3 =	sshll.u32 s14, $0x1  }
0x7: {  	s31 =	simm.s32 $0x5;
	s14 =	smul.u32 $0x14000, s14;
	s4 =	sor.u32 s0, s3  }
0x8: {  	s3 =	simm.s32 $0x0;
	s9 =	ssub.s32 $0x2, s0;
	s0 =	smul.u32 $0xA000, s0  }
0x9: {  	s12 =	sadd.s32 $0x2F200, s2;
	s5 =	smul.u32 $0xA00, s4;
	[smem:$0x7FF] =	sst s3  }
0xa: {  	s21 =	smul.u32 $0x50000, s4;
	s4 =	sadd.s32 $0x8000, s2;
	s10 =	sshrl.u32 s9, $0x1  }
0xb: {  	_ =	strace $0x80000047;
	s13 =	ssub.s32 s9, s10;
	s7 =	sshrl.u32 s5, $0x3  }
0xc: {  	s11 =	sshrl.u32 s21, $0x3;
	s21 =	simm.s32 $0x11400;
	s8 =	sadd.s32 s7, s2  }
0xd: {  	s2 =	sadd.s32 $0x16F200, s2;
	s22 =	sadd.s32 $0x9000, s11;
	s24 =	sadd.s32 s6, s7  }
0xe: {  	s26 =	sadd.s32 $0x9800, s11;
	s11 =	smax.u32 s13, $0x1;
	s23 =	sadd.s32 $0x5800, s8  }
0xf: {  	[dreg:$0x5] =	wrdreg s24;
	s25 =	sadd.s32 s12, s22;
	s8 =	sadd.s32 s2, s22  }
.Ltmp0:
0x10: {  	s9 =	sadd.s32 s12, s26;
	s10 =	sadd.s32 s2, s26;
	(pc) =	sbr.rel .LBB2_1-.Ltmp0, $4  }
0x11: {  	s12 =	sadd.s32 s14, s12;
	s2 =	sadd.s32 s14, s2;
	[dreg:$0x4] =	wrdreg s23  }
0x12: {  	s14 =	simm.s32 $0x7;
	s26 =	simm.s32 $0x1;
	[dreg:$0x6] =	wrdreg s25  }
0x13: {  	s12 =	sadd.s32 s0, s12;
	s13 =	sadd.s32 s0, s2;
	s23 =	simm.s32 $0x9400  }
0x14: {  	s25 =	simm.s32 $0x15400;
	s2 =	simm.s32 $0x6;
	s0 =	simm.s32 $0x0  }
.LBB2_4:
0x15: {  	_ =	swait.ge [sflag:s26], $0x4000  }
0x16: {  	[sflag:s26] =	ssyncset.done $0x0  }
0x17: {  	[sflag:s26] =	ssyncadd.s32 $0xFFFFC000  }
0x18: {  	_ =	swait.ge [sflag:s26], $0x4000  }
0x19: {  	[sflag:s26] =	ssyncset.done $0x0  }
0x1a: {  	s5 =	rddreg [dreg:$0x6];
	[sflag:s26] =	ssyncadd.s32 $0xFFFFC000  }
0x1b: {  	[hbm4b:s5+s3] =	stream.linear.scatter [tilespmem:s17], [sflag:$0x4], $0x4000, $0x38;
	[tilespmem:$0x19400] =	vst v63  }
0x1c: {  	_ = 	snop  }
0x1d: {  	[hbm4b:s8+s3] =	stream.linear.scatter [tilespmem:s18], [sflag:$0x4], $0x4000, $0x38;
	[tilespmem:$0x19400] =	vst v63  }
0x1e: {  	_ =	swait.ge [sflag:s30], $0x4000  }
0x1f: {  	[sflag:s30] =	ssyncset.done $0x0  }
0x20: {  	[sflag:s30] =	ssyncadd.s32 $0xFFFFC000  }
0x21: {  	_ =	swait.ge [sflag:s30], $0x4000  }
0x22: {  	[sflag:s30] =	ssyncset.done $0x0  }
0x23: {  	[sflag:s30] =	ssyncadd.s32 $0xFFFFC000  }
0x24: {  	_ =	swait.ge [sflag:s28], $0x4000  }
0x25: {  	[sflag:s28] =	ssyncset.done $0x0  }
0x26: {  	[sflag:s28] =	ssyncadd.s32 $0xFFFFC000  }
0x27: {  	_ =	swait.ge [sflag:s28], $0x4000  }
0x28: {  	[sflag:s28] =	ssyncset.done $0x0  }
0x29: {  	[sflag:s28] =	ssyncadd.s32 $0xFFFFC000  }
0x2a: {  	[hbm4b:s9+s3] =	stream.linear.scatter [tilespmem:s19], [sflag:$0x5], $0x4000, $0x38;
	[tilespmem:$0x19400] =	vst v63  }
0x2b: {  	s0 =	sadd.s32 $0x1, s0  }
0x2c: {  	[hbm4b:s10+s3] =	stream.linear.scatter [tilespmem:s21], [sflag:$0x5], $0x4000, $0x38;
	[tilespmem:$0x19400] =	vst v63  }
0x2d: {  	p0 =	sne.s32 s0, s11;
	_ =	swait.ge [sflag:s31], $0x4000  }
.Ltmp1:
0x2e: {  	[sflag:s31] =	ssyncset.done $0x0;
	(pc) =	sbr.rel @!p0 .LBB2_5-.Ltmp1, $4  }
0x2f: {  	[sflag:s31] =	ssyncadd.s32 $0xFFFFC000  }
0x30: {  	_ =	swait.ge [sflag:s31], $0x4000  }
0x31: {  	[sflag:s31] =	ssyncset.done $0x0  }
0x32: {  	[sflag:s31] =	ssyncadd.s32 $0xFFFFC000  }
.LBB2_1:
0x33: {  	s5 =	rddreg [dreg:$0x4]  }
0x34: {  	[tilespmem:s3], [sflag:$0x7] =	stream.linear.gather [hbm4b:s5+s3], $0xA00, $0x38;
	[tilespmem:$0x19400] =	vst v63  }
0x35: {  	_ =	swait.ge [sflag:s14], $0xA00  }
0x36: {  	[sflag:s14] =	ssyncset.done $0x0  }
0x37: {  	s7 =	rddreg [dreg:$0x5];
	[sflag:s14] =	ssyncadd.s32 $0xFFFFF600  }
0x38: {  	[tilespmem:s15], [sflag:$0x7] =	stream.linear.gather [hbm4b:s7+s3], $0xA00, $0x38;
	[tilespmem:$0x19400] =	vst v63  }
0x39: {  	_ =	swait.ge [sflag:s14], $0xA00  }
0x3a: {  	[sflag:s14] =	ssyncset.done $0x0  }
0x3b: {  	[sflag:s14] =	ssyncadd.s32 $0xFFFFF600  }
0x3c: {  	[tilespmem:s17], [sflag:$0x1] =	stream.indirect.gather [hbm4b:s1+s16], $0x80, s3, s16, $0xb8;
	[tilespmem:$0x19400] =	vst v63  }
0x3d: {  	_ = 	snop  }
0x3e: {  	[tilespmem:s18], [sflag:$0x1] =	stream.indirect.gather [hbm4b:s4+s16], $0x80, s15, s16, $0xb8;
	[tilespmem:$0x19400] =	vst v63  }
0x3f: {  	_ = 	snop  }
0x40: {  	[tilespmem:s19], [sflag:$0x2] =	stream.indirect.gather [hbm4b:s1+s16], $0x80, s16, s16, $0xb8;
	[tilespmem:$0x19400] =	vst v63  }
0x41: {  	s20 =	simm.s32 $0xA80  }
0x42: {  	[tilespmem:s21], [sflag:$0x2] =	stream.indirect.gather [hbm4b:s4+s16], $0x80, s20, s16, $0xb8;
	[tilespmem:$0x19400] =	vst v63  }
0x43: {  	s22 =	simm.s32 $0x100  }
0x44: {  	[tilespmem:s23], [sflag:$0x3] =	stream.indirect.gather [hbm4b:s1+s16], $0x80, s22, s16, $0xb8;
	[tilespmem:$0x19400] =	vst v63  }
0x45: {  	s24 =	simm.s32 $0xB00  }
0x46: {  	[tilespmem:s25], [sflag:$0x3] =	stream.indirect.gather [hbm4b:s4+s16], $0x80, s24, s16, $0xb8;
	[tilespmem:$0x19400] =	vst v63  }
0x47: {  	s20 =	simm.s32 $0xC80;
	s22 =	simm.s32 $0x280;
	s24 =	simm.s32 $0x0  }
.LBB2_2:
0x48: {  	_ =	swait.ge [sflag:s26], $0x4000  }
0x49: {  	[sflag:s26] =	ssyncset.done $0x0  }
0x4a: {  	[sflag:s26] =	ssyncadd.s32 $0xFFFFC000  }
0x4b: {  	_ =	swait.ge [sflag:s26], $0x4000  }
0x4c: {  	[sflag:s26] =	ssyncset.done $0x0  }
0x4d: {  	s5 =	sadd.s32 s24, s12;
	[sflag:s26] =	ssyncadd.s32 $0xFFFFC000  }
0x4e: {  	[hbm4b:s5+s3] =	stream.linear.scatter [tilespmem:s17], [sflag:$0x4], $0x4000, $0x38;
	[tilespmem:$0x19400] =	vst v63  }
0x4f: {  	s6 =	sadd.s32 s24, s13  }
0x50: {  	[hbm4b:s6+s3] =	stream.linear.scatter [tilespmem:s18], [sflag:$0x4], $0x4000, $0x38;
	[tilespmem:$0x19400] =	vst v63  }
0x51: {  	_ =	swait.ge [sflag:s28], $0x4000  }
0x52: {  	[sflag:s28] =	ssyncset.done $0x0  }
0x53: {  	[sflag:s28] =	ssyncadd.s32 $0xFFFFC000  }
0x54: {  	_ =	swait.ge [sflag:s28], $0x4000  }
0x55: {  	[sflag:s28] =	ssyncset.done $0x0  }
0x56: {  	s7 =	sadd.s32 $0x800, s5;
	[sflag:s28] =	ssyncadd.s32 $0xFFFFC000  }
0x57: {  	[hbm4b:s7+s3] =	stream.linear.scatter [tilespmem:s19], [sflag:$0x5], $0x4000, $0x38;
	[tilespmem:$0x19400] =	vst v63  }
0x58: {  	s7 =	sadd.s32 $0x800, s6  }
0x59: {  	[hbm4b:s7+s3] =	stream.linear.scatter [tilespmem:s21], [sflag:$0x5], $0x4000, $0x38;
	[tilespmem:$0x19400] =	vst v63  }
0x5a: {  	_ =	swait.ge [sflag:s29], $0x4000  }
0x5b: {  	[sflag:s29] =	ssyncset.done $0x0  }
0x5c: {  	[sflag:s29] =	ssyncadd.s32 $0xFFFFC000  }
0x5d: {  	_ =	swait.ge [sflag:s29], $0x4000  }
0x5e: {  	[sflag:s29] =	ssyncset.done $0x0  }
0x5f: {  	s5 =	sadd.s32 $0x1000, s5;
	[sflag:s29] =	ssyncadd.s32 $0xFFFFC000  }
0x60: {  	[hbm4b:s5+s3] =	stream.linear.scatter [tilespmem:s23], [sflag:$0x6], $0x4000, $0x38;
	[tilespmem:$0x19400] =	vst v63  }
0x61: {  	s7 =	sadd.s32 $0x1000, s6  }
0x62: {  	[hbm4b:s7+s3] =	stream.linear.scatter [tilespmem:s25], [sflag:$0x6], $0x4000, $0x38;
	[tilespmem:$0x19400] =	vst v63  }
0x63: {  	_ =	swait.ge [sflag:s30], $0x4000  }
0x64: {  	[sflag:s30] =	ssyncset.done $0x0  }
0x65: {  	[sflag:s30] =	ssyncadd.s32 $0xFFFFC000  }
0x66: {  	_ =	swait.ge [sflag:s30], $0x4000  }
0x67: {  	[sflag:s30] =	ssyncset.done $0x0  }
0x68: {  	s6 =	sadd.s32 $0xFFFFFF00, s22;
	[sflag:s30] =	ssyncadd.s32 $0xFFFFC000  }
0x69: {  	[tilespmem:s17], [sflag:$0x1] =	stream.indirect.gather [hbm4b:s1+s16], $0x80, s6, s16, $0xb8;
	[tilespmem:$0x19400] =	vst v63  }
0x6a: {  	s7 =	sadd.s32 $0xFFFFFF00, s20  }
0x6b: {  	[tilespmem:s18], [sflag:$0x1] =	stream.indirect.gather [hbm4b:s4+s16], $0x80, s7, s16, $0xb8;
	[tilespmem:$0x19400] =	vst v63  }
0x6c: {  	_ =	swait.ge [sflag:s31], $0x4000  }
0x6d: {  	[sflag:s31] =	ssyncset.done $0x0  }
0x6e: {  	[sflag:s31] =	ssyncadd.s32 $0xFFFFC000  }
0x6f: {  	_ =	swait.ge [sflag:s31], $0x4000  }
0x70: {  	[sflag:s31] =	ssyncset.done $0x0  }
0x71: {  	s6 =	sadd.s32 $0xFFFFFF80, s22;
	[sflag:s31] =	ssyncadd.s32 $0xFFFFC000  }
0x72: {  	[tilespmem:s19], [sflag:$0x2] =	stream.indirect.gather [hbm4b:s1+s16], $0x80, s6, s16, $0xb8;
	[tilespmem:$0x19400] =	vst v63  }
0x73: {  	s7 =	sadd.s32 $0xFFFFFF80, s20  }
0x74: {  	[tilespmem:s21], [sflag:$0x2] =	stream.indirect.gather [hbm4b:s4+s16], $0x80, s7, s16, $0xb8;
	[tilespmem:$0x19400] =	vst v63  }
0x75: {  	p0 =	seq.s32 s24, $0x7800;
	_ =	swait.ge [sflag:s2], $0x4000  }
.Ltmp2:
0x76: {  	[sflag:s2] =	ssyncset.done $0x0;
	(pc) =	sbr.rel @p0 .LBB2_4-.Ltmp2, $4  }
0x77: {  	[sflag:s2] =	ssyncadd.s32 $0xFFFFC000  }
0x78: {  	_ =	swait.ge [sflag:s2], $0x4000  }
0x79: {  	[sflag:s2] =	ssyncset.done $0x0  }
0x7a: {  	[sflag:s2] =	ssyncadd.s32 $0xFFFFC000  }
.Ltmp3:
0x7b: {  	(pc) =	sbr.rel .LBB2_2-.Ltmp3, $4  }
0x7c: {  	[tilespmem:s23], [sflag:$0x3] =	stream.indirect.gather [hbm4b:s1+s16], $0x80, s22, s16, $0xb8;
	[tilespmem:$0x19400] =	vst v63  }
0x7d: {  	_ = 	snop  }
0x7e: {  	[tilespmem:s25], [sflag:$0x3] =	stream.indirect.gather [hbm4b:s4+s16], $0x80, s20, s16, $0xb8;
	[tilespmem:$0x19400] =	vst v63  }
0x7f: {  	s24 =	sadd.s32 $0x1800, s24;
	s22 =	sadd.s32 $0x180, s22;
	s20 =	sadd.s32 $0x180, s20  }
.LBB2_5:
0x80: {  	_ =	sfence.sel $0x180000  }
0x81: {  	[bflag:$0x0] =	sbarrier.arrive $0xFFFF  }
0x82: {  	_ =	strace $0x90000047  }
0x83: {  	s0 =	stileid.u32;
	[bflag:$0x2] =	sbarrier.arrive $0xFFFF  }
0x84: {  	p0 =	sne.s32 s0, $0x0;
	s0 =	rddreg [dreg:$0x3]  }
0x85: {  	s0 =	sadd.s32 @!p0 $0x100000, s0  }
0x86: {  	[sflag:s0] =	ssyncadd.tile.s32 @!p0 $0x1;
	_ =	shalt  }
.Lfunc_end2:
_tile_overlayer_lowered:
.L_overlay_start_2:
0x87: {  	(tag) =	ssettag $0x2  }
0x88: {  	s0 =	rddreg [dreg:$0x0];
	s2 =	stileid.u32  }
0x89: {  	s1 =	rddreg [dreg:$0x1];
	p0 =	sne.s32 s2, $0x0  }
0x8a: {  	s3 =	rddreg [dreg:$0x2];
	[bflag:$0x3] =	sbarrier.arrive $0xFFFF;
	s2 =	simm.s32 @!p0 $0x1C07  }
0x8b: {  	[timem:s3], [sflag:s2] =	dma.local @!p0 [hbm:s0], s1  }
0x8c: {  	s0 =	simm.s32 @!p0 $0x7  }
0x8d: {  	_ =	swait.ge @!p0 [sflag:s0], s1  }
0x8e: {  	s1 =	ssub.s32 @!p0 $0x0, s1;
	[sflag:s0] =	ssyncset.done @!p0 $0x0  }
0x8f: {  	[sflag:s0] =	ssyncadd.s32 @!p0 s1  }
0x90: {  	[bflag:$0x3] =	sbarrier.arrive $0xFFFF  }
0x91: {  	_ =	shalt  }

// kernel: kernel.19.cloned.1.call-start
scs
__scs_entry_jumppad:
0x0: {  	(pc) =	sbr.rel $0x88, $3  }
0x1: {  	(tag) =	ssettag $0x0;
	lr =	simm.s32 $0x1  }
0x2: {  	[smem:$0x3F91] =	sst lr;
	_ =	strace $0xD0000000  }
0x3: {  	_ = 	snop  }
0x4: {  	_ = 	snop  }
0x5: {  	_ = 	snop  }
0x6: {  	_ = 	snop  }
0x7: {  	_ = 	snop  }
__scs_overlays_trampoline_lowered:
0x8: {  	[smem:$0x3FA0] =	sst s0  }
0x9: {  	[smem:$0x3FA1] =	sst s1  }
0xa: {  	[smem:$0x3FA2] =	sst s2  }
0xb: {  	[smem:$0x3FA3] =	sst s3  }
0xc: {  	[smem:$0x3FA4] =	sst s4  }
0xd: {  	[smem:$0x3FA5] =	sst s5  }
0xe: {  	[smem:$0x3FA6] =	sst s6  }
0xf: {  	[smem:$0x3FA7] =	sst s7  }
0x10: {  	[smem:$0x3FA8] =	sst s8  }
0x11: {  	[smem:$0x3FA9] =	sst s9;
	s0 =	simm.s32 @!p0 $0x0  }
0x12: {  	s1 =	sld [smem:$0x3F8F];
	s0 =	simm.s32 @p0 $0x1  }
0x13: {  	[smem:$0x3FAA] =	sst s0;
	s0 =	simm.s32 @!p1 $0x0  }
0x14: {  	s2 =	sld [smem:$0x3F8E];
	s0 =	simm.s32 @p1 $0x1  }
0x15: {  	[smem:$0x3FAB] =	sst s0;
	s0 =	simm.s32 @!p2 $0x0  }
0x16: {  	s3 =	sld [smem:$0x3FDB];
	s0 =	simm.s32 @p2 $0x1  }
0x17: {  	s4 =	simm.s32 $0x1BF5;
	[smem:$0x3FAD] =	sst s0  }
0x18: {  	s0 =	sld [smem:$0x3F90];
	_ =	swait.ge [sflag:s4], $0x0  }
0x19: {  	s7 =	sld [smem:$0x3F91]  }
0x1a: {  	s8 =	sadd.s32 $0xFFFFE003, lr  }
0x1b: {  	s9 =	sadd.s32 $0xFFFFFEF7, lr;
	s5 =	simm.s32 $0xFFFFFFFF;
	p2 =	slt.u32 s8, $0xFFFFF086  }
0x1c: {  	p1 =	slt.u32 s9, $0xF7A;
	s5 =	simm.s32 @!p2 $0x0  }
0x1d: {  	s5 =	simm.s32 @p1 $0x1;
	p0 =	seq.s32 s7, s2  }
0x1e: {  	s7 =	smul.u32 @!p0 $0xF7A, s2;
	p2 =	seq.s32 @!p0 s5, $0x0  }
0x1f: {  	s9 =	smul.u32 $0xF7A, s1;
	s8 =	simm.s32 @!p0 $0x1BF5;
	p2 =	por !p2, p0  }
0x20: {  	[sflag:s8] =	ssyncset.s32 @!p0 $0xFFFFF086;
	s6 =	sadd.s32 @!p0 s3, s7;
	s7 =	simm.s32 @!p0 $0x108  }
0x21: {  	s3 =	sadd.s32 s3, s9;
	s6 =	sadd.s32 @!p0 $0x88, s6;
	s7 =	simm.s32 @p2 $0x1082  }
0x22: {  	[simem:s7], [sflag:s8] =	dma.local @!p0 [hbm:s6], $0xF7A  }
0x23: {  	s9 =	sor.u32 $0xD0000000, s2;
	s6 =	simm.s32 $0x108;
	_ =	swait.ge @!p0 [sflag:s8], $0x0  }
0x24: {  	s3 =	sadd.s32 $0x88, s3;
	s6 =	simm.s32 @!p1 $0x1082;
	[sflag:s4] =	ssyncset.s32 $0xFFFFF086  }
0x25: {  	[simem:s6], [sflag:s4] =	dma.local [hbm:s3], $0xF7A  }
0x26: {  	[smem:$0x3F91] =	sst s1;
	(tag) =	ssettag s2;
	_ =	strace s9  }
0x27: {  	s1 =	sld [smem:$0x3FA1]  }
0x28: {  	s2 =	sld [smem:$0x3FA2]  }
0x29: {  	s4 =	sld [smem:$0x3FA4]  }
0x2a: {  	p0 =	seq.s32 s5, $0x0;
	s5 =	sld [smem:$0x3FA5]  }
0x2b: {  	s6 =	sld [smem:$0x3FA6]  }
0x2c: {  	s7 =	sld [smem:$0x3FA7]  }
0x2d: {  	s3 =	simm.s32 $0x108;
	s8 =	sld [smem:$0x3FA8]  }
0x2e: {  	s3 =	simm.s32 @!p0 $0x1082;
	s9 =	sld [smem:$0x3FA9]  }
0x2f: {  	lr =	sadd.s32 s0, s3;
	s0 =	sld [smem:$0x3FA0]  }
0x30: {  	s3 =	sld [smem:$0x3FA3]  }
0x31: {  	[smem:$0x3FAC] =	sst s10  }
0x32: {  	s10 =	sld [smem:$0x3FAA];
	_ =	sdelay $0x3  }
0x33: {  	p0 =	seq.s32 s10, $0x1;
	s10 =	sld [smem:$0x3FAC];
	_ =	sdelay $0x3  }
0x34: {  	[smem:$0x3FAC] =	sst s10  }
0x35: {  	s10 =	sld [smem:$0x3FAB];
	_ =	sdelay $0x3  }
0x36: {  	p1 =	seq.s32 s10, $0x1;
	s10 =	sld [smem:$0x3FAC];
	_ =	sdelay $0x3  }
0x37: {  	[smem:$0x3FAC] =	sst s10  }
0x38: {  	s10 =	sld [smem:$0x3FAD]  }
0x39: {  	_ = 	snop;
	(pc) =	sbr.ind lr, $3  }
0x3a: {  	_ = 	snop  }
0x3b: {  	_ = 	snop  }
0x3c: {  	p2 =	seq.s32 s10, $0x1;
	s10 =	sld [smem:$0x3FAC]  }
0x3d: {  	_ =	shalt  }
0x3e: {  	_ =	shalt  }
0x3f: {  	_ =	shalt  }
0x40: {  	_ =	shalt  }
0x41: {  	_ =	shalt  }
0x42: {  	_ =	shalt  }
0x43: {  	_ =	shalt  }
0x44: {  	_ =	shalt  }
0x45: {  	_ =	shalt  }
0x46: {  	_ =	shalt  }
0x47: {  	_ =	shalt  }
0x48: {  	_ =	shalt  }
0x49: {  	_ =	shalt  }
0x4a: {  	_ =	shalt  }
0x4b: {  	_ =	shalt  }
0x4c: {  	_ =	shalt  }
0x4d: {  	_ =	shalt  }
0x4e: {  	_ =	shalt  }
0x4f: {  	_ =	shalt  }
0x50: {  	_ =	shalt  }
0x51: {  	_ =	shalt  }
0x52: {  	_ =	shalt  }
0x53: {  	_ =	shalt  }
0x54: {  	_ =	shalt  }
0x55: {  	_ =	shalt  }
0x56: {  	_ =	shalt  }
0x57: {  	_ =	shalt  }
0x58: {  	_ =	shalt  }
0x59: {  	_ =	shalt  }
0x5a: {  	_ =	shalt  }
0x5b: {  	_ =	shalt  }
0x5c: {  	_ =	shalt  }
0x5d: {  	_ =	shalt  }
0x5e: {  	_ =	shalt  }
0x5f: {  	_ =	shalt  }
0x60: {  	_ =	shalt  }
0x61: {  	_ =	shalt  }
0x62: {  	_ =	shalt  }
0x63: {  	_ =	shalt  }
0x64: {  	_ =	shalt  }
0x65: {  	_ =	shalt  }
0x66: {  	_ =	shalt  }
0x67: {  	_ =	shalt  }
0x68: {  	_ =	shalt  }
0x69: {  	_ =	shalt  }
0x6a: {  	_ =	shalt  }
0x6b: {  	_ =	shalt  }
0x6c: {  	_ =	shalt  }
0x6d: {  	_ =	shalt  }
0x6e: {  	_ =	shalt  }
0x6f: {  	_ =	shalt  }
0x70: {  	_ =	shalt  }
0x71: {  	_ =	shalt  }
0x72: {  	_ =	shalt  }
0x73: {  	_ =	shalt  }
0x74: {  	_ =	shalt  }
0x75: {  	_ =	shalt  }
0x76: {  	_ =	shalt  }
0x77: {  	_ =	shalt  }
0x78: {  	_ =	shalt  }
0x79: {  	_ =	shalt  }
0x7a: {  	_ =	shalt  }
0x7b: {  	_ =	shalt  }
0x7c: {  	_ =	shalt  }
0x7d: {  	_ =	shalt  }
0x7e: {  	_ =	shalt  }
0x7f: {  	_ =	shalt  }
0x80: {  	_ =	shalt  }
0x81: {  	_ =	shalt  }
0x82: {  	_ =	shalt  }
0x83: {  	_ =	shalt  }
0x84: {  	_ =	shalt  }
0x85: {  	_ =	shalt  }
0x86: {  	_ =	shalt  }
0x87: {  	_ =	shalt  }
.Lfunc_end0:
.L_simem_size_0:
called_computation.1_lowered:
.L_overlay_start_0:
0x88: {  	s2 =	sld [smem:$0x3FD9]  }
0x89: {  	s3 =	sld [smem:$0x3FFE];
	_ =	sdelay $0x1  }
0x8a: {  	s1 =	srdreg.scid  }
0x8b: {  	s0 =	sand.u32 $0x1, s1  }
0x8c: {  	s15 =	sshll.u32 s0, $0xA;
	s2 =	sadd.s32 s3, s2  }
0x8d: {  	s2 =	sadd.s32 s2, s15  }
0x8e: {  	[smem:$0x3FB8] =	sst s2  }
0x8f: {  	_ = 	snop  }
0x90: {  	s2 =	sld [smem:$0x3FD0];
	_ =	sdelay $0x2  }
0x91: {  	s16 =	simm.s32 $0xD;
	s4 =	simm.s32 $0x10  }
0x92: {  	[smem:s4], [sflag:s16] =	dma.local [hbm:s2], $0x1  }
0x93: {  	_ =	swait.eq [sflag:s16], $0x1  }
0x94: {  	[sflag:s16] =	ssyncset.done $0x0  }
0x95: {  	[sflag:s16] =	ssyncadd.s32 $0xFFFFFFFF  }
0x96: {  	s17 =	sld [smem:$0x10];
	(tm) =	ssettm $0x1  }
0x97: {  	s18 =	sld [smem:$0x3FFB];
	_ =	sdelay $0x3  }
0x98: {  	_ =	strace s18  }
0x99: {  	s2 =	sld [smem:$0x3FFC];
	_ =	sdelay $0x3  }
0x9a: {  	_ =	strace s2  }
0x9b: {  	s2 =	sld [smem:$0x3FFD];
	_ =	sdelay $0x3  }
0x9c: {  	_ =	strace s2  }
0x9d: {  	_ =	strace $0x8FFFFFFF  }
0x9e: {  	s19 =	sld [smem:$0x3FDB];
	_ =	sdelay $0x1  }
0x9f: {  	s20 =	simm.s32 $_scs_section_size  }
0xa0: {  	s5 =	simm.s32 $_size__tile_overlayer_lowered;
	s6 =	simm.s32 $_tile_overlayer_lowered  }
0xa1: {  	s7 =	simm.s32 $0x1BFF;
	s21 =	sshll.u32 s6, $0x1;
	s4 =	sadd.s32 s20, s19  }
0xa2: {  	s22 =	simm.s32 $0x0;
	s5 =	sshll.u32 s5, $0x1;
	s6 =	sadd.s32 s21, s4  }
0xa3: {  	[timem:s22], [sflag:s7] =	dma.local [hbm:s6], s5  }
0xa4: {  	_ =	swait.ge [sflag:s7], s5  }
0xa5: {  	s5 =	ssub.s32 $0x0, s5;
	[sflag:s7] =	ssyncset.done $0x0  }
0xa6: {  	[sflag:s7] =	ssyncadd.s32 s5;
	_ =	sdelay $0x1  }
0xa7: {  	s23 =	simm.s32 $0x1B8B  }
0xa8: {  	_ =	swait.ge [sflag:s23], $0x1  }
0xa9: {  	[sflag:s23] =	ssyncset.done $0x0  }
0xaa: {  	[sflag:s23] =	ssyncadd.s32 $0xFFFFFFFF  }
0xab: {  	s5 =	sld [smem:$0x0]  }
0xac: {  	s6 =	sand.u32 $0xFFFFFFFE, s1  }
0xad: {  	p0 =	sne.s32 s1, s6  }
0xae: {  	s6 =	sshll.u32 @p0 s6, $0xE  }
0xaf: {  	s6 =	sadd.s32 @p0 $0x11B8D, s6;
	s7 =	sshll.u32 @p0 s5, $0x11  }
0xb0: {  	s6 =	sor.u32 @p0 s7, s6  }
0xb1: {  	[sflag:s6] =	ssyncadd.remote.s32 @p0 $0x1;
	_ =	sdelay $0x1  }
0xb2: {  	s6 =	simm.s32 @p0 $0x1B8D  }
0xb3: {  	_ =	swait.eq @p0 [sflag:s6], $0x1  }
0xb4: {  	[sflag:s6] =	ssyncadd.s32 @p0 $0xFFFFFFFF  }
0xb5: {  	s7 =	sshll.u32 @!p0 s1, $0xE  }
0xb6: {  	s7 =	sor.u32 @!p0 $0x4000, s7;
	s6 =	simm.s32 @!p0 $0x1B8D  }
0xb7: {  	s5 =	sshll.u32 @!p0 s5, $0x11;
	s7 =	sadd.s32 @!p0 $0x11B8D, s7;
	_ =	swait.eq @!p0 [sflag:s6], $0x1  }
0xb8: {  	s5 =	sor.u32 @!p0 s5, s7;
	[sflag:s6] =	ssyncadd.s32 @!p0 $0xFFFFFFFF  }
0xb9: {  	s25 =	simm.s32 $0x1B8E;
	s24 =	sld [smem:$0x3FFE];
	[sflag:s5] =	ssyncadd.remote.s32 @!p0 $0x1  }
0xba: {  	s26 =	simm.s32 $execute0_lowered;
	[smem:$0x3FD2] =	sst s25  }
0xbb: {  	s6 =	sshll.u32 s26, $0x1;
	_ =	strace $0x80000049;
	[dreg:$0x1] =	wrdreg $0xFFFFFFFF  }
0xbc: {  	s28 =	simm.s32 $_size_execute0_lowered;
	s4 =	sadd.s32 s4, s6;
	[dreg:$0x0] =	wrdreg $0x0  }
0xbd: {  	s6 =	sshll.u32 s28, $0x1;
	[dreg:$0x2] =	wrdreg s4  }
0xbe: {  	[dreg:$0x3] =	wrdreg s6  }
0xbf: {  	[dreg:$0x4] =	wrdreg $0xC0  }
0xc0: {  	_ =	task [dreg:s22], $0x5FFFF  }
0xc1: {  	[dreg:$0x1] =	wrdreg $0xFFFFFFFF  }
0xc2: {  	[dreg:$0x0] =	wrdreg $0x60  }
0xc3: {  	[dreg:$0x2] =	wrdreg s17  }
0xc4: {  	[dreg:$0x3] =	wrdreg s24  }
0xc5: {  	[dreg:$0x4] =	wrdreg $0xC  }
0xc6: {  	_ =	task.clear_ibuf [dreg:s22], $0x5FFFF;
	_ =	strace $0x90000049  }
0xc7: {  	s29 =	simm.s32 $0xC;
	_ =	strace $0x8000004B  }
0xc8: {  	_ =	swait.ge [sflag:s29], $0x1  }
0xc9: {  	[sflag:s29] =	ssyncadd.s32 $0xFFFFFFFF  }
0xca: {  	_ =	strace $0x9000004B  }
0xcb: {  	_ =	sfence  }
0xcc: {  	s30 =	sld [smem:$0x0];
	_ =	sdelay $0x2  }
0xcd: {  	s31 =	sshll.u32 s1, $0xD;
	s1 =	sshrl.u32 s1, $0x2  }
0xce: {  	s4 =	sand.u32 $0x4000, s31;
	s1 =	sadd.s32 s1, s30  }
0xcf: {  	s0 =	sor.u32 s4, s0;
	s1 =	sshll.u32 s1, $0x11  }
0xd0: {  	s0 =	sor.u32 s1, s0  }
0xd1: {  	s0 =	sadd.s32 $0x8F2B, s0  }
0xd2: {  	[sflag:s0] =	ssyncadd.remote.s32 $0x1  }
0xd3: {  	_ =	sfence.sel $0xFFFF  }
0xd4: {  	[dreg:$0x0] =	wrdreg $0xFFFFFFFF;
	(pc) =	sbr.abs _section_cstart, $3  }
0xd5: {  	[dreg:$0x1] =	wrdreg $0xFFFFFFFF  }
0xd6: {  	_ =	task.clear_ibuf [dreg:s22], $0x2FFFF;
	_ =	strace $0x9FFFFFFF  }
0xd7: {  	(tm) =	ssettm $0x7FFFFFFF  }
tec
execute0_lowered:
.L_overlay_start_1:
0x0: {  	(tag) =	ssettag $0x1  }
0x1: {  	s0 =	srdreg.scid;
	s2 =	rddreg [dreg:$0x0]  }
0x2: {  	s9 =	stileid.u32;
	s5 =	rddreg [dreg:$0x1];
	s3 =	simm.s32 $0x0  }
0x3: {  	s15 =	simm.s32 $0xA00;
	s16 =	simm.s32 $0x80;
	s17 =	simm.s32 $0x1400  }
0x4: {  	s18 =	simm.s32 $0xD400;
	s19 =	simm.s32 $0x5400;
	s21 =	simm.s32 $0x11400  }
0x5: {  	s28 =	simm.s32 $0x2;
	s29 =	simm.s32 $0x3;
	s30 =	simm.s32 $0x4  }
0x6: {  	s0 =	sand.u32 $0x1, s0;
	s1 =	sshll.u32 s9, $0x1;
	s12 =	sadd.s32 $0x2B9200, s5  }
0x7: {  	[smem:$0x7FF] =	sst s3;
	s13 =	sadd.s32 $0x3F9200, s5;
	s14 =	smul.u32 $0x14000, s9  }
0x8: {  	s1 =	sor.u32 s0, s1;
	s7 =	ssub.s32 $0x2, s0;
	s0 =	smul.u32 $0xA000, s0  }
0x9: {  	s31 =	simm.s32 $0x5;
	_ =	strace $0x8000004A;
	s4 =	smul.u32 $0xA00, s1  }
0xa: {  	s1 =	smul.u32 $0x50000, s1;
	s8 =	sshrl.u32 s7, $0x1;
	s26 =	sadd.s32 s14, s12  }
0xb: {  	s11 =	ssub.s32 s7, s8;
	s6 =	sshrl.u32 s4, $0x3;
	s4 =	sadd.s32 $0x8000, s5  }
0xc: {  	s1 =	sshrl.u32 s1, $0x3;
	s11 =	smax.u32 s11, $0x1;
	s6 =	sadd.s32 s6, s5  }
0xd: {  	s22 =	sadd.s32 $0x9000, s1;
	s1 =	sadd.s32 $0x9800, s1;
	s23 =	sadd.s32 $0x2B4200, s6  }
0xe: {  	s24 =	sadd.s32 $0x2AF200, s6;
	s25 =	sadd.s32 s12, s22;
	s8 =	sadd.s32 s13, s22  }
.Ltmp0:
0xf: {  	s9 =	sadd.s32 s12, s1;
	s10 =	sadd.s32 s13, s1;
	(pc) =	sbr.rel .LBB2_1-.Ltmp0, $4  }
0x10: {  	s13 =	sadd.s32 s14, s13;
	s12 =	sadd.s32 s0, s26;
	[dreg:$0x3] =	wrdreg s23  }
0x11: {  	s14 =	simm.s32 $0x7;
	s26 =	simm.s32 $0x1;
	[dreg:$0x4] =	wrdreg s24  }
0x12: {  	s1 =	simm.s32 $0x6;
	[dreg:$0x5] =	wrdreg s25;
	s13 =	sadd.s32 s0, s13  }
0x13: {  	s23 =	simm.s32 $0x9400;
	s25 =	simm.s32 $0x15400;
	s0 =	simm.s32 $0x0  }
.LBB2_4:
0x14: {  	_ =	swait.ge [sflag:s26], $0x4000  }
0x15: {  	[sflag:s26] =	ssyncset.done $0x0  }
0x16: {  	[sflag:s26] =	ssyncadd.s32 $0xFFFFC000  }
0x17: {  	_ =	swait.ge [sflag:s26], $0x4000  }
0x18: {  	[sflag:s26] =	ssyncset.done $0x0  }
0x19: {  	s5 =	rddreg [dreg:$0x5];
	[sflag:s26] =	ssyncadd.s32 $0xFFFFC000  }
0x1a: {  	[hbm4b:s5+s3] =	stream.linear.scatter [tilespmem:s17], [sflag:$0x4], $0x4000, $0x38;
	[tilespmem:$0x19400] =	vst v63  }
0x1b: {  	_ = 	snop  }
0x1c: {  	[hbm4b:s8+s3] =	stream.linear.scatter [tilespmem:s18], [sflag:$0x4], $0x4000, $0x38;
	[tilespmem:$0x19400] =	vst v63  }
0x1d: {  	_ =	swait.ge [sflag:s30], $0x4000  }
0x1e: {  	[sflag:s30] =	ssyncset.done $0x0  }
0x1f: {  	[sflag:s30] =	ssyncadd.s32 $0xFFFFC000  }
0x20: {  	_ =	swait.ge [sflag:s30], $0x4000  }
0x21: {  	[sflag:s30] =	ssyncset.done $0x0  }
0x22: {  	[sflag:s30] =	ssyncadd.s32 $0xFFFFC000  }
0x23: {  	_ =	swait.ge [sflag:s28], $0x4000  }
0x24: {  	[sflag:s28] =	ssyncset.done $0x0  }
0x25: {  	[sflag:s28] =	ssyncadd.s32 $0xFFFFC000  }
0x26: {  	_ =	swait.ge [sflag:s28], $0x4000  }
0x27: {  	[sflag:s28] =	ssyncset.done $0x0  }
0x28: {  	[sflag:s28] =	ssyncadd.s32 $0xFFFFC000  }
0x29: {  	[hbm4b:s9+s3] =	stream.linear.scatter [tilespmem:s19], [sflag:$0x5], $0x4000, $0x38;
	[tilespmem:$0x19400] =	vst v63  }
0x2a: {  	s0 =	sadd.s32 $0x1, s0  }
0x2b: {  	[hbm4b:s10+s3] =	stream.linear.scatter [tilespmem:s21], [sflag:$0x5], $0x4000, $0x38;
	[tilespmem:$0x19400] =	vst v63  }
0x2c: {  	p0 =	sne.s32 s0, s11;
	_ =	swait.ge [sflag:s31], $0x4000  }
.Ltmp1:
0x2d: {  	[sflag:s31] =	ssyncset.done $0x0;
	(pc) =	sbr.rel @!p0 .LBB2_5-.Ltmp1, $4  }
0x2e: {  	[sflag:s31] =	ssyncadd.s32 $0xFFFFC000  }
0x2f: {  	_ =	swait.ge [sflag:s31], $0x4000  }
0x30: {  	[sflag:s31] =	ssyncset.done $0x0  }
0x31: {  	[sflag:s31] =	ssyncadd.s32 $0xFFFFC000  }
.LBB2_1:
0x32: {  	s5 =	rddreg [dreg:$0x3]  }
0x33: {  	[tilespmem:s3], [sflag:$0x7] =	stream.linear.gather [hbm4b:s5+s3], $0xA00, $0x38;
	[tilespmem:$0x19400] =	vst v63  }
0x34: {  	_ =	swait.ge [sflag:s14], $0xA00  }
0x35: {  	[sflag:s14] =	ssyncset.done $0x0  }
0x36: {  	s7 =	rddreg [dreg:$0x4];
	[sflag:s14] =	ssyncadd.s32 $0xFFFFF600  }
0x37: {  	[tilespmem:s15], [sflag:$0x7] =	stream.linear.gather [hbm4b:s7+s3], $0xA00, $0x38;
	[tilespmem:$0x19400] =	vst v63  }
0x38: {  	_ =	swait.ge [sflag:s14], $0xA00  }
0x39: {  	[sflag:s14] =	ssyncset.done $0x0  }
0x3a: {  	[sflag:s14] =	ssyncadd.s32 $0xFFFFF600  }
0x3b: {  	[tilespmem:s17], [sflag:$0x1] =	stream.indirect.gather [hbm4b:s2+s16], $0x80, s3, s16, $0xb8;
	[tilespmem:$0x19400] =	vst v63  }
0x3c: {  	_ = 	snop  }
0x3d: {  	[tilespmem:s18], [sflag:$0x1] =	stream.indirect.gather [hbm4b:s4+s16], $0x80, s15, s16, $0xb8;
	[tilespmem:$0x19400] =	vst v63  }
0x3e: {  	_ = 	snop  }
0x3f: {  	[tilespmem:s19], [sflag:$0x2] =	stream.indirect.gather [hbm4b:s2+s16], $0x80, s16, s16, $0xb8;
	[tilespmem:$0x19400] =	vst v63  }
0x40: {  	s20 =	simm.s32 $0xA80  }
0x41: {  	[tilespmem:s21], [sflag:$0x2] =	stream.indirect.gather [hbm4b:s4+s16], $0x80, s20, s16, $0xb8;
	[tilespmem:$0x19400] =	vst v63  }
0x42: {  	s22 =	simm.s32 $0x100  }
0x43: {  	[tilespmem:s23], [sflag:$0x3] =	stream.indirect.gather [hbm4b:s2+s16], $0x80, s22, s16, $0xb8;
	[tilespmem:$0x19400] =	vst v63  }
0x44: {  	s24 =	simm.s32 $0xB00  }
0x45: {  	[tilespmem:s25], [sflag:$0x3] =	stream.indirect.gather [hbm4b:s4+s16], $0x80, s24, s16, $0xb8;
	[tilespmem:$0x19400] =	vst v63  }
0x46: {  	s20 =	simm.s32 $0xC80;
	s22 =	simm.s32 $0x280;
	s24 =	simm.s32 $0x0  }
.LBB2_2:
0x47: {  	_ =	swait.ge [sflag:s26], $0x4000  }
0x48: {  	[sflag:s26] =	ssyncset.done $0x0  }
0x49: {  	[sflag:s26] =	ssyncadd.s32 $0xFFFFC000  }
0x4a: {  	_ =	swait.ge [sflag:s26], $0x4000  }
0x4b: {  	[sflag:s26] =	ssyncset.done $0x0  }
0x4c: {  	s5 =	sadd.s32 s24, s12;
	[sflag:s26] =	ssyncadd.s32 $0xFFFFC000  }
0x4d: {  	[hbm4b:s5+s3] =	stream.linear.scatter [tilespmem:s17], [sflag:$0x4], $0x4000, $0x38;
	[tilespmem:$0x19400] =	vst v63  }
0x4e: {  	s6 =	sadd.s32 s24, s13  }
0x4f: {  	[hbm4b:s6+s3] =	stream.linear.scatter [tilespmem:s18], [sflag:$0x4], $0x4000, $0x38;
	[tilespmem:$0x19400] =	vst v63  }
0x50: {  	_ =	swait.ge [sflag:s28], $0x4000  }
0x51: {  	[sflag:s28] =	ssyncset.done $0x0  }
0x52: {  	[sflag:s28] =	ssyncadd.s32 $0xFFFFC000  }
0x53: {  	_ =	swait.ge [sflag:s28], $0x4000  }
0x54: {  	[sflag:s28] =	ssyncset.done $0x0  }
0x55: {  	s7 =	sadd.s32 $0x800, s5;
	[sflag:s28] =	ssyncadd.s32 $0xFFFFC000  }
0x56: {  	[hbm4b:s7+s3] =	stream.linear.scatter [tilespmem:s19], [sflag:$0x5], $0x4000, $0x38;
	[tilespmem:$0x19400] =	vst v63  }
0x57: {  	s7 =	sadd.s32 $0x800, s6  }
0x58: {  	[hbm4b:s7+s3] =	stream.linear.scatter [tilespmem:s21], [sflag:$0x5], $0x4000, $0x38;
	[tilespmem:$0x19400] =	vst v63  }
0x59: {  	_ =	swait.ge [sflag:s29], $0x4000  }
0x5a: {  	[sflag:s29] =	ssyncset.done $0x0  }
0x5b: {  	[sflag:s29] =	ssyncadd.s32 $0xFFFFC000  }
0x5c: {  	_ =	swait.ge [sflag:s29], $0x4000  }
0x5d: {  	[sflag:s29] =	ssyncset.done $0x0  }
0x5e: {  	s5 =	sadd.s32 $0x1000, s5;
	[sflag:s29] =	ssyncadd.s32 $0xFFFFC000  }
0x5f: {  	[hbm4b:s5+s3] =	stream.linear.scatter [tilespmem:s23], [sflag:$0x6], $0x4000, $0x38;
	[tilespmem:$0x19400] =	vst v63  }
0x60: {  	s7 =	sadd.s32 $0x1000, s6  }
0x61: {  	[hbm4b:s7+s3] =	stream.linear.scatter [tilespmem:s25], [sflag:$0x6], $0x4000, $0x38;
	[tilespmem:$0x19400] =	vst v63  }
0x62: {  	_ =	swait.ge [sflag:s30], $0x4000  }
0x63: {  	[sflag:s30] =	ssyncset.done $0x0  }
0x64: {  	[sflag:s30] =	ssyncadd.s32 $0xFFFFC000  }
0x65: {  	_ =	swait.ge [sflag:s30], $0x4000  }
0x66: {  	[sflag:s30] =	ssyncset.done $0x0  }
0x67: {  	s6 =	sadd.s32 $0xFFFFFF00, s22;
	[sflag:s30] =	ssyncadd.s32 $0xFFFFC000  }
0x68: {  	[tilespmem:s17], [sflag:$0x1] =	stream.indirect.gather [hbm4b:s2+s16], $0x80, s6, s16, $0xb8;
	[tilespmem:$0x19400] =	vst v63  }
0x69: {  	s7 =	sadd.s32 $0xFFFFFF00, s20  }
0x6a: {  	[tilespmem:s18], [sflag:$0x1] =	stream.indirect.gather [hbm4b:s4+s16], $0x80, s7, s16, $0xb8;
	[tilespmem:$0x19400] =	vst v63  }
0x6b: {  	_ =	swait.ge [sflag:s31], $0x4000  }
0x6c: {  	[sflag:s31] =	ssyncset.done $0x0  }
0x6d: {  	[sflag:s31] =	ssyncadd.s32 $0xFFFFC000  }
0x6e: {  	_ =	swait.ge [sflag:s31], $0x4000  }
0x6f: {  	[sflag:s31] =	ssyncset.done $0x0  }
0x70: {  	s6 =	sadd.s32 $0xFFFFFF80, s22;
	[sflag:s31] =	ssyncadd.s32 $0xFFFFC000  }
0x71: {  	[tilespmem:s19], [sflag:$0x2] =	stream.indirect.gather [hbm4b:s2+s16], $0x80, s6, s16, $0xb8;
	[tilespmem:$0x19400] =	vst v63  }
0x72: {  	s7 =	sadd.s32 $0xFFFFFF80, s20  }
0x73: {  	[tilespmem:s21], [sflag:$0x2] =	stream.indirect.gather [hbm4b:s4+s16], $0x80, s7, s16, $0xb8;
	[tilespmem:$0x19400] =	vst v63  }
0x74: {  	p0 =	seq.s32 s24, $0x7800;
	_ =	swait.ge [sflag:s1], $0x4000  }
.Ltmp2:
0x75: {  	[sflag:s1] =	ssyncset.done $0x0;
	(pc) =	sbr.rel @p0 .LBB2_4-.Ltmp2, $4  }
0x76: {  	[sflag:s1] =	ssyncadd.s32 $0xFFFFC000  }
0x77: {  	_ =	swait.ge [sflag:s1], $0x4000  }
0x78: {  	[sflag:s1] =	ssyncset.done $0x0  }
0x79: {  	[sflag:s1] =	ssyncadd.s32 $0xFFFFC000  }
.Ltmp3:
0x7a: {  	(pc) =	sbr.rel .LBB2_2-.Ltmp3, $4  }
0x7b: {  	[tilespmem:s23], [sflag:$0x3] =	stream.indirect.gather [hbm4b:s2+s16], $0x80, s22, s16, $0xb8;
	[tilespmem:$0x19400] =	vst v63  }
0x7c: {  	_ = 	snop  }
0x7d: {  	[tilespmem:s25], [sflag:$0x3] =	stream.indirect.gather [hbm4b:s4+s16], $0x80, s20, s16, $0xb8;
	[tilespmem:$0x19400] =	vst v63  }
0x7e: {  	s24 =	sadd.s32 $0x1800, s24;
	s22 =	sadd.s32 $0x180, s22;
	s20 =	sadd.s32 $0x180, s20  }
.LBB2_5:
0x7f: {  	_ =	sfence.sel $0x180000  }
0x80: {  	[bflag:$0x0] =	sbarrier.arrive $0xFFFF  }
0x81: {  	_ =	strace $0x9000004A  }
0x82: {  	s0 =	stileid.u32;
	[bflag:$0x2] =	sbarrier.arrive $0xFFFF  }
0x83: {  	p0 =	sne.s32 s0, $0x0;
	s0 =	rddreg [dreg:$0x2]  }
0x84: {  	s0 =	sadd.s32 @!p0 $0x100000, s0  }
0x85: {  	[sflag:s0] =	ssyncadd.tile.s32 @!p0 $0x1;
	_ =	shalt  }
.Lfunc_end2:
_tile_overlayer_lowered:
.L_overlay_start_2:
0x86: {  	(tag) =	ssettag $0x2  }
0x87: {  	s0 =	rddreg [dreg:$0x0];
	s2 =	stileid.u32  }
0x88: {  	s1 =	rddreg [dreg:$0x1];
	p0 =	sne.s32 s2, $0x0  }
0x89: {  	s3 =	rddreg [dreg:$0x2];
	[bflag:$0x3] =	sbarrier.arrive $0xFFFF;
	s2 =	simm.s32 @!p0 $0x1C07  }
0x8a: {  	[timem:s3], [sflag:s2] =	dma.local @!p0 [hbm:s0], s1  }
0x8b: {  	s0 =	simm.s32 @!p0 $0x7  }
0x8c: {  	_ =	swait.ge @!p0 [sflag:s0], s1  }
0x8d: {  	s1 =	ssub.s32 @!p0 $0x0, s1;
	[sflag:s0] =	ssyncset.done @!p0 $0x0  }
0x8e: {  	[sflag:s0] =	ssyncadd.s32 @!p0 s1  }
0x8f: {  	[bflag:$0x3] =	sbarrier.arrive $0xFFFF  }
0x90: {  	_ =	shalt  }

// kernel: kernel.22.cloned.1.call-start
scs
__scs_entry_jumppad:
0x0: {  	(pc) =	sbr.rel $0x88, $3  }
0x1: {  	(tag) =	ssettag $0x0;
	lr =	simm.s32 $0x1  }
0x2: {  	[smem:$0x3F91] =	sst lr;
	_ =	strace $0xD0000000  }
0x3: {  	_ = 	snop  }
0x4: {  	_ = 	snop  }
0x5: {  	_ = 	snop  }
0x6: {  	_ = 	snop  }
0x7: {  	_ = 	snop  }
__scs_overlays_trampoline_lowered:
0x8: {  	[smem:$0x3FA0] =	sst s0  }
0x9: {  	[smem:$0x3FA1] =	sst s1  }
0xa: {  	[smem:$0x3FA2] =	sst s2  }
0xb: {  	[smem:$0x3FA3] =	sst s3  }
0xc: {  	[smem:$0x3FA4] =	sst s4  }
0xd: {  	[smem:$0x3FA5] =	sst s5  }
0xe: {  	[smem:$0x3FA6] =	sst s6  }
0xf: {  	[smem:$0x3FA7] =	sst s7  }
0x10: {  	[smem:$0x3FA8] =	sst s8  }
0x11: {  	[smem:$0x3FA9] =	sst s9;
	s0 =	simm.s32 @!p0 $0x0  }
0x12: {  	s1 =	sld [smem:$0x3F8F];
	s0 =	simm.s32 @p0 $0x1  }
0x13: {  	[smem:$0x3FAA] =	sst s0;
	s0 =	simm.s32 @!p1 $0x0  }
0x14: {  	s2 =	sld [smem:$0x3F8E];
	s0 =	simm.s32 @p1 $0x1  }
0x15: {  	[smem:$0x3FAB] =	sst s0;
	s0 =	simm.s32 @!p2 $0x0  }
0x16: {  	s3 =	sld [smem:$0x3FDB];
	s0 =	simm.s32 @p2 $0x1  }
0x17: {  	s4 =	simm.s32 $0x1BF5;
	[smem:$0x3FAD] =	sst s0  }
0x18: {  	s0 =	sld [smem:$0x3F90];
	_ =	swait.ge [sflag:s4], $0x0  }
0x19: {  	s7 =	sld [smem:$0x3F91]  }
0x1a: {  	s8 =	sadd.s32 $0xFFFFE003, lr  }
0x1b: {  	s9 =	sadd.s32 $0xFFFFFEF7, lr;
	s5 =	simm.s32 $0xFFFFFFFF;
	p2 =	slt.u32 s8, $0xFFFFF086  }
0x1c: {  	p1 =	slt.u32 s9, $0xF7A;
	s5 =	simm.s32 @!p2 $0x0  }
0x1d: {  	s5 =	simm.s32 @p1 $0x1;
	p0 =	seq.s32 s7, s2  }
0x1e: {  	s7 =	smul.u32 @!p0 $0xF7A, s2;
	p2 =	seq.s32 @!p0 s5, $0x0  }
0x1f: {  	s9 =	smul.u32 $0xF7A, s1;
	s8 =	simm.s32 @!p0 $0x1BF5;
	p2 =	por !p2, p0  }
0x20: {  	[sflag:s8] =	ssyncset.s32 @!p0 $0xFFFFF086;
	s6 =	sadd.s32 @!p0 s3, s7;
	s7 =	simm.s32 @!p0 $0x108  }
0x21: {  	s3 =	sadd.s32 s3, s9;
	s6 =	sadd.s32 @!p0 $0x88, s6;
	s7 =	simm.s32 @p2 $0x1082  }
0x22: {  	[simem:s7], [sflag:s8] =	dma.local @!p0 [hbm:s6], $0xF7A  }
0x23: {  	s9 =	sor.u32 $0xD0000000, s2;
	s6 =	simm.s32 $0x108;
	_ =	swait.ge @!p0 [sflag:s8], $0x0  }
0x24: {  	s3 =	sadd.s32 $0x88, s3;
	s6 =	simm.s32 @!p1 $0x1082;
	[sflag:s4] =	ssyncset.s32 $0xFFFFF086  }
0x25: {  	[simem:s6], [sflag:s4] =	dma.local [hbm:s3], $0xF7A  }
0x26: {  	[smem:$0x3F91] =	sst s1;
	(tag) =	ssettag s2;
	_ =	strace s9  }
0x27: {  	s1 =	sld [smem:$0x3FA1]  }
0x28: {  	s2 =	sld [smem:$0x3FA2]  }
0x29: {  	s4 =	sld [smem:$0x3FA4]  }
0x2a: {  	p0 =	seq.s32 s5, $0x0;
	s5 =	sld [smem:$0x3FA5]  }
0x2b: {  	s6 =	sld [smem:$0x3FA6]  }
0x2c: {  	s7 =	sld [smem:$0x3FA7]  }
0x2d: {  	s3 =	simm.s32 $0x108;
	s8 =	sld [smem:$0x3FA8]  }
0x2e: {  	s3 =	simm.s32 @!p0 $0x1082;
	s9 =	sld [smem:$0x3FA9]  }
0x2f: {  	lr =	sadd.s32 s0, s3;
	s0 =	sld [smem:$0x3FA0]  }
0x30: {  	s3 =	sld [smem:$0x3FA3]  }
0x31: {  	[smem:$0x3FAC] =	sst s10  }
0x32: {  	s10 =	sld [smem:$0x3FAA];
	_ =	sdelay $0x3  }
0x33: {  	p0 =	seq.s32 s10, $0x1;
	s10 =	sld [smem:$0x3FAC];
	_ =	sdelay $0x3  }
0x34: {  	[smem:$0x3FAC] =	sst s10  }
0x35: {  	s10 =	sld [smem:$0x3FAB];
	_ =	sdelay $0x3  }
0x36: {  	p1 =	seq.s32 s10, $0x1;
	s10 =	sld [smem:$0x3FAC];
	_ =	sdelay $0x3  }
0x37: {  	[smem:$0x3FAC] =	sst s10  }
0x38: {  	s10 =	sld [smem:$0x3FAD]  }
0x39: {  	_ = 	snop;
	(pc) =	sbr.ind lr, $3  }
0x3a: {  	_ = 	snop  }
0x3b: {  	_ = 	snop  }
0x3c: {  	p2 =	seq.s32 s10, $0x1;
	s10 =	sld [smem:$0x3FAC]  }
0x3d: {  	_ =	shalt  }
0x3e: {  	_ =	shalt  }
0x3f: {  	_ =	shalt  }
0x40: {  	_ =	shalt  }
0x41: {  	_ =	shalt  }
0x42: {  	_ =	shalt  }
0x43: {  	_ =	shalt  }
0x44: {  	_ =	shalt  }
0x45: {  	_ =	shalt  }
0x46: {  	_ =	shalt  }
0x47: {  	_ =	shalt  }
0x48: {  	_ =	shalt  }
0x49: {  	_ =	shalt  }
0x4a: {  	_ =	shalt  }
0x4b: {  	_ =	shalt  }
0x4c: {  	_ =	shalt  }
0x4d: {  	_ =	shalt  }
0x4e: {  	_ =	shalt  }
0x4f: {  	_ =	shalt  }
0x50: {  	_ =	shalt  }
0x51: {  	_ =	shalt  }
0x52: {  	_ =	shalt  }
0x53: {  	_ =	shalt  }
0x54: {  	_ =	shalt  }
0x55: {  	_ =	shalt  }
0x56: {  	_ =	shalt  }
0x57: {  	_ =	shalt  }
0x58: {  	_ =	shalt  }
0x59: {  	_ =	shalt  }
0x5a: {  	_ =	shalt  }
0x5b: {  	_ =	shalt  }
0x5c: {  	_ =	shalt  }
0x5d: {  	_ =	shalt  }
0x5e: {  	_ =	shalt  }
0x5f: {  	_ =	shalt  }
0x60: {  	_ =	shalt  }
0x61: {  	_ =	shalt  }
0x62: {  	_ =	shalt  }
0x63: {  	_ =	shalt  }
0x64: {  	_ =	shalt  }
0x65: {  	_ =	shalt  }
0x66: {  	_ =	shalt  }
0x67: {  	_ =	shalt  }
0x68: {  	_ =	shalt  }
0x69: {  	_ =	shalt  }
0x6a: {  	_ =	shalt  }
0x6b: {  	_ =	shalt  }
0x6c: {  	_ =	shalt  }
0x6d: {  	_ =	shalt  }
0x6e: {  	_ =	shalt  }
0x6f: {  	_ =	shalt  }
0x70: {  	_ =	shalt  }
0x71: {  	_ =	shalt  }
0x72: {  	_ =	shalt  }
0x73: {  	_ =	shalt  }
0x74: {  	_ =	shalt  }
0x75: {  	_ =	shalt  }
0x76: {  	_ =	shalt  }
0x77: {  	_ =	shalt  }
0x78: {  	_ =	shalt  }
0x79: {  	_ =	shalt  }
0x7a: {  	_ =	shalt  }
0x7b: {  	_ =	shalt  }
0x7c: {  	_ =	shalt  }
0x7d: {  	_ =	shalt  }
0x7e: {  	_ =	shalt  }
0x7f: {  	_ =	shalt  }
0x80: {  	_ =	shalt  }
0x81: {  	_ =	shalt  }
0x82: {  	_ =	shalt  }
0x83: {  	_ =	shalt  }
0x84: {  	_ =	shalt  }
0x85: {  	_ =	shalt  }
0x86: {  	_ =	shalt  }
0x87: {  	_ =	shalt  }
.Lfunc_end0:
.L_simem_size_0:
called_computation.2_lowered:
.L_overlay_start_0:
0x88: {  	s2 =	sld [smem:$0x3FD9]  }
0x89: {  	s3 =	sld [smem:$0x3FFE];
	_ =	sdelay $0x1  }
0x8a: {  	s1 =	srdreg.scid  }
0x8b: {  	s0 =	sand.u32 $0x1, s1  }
0x8c: {  	s15 =	sshll.u32 s0, $0xA;
	s2 =	sadd.s32 s3, s2  }
0x8d: {  	s2 =	sadd.s32 s2, s15  }
0x8e: {  	[smem:$0x3FB8] =	sst s2  }
0x8f: {  	_ = 	snop  }
0x90: {  	s2 =	sld [smem:$0x3FD0];
	_ =	sdelay $0x2  }
0x91: {  	s16 =	simm.s32 $0xD;
	s4 =	simm.s32 $0x10  }
0x92: {  	[smem:s4], [sflag:s16] =	dma.local [hbm:s2], $0x1  }
0x93: {  	_ =	swait.eq [sflag:s16], $0x1  }
0x94: {  	[sflag:s16] =	ssyncset.done $0x0  }
0x95: {  	[sflag:s16] =	ssyncadd.s32 $0xFFFFFFFF  }
0x96: {  	s17 =	sld [smem:$0x10];
	(tm) =	ssettm $0x1  }
0x97: {  	s18 =	sld [smem:$0x3FFB];
	_ =	sdelay $0x3  }
0x98: {  	_ =	strace s18  }
0x99: {  	s2 =	sld [smem:$0x3FFC];
	_ =	sdelay $0x3  }
0x9a: {  	_ =	strace s2  }
0x9b: {  	s2 =	sld [smem:$0x3FFD];
	_ =	sdelay $0x3  }
0x9c: {  	_ =	strace s2  }
0x9d: {  	_ =	strace $0x8FFFFFFF  }
0x9e: {  	s19 =	sld [smem:$0x3FDB];
	_ =	sdelay $0x1  }
0x9f: {  	s20 =	simm.s32 $_scs_section_size  }
0xa0: {  	s5 =	simm.s32 $_size__tile_overlayer_lowered;
	s6 =	simm.s32 $_tile_overlayer_lowered  }
0xa1: {  	s7 =	simm.s32 $0x1BFF;
	s21 =	sshll.u32 s6, $0x1;
	s4 =	sadd.s32 s20, s19  }
0xa2: {  	s22 =	simm.s32 $0x0;
	s5 =	sshll.u32 s5, $0x1;
	s6 =	sadd.s32 s21, s4  }
0xa3: {  	[timem:s22], [sflag:s7] =	dma.local [hbm:s6], s5  }
0xa4: {  	_ =	swait.ge [sflag:s7], s5  }
0xa5: {  	s5 =	ssub.s32 $0x0, s5;
	[sflag:s7] =	ssyncset.done $0x0  }
0xa6: {  	[sflag:s7] =	ssyncadd.s32 s5;
	_ =	sdelay $0x1  }
0xa7: {  	s23 =	simm.s32 $0x1B8B  }
0xa8: {  	_ =	swait.ge [sflag:s23], $0x1  }
0xa9: {  	[sflag:s23] =	ssyncset.done $0x0  }
0xaa: {  	[sflag:s23] =	ssyncadd.s32 $0xFFFFFFFF  }
0xab: {  	s5 =	sld [smem:$0x0]  }
0xac: {  	s6 =	sand.u32 $0xFFFFFFFE, s1  }
0xad: {  	p0 =	sne.s32 s1, s6  }
0xae: {  	s6 =	sshll.u32 @p0 s6, $0xE  }
0xaf: {  	s6 =	sadd.s32 @p0 $0x11B8D, s6;
	s7 =	sshll.u32 @p0 s5, $0x11  }
0xb0: {  	s6 =	sor.u32 @p0 s7, s6  }
0xb1: {  	[sflag:s6] =	ssyncadd.remote.s32 @p0 $0x1;
	_ =	sdelay $0x1  }
0xb2: {  	s6 =	simm.s32 @p0 $0x1B8D  }
0xb3: {  	_ =	swait.eq @p0 [sflag:s6], $0x1  }
0xb4: {  	[sflag:s6] =	ssyncadd.s32 @p0 $0xFFFFFFFF  }
0xb5: {  	s7 =	sshll.u32 @!p0 s1, $0xE  }
0xb6: {  	s7 =	sor.u32 @!p0 $0x4000, s7;
	s6 =	simm.s32 @!p0 $0x1B8D  }
0xb7: {  	s5 =	sshll.u32 @!p0 s5, $0x11;
	s7 =	sadd.s32 @!p0 $0x11B8D, s7;
	_ =	swait.eq @!p0 [sflag:s6], $0x1  }
0xb8: {  	s5 =	sor.u32 @!p0 s5, s7;
	[sflag:s6] =	ssyncadd.s32 @!p0 $0xFFFFFFFF  }
0xb9: {  	s25 =	simm.s32 $0x1B8E;
	s24 =	sld [smem:$0x3FFE];
	[sflag:s5] =	ssyncadd.remote.s32 @!p0 $0x1  }
0xba: {  	s26 =	simm.s32 $execute0_lowered;
	[smem:$0x3FD2] =	sst s25  }
0xbb: {  	s6 =	sshll.u32 s26, $0x1;
	_ =	strace $0x8000004C;
	[dreg:$0x1] =	wrdreg $0xFFFFFFFF  }
0xbc: {  	s28 =	simm.s32 $_size_execute0_lowered;
	s4 =	sadd.s32 s4, s6;
	[dreg:$0x0] =	wrdreg $0x0  }
0xbd: {  	s6 =	sshll.u32 s28, $0x1;
	[dreg:$0x2] =	wrdreg s4  }
0xbe: {  	[dreg:$0x3] =	wrdreg s6  }
0xbf: {  	[dreg:$0x4] =	wrdreg $0xC0  }
0xc0: {  	_ =	task [dreg:s22], $0x5FFFF  }
0xc1: {  	[dreg:$0x1] =	wrdreg $0xFFFFFFFF  }
0xc2: {  	[dreg:$0x0] =	wrdreg $0x60  }
0xc3: {  	[dreg:$0x2] =	wrdreg s17  }
0xc4: {  	[dreg:$0x3] =	wrdreg s24  }
0xc5: {  	[dreg:$0x4] =	wrdreg $0xB  }
0xc6: {  	_ =	task.clear_ibuf [dreg:s22], $0x5FFFF;
	_ =	strace $0x9000004C  }
0xc7: {  	s29 =	simm.s32 $0xB;
	_ =	strace $0x8000004E  }
0xc8: {  	_ =	swait.ge [sflag:s29], $0x1  }
0xc9: {  	[sflag:s29] =	ssyncadd.s32 $0xFFFFFFFF  }
0xca: {  	_ =	strace $0x9000004E  }
0xcb: {  	_ =	sfence  }
0xcc: {  	s30 =	sld [smem:$0x0];
	_ =	sdelay $0x2  }
0xcd: {  	s31 =	sshll.u32 s1, $0xD;
	s1 =	sshrl.u32 s1, $0x2  }
0xce: {  	s4 =	sand.u32 $0x4000, s31;
	s1 =	sadd.s32 s1, s30  }
0xcf: {  	s0 =	sor.u32 s4, s0;
	s1 =	sshll.u32 s1, $0x11  }
0xd0: {  	s0 =	sor.u32 s1, s0  }
0xd1: {  	s0 =	sadd.s32 $0x8F2B, s0  }
0xd2: {  	[sflag:s0] =	ssyncadd.remote.s32 $0x1  }
0xd3: {  	_ =	sfence.sel $0xFFFF  }
0xd4: {  	[dreg:$0x0] =	wrdreg $0xFFFFFFFF;
	(pc) =	sbr.abs _section_cstart, $3  }
0xd5: {  	[dreg:$0x1] =	wrdreg $0xFFFFFFFF  }
0xd6: {  	_ =	task.clear_ibuf [dreg:s22], $0x2FFFF;
	_ =	strace $0x9FFFFFFF  }
0xd7: {  	(tm) =	ssettm $0x7FFFFFFF  }
tec
execute0_lowered:
.L_overlay_start_1:
0x0: {  	(tag) =	ssettag $0x1  }
0x1: {  	s0 =	srdreg.scid;
	s2 =	rddreg [dreg:$0x0]  }
0x2: {  	s9 =	stileid.u32;
	s5 =	rddreg [dreg:$0x1];
	s3 =	simm.s32 $0x0  }
0x3: {  	s15 =	simm.s32 $0xA00;
	s16 =	simm.s32 $0x80;
	s17 =	simm.s32 $0x1400  }
0x4: {  	s18 =	simm.s32 $0xD400;
	s19 =	simm.s32 $0x5400;
	s21 =	simm.s32 $0x11400  }
0x5: {  	s28 =	simm.s32 $0x2;
	s29 =	simm.s32 $0x3;
	s30 =	simm.s32 $0x4  }
0x6: {  	s0 =	sand.u32 $0x1, s0;
	s1 =	sshll.u32 s9, $0x1;
	s12 =	sadd.s32 $0x539200, s5  }
0x7: {  	[smem:$0x7FF] =	sst s3;
	s13 =	sadd.s32 $0x679200, s5;
	s14 =	smul.u32 $0x14000, s9  }
0x8: {  	s1 =	sor.u32 s0, s1;
	s7 =	ssub.s32 $0x2, s0;
	s0 =	smul.u32 $0xA000, s0  }
0x9: {  	s31 =	simm.s32 $0x5;
	_ =	strace $0x8000004D;
	s4 =	smul.u32 $0xA00, s1  }
0xa: {  	s1 =	smul.u32 $0x50000, s1;
	s8 =	sshrl.u32 s7, $0x1;
	s26 =	sadd.s32 s14, s12  }
0xb: {  	s11 =	ssub.s32 s7, s8;
	s6 =	sshrl.u32 s4, $0x3;
	s4 =	sadd.s32 $0x8000, s5  }
0xc: {  	s1 =	sshrl.u32 s1, $0x3;
	s11 =	smax.u32 s11, $0x1;
	s6 =	sadd.s32 s6, s5  }
0xd: {  	s22 =	sadd.s32 $0x9000, s1;
	s1 =	sadd.s32 $0x9800, s1;
	s23 =	sadd.s32 $0x2B6A00, s6  }
0xe: {  	s24 =	sadd.s32 $0x2B1A00, s6;
	s25 =	sadd.s32 s12, s22;
	s8 =	sadd.s32 s13, s22  }
.Ltmp0:
0xf: {  	s9 =	sadd.s32 s12, s1;
	s10 =	sadd.s32 s13, s1;
	(pc) =	sbr.rel .LBB2_1-.Ltmp0, $4  }
0x10: {  	s13 =	sadd.s32 s14, s13;
	s12 =	sadd.s32 s0, s26;
	[dreg:$0x3] =	wrdreg s23  }
0x11: {  	s14 =	simm.s32 $0x7;
	s26 =	simm.s32 $0x1;
	[dreg:$0x4] =	wrdreg s24  }
0x12: {  	s1 =	simm.s32 $0x6;
	[dreg:$0x5] =	wrdreg s25;
	s13 =	sadd.s32 s0, s13  }
0x13: {  	s23 =	simm.s32 $0x9400;
	s25 =	simm.s32 $0x15400;
	s0 =	simm.s32 $0x0  }
.LBB2_4:
0x14: {  	_ =	swait.ge [sflag:s26], $0x4000  }
0x15: {  	[sflag:s26] =	ssyncset.done $0x0  }
0x16: {  	[sflag:s26] =	ssyncadd.s32 $0xFFFFC000  }
0x17: {  	_ =	swait.ge [sflag:s26], $0x4000  }
0x18: {  	[sflag:s26] =	ssyncset.done $0x0  }
0x19: {  	s5 =	rddreg [dreg:$0x5];
	[sflag:s26] =	ssyncadd.s32 $0xFFFFC000  }
0x1a: {  	[hbm4b:s5+s3] =	stream.linear.scatter [tilespmem:s17], [sflag:$0x4], $0x4000, $0x38;
	[tilespmem:$0x19400] =	vst v63  }
0x1b: {  	_ = 	snop  }
0x1c: {  	[hbm4b:s8+s3] =	stream.linear.scatter [tilespmem:s18], [sflag:$0x4], $0x4000, $0x38;
	[tilespmem:$0x19400] =	vst v63  }
0x1d: {  	_ =	swait.ge [sflag:s30], $0x4000  }
0x1e: {  	[sflag:s30] =	ssyncset.done $0x0  }
0x1f: {  	[sflag:s30] =	ssyncadd.s32 $0xFFFFC000  }
0x20: {  	_ =	swait.ge [sflag:s30], $0x4000  }
0x21: {  	[sflag:s30] =	ssyncset.done $0x0  }
0x22: {  	[sflag:s30] =	ssyncadd.s32 $0xFFFFC000  }
0x23: {  	_ =	swait.ge [sflag:s28], $0x4000  }
0x24: {  	[sflag:s28] =	ssyncset.done $0x0  }
0x25: {  	[sflag:s28] =	ssyncadd.s32 $0xFFFFC000  }
0x26: {  	_ =	swait.ge [sflag:s28], $0x4000  }
0x27: {  	[sflag:s28] =	ssyncset.done $0x0  }
0x28: {  	[sflag:s28] =	ssyncadd.s32 $0xFFFFC000  }
0x29: {  	[hbm4b:s9+s3] =	stream.linear.scatter [tilespmem:s19], [sflag:$0x5], $0x4000, $0x38;
	[tilespmem:$0x19400] =	vst v63  }
0x2a: {  	s0 =	sadd.s32 $0x1, s0  }
0x2b: {  	[hbm4b:s10+s3] =	stream.linear.scatter [tilespmem:s21], [sflag:$0x5], $0x4000, $0x38;
	[tilespmem:$0x19400] =	vst v63  }
0x2c: {  	p0 =	sne.s32 s0, s11;
	_ =	swait.ge [sflag:s31], $0x4000  }
.Ltmp1:
0x2d: {  	[sflag:s31] =	ssyncset.done $0x0;
	(pc) =	sbr.rel @!p0 .LBB2_5-.Ltmp1, $4  }
0x2e: {  	[sflag:s31] =	ssyncadd.s32 $0xFFFFC000  }
0x2f: {  	_ =	swait.ge [sflag:s31], $0x4000  }
0x30: {  	[sflag:s31] =	ssyncset.done $0x0  }
0x31: {  	[sflag:s31] =	ssyncadd.s32 $0xFFFFC000  }
.LBB2_1:
0x32: {  	s5 =	rddreg [dreg:$0x3]  }
0x33: {  	[tilespmem:s3], [sflag:$0x7] =	stream.linear.gather [hbm4b:s5+s3], $0xA00, $0x38;
	[tilespmem:$0x19400] =	vst v63  }
0x34: {  	_ =	swait.ge [sflag:s14], $0xA00  }
0x35: {  	[sflag:s14] =	ssyncset.done $0x0  }
0x36: {  	s7 =	rddreg [dreg:$0x4];
	[sflag:s14] =	ssyncadd.s32 $0xFFFFF600  }
0x37: {  	[tilespmem:s15], [sflag:$0x7] =	stream.linear.gather [hbm4b:s7+s3], $0xA00, $0x38;
	[tilespmem:$0x19400] =	vst v63  }
0x38: {  	_ =	swait.ge [sflag:s14], $0xA00  }
0x39: {  	[sflag:s14] =	ssyncset.done $0x0  }
0x3a: {  	[sflag:s14] =	ssyncadd.s32 $0xFFFFF600  }
0x3b: {  	[tilespmem:s17], [sflag:$0x1] =	stream.indirect.gather [hbm4b:s2+s16], $0x80, s3, s16, $0xb8;
	[tilespmem:$0x19400] =	vst v63  }
0x3c: {  	_ = 	snop  }
0x3d: {  	[tilespmem:s18], [sflag:$0x1] =	stream.indirect.gather [hbm4b:s4+s16], $0x80, s15, s16, $0xb8;
	[tilespmem:$0x19400] =	vst v63  }
0x3e: {  	_ = 	snop  }
0x3f: {  	[tilespmem:s19], [sflag:$0x2] =	stream.indirect.gather [hbm4b:s2+s16], $0x80, s16, s16, $0xb8;
	[tilespmem:$0x19400] =	vst v63  }
0x40: {  	s20 =	simm.s32 $0xA80  }
0x41: {  	[tilespmem:s21], [sflag:$0x2] =	stream.indirect.gather [hbm4b:s4+s16], $0x80, s20, s16, $0xb8;
	[tilespmem:$0x19400] =	vst v63  }
0x42: {  	s22 =	simm.s32 $0x100  }
0x43: {  	[tilespmem:s23], [sflag:$0x3] =	stream.indirect.gather [hbm4b:s2+s16], $0x80, s22, s16, $0xb8;
	[tilespmem:$0x19400] =	vst v63  }
0x44: {  	s24 =	simm.s32 $0xB00  }
0x45: {  	[tilespmem:s25], [sflag:$0x3] =	stream.indirect.gather [hbm4b:s4+s16], $0x80, s24, s16, $0xb8;
	[tilespmem:$0x19400] =	vst v63  }
0x46: {  	s20 =	simm.s32 $0xC80;
	s22 =	simm.s32 $0x280;
	s24 =	simm.s32 $0x0  }
.LBB2_2:
0x47: {  	_ =	swait.ge [sflag:s26], $0x4000  }
0x48: {  	[sflag:s26] =	ssyncset.done $0x0  }
0x49: {  	[sflag:s26] =	ssyncadd.s32 $0xFFFFC000  }
0x4a: {  	_ =	swait.ge [sflag:s26], $0x4000  }
0x4b: {  	[sflag:s26] =	ssyncset.done $0x0  }
0x4c: {  	s5 =	sadd.s32 s24, s12;
	[sflag:s26] =	ssyncadd.s32 $0xFFFFC000  }
0x4d: {  	[hbm4b:s5+s3] =	stream.linear.scatter [tilespmem:s17], [sflag:$0x4], $0x4000, $0x38;
	[tilespmem:$0x19400] =	vst v63  }
0x4e: {  	s6 =	sadd.s32 s24, s13  }
0x4f: {  	[hbm4b:s6+s3] =	stream.linear.scatter [tilespmem:s18], [sflag:$0x4], $0x4000, $0x38;
	[tilespmem:$0x19400] =	vst v63  }
0x50: {  	_ =	swait.ge [sflag:s28], $0x4000  }
0x51: {  	[sflag:s28] =	ssyncset.done $0x0  }
0x52: {  	[sflag:s28] =	ssyncadd.s32 $0xFFFFC000  }
0x53: {  	_ =	swait.ge [sflag:s28], $0x4000  }
0x54: {  	[sflag:s28] =	ssyncset.done $0x0  }
0x55: {  	s7 =	sadd.s32 $0x800, s5;
	[sflag:s28] =	ssyncadd.s32 $0xFFFFC000  }
0x56: {  	[hbm4b:s7+s3] =	stream.linear.scatter [tilespmem:s19], [sflag:$0x5], $0x4000, $0x38;
	[tilespmem:$0x19400] =	vst v63  }
0x57: {  	s7 =	sadd.s32 $0x800, s6  }
0x58: {  	[hbm4b:s7+s3] =	stream.linear.scatter [tilespmem:s21], [sflag:$0x5], $0x4000, $0x38;
	[tilespmem:$0x19400] =	vst v63  }
0x59: {  	_ =	swait.ge [sflag:s29], $0x4000  }
0x5a: {  	[sflag:s29] =	ssyncset.done $0x0  }
0x5b: {  	[sflag:s29] =	ssyncadd.s32 $0xFFFFC000  }
0x5c: {  	_ =	swait.ge [sflag:s29], $0x4000  }
0x5d: {  	[sflag:s29] =	ssyncset.done $0x0  }
0x5e: {  	s5 =	sadd.s32 $0x1000, s5;
	[sflag:s29] =	ssyncadd.s32 $0xFFFFC000  }
0x5f: {  	[hbm4b:s5+s3] =	stream.linear.scatter [tilespmem:s23], [sflag:$0x6], $0x4000, $0x38;
	[tilespmem:$0x19400] =	vst v63  }
0x60: {  	s7 =	sadd.s32 $0x1000, s6  }
0x61: {  	[hbm4b:s7+s3] =	stream.linear.scatter [tilespmem:s25], [sflag:$0x6], $0x4000, $0x38;
	[tilespmem:$0x19400] =	vst v63  }
0x62: {  	_ =	swait.ge [sflag:s30], $0x4000  }
0x63: {  	[sflag:s30] =	ssyncset.done $0x0  }
0x64: {  	[sflag:s30] =	ssyncadd.s32 $0xFFFFC000  }
0x65: {  	_ =	swait.ge [sflag:s30], $0x4000  }
0x66: {  	[sflag:s30] =	ssyncset.done $0x0  }
0x67: {  	s6 =	sadd.s32 $0xFFFFFF00, s22;
	[sflag:s30] =	ssyncadd.s32 $0xFFFFC000  }
0x68: {  	[tilespmem:s17], [sflag:$0x1] =	stream.indirect.gather [hbm4b:s2+s16], $0x80, s6, s16, $0xb8;
	[tilespmem:$0x19400] =	vst v63  }
0x69: {  	s7 =	sadd.s32 $0xFFFFFF00, s20  }
0x6a: {  	[tilespmem:s18], [sflag:$0x1] =	stream.indirect.gather [hbm4b:s4+s16], $0x80, s7, s16, $0xb8;
	[tilespmem:$0x19400] =	vst v63  }
0x6b: {  	_ =	swait.ge [sflag:s31], $0x4000  }
0x6c: {  	[sflag:s31] =	ssyncset.done $0x0  }
0x6d: {  	[sflag:s31] =	ssyncadd.s32 $0xFFFFC000  }
0x6e: {  	_ =	swait.ge [sflag:s31], $0x4000  }
0x6f: {  	[sflag:s31] =	ssyncset.done $0x0  }
0x70: {  	s6 =	sadd.s32 $0xFFFFFF80, s22;
	[sflag:s31] =	ssyncadd.s32 $0xFFFFC000  }
0x71: {  	[tilespmem:s19], [sflag:$0x2] =	stream.indirect.gather [hbm4b:s2+s16], $0x80, s6, s16, $0xb8;
	[tilespmem:$0x19400] =	vst v63  }
0x72: {  	s7 =	sadd.s32 $0xFFFFFF80, s20  }
0x73: {  	[tilespmem:s21], [sflag:$0x2] =	stream.indirect.gather [hbm4b:s4+s16], $0x80, s7, s16, $0xb8;
	[tilespmem:$0x19400] =	vst v63  }
0x74: {  	p0 =	seq.s32 s24, $0x7800;
	_ =	swait.ge [sflag:s1], $0x4000  }
.Ltmp2:
0x75: {  	[sflag:s1] =	ssyncset.done $0x0;
	(pc) =	sbr.rel @p0 .LBB2_4-.Ltmp2, $4  }
0x76: {  	[sflag:s1] =	ssyncadd.s32 $0xFFFFC000  }
0x77: {  	_ =	swait.ge [sflag:s1], $0x4000  }
0x78: {  	[sflag:s1] =	ssyncset.done $0x0  }
0x79: {  	[sflag:s1] =	ssyncadd.s32 $0xFFFFC000  }
.Ltmp3:
0x7a: {  	(pc) =	sbr.rel .LBB2_2-.Ltmp3, $4  }
0x7b: {  	[tilespmem:s23], [sflag:$0x3] =	stream.indirect.gather [hbm4b:s2+s16], $0x80, s22, s16, $0xb8;
	[tilespmem:$0x19400] =	vst v63  }
0x7c: {  	_ = 	snop  }
0x7d: {  	[tilespmem:s25], [sflag:$0x3] =	stream.indirect.gather [hbm4b:s4+s16], $0x80, s20, s16, $0xb8;
	[tilespmem:$0x19400] =	vst v63  }
0x7e: {  	s24 =	sadd.s32 $0x1800, s24;
	s22 =	sadd.s32 $0x180, s22;
	s20 =	sadd.s32 $0x180, s20  }
.LBB2_5:
0x7f: {  	_ =	sfence.sel $0x180000  }
0x80: {  	[bflag:$0x0] =	sbarrier.arrive $0xFFFF  }
0x81: {  	_ =	strace $0x9000004D  }
0x82: {  	s0 =	stileid.u32;
	[bflag:$0x2] =	sbarrier.arrive $0xFFFF  }
0x83: {  	p0 =	sne.s32 s0, $0x0;
	s0 =	rddreg [dreg:$0x2]  }
0x84: {  	s0 =	sadd.s32 @!p0 $0x100000, s0  }
0x85: {  	[sflag:s0] =	ssyncadd.tile.s32 @!p0 $0x1;
	_ =	shalt  }
.Lfunc_end2:
_tile_overlayer_lowered:
.L_overlay_start_2:
0x86: {  	(tag) =	ssettag $0x2  }
0x87: {  	s0 =	rddreg [dreg:$0x0];
	s2 =	stileid.u32  }
0x88: {  	s1 =	rddreg [dreg:$0x1];
	p0 =	sne.s32 s2, $0x0  }
0x89: {  	s3 =	rddreg [dreg:$0x2];
	[bflag:$0x3] =	sbarrier.arrive $0xFFFF;
	s2 =	simm.s32 @!p0 $0x1C07  }
0x8a: {  	[timem:s3], [sflag:s2] =	dma.local @!p0 [hbm:s0], s1  }
0x8b: {  	s0 =	simm.s32 @!p0 $0x7  }
0x8c: {  	_ =	swait.ge @!p0 [sflag:s0], s1  }
0x8d: {  	s1 =	ssub.s32 @!p0 $0x0, s1;
	[sflag:s0] =	ssyncset.done @!p0 $0x0  }
0x8e: {  	[sflag:s0] =	ssyncadd.s32 @!p0 s1  }
0x8f: {  	[bflag:$0x3] =	sbarrier.arrive $0xFFFF  }
0x90: {  	_ =	shalt  }

// kernel: kernel.25.cloned.1.call-start
scs
__scs_entry_jumppad:
0x0: {  	(pc) =	sbr.rel $0x88, $3  }
0x1: {  	(tag) =	ssettag $0x0;
	lr =	simm.s32 $0x1  }
0x2: {  	[smem:$0x3F91] =	sst lr;
	_ =	strace $0xD0000000  }
0x3: {  	_ = 	snop  }
0x4: {  	_ = 	snop  }
0x5: {  	_ = 	snop  }
0x6: {  	_ = 	snop  }
0x7: {  	_ = 	snop  }
__scs_overlays_trampoline_lowered:
0x8: {  	[smem:$0x3FA0] =	sst s0  }
0x9: {  	[smem:$0x3FA1] =	sst s1  }
0xa: {  	[smem:$0x3FA2] =	sst s2  }
0xb: {  	[smem:$0x3FA3] =	sst s3  }
0xc: {  	[smem:$0x3FA4] =	sst s4  }
0xd: {  	[smem:$0x3FA5] =	sst s5  }
0xe: {  	[smem:$0x3FA6] =	sst s6  }
0xf: {  	[smem:$0x3FA7] =	sst s7  }
0x10: {  	[smem:$0x3FA8] =	sst s8  }
0x11: {  	[smem:$0x3FA9] =	sst s9;
	s0 =	simm.s32 @!p0 $0x0  }
0x12: {  	s1 =	sld [smem:$0x3F8F];
	s0 =	simm.s32 @p0 $0x1  }
0x13: {  	[smem:$0x3FAA] =	sst s0;
	s0 =	simm.s32 @!p1 $0x0  }
0x14: {  	s2 =	sld [smem:$0x3F8E];
	s0 =	simm.s32 @p1 $0x1  }
0x15: {  	[smem:$0x3FAB] =	sst s0;
	s0 =	simm.s32 @!p2 $0x0  }
0x16: {  	s3 =	sld [smem:$0x3FDB];
	s0 =	simm.s32 @p2 $0x1  }
0x17: {  	s4 =	simm.s32 $0x1BF5;
	[smem:$0x3FAD] =	sst s0  }
0x18: {  	s0 =	sld [smem:$0x3F90];
	_ =	swait.ge [sflag:s4], $0x0  }
0x19: {  	s7 =	sld [smem:$0x3F91]  }
0x1a: {  	s8 =	sadd.s32 $0xFFFFE003, lr  }
0x1b: {  	s9 =	sadd.s32 $0xFFFFFEF7, lr;
	s5 =	simm.s32 $0xFFFFFFFF;
	p2 =	slt.u32 s8, $0xFFFFF086  }
0x1c: {  	p1 =	slt.u32 s9, $0xF7A;
	s5 =	simm.s32 @!p2 $0x0  }
0x1d: {  	s5 =	simm.s32 @p1 $0x1;
	p0 =	seq.s32 s7, s2  }
0x1e: {  	s7 =	smul.u32 @!p0 $0xF7A, s2;
	p2 =	seq.s32 @!p0 s5, $0x0  }
0x1f: {  	s9 =	smul.u32 $0xF7A, s1;
	s8 =	simm.s32 @!p0 $0x1BF5;
	p2 =	por !p2, p0  }
0x20: {  	[sflag:s8] =	ssyncset.s32 @!p0 $0xFFFFF086;
	s6 =	sadd.s32 @!p0 s3, s7;
	s7 =	simm.s32 @!p0 $0x108  }
0x21: {  	s3 =	sadd.s32 s3, s9;
	s6 =	sadd.s32 @!p0 $0x88, s6;
	s7 =	simm.s32 @p2 $0x1082  }
0x22: {  	[simem:s7], [sflag:s8] =	dma.local @!p0 [hbm:s6], $0xF7A  }
0x23: {  	s9 =	sor.u32 $0xD0000000, s2;
	s6 =	simm.s32 $0x108;
	_ =	swait.ge @!p0 [sflag:s8], $0x0  }
0x24: {  	s3 =	sadd.s32 $0x88, s3;
	s6 =	simm.s32 @!p1 $0x1082;
	[sflag:s4] =	ssyncset.s32 $0xFFFFF086  }
0x25: {  	[simem:s6], [sflag:s4] =	dma.local [hbm:s3], $0xF7A  }
0x26: {  	[smem:$0x3F91] =	sst s1;
	(tag) =	ssettag s2;
	_ =	strace s9  }
0x27: {  	s1 =	sld [smem:$0x3FA1]  }
0x28: {  	s2 =	sld [smem:$0x3FA2]  }
0x29: {  	s4 =	sld [smem:$0x3FA4]  }
0x2a: {  	p0 =	seq.s32 s5, $0x0;
	s5 =	sld [smem:$0x3FA5]  }
0x2b: {  	s6 =	sld [smem:$0x3FA6]  }
0x2c: {  	s7 =	sld [smem:$0x3FA7]  }
0x2d: {  	s3 =	simm.s32 $0x108;
	s8 =	sld [smem:$0x3FA8]  }
0x2e: {  	s3 =	simm.s32 @!p0 $0x1082;
	s9 =	sld [smem:$0x3FA9]  }
0x2f: {  	lr =	sadd.s32 s0, s3;
	s0 =	sld [smem:$0x3FA0]  }
0x30: {  	s3 =	sld [smem:$0x3FA3]  }
0x31: {  	[smem:$0x3FAC] =	sst s10  }
0x32: {  	s10 =	sld [smem:$0x3FAA];
	_ =	sdelay $0x3  }
0x33: {  	p0 =	seq.s32 s10, $0x1;
	s10 =	sld [smem:$0x3FAC];
	_ =	sdelay $0x3  }
0x34: {  	[smem:$0x3FAC] =	sst s10  }
0x35: {  	s10 =	sld [smem:$0x3FAB];
	_ =	sdelay $0x3  }
0x36: {  	p1 =	seq.s32 s10, $0x1;
	s10 =	sld [smem:$0x3FAC];
	_ =	sdelay $0x3  }
0x37: {  	[smem:$0x3FAC] =	sst s10  }
0x38: {  	s10 =	sld [smem:$0x3FAD]  }
0x39: {  	_ = 	snop;
	(pc) =	sbr.ind lr, $3  }
0x3a: {  	_ = 	snop  }
0x3b: {  	_ = 	snop  }
0x3c: {  	p2 =	seq.s32 s10, $0x1;
	s10 =	sld [smem:$0x3FAC]  }
0x3d: {  	_ =	shalt  }
0x3e: {  	_ =	shalt  }
0x3f: {  	_ =	shalt  }
0x40: {  	_ =	shalt  }
0x41: {  	_ =	shalt  }
0x42: {  	_ =	shalt  }
0x43: {  	_ =	shalt  }
0x44: {  	_ =	shalt  }
0x45: {  	_ =	shalt  }
0x46: {  	_ =	shalt  }
0x47: {  	_ =	shalt  }
0x48: {  	_ =	shalt  }
0x49: {  	_ =	shalt  }
0x4a: {  	_ =	shalt  }
0x4b: {  	_ =	shalt  }
0x4c: {  	_ =	shalt  }
0x4d: {  	_ =	shalt  }
0x4e: {  	_ =	shalt  }
0x4f: {  	_ =	shalt  }
0x50: {  	_ =	shalt  }
0x51: {  	_ =	shalt  }
0x52: {  	_ =	shalt  }
0x53: {  	_ =	shalt  }
0x54: {  	_ =	shalt  }
0x55: {  	_ =	shalt  }
0x56: {  	_ =	shalt  }
0x57: {  	_ =	shalt  }
0x58: {  	_ =	shalt  }
0x59: {  	_ =	shalt  }
0x5a: {  	_ =	shalt  }
0x5b: {  	_ =	shalt  }
0x5c: {  	_ =	shalt  }
0x5d: {  	_ =	shalt  }
0x5e: {  	_ =	shalt  }
0x5f: {  	_ =	shalt  }
0x60: {  	_ =	shalt  }
0x61: {  	_ =	shalt  }
0x62: {  	_ =	shalt  }
0x63: {  	_ =	shalt  }
0x64: {  	_ =	shalt  }
0x65: {  	_ =	shalt  }
0x66: {  	_ =	shalt  }
0x67: {  	_ =	shalt  }
0x68: {  	_ =	shalt  }
0x69: {  	_ =	shalt  }
0x6a: {  	_ =	shalt  }
0x6b: {  	_ =	shalt  }
0x6c: {  	_ =	shalt  }
0x6d: {  	_ =	shalt  }
0x6e: {  	_ =	shalt  }
0x6f: {  	_ =	shalt  }
0x70: {  	_ =	shalt  }
0x71: {  	_ =	shalt  }
0x72: {  	_ =	shalt  }
0x73: {  	_ =	shalt  }
0x74: {  	_ =	shalt  }
0x75: {  	_ =	shalt  }
0x76: {  	_ =	shalt  }
0x77: {  	_ =	shalt  }
0x78: {  	_ =	shalt  }
0x79: {  	_ =	shalt  }
0x7a: {  	_ =	shalt  }
0x7b: {  	_ =	shalt  }
0x7c: {  	_ =	shalt  }
0x7d: {  	_ =	shalt  }
0x7e: {  	_ =	shalt  }
0x7f: {  	_ =	shalt  }
0x80: {  	_ =	shalt  }
0x81: {  	_ =	shalt  }
0x82: {  	_ =	shalt  }
0x83: {  	_ =	shalt  }
0x84: {  	_ =	shalt  }
0x85: {  	_ =	shalt  }
0x86: {  	_ =	shalt  }
0x87: {  	_ =	shalt  }
.Lfunc_end0:
.L_simem_size_0:
called_computation.3_lowered:
.L_overlay_start_0:
0x88: {  	s2 =	sld [smem:$0x3FD9]  }
0x89: {  	s3 =	sld [smem:$0x3FFE];
	_ =	sdelay $0x1  }
0x8a: {  	s1 =	srdreg.scid  }
0x8b: {  	s0 =	sand.u32 $0x1, s1  }
0x8c: {  	s17 =	sshll.u32 s0, $0xA;
	s2 =	sadd.s32 s3, s2  }
0x8d: {  	s2 =	sadd.s32 s2, s17  }
0x8e: {  	[smem:$0x3FB8] =	sst s2  }
0x8f: {  	_ = 	snop  }
0x90: {  	(tm) =	ssettm $0x1  }
0x91: {  	s18 =	sld [smem:$0x3FFB];
	_ =	sdelay $0x3  }
0x92: {  	_ =	strace s18  }
0x93: {  	s2 =	sld [smem:$0x3FFC];
	_ =	sdelay $0x3  }
0x94: {  	_ =	strace s2  }
0x95: {  	s2 =	sld [smem:$0x3FFD];
	_ =	sdelay $0x3  }
0x96: {  	_ =	strace s2  }
0x97: {  	_ =	strace $0x8FFFFFFF  }
0x98: {  	s19 =	sld [smem:$0x3FDB];
	_ =	sdelay $0x1  }
0x99: {  	s20 =	simm.s32 $_scs_section_size  }
0x9a: {  	s4 =	simm.s32 $_size__tile_overlayer_lowered;
	s5 =	simm.s32 $_tile_overlayer_lowered  }
0x9b: {  	s6 =	simm.s32 $0x1BFF;
	s21 =	sshll.u32 s5, $0x1;
	s3 =	sadd.s32 s20, s19  }
0x9c: {  	s22 =	simm.s32 $0x0;
	s4 =	sshll.u32 s4, $0x1;
	s5 =	sadd.s32 s21, s3  }
0x9d: {  	[timem:s22], [sflag:s6] =	dma.local [hbm:s5], s4  }
0x9e: {  	_ =	swait.ge [sflag:s6], s4  }
0x9f: {  	s4 =	ssub.s32 $0x0, s4;
	[sflag:s6] =	ssyncset.done $0x0  }
0xa0: {  	[sflag:s6] =	ssyncadd.s32 s4;
	_ =	sdelay $0x1  }
0xa1: {  	s23 =	simm.s32 $0x1B8B  }
0xa2: {  	_ =	swait.ge [sflag:s23], $0x1  }
0xa3: {  	[sflag:s23] =	ssyncset.done $0x0  }
0xa4: {  	[sflag:s23] =	ssyncadd.s32 $0xFFFFFFFF  }
0xa5: {  	s4 =	sld [smem:$0x0]  }
0xa6: {  	s5 =	sand.u32 $0xFFFFFFFE, s1  }
0xa7: {  	p0 =	sne.s32 s1, s5  }
0xa8: {  	s5 =	sshll.u32 @p0 s5, $0xE  }
0xa9: {  	s5 =	sadd.s32 @p0 $0x11B8D, s5;
	s6 =	sshll.u32 @p0 s4, $0x11  }
0xaa: {  	s5 =	sor.u32 @p0 s6, s5  }
0xab: {  	[sflag:s5] =	ssyncadd.remote.s32 @p0 $0x1;
	_ =	sdelay $0x1  }
0xac: {  	s5 =	simm.s32 @p0 $0x1B8D  }
0xad: {  	_ =	swait.eq @p0 [sflag:s5], $0x1  }
0xae: {  	[sflag:s5] =	ssyncadd.s32 @p0 $0xFFFFFFFF  }
0xaf: {  	s6 =	sshll.u32 @!p0 s1, $0xE  }
0xb0: {  	s6 =	sor.u32 @!p0 $0x4000, s6;
	s5 =	simm.s32 @!p0 $0x1B8D  }
0xb1: {  	s4 =	sshll.u32 @!p0 s4, $0x11;
	s6 =	sadd.s32 @!p0 $0x11B8D, s6;
	_ =	swait.eq @!p0 [sflag:s5], $0x1  }
0xb2: {  	s4 =	sor.u32 @!p0 s4, s6;
	[sflag:s5] =	ssyncadd.s32 @!p0 $0xFFFFFFFF  }
0xb3: {  	s25 =	simm.s32 $0x1B8E;
	s24 =	sld [smem:$0x3FFE];
	[sflag:s4] =	ssyncadd.remote.s32 @!p0 $0x1  }
0xb4: {  	s26 =	simm.s32 $execute0_lowered;
	[smem:$0x3FD2] =	sst s25  }
0xb5: {  	s5 =	sshll.u32 s26, $0x1;
	_ =	strace $0x80000052;
	[dreg:$0x1] =	wrdreg $0xFFFFFFFF  }
0xb6: {  	s28 =	simm.s32 $_size_execute0_lowered;
	s3 =	sadd.s32 s3, s5;
	[dreg:$0x0] =	wrdreg $0x0  }
0xb7: {  	s5 =	sshll.u32 s28, $0x1;
	[dreg:$0x2] =	wrdreg s3  }
0xb8: {  	[dreg:$0x3] =	wrdreg s5  }
0xb9: {  	[dreg:$0x4] =	wrdreg $0xC0  }
0xba: {  	_ =	task [dreg:s22], $0x5FFFF  }
0xbb: {  	[dreg:$0x1] =	wrdreg $0xFFFFFFFF  }
0xbc: {  	[dreg:$0x0] =	wrdreg $0x60  }
0xbd: {  	[dreg:$0x2] =	wrdreg s24  }
0xbe: {  	[dreg:$0x3] =	wrdreg $0x0  }
0xbf: {  	[dreg:$0x4] =	wrdreg $0x9  }
0xc0: {  	_ =	task.clear_ibuf [dreg:s22], $0x5FFFF;
	_ =	strace $0x90000052  }
0xc1: {  	s29 =	simm.s32 $0x9;
	_ =	strace $0x80000054  }
0xc2: {  	_ =	swait.ge [sflag:s29], $0x1  }
0xc3: {  	[sflag:s29] =	ssyncadd.s32 $0xFFFFFFFF  }
0xc4: {  	_ =	strace $0x90000054  }
0xc5: {  	_ =	sfence  }
0xc6: {  	s30 =	sld [smem:$0x0];
	_ =	sdelay $0x2  }
0xc7: {  	s31 =	sshll.u32 s1, $0xD;
	s1 =	sshrl.u32 s1, $0x2  }
0xc8: {  	s4 =	sand.u32 $0x4000, s31;
	s1 =	sadd.s32 s1, s30  }
0xc9: {  	s0 =	sor.u32 s4, s0;
	s1 =	sshll.u32 s1, $0x11  }
0xca: {  	s0 =	sor.u32 s1, s0  }
0xcb: {  	s0 =	sadd.s32 $0x8F2B, s0  }
0xcc: {  	[sflag:s0] =	ssyncadd.remote.s32 $0x1  }
0xcd: {  	_ =	sfence.sel $0xFFFF  }
0xce: {  	[dreg:$0x0] =	wrdreg $0xFFFFFFFF;
	(pc) =	sbr.abs _section_cstart, $3  }
0xcf: {  	[dreg:$0x1] =	wrdreg $0xFFFFFFFF  }
0xd0: {  	_ =	task.clear_ibuf [dreg:s22], $0x2FFFF;
	_ =	strace $0x9FFFFFFF  }
0xd1: {  	(tm) =	ssettm $0x7FFFFFFF  }
tec
execute0_lowered:
.L_overlay_start_1:
0x0: {  	(tag) =	ssettag $0x1  }
0x1: {  	s4 =	rddreg [dreg:$0x0]  }
0x2: {  	s2 =	rddreg [dreg:$0x1];
	s1 =	stileid.u32  }
0x3: {  	s3 =	simm.s32 $0x0;
	s5 =	srdreg.scid;
	s12 =	smul.u32 $0x14000, s1  }
0x4: {  	[smem:$0x7FF] =	sst s3;
	s8 =	smul.u32 $0x50000, s1  }
0x5: {  	s13 =	sand.u32 $0x1, s5;
	s14 =	sadd.s32 $0xA01E00, s4;
	s19 =	smul.u32 $0x1400, s1  }
0x6: {  	s15 =	sadd.s32 $0x5800, s4;
	s7 =	sshll.u32 s1, $0x1;
	s6 =	smul.u32 $0x140000, s13  }
0x7: {  	s22 =	sshll.u32 s1, $0x6;
	_ =	strace $0x80000053;
	s20 =	smul.u32 $0xA00, s13  }
0x8: {  	s9 =	ssub.s32 $0x2, s13;
	s7 =	sor.u32 s13, s7;
	s13 =	smul.u32 $0xA000, s13  }
0x9: {  	s21 =	sshrl.u32 s12, $0x3;
	s10 =	sshrl.u32 s9, $0x1;
	s11 =	smul.u32 $0xA00, s7  }
0xa: {  	s8 =	sshrl.u32 s8, $0x2;
	s7 =	smul.u32 $0xA000, s7;
	s5 =	sadd.s32 s21, s4  }
0xb: {  	s6 =	sadd.s32 s12, s6;
	s17 =	ssub.s32 s9, s10;
	s18 =	sadd.s32 s8, s2  }
0xc: {  	s28 =	sadd.s32 s20, s19;
	s12 =	sadd.s32 s12, s14;
	s19 =	simm.s32 $0x14080  }
0xd: {  	s20 =	simm.s32 $0x18100;
	s21 =	simm.s32 $0x1;
	s6 =	sshrl.u32 s6, $0x3  }
0xe: {  	s23 =	sshrl.u32 s11, $0x3;
	s7 =	sadd.s32 s14, s7;
	s24 =	sor.u32 $0x80, s11  }
0xf: {  	s11 =	smax.u32 s17, $0x1;
	s29 =	sor.u32 $0x180, s28;
	s12 =	sadd.s32 s13, s12  }
0x10: {  	s17 =	simm.s32 $0x14000;
	s16 =	sadd.s32 s6, s4;
	s4 =	sadd.s32 $0x2F200, s5  }
0x11: {  	s5 =	sor.u32 $0x1C05, s22;
	s6 =	sadd.s32 s15, s23;
	s25 =	sshrl.u32 s24, $0x3  }
0x12: {  	s26 =	sshll.u32 s24, $0x4;
	s30 =	sshrl.u32 s29, $0x3;
	s12 =	sadd.s32 $0x1800, s12  }
0x13: {  	s22 =	simm.s32 $0x80;
	s23 =	simm.s32 $0x2;
	s24 =	simm.s32 $0x3  }
0x14: {  	s8 =	sadd.s32 s15, s25;
	s9 =	sadd.s32 s14, s26;
	s10 =	sadd.s32 $0x57200, s16  }
0x15: {  	s16 =	sor.u32 $0x100, s28;
	s13 =	sadd.s32 s30, s15;
	s25 =	simm.s32 $0x4  }
0x16: {  	s26 =	simm.s32 $0x0;
	s31 =	sshrl.u32 s16, $0x3;
	s16 =	simm.s32 $0x5  }
0x17: {  	s14 =	sadd.s32 s31, s15;
	s15 =	sshrl.u32 s18, $0x3;
	s18 =	simm.s32 $0x14100  }
.LBB2_1:
0x18: {  	[spmem:s15], [sflag:s5] =	dma.local [hbm:s4], $0x2800  }
0x19: {  	_ =	swait.ge [sflag:s16], $0x2800  }
0x1a: {  	[sflag:s16] =	ssyncset.done $0x0  }
0x1b: {  	[sflag:s16] =	ssyncadd.s32 $0xFFFFD800  }
0x1c: {  	[bflag:$0x0] =	sbarrier.arrive $0xFFFF  }
0x1d: {  	[tilespmem:s17], [sflag:$0x1] =	stream.linear.gather [hbm4b:s6+s3], $0x80, $0x38;
	[tilespmem:$0x1C100] =	vst v63  }
0x1e: {  	_ = 	snop  }
0x1f: {  	[tilespmem:s18], [sflag:$0x1] =	stream.linear.gather [hbm4b:s7+s3], $0x4000, $0x38;
	[tilespmem:$0x1C100] =	vst v63  }
0x20: {  	_ = 	snop  }
0x21: {  	[tilespmem:s19], [sflag:$0x2] =	stream.linear.gather [hbm4b:s8+s3], $0x80, $0x38;
	[tilespmem:$0x1C100] =	vst v63  }
0x22: {  	_ = 	snop  }
0x23: {  	[tilespmem:s20], [sflag:$0x2] =	stream.linear.gather [hbm4b:s9+s3], $0x4000, $0x38;
	[tilespmem:$0x1C100] =	vst v63  }
0x24: {  	_ =	swait.ge [sflag:s21], $0x80  }
0x25: {  	[sflag:s21] =	ssyncset.done $0x0  }
0x26: {  	[sflag:s21] =	ssyncadd.s32 $0xFFFFFF80  }
0x27: {  	_ =	swait.ge [sflag:s21], $0x4000  }
0x28: {  	[sflag:s21] =	ssyncset.done $0x0  }
0x29: {  	[sflag:s21] =	ssyncadd.s32 $0xFFFFC000  }
0x2a: {  	[spmem:s2] =	stream.indirect.scatter.add.f32 [tilespmem:s18], [sflag:$0x3], $0x80, s17, s22, $0xb8;
	[tilespmem:$0x1C100] =	vst v63  }
0x2b: {  	_ =	swait.ge [sflag:s23], $0x80  }
0x2c: {  	[sflag:s23] =	ssyncset.done $0x0  }
0x2d: {  	[sflag:s23] =	ssyncadd.s32 $0xFFFFFF80  }
0x2e: {  	_ =	swait.ge [sflag:s23], $0x4000  }
0x2f: {  	[sflag:s23] =	ssyncset.done $0x0  }
0x30: {  	[sflag:s23] =	ssyncadd.s32 $0xFFFFC000  }
0x31: {  	[spmem:s2] =	stream.indirect.scatter.add.f32 [tilespmem:s20], [sflag:$0x4], $0x80, s19, s22, $0xb8;
	[tilespmem:$0x1C100] =	vst v63  }
0x32: {  	_ =	swait.ge [sflag:s24], $0x4000  }
0x33: {  	[sflag:s24] =	ssyncset.done $0x0  }
0x34: {  	s28 =	sadd.s32 $0x0, s14;
	[sflag:s24] =	ssyncadd.s32 $0xFFFFC000  }
0x35: {  	[tilespmem:s17], [sflag:$0x1] =	stream.linear.gather [hbm4b:s28+s3], $0x80, $0x38;
	[tilespmem:$0x1C100] =	vst v63  }
0x36: {  	s28 =	sadd.s32 $0xFFFFF800, s12  }
0x37: {  	[tilespmem:s18], [sflag:$0x1] =	stream.linear.gather [hbm4b:s28+s3], $0x4000, $0x38;
	[tilespmem:$0x1C100] =	vst v63  }
0x38: {  	_ =	swait.ge [sflag:s25], $0x4000  }
0x39: {  	[sflag:s25] =	ssyncset.done $0x0  }
0x3a: {  	s28 =	sadd.s32 $0x0, s13;
	[sflag:s25] =	ssyncadd.s32 $0xFFFFC000  }
0x3b: {  	[tilespmem:s19], [sflag:$0x2] =	stream.linear.gather [hbm4b:s28+s3], $0x80, $0x38;
	[tilespmem:$0x1C100] =	vst v63  }
0x3c: {  	s29 =	sadd.s32 $0x1000, s12;
	s30 =	smov.u32 s12;
	s28 =	simm.s32 $0x20  }
.LBB2_2:
0x3d: {  	[tilespmem:s20], [sflag:$0x2] =	stream.linear.gather [hbm4b:s30+s3], $0x4000, $0x38;
	[tilespmem:$0x1C100] =	vst v63  }
0x3e: {  	s31 =	smov.u32 s28;
	s30 =	smov.u32 s29  }
0x3f: {  	p0 =	sne.s32 s28, $0x100;
	s28 =	sadd.s32 $0x20, s28;
	_ =	swait.ge [sflag:s21], $0x80  }
0x40: {  	[sflag:s21] =	ssyncset.done $0x0  }
0x41: {  	[sflag:s21] =	ssyncadd.s32 $0xFFFFFF80  }
0x42: {  	_ =	swait.ge [sflag:s21], $0x4000  }
0x43: {  	[sflag:s21] =	ssyncset.done $0x0  }
0x44: {  	[sflag:s21] =	ssyncadd.s32 $0xFFFFC000  }
0x45: {  	[spmem:s2] =	stream.indirect.scatter.add.f32 [tilespmem:s18], [sflag:$0x3], $0x80, s17, s22, $0xb8;
	[tilespmem:$0x1C100] =	vst v63  }
0x46: {  	_ =	swait.ge [sflag:s23], $0x80  }
0x47: {  	[sflag:s23] =	ssyncset.done $0x0  }
0x48: {  	[sflag:s23] =	ssyncadd.s32 $0xFFFFFF80  }
0x49: {  	_ =	swait.ge [sflag:s23], $0x4000  }
0x4a: {  	[sflag:s23] =	ssyncset.done $0x0  }
0x4b: {  	[sflag:s23] =	ssyncadd.s32 $0xFFFFC000  }
0x4c: {  	[spmem:s2] =	stream.indirect.scatter.add.f32 [tilespmem:s20], [sflag:$0x4], $0x80, s19, s22, $0xb8;
	[tilespmem:$0x1C100] =	vst v63  }
0x4d: {  	_ =	swait.ge [sflag:s24], $0x4000  }
0x4e: {  	[sflag:s24] =	ssyncset.done $0x0  }
0x4f: {  	s0 =	sadd.s32 s31, s14;
	[sflag:s24] =	ssyncadd.s32 $0xFFFFC000  }
0x50: {  	[tilespmem:s17], [sflag:$0x1] =	stream.linear.gather [hbm4b:s0+s3], $0x80, $0x38;
	[tilespmem:$0x1C100] =	vst v63  }
0x51: {  	s0 =	sadd.s32 $0xFFFFF800, s29  }
0x52: {  	[tilespmem:s18], [sflag:$0x1] =	stream.linear.gather [hbm4b:s0+s3], $0x4000, $0x38;
	[tilespmem:$0x1C100] =	vst v63  }
.Ltmp0:
0x53: {  	_ =	swait.ge [sflag:s25], $0x4000;
	(pc) =	sbr.rel @p0 .LBB2_2-.Ltmp0, $4  }
0x54: {  	[sflag:s25] =	ssyncset.done $0x0  }
0x55: {  	s0 =	sadd.s32 s31, s13;
	[sflag:s25] =	ssyncadd.s32 $0xFFFFC000  }
0x56: {  	[tilespmem:s19], [sflag:$0x2] =	stream.linear.gather [hbm4b:s0+s3], $0x80, $0x38;
	[tilespmem:$0x1C100] =	vst v63  }
0x57: {  	s29 =	sadd.s32 $0x1000, s29  }
0x58: {  	[tilespmem:s20], [sflag:$0x2] =	stream.linear.gather [hbm4b:s30+s3], $0x4000, $0x38;
	[tilespmem:$0x1C100] =	vst v63  }
0x59: {  	_ =	swait.ge [sflag:s21], $0x80  }
0x5a: {  	[sflag:s21] =	ssyncset.done $0x0  }
0x5b: {  	[sflag:s21] =	ssyncadd.s32 $0xFFFFFF80  }
0x5c: {  	_ =	swait.ge [sflag:s21], $0x4000  }
0x5d: {  	[sflag:s21] =	ssyncset.done $0x0  }
0x5e: {  	[sflag:s21] =	ssyncadd.s32 $0xFFFFC000  }
0x5f: {  	[spmem:s2] =	stream.indirect.scatter.add.f32 [tilespmem:s18], [sflag:$0x3], $0x80, s17, s22, $0xb8;
	[tilespmem:$0x1C100] =	vst v63  }
0x60: {  	_ =	swait.ge [sflag:s23], $0x80  }
0x61: {  	[sflag:s23] =	ssyncset.done $0x0  }
0x62: {  	[sflag:s23] =	ssyncadd.s32 $0xFFFFFF80  }
0x63: {  	_ =	swait.ge [sflag:s23], $0x4000  }
0x64: {  	[sflag:s23] =	ssyncset.done $0x0  }
0x65: {  	[sflag:s23] =	ssyncadd.s32 $0xFFFFC000  }
0x66: {  	[spmem:s2] =	stream.indirect.scatter.add.f32 [tilespmem:s20], [sflag:$0x4], $0x80, s19, s22, $0xb8;
	[tilespmem:$0x1C100] =	vst v63  }
0x67: {  	_ =	swait.ge [sflag:s24], $0x4000  }
0x68: {  	[sflag:s24] =	ssyncset.done $0x0  }
0x69: {  	[sflag:s24] =	ssyncadd.s32 $0xFFFFC000  }
0x6a: {  	_ =	swait.ge [sflag:s25], $0x4000  }
0x6b: {  	s26 =	sadd.s32 $0x1, s26;
	[sflag:s25] =	ssyncset.done $0x0  }
0x6c: {  	p0 =	sne.s32 s26, s11;
	[sflag:s25] =	ssyncadd.s32 $0xFFFFC000  }
.Ltmp1:
0x6d: {  	[bflag:$0x0] =	sbarrier.arrive $0xFFFF;
	(pc) =	sbr.rel @p0 .LBB2_1-.Ltmp1, $4  }
0x6e: {  	[hbm:s10], [sflag:s5] =	dma.local [spmem:s15], $0x2800  }
0x6f: {  	_ =	swait.ge [sflag:s16], $0x2800  }
0x70: {  	[sflag:s16] =	ssyncset.done $0x0  }
0x71: {  	[sflag:s16] =	ssyncadd.s32 $0xFFFFD800  }
0x72: {  	_ =	sfence.sel $0x180000  }
0x73: {  	[bflag:$0x0] =	sbarrier.arrive $0xFFFF  }
0x74: {  	_ =	strace $0x90000053  }
0x75: {  	[bflag:$0x2] =	sbarrier.arrive $0xFFFF  }
0x76: {  	p0 =	sne.s32 s1, $0x0;
	s0 =	rddreg [dreg:$0x2]  }
0x77: {  	s0 =	sadd.s32 @!p0 $0x100000, s0  }
0x78: {  	[sflag:s0] =	ssyncadd.tile.s32 @!p0 $0x1;
	_ =	shalt  }
.Lfunc_end2:
_tile_overlayer_lowered:
.L_overlay_start_2:
0x79: {  	(tag) =	ssettag $0x2  }
0x7a: {  	s0 =	rddreg [dreg:$0x0];
	s2 =	stileid.u32  }
0x7b: {  	s1 =	rddreg [dreg:$0x1];
	p0 =	sne.s32 s2, $0x0  }
0x7c: {  	s3 =	rddreg [dreg:$0x2];
	[bflag:$0x3] =	sbarrier.arrive $0xFFFF;
	s2 =	simm.s32 @!p0 $0x1C05  }
0x7d: {  	[timem:s3], [sflag:s2] =	dma.local @!p0 [hbm:s0], s1  }
0x7e: {  	s0 =	simm.s32 @!p0 $0x5  }
0x7f: {  	_ =	swait.ge @!p0 [sflag:s0], s1  }
0x80: {  	s1 =	ssub.s32 @!p0 $0x0, s1;
	[sflag:s0] =	ssyncset.done @!p0 $0x0  }
0x81: {  	[sflag:s0] =	ssyncadd.s32 @!p0 s1  }
0x82: {  	[bflag:$0x3] =	sbarrier.arrive $0xFFFF  }
0x83: {  	_ =	shalt  }

// kernel: kernel.28.cloned.1.call-start
scs
__scs_entry_jumppad:
0x0: {  	(pc) =	sbr.rel $0x88, $3  }
0x1: {  	(tag) =	ssettag $0x0;
	lr =	simm.s32 $0x1  }
0x2: {  	[smem:$0x3F91] =	sst lr;
	_ =	strace $0xD0000000  }
0x3: {  	_ = 	snop  }
0x4: {  	_ = 	snop  }
0x5: {  	_ = 	snop  }
0x6: {  	_ = 	snop  }
0x7: {  	_ = 	snop  }
__scs_overlays_trampoline_lowered:
0x8: {  	[smem:$0x3FA0] =	sst s0  }
0x9: {  	[smem:$0x3FA1] =	sst s1  }
0xa: {  	[smem:$0x3FA2] =	sst s2  }
0xb: {  	[smem:$0x3FA3] =	sst s3  }
0xc: {  	[smem:$0x3FA4] =	sst s4  }
0xd: {  	[smem:$0x3FA5] =	sst s5  }
0xe: {  	[smem:$0x3FA6] =	sst s6  }
0xf: {  	[smem:$0x3FA7] =	sst s7  }
0x10: {  	[smem:$0x3FA8] =	sst s8  }
0x11: {  	[smem:$0x3FA9] =	sst s9;
	s0 =	simm.s32 @!p0 $0x0  }
0x12: {  	s1 =	sld [smem:$0x3F8F];
	s0 =	simm.s32 @p0 $0x1  }
0x13: {  	[smem:$0x3FAA] =	sst s0;
	s0 =	simm.s32 @!p1 $0x0  }
0x14: {  	s2 =	sld [smem:$0x3F8E];
	s0 =	simm.s32 @p1 $0x1  }
0x15: {  	[smem:$0x3FAB] =	sst s0;
	s0 =	simm.s32 @!p2 $0x0  }
0x16: {  	s3 =	sld [smem:$0x3FDB];
	s0 =	simm.s32 @p2 $0x1  }
0x17: {  	s4 =	simm.s32 $0x1BF5;
	[smem:$0x3FAD] =	sst s0  }
0x18: {  	s0 =	sld [smem:$0x3F90];
	_ =	swait.ge [sflag:s4], $0x0  }
0x19: {  	s7 =	sld [smem:$0x3F91]  }
0x1a: {  	s8 =	sadd.s32 $0xFFFFE003, lr  }
0x1b: {  	s9 =	sadd.s32 $0xFFFFFEF7, lr;
	s5 =	simm.s32 $0xFFFFFFFF;
	p2 =	slt.u32 s8, $0xFFFFF086  }
0x1c: {  	p1 =	slt.u32 s9, $0xF7A;
	s5 =	simm.s32 @!p2 $0x0  }
0x1d: {  	s5 =	simm.s32 @p1 $0x1;
	p0 =	seq.s32 s7, s2  }
0x1e: {  	s7 =	smul.u32 @!p0 $0xF7A, s2;
	p2 =	seq.s32 @!p0 s5, $0x0  }
0x1f: {  	s9 =	smul.u32 $0xF7A, s1;
	s8 =	simm.s32 @!p0 $0x1BF5;
	p2 =	por !p2, p0  }
0x20: {  	[sflag:s8] =	ssyncset.s32 @!p0 $0xFFFFF086;
	s6 =	sadd.s32 @!p0 s3, s7;
	s7 =	simm.s32 @!p0 $0x108  }
0x21: {  	s3 =	sadd.s32 s3, s9;
	s6 =	sadd.s32 @!p0 $0x88, s6;
	s7 =	simm.s32 @p2 $0x1082  }
0x22: {  	[simem:s7], [sflag:s8] =	dma.local @!p0 [hbm:s6], $0xF7A  }
0x23: {  	s9 =	sor.u32 $0xD0000000, s2;
	s6 =	simm.s32 $0x108;
	_ =	swait.ge @!p0 [sflag:s8], $0x0  }
0x24: {  	s3 =	sadd.s32 $0x88, s3;
	s6 =	simm.s32 @!p1 $0x1082;
	[sflag:s4] =	ssyncset.s32 $0xFFFFF086  }
0x25: {  	[simem:s6], [sflag:s4] =	dma.local [hbm:s3], $0xF7A  }
0x26: {  	[smem:$0x3F91] =	sst s1;
	(tag) =	ssettag s2;
	_ =	strace s9  }
0x27: {  	s1 =	sld [smem:$0x3FA1]  }
0x28: {  	s2 =	sld [smem:$0x3FA2]  }
0x29: {  	s4 =	sld [smem:$0x3FA4]  }
0x2a: {  	p0 =	seq.s32 s5, $0x0;
	s5 =	sld [smem:$0x3FA5]  }
0x2b: {  	s6 =	sld [smem:$0x3FA6]  }
0x2c: {  	s7 =	sld [smem:$0x3FA7]  }
0x2d: {  	s3 =	simm.s32 $0x108;
	s8 =	sld [smem:$0x3FA8]  }
0x2e: {  	s3 =	simm.s32 @!p0 $0x1082;
	s9 =	sld [smem:$0x3FA9]  }
0x2f: {  	lr =	sadd.s32 s0, s3;
	s0 =	sld [smem:$0x3FA0]  }
0x30: {  	s3 =	sld [smem:$0x3FA3]  }
0x31: {  	[smem:$0x3FAC] =	sst s10  }
0x32: {  	s10 =	sld [smem:$0x3FAA];
	_ =	sdelay $0x3  }
0x33: {  	p0 =	seq.s32 s10, $0x1;
	s10 =	sld [smem:$0x3FAC];
	_ =	sdelay $0x3  }
0x34: {  	[smem:$0x3FAC] =	sst s10  }
0x35: {  	s10 =	sld [smem:$0x3FAB];
	_ =	sdelay $0x3  }
0x36: {  	p1 =	seq.s32 s10, $0x1;
	s10 =	sld [smem:$0x3FAC];
	_ =	sdelay $0x3  }
0x37: {  	[smem:$0x3FAC] =	sst s10  }
0x38: {  	s10 =	sld [smem:$0x3FAD]  }
0x39: {  	_ = 	snop;
	(pc) =	sbr.ind lr, $3  }
0x3a: {  	_ = 	snop  }
0x3b: {  	_ = 	snop  }
0x3c: {  	p2 =	seq.s32 s10, $0x1;
	s10 =	sld [smem:$0x3FAC]  }
0x3d: {  	_ =	shalt  }
0x3e: {  	_ =	shalt  }
0x3f: {  	_ =	shalt  }
0x40: {  	_ =	shalt  }
0x41: {  	_ =	shalt  }
0x42: {  	_ =	shalt  }
0x43: {  	_ =	shalt  }
0x44: {  	_ =	shalt  }
0x45: {  	_ =	shalt  }
0x46: {  	_ =	shalt  }
0x47: {  	_ =	shalt  }
0x48: {  	_ =	shalt  }
0x49: {  	_ =	shalt  }
0x4a: {  	_ =	shalt  }
0x4b: {  	_ =	shalt  }
0x4c: {  	_ =	shalt  }
0x4d: {  	_ =	shalt  }
0x4e: {  	_ =	shalt  }
0x4f: {  	_ =	shalt  }
0x50: {  	_ =	shalt  }
0x51: {  	_ =	shalt  }
0x52: {  	_ =	shalt  }
0x53: {  	_ =	shalt  }
0x54: {  	_ =	shalt  }
0x55: {  	_ =	shalt  }
0x56: {  	_ =	shalt  }
0x57: {  	_ =	shalt  }
0x58: {  	_ =	shalt  }
0x59: {  	_ =	shalt  }
0x5a: {  	_ =	shalt  }
0x5b: {  	_ =	shalt  }
0x5c: {  	_ =	shalt  }
0x5d: {  	_ =	shalt  }
0x5e: {  	_ =	shalt  }
0x5f: {  	_ =	shalt  }
0x60: {  	_ =	shalt  }
0x61: {  	_ =	shalt  }
0x62: {  	_ =	shalt  }
0x63: {  	_ =	shalt  }
0x64: {  	_ =	shalt  }
0x65: {  	_ =	shalt  }
0x66: {  	_ =	shalt  }
0x67: {  	_ =	shalt  }
0x68: {  	_ =	shalt  }
0x69: {  	_ =	shalt  }
0x6a: {  	_ =	shalt  }
0x6b: {  	_ =	shalt  }
0x6c: {  	_ =	shalt  }
0x6d: {  	_ =	shalt  }
0x6e: {  	_ =	shalt  }
0x6f: {  	_ =	shalt  }
0x70: {  	_ =	shalt  }
0x71: {  	_ =	shalt  }
0x72: {  	_ =	shalt  }
0x73: {  	_ =	shalt  }
0x74: {  	_ =	shalt  }
0x75: {  	_ =	shalt  }
0x76: {  	_ =	shalt  }
0x77: {  	_ =	shalt  }
0x78: {  	_ =	shalt  }
0x79: {  	_ =	shalt  }
0x7a: {  	_ =	shalt  }
0x7b: {  	_ =	shalt  }
0x7c: {  	_ =	shalt  }
0x7d: {  	_ =	shalt  }
0x7e: {  	_ =	shalt  }
0x7f: {  	_ =	shalt  }
0x80: {  	_ =	shalt  }
0x81: {  	_ =	shalt  }
0x82: {  	_ =	shalt  }
0x83: {  	_ =	shalt  }
0x84: {  	_ =	shalt  }
0x85: {  	_ =	shalt  }
0x86: {  	_ =	shalt  }
0x87: {  	_ =	shalt  }
.Lfunc_end0:
.L_simem_size_0:
called_computation.4_lowered:
.L_overlay_start_0:
0x88: {  	s2 =	sld [smem:$0x3FD9]  }
0x89: {  	s3 =	sld [smem:$0x3FFE];
	_ =	sdelay $0x1  }
0x8a: {  	s1 =	srdreg.scid  }
0x8b: {  	s0 =	sand.u32 $0x1, s1  }
0x8c: {  	s15 =	sshll.u32 s0, $0xA;
	s2 =	sadd.s32 s3, s2  }
0x8d: {  	s2 =	sadd.s32 s2, s15  }
0x8e: {  	[smem:$0x3FB8] =	sst s2  }
0x8f: {  	_ = 	snop  }
0x90: {  	s2 =	sld [smem:$0x3FD0];
	_ =	sdelay $0x2  }
0x91: {  	s16 =	simm.s32 $0xD;
	s4 =	simm.s32 $0x10  }
0x92: {  	[smem:s4], [sflag:s16] =	dma.local [hbm:s2], $0x1  }
0x93: {  	_ =	swait.eq [sflag:s16], $0x1  }
0x94: {  	[sflag:s16] =	ssyncset.done $0x0  }
0x95: {  	[sflag:s16] =	ssyncadd.s32 $0xFFFFFFFF  }
0x96: {  	s17 =	sld [smem:$0x10];
	(tm) =	ssettm $0x1  }
0x97: {  	s18 =	sld [smem:$0x3FFB];
	_ =	sdelay $0x3  }
0x98: {  	_ =	strace s18  }
0x99: {  	s2 =	sld [smem:$0x3FFC];
	_ =	sdelay $0x3  }
0x9a: {  	_ =	strace s2  }
0x9b: {  	s2 =	sld [smem:$0x3FFD];
	_ =	sdelay $0x3  }
0x9c: {  	_ =	strace s2  }
0x9d: {  	_ =	strace $0x8FFFFFFF  }
0x9e: {  	s19 =	sld [smem:$0x3FDB];
	_ =	sdelay $0x1  }
0x9f: {  	s20 =	simm.s32 $_scs_section_size  }
0xa0: {  	s5 =	simm.s32 $_size__tile_overlayer_lowered;
	s6 =	simm.s32 $_tile_overlayer_lowered  }
0xa1: {  	s7 =	simm.s32 $0x1BFF;
	s21 =	sshll.u32 s6, $0x1;
	s4 =	sadd.s32 s20, s19  }
0xa2: {  	s22 =	simm.s32 $0x0;
	s5 =	sshll.u32 s5, $0x1;
	s6 =	sadd.s32 s21, s4  }
0xa3: {  	[timem:s22], [sflag:s7] =	dma.local [hbm:s6], s5  }
0xa4: {  	_ =	swait.ge [sflag:s7], s5  }
0xa5: {  	s5 =	ssub.s32 $0x0, s5;
	[sflag:s7] =	ssyncset.done $0x0  }
0xa6: {  	[sflag:s7] =	ssyncadd.s32 s5;
	_ =	sdelay $0x1  }
0xa7: {  	s23 =	simm.s32 $0x1B8B  }
0xa8: {  	_ =	swait.ge [sflag:s23], $0x1  }
0xa9: {  	[sflag:s23] =	ssyncset.done $0x0  }
0xaa: {  	[sflag:s23] =	ssyncadd.s32 $0xFFFFFFFF  }
0xab: {  	s5 =	sld [smem:$0x0]  }
0xac: {  	s6 =	sand.u32 $0xFFFFFFFE, s1  }
0xad: {  	p0 =	sne.s32 s1, s6  }
0xae: {  	s6 =	sshll.u32 @p0 s6, $0xE  }
0xaf: {  	s6 =	sadd.s32 @p0 $0x11B8D, s6;
	s7 =	sshll.u32 @p0 s5, $0x11  }
0xb0: {  	s6 =	sor.u32 @p0 s7, s6  }
0xb1: {  	[sflag:s6] =	ssyncadd.remote.s32 @p0 $0x1;
	_ =	sdelay $0x1  }
0xb2: {  	s6 =	simm.s32 @p0 $0x1B8D  }
0xb3: {  	_ =	swait.eq @p0 [sflag:s6], $0x1  }
0xb4: {  	[sflag:s6] =	ssyncadd.s32 @p0 $0xFFFFFFFF  }
0xb5: {  	s7 =	sshll.u32 @!p0 s1, $0xE  }
0xb6: {  	s7 =	sor.u32 @!p0 $0x4000, s7;
	s6 =	simm.s32 @!p0 $0x1B8D  }
0xb7: {  	s5 =	sshll.u32 @!p0 s5, $0x11;
	s7 =	sadd.s32 @!p0 $0x11B8D, s7;
	_ =	swait.eq @!p0 [sflag:s6], $0x1  }
0xb8: {  	s5 =	sor.u32 @!p0 s5, s7;
	[sflag:s6] =	ssyncadd.s32 @!p0 $0xFFFFFFFF  }
0xb9: {  	s25 =	simm.s32 $0x1B8E;
	s24 =	sld [smem:$0x3FFE];
	[sflag:s5] =	ssyncadd.remote.s32 @!p0 $0x1  }
0xba: {  	s26 =	simm.s32 $execute0_lowered;
	[smem:$0x3FD2] =	sst s25  }
0xbb: {  	s6 =	sshll.u32 s26, $0x1;
	_ =	strace $0x8000004F;
	[dreg:$0x1] =	wrdreg $0xFFFFFFFF  }
0xbc: {  	s28 =	simm.s32 $_size_execute0_lowered;
	s4 =	sadd.s32 s4, s6;
	[dreg:$0x0] =	wrdreg $0x0  }
0xbd: {  	s6 =	sshll.u32 s28, $0x1;
	[dreg:$0x2] =	wrdreg s4  }
0xbe: {  	[dreg:$0x3] =	wrdreg s6  }
0xbf: {  	[dreg:$0x4] =	wrdreg $0xC0  }
0xc0: {  	_ =	task [dreg:s22], $0x5FFFF  }
0xc1: {  	[dreg:$0x1] =	wrdreg $0xFFFFFFFF  }
0xc2: {  	[dreg:$0x0] =	wrdreg $0x60  }
0xc3: {  	[dreg:$0x2] =	wrdreg s17  }
0xc4: {  	[dreg:$0x3] =	wrdreg s24  }
0xc5: {  	[dreg:$0x4] =	wrdreg $0xA  }
0xc6: {  	_ =	task.clear_ibuf [dreg:s22], $0x5FFFF;
	_ =	strace $0x9000004F  }
0xc7: {  	s29 =	simm.s32 $0xA;
	_ =	strace $0x80000051  }
0xc8: {  	_ =	swait.ge [sflag:s29], $0x1  }
0xc9: {  	[sflag:s29] =	ssyncadd.s32 $0xFFFFFFFF  }
0xca: {  	_ =	strace $0x90000051  }
0xcb: {  	_ =	sfence  }
0xcc: {  	s30 =	sld [smem:$0x0];
	_ =	sdelay $0x2  }
0xcd: {  	s31 =	sshll.u32 s1, $0xD;
	s1 =	sshrl.u32 s1, $0x2  }
0xce: {  	s4 =	sand.u32 $0x4000, s31;
	s1 =	sadd.s32 s1, s30  }
0xcf: {  	s0 =	sor.u32 s4, s0;
	s1 =	sshll.u32 s1, $0x11  }
0xd0: {  	s0 =	sor.u32 s1, s0  }
0xd1: {  	s0 =	sadd.s32 $0x8F2B, s0  }
0xd2: {  	[sflag:s0] =	ssyncadd.remote.s32 $0x1  }
0xd3: {  	_ =	sfence.sel $0xFFFF  }
0xd4: {  	[dreg:$0x0] =	wrdreg $0xFFFFFFFF;
	(pc) =	sbr.abs _section_cstart, $3  }
0xd5: {  	[dreg:$0x1] =	wrdreg $0xFFFFFFFF  }
0xd6: {  	_ =	task.clear_ibuf [dreg:s22], $0x2FFFF;
	_ =	strace $0x9FFFFFFF  }
0xd7: {  	(tm) =	ssettm $0x7FFFFFFF  }
tec
execute0_lowered:
.L_overlay_start_1:
0x0: {  	(tag) =	ssettag $0x1  }
0x1: {  	s2 =	rddreg [dreg:$0x0]  }
0x2: {  	s0 =	srdreg.scid;
	s11 =	stileid.u32  }
0x3: {  	s1 =	rddreg [dreg:$0x1];
	s3 =	simm.s32 $0x0;
	s13 =	simm.s32 $0x980  }
0x4: {  	s14 =	simm.s32 $0x80;
	s15 =	simm.s32 $0x1300;
	s16 =	simm.s32 $0xD300  }
0x5: {  	s17 =	simm.s32 $0x5300;
	s19 =	simm.s32 $0x11300;
	s21 =	simm.s32 $0x9300  }
0x6: {  	s23 =	simm.s32 $0x15300;
	s24 =	simm.s32 $0x1;
	s28 =	simm.s32 $0x4  }
0x7: {  	s29 =	simm.s32 $0x6;
	s0 =	sand.u32 $0x1, s0;
	s4 =	sshll.u32 s11, $0x1  }
0x8: {  	[smem:$0x7FF] =	sst s3;
	s9 =	sadd.s32 $0x7BDE00, s1;
	s11 =	smul.u32 $0x12200, s11  }
0x9: {  	s5 =	sor.u32 s0, s4;
	s7 =	ssub.s32 $0x2, s0;
	s0 =	smul.u32 $0x9100, s0  }
0xa: {  	s30 =	simm.s32 $0x10;
	_ =	strace $0x80000050;
	s6 =	smul.u32 $0x910, s5  }
0xb: {  	s4 =	sadd.s32 $0x8000, s1;
	s5 =	smul.u32 $0x48800, s5;
	s8 =	sshrl.u32 s7, $0x1  }
0xc: {  	s12 =	sadd.s32 s11, s9;
	s10 =	ssub.s32 s7, s8;
	s6 =	sshrl.u32 s6, $0x3  }
0xd: {  	s25 =	sshrl.u32 s5, $0x3;
	s6 =	sadd.s32 s6, s1;
	s1 =	sadd.s32 $0x8DFE00, s1  }
.Ltmp0:
0xe: {  	s31 =	sadd.s32 $0x9000, s25;
	s25 =	simm.s32 $0x2;
	(pc) =	sbr.rel .LBB2_1-.Ltmp0, $4  }
0xf: {  	s26 =	sadd.s32 $0x7B9200, s6;
	s6 =	sadd.s32 $0x7BB800, s6;
	s7 =	sadd.s32 s9, s31  }
0x10: {  	s8 =	sadd.s32 s1, s31;
	s1 =	sadd.s32 s11, s1;
	s9 =	smax.u32 s10, $0x1  }
0x11: {  	s10 =	sadd.s32 s0, s12;
	s12 =	simm.s32 $0x7;
	[dreg:$0x3] =	wrdreg s26  }
0x12: {  	s11 =	sadd.s32 s0, s1;
	s26 =	simm.s32 $0x3;
	s0 =	simm.s32 $0x0  }
.LBB2_4:
0x13: {  	s1 =	simm.s32 $0x900  }
0x14: {  	[tilespmem:s15], [sflag:$0x1] =	stream.indirect.gather [hbm4b:s2+s30], $0x80, s1, s30, $0xb8;
	[tilespmem:$0x19300] =	vst v63  }
0x15: {  	s31 =	simm.s32 $0x1280  }
0x16: {  	[tilespmem:s16], [sflag:$0x1] =	stream.indirect.gather [hbm4b:s4+s30], $0x80, s31, s30, $0xb8;
	[tilespmem:$0x19300] =	vst v63  }
0x17: {  	_ =	swait.ge [sflag:s24], $0x800  }
0x18: {  	[sflag:s24] =	ssyncset.done $0x0  }
0x19: {  	[sflag:s24] =	ssyncadd.s32 $0xFFFFF800  }
0x1a: {  	_ =	swait.ge [sflag:s24], $0x800  }
0x1b: {  	[sflag:s24] =	ssyncset.done $0x0  }
0x1c: {  	[sflag:s24] =	ssyncadd.s32 $0xFFFFF800  }
0x1d: {  	[hbm4b:s7+s3] =	stream.linear.scatter [tilespmem:s15], [sflag:$0x7], $0x800, $0x38;
	[tilespmem:$0x19300] =	vst v63  }
0x1e: {  	s0 =	sadd.s32 $0x1, s0;
	_ =	swait.ge [sflag:s12], $0x800  }
0x1f: {  	p0 =	sne.s32 s0, s9;
	[sflag:s12] =	ssyncset.done $0x0  }
.Ltmp1:
0x20: {  	[sflag:s12] =	ssyncadd.s32 $0xFFFFF800;
	(pc) =	sbr.rel @!p0 .LBB2_5-.Ltmp1, $4  }
0x21: {  	[hbm4b:s8+s3] =	stream.linear.scatter [tilespmem:s16], [sflag:$0x7], $0x800, $0x38;
	[tilespmem:$0x19300] =	vst v63  }
0x22: {  	_ =	swait.ge [sflag:s12], $0x800  }
0x23: {  	[sflag:s12] =	ssyncset.done $0x0  }
0x24: {  	[sflag:s12] =	ssyncadd.s32 $0xFFFFF800  }
.LBB2_1:
0x25: {  	s1 =	rddreg [dreg:$0x3]  }
0x26: {  	[tilespmem:s3], [sflag:$0x7] =	stream.linear.gather [hbm4b:s1+s3], $0x910, $0x38;
	[tilespmem:$0x19300] =	vst v63  }
0x27: {  	_ =	swait.ge [sflag:s12], $0x910  }
0x28: {  	[sflag:s12] =	ssyncset.done $0x0  }
0x29: {  	[sflag:s12] =	ssyncadd.s32 $0xFFFFF6F0  }
0x2a: {  	[tilespmem:s13], [sflag:$0x7] =	stream.linear.gather [hbm4b:s6+s3], $0x910, $0x38;
	[tilespmem:$0x19300] =	vst v63  }
0x2b: {  	_ =	swait.ge [sflag:s12], $0x910  }
0x2c: {  	[sflag:s12] =	ssyncset.done $0x0  }
0x2d: {  	[sflag:s12] =	ssyncadd.s32 $0xFFFFF6F0  }
0x2e: {  	[tilespmem:s15], [sflag:$0x1] =	stream.indirect.gather [hbm4b:s2+s14], $0x80, s3, s14, $0xb8;
	[tilespmem:$0x19300] =	vst v63  }
0x2f: {  	_ = 	snop  }
0x30: {  	[tilespmem:s16], [sflag:$0x1] =	stream.indirect.gather [hbm4b:s4+s14], $0x80, s13, s14, $0xb8;
	[tilespmem:$0x19300] =	vst v63  }
0x31: {  	_ = 	snop  }
0x32: {  	[tilespmem:s17], [sflag:$0x2] =	stream.indirect.gather [hbm4b:s2+s14], $0x80, s14, s14, $0xb8;
	[tilespmem:$0x19300] =	vst v63  }
0x33: {  	s20 =	simm.s32 $0xA00  }
0x34: {  	[tilespmem:s19], [sflag:$0x2] =	stream.indirect.gather [hbm4b:s4+s14], $0x80, s20, s14, $0xb8;
	[tilespmem:$0x19300] =	vst v63  }
0x35: {  	s22 =	simm.s32 $0x100;
	s31 =	simm.s32 $0xA80  }
0x36: {  	[tilespmem:s21], [sflag:$0x3] =	stream.indirect.gather [hbm4b:s2+s14], $0x80, s22, s14, $0xb8;
	[tilespmem:$0x19300] =	vst v63  }
0x37: {  	s18 =	simm.s32 $0xB00;
	s20 =	simm.s32 $0x180;
	s22 =	simm.s32 $0x0  }
0x38: {  	[tilespmem:s23], [sflag:$0x3] =	stream.indirect.gather [hbm4b:s4+s14], $0x80, s31, s14, $0xb8;
	[tilespmem:$0x19300] =	vst v63  }
.LBB2_2:
0x39: {  	_ =	swait.ge [sflag:s24], $0x4000  }
0x3a: {  	[sflag:s24] =	ssyncset.done $0x0  }
0x3b: {  	[sflag:s24] =	ssyncadd.s32 $0xFFFFC000  }
0x3c: {  	_ =	swait.ge [sflag:s24], $0x4000  }
0x3d: {  	[sflag:s24] =	ssyncset.done $0x0  }
0x3e: {  	s31 =	sadd.s32 s22, s10;
	[sflag:s24] =	ssyncadd.s32 $0xFFFFC000  }
0x3f: {  	[hbm4b:s31+s3] =	stream.linear.scatter [tilespmem:s15], [sflag:$0x4], $0x4000, $0x38;
	[tilespmem:$0x19300] =	vst v63  }
0x40: {  	s1 =	sadd.s32 s22, s11  }
0x41: {  	[hbm4b:s1+s3] =	stream.linear.scatter [tilespmem:s16], [sflag:$0x4], $0x4000, $0x38;
	[tilespmem:$0x19300] =	vst v63  }
0x42: {  	_ =	swait.ge [sflag:s25], $0x4000  }
0x43: {  	[sflag:s25] =	ssyncset.done $0x0  }
0x44: {  	[sflag:s25] =	ssyncadd.s32 $0xFFFFC000  }
0x45: {  	_ =	swait.ge [sflag:s25], $0x4000  }
0x46: {  	[sflag:s25] =	ssyncset.done $0x0  }
0x47: {  	s5 =	sadd.s32 $0x800, s31;
	[sflag:s25] =	ssyncadd.s32 $0xFFFFC000  }
0x48: {  	[hbm4b:s5+s3] =	stream.linear.scatter [tilespmem:s17], [sflag:$0x5], $0x4000, $0x38;
	[tilespmem:$0x19300] =	vst v63  }
0x49: {  	s5 =	sadd.s32 $0x800, s1  }
0x4a: {  	[hbm4b:s5+s3] =	stream.linear.scatter [tilespmem:s19], [sflag:$0x5], $0x4000, $0x38;
	[tilespmem:$0x19300] =	vst v63  }
0x4b: {  	_ =	swait.ge [sflag:s26], $0x4000  }
0x4c: {  	[sflag:s26] =	ssyncset.done $0x0  }
0x4d: {  	[sflag:s26] =	ssyncadd.s32 $0xFFFFC000  }
0x4e: {  	_ =	swait.ge [sflag:s26], $0x4000  }
0x4f: {  	[sflag:s26] =	ssyncset.done $0x0  }
0x50: {  	s31 =	sadd.s32 $0x1000, s31;
	[sflag:s26] =	ssyncadd.s32 $0xFFFFC000  }
0x51: {  	[hbm4b:s31+s3] =	stream.linear.scatter [tilespmem:s21], [sflag:$0x6], $0x4000, $0x38;
	[tilespmem:$0x19300] =	vst v63  }
0x52: {  	s1 =	sadd.s32 $0x1000, s1  }
0x53: {  	[hbm4b:s1+s3] =	stream.linear.scatter [tilespmem:s23], [sflag:$0x6], $0x4000, $0x38;
	[tilespmem:$0x19300] =	vst v63  }
0x54: {  	_ =	swait.ge [sflag:s28], $0x4000  }
0x55: {  	[sflag:s28] =	ssyncset.done $0x0  }
0x56: {  	[sflag:s28] =	ssyncadd.s32 $0xFFFFC000  }
0x57: {  	_ =	swait.ge [sflag:s28], $0x4000  }
0x58: {  	p0 =	seq.s32 s22, $0x7800;
	[sflag:s28] =	ssyncset.done $0x0  }
0x59: {  	s1 =	simm.s32 @p0 $0x5;
	[sflag:s28] =	ssyncadd.s32 $0xFFFFC000  }
0x5a: {  	_ =	swait.ge @p0 [sflag:s1], $0x4000  }
0x5b: {  	[sflag:s1] =	ssyncset.done @p0 $0x0  }
0x5c: {  	[sflag:s1] =	ssyncadd.s32 @p0 $0xFFFFC000  }
0x5d: {  	_ =	swait.ge @p0 [sflag:s1], $0x4000  }
0x5e: {  	[sflag:s1] =	ssyncset.done @p0 $0x0  }
0x5f: {  	s5 =	simm.s32 @!p0 $0x1300;
	[sflag:s1] =	ssyncadd.s32 @p0 $0xFFFFC000;
	s1 =	simm.s32 @!p0 $0x80  }
0x60: {  	[tilespmem:s5], [sflag:$0x1] =	stream.indirect.gather @!p0 [hbm4b:s2+s1], $0x80, s20, s1, $0xb8;
	[tilespmem:$0x19300] =	vst v63  }
0x61: {  	s5 =	simm.s32 @!p0 $0xD300  }
0x62: {  	[tilespmem:s5], [sflag:$0x1] =	stream.indirect.gather @!p0 [hbm4b:s4+s1], $0x80, s18, s1, $0xb8;
	[tilespmem:$0x19300] =	vst v63  }
0x63: {  	s5 =	simm.s32 @!p0 $0x5  }
0x64: {  	_ =	swait.ge @!p0 [sflag:s5], $0x4000  }
0x65: {  	[sflag:s5] =	ssyncset.done @!p0 $0x0  }
0x66: {  	[sflag:s5] =	ssyncadd.s32 @!p0 $0xFFFFC000  }
0x67: {  	_ =	swait.ge @!p0 [sflag:s5], $0x4000  }
0x68: {  	[sflag:s5] =	ssyncset.done @!p0 $0x0  }
0x69: {  	s31 =	simm.s32 @!p0 $0x5300;
	[sflag:s5] =	ssyncadd.s32 @!p0 $0xFFFFC000;
	s5 =	sadd.s32 @!p0 $0x80, s20  }
0x6a: {  	[tilespmem:s31], [sflag:$0x2] =	stream.indirect.gather @!p0 [hbm4b:s2+s1], $0x80, s5, s1, $0xb8;
	[tilespmem:$0x19300] =	vst v63  }
0x6b: {  	s5 =	sadd.s32 @!p0 $0x80, s18;
	s31 =	simm.s32 @!p0 $0x11300  }
0x6c: {  	[tilespmem:s31], [sflag:$0x2] =	stream.indirect.gather @!p0 [hbm4b:s4+s1], $0x80, s5, s1, $0xb8;
	[tilespmem:$0x19300] =	vst v63  }
0x6d: {  	_ =	swait.ge [sflag:s29], $0x4000  }
.Ltmp2:
0x6e: {  	[sflag:s29] =	ssyncset.done $0x0;
	(pc) =	sbr.rel @p0 .LBB2_4-.Ltmp2, $4  }
0x6f: {  	[sflag:s29] =	ssyncadd.s32 $0xFFFFC000  }
0x70: {  	_ =	swait.ge [sflag:s29], $0x4000  }
0x71: {  	[sflag:s29] =	ssyncset.done $0x0  }
0x72: {  	[sflag:s29] =	ssyncadd.s32 $0xFFFFC000  }
.Ltmp3:
0x73: {  	(pc) =	sbr.rel .LBB2_2-.Ltmp3, $4  }
0x74: {  	s1 =	sadd.s32 $0x100, s20;
	s31 =	sadd.s32 $0x100, s18  }
0x75: {  	[tilespmem:s21], [sflag:$0x3] =	stream.indirect.gather [hbm4b:s2+s14], $0x80, s1, s14, $0xb8;
	[tilespmem:$0x19300] =	vst v63  }
0x76: {  	s22 =	sadd.s32 $0x1800, s22;
	s18 =	sadd.s32 $0x180, s18;
	s20 =	sadd.s32 $0x180, s20  }
0x77: {  	[tilespmem:s23], [sflag:$0x3] =	stream.indirect.gather [hbm4b:s4+s14], $0x80, s31, s14, $0xb8;
	[tilespmem:$0x19300] =	vst v63  }
.LBB2_5:
0x78: {  	_ =	sfence.sel $0x180000  }
0x79: {  	[bflag:$0x0] =	sbarrier.arrive $0xFFFF  }
0x7a: {  	_ =	strace $0x90000050  }
0x7b: {  	s0 =	stileid.u32;
	[bflag:$0x2] =	sbarrier.arrive $0xFFFF  }
0x7c: {  	p0 =	sne.s32 s0, $0x0;
	s0 =	rddreg [dreg:$0x2]  }
0x7d: {  	s0 =	sadd.s32 @!p0 $0x100000, s0  }
0x7e: {  	[sflag:s0] =	ssyncadd.tile.s32 @!p0 $0x1;
	_ =	shalt  }
.Lfunc_end2:
_tile_overlayer_lowered:
.L_overlay_start_2:
0x7f: {  	(tag) =	ssettag $0x2  }
0x80: {  	s0 =	rddreg [dreg:$0x0];
	s2 =	stileid.u32  }
0x81: {  	s1 =	rddreg [dreg:$0x1];
	p0 =	sne.s32 s2, $0x0  }
0x82: {  	s3 =	rddreg [dreg:$0x2];
	[bflag:$0x3] =	sbarrier.arrive $0xFFFF;
	s2 =	simm.s32 @!p0 $0x1C07  }
0x83: {  	[timem:s3], [sflag:s2] =	dma.local @!p0 [hbm:s0], s1  }
0x84: {  	s0 =	simm.s32 @!p0 $0x7  }
0x85: {  	_ =	swait.ge @!p0 [sflag:s0], s1  }
0x86: {  	s1 =	ssub.s32 @!p0 $0x0, s1;
	[sflag:s0] =	ssyncset.done @!p0 $0x0  }
0x87: {  	[sflag:s0] =	ssyncadd.s32 @!p0 s1  }
0x88: {  	[bflag:$0x3] =	sbarrier.arrive $0xFFFF  }
0x89: {  	_ =	shalt  }

// kernel: kernel.31.cloned.1.call-start
scs
__scs_entry_jumppad:
0x0: {  	(pc) =	sbr.rel $0x88, $3  }
0x1: {  	(tag) =	ssettag $0x0;
	lr =	simm.s32 $0x1  }
0x2: {  	[smem:$0x3F91] =	sst lr;
	_ =	strace $0xD0000000  }
0x3: {  	_ = 	snop  }
0x4: {  	_ = 	snop  }
0x5: {  	_ = 	snop  }
0x6: {  	_ = 	snop  }
0x7: {  	_ = 	snop  }
__scs_overlays_trampoline_lowered:
0x8: {  	[smem:$0x3FA0] =	sst s0  }
0x9: {  	[smem:$0x3FA1] =	sst s1  }
0xa: {  	[smem:$0x3FA2] =	sst s2  }
0xb: {  	[smem:$0x3FA3] =	sst s3  }
0xc: {  	[smem:$0x3FA4] =	sst s4  }
0xd: {  	[smem:$0x3FA5] =	sst s5  }
0xe: {  	[smem:$0x3FA6] =	sst s6  }
0xf: {  	[smem:$0x3FA7] =	sst s7  }
0x10: {  	[smem:$0x3FA8] =	sst s8  }
0x11: {  	[smem:$0x3FA9] =	sst s9;
	s0 =	simm.s32 @!p0 $0x0  }
0x12: {  	s1 =	sld [smem:$0x3F8F];
	s0 =	simm.s32 @p0 $0x1  }
0x13: {  	[smem:$0x3FAA] =	sst s0;
	s0 =	simm.s32 @!p1 $0x0  }
0x14: {  	s2 =	sld [smem:$0x3F8E];
	s0 =	simm.s32 @p1 $0x1  }
0x15: {  	[smem:$0x3FAB] =	sst s0;
	s0 =	simm.s32 @!p2 $0x0  }
0x16: {  	s3 =	sld [smem:$0x3FDB];
	s0 =	simm.s32 @p2 $0x1  }
0x17: {  	s4 =	simm.s32 $0x1BF5;
	[smem:$0x3FAD] =	sst s0  }
0x18: {  	s0 =	sld [smem:$0x3F90];
	_ =	swait.ge [sflag:s4], $0x0  }
0x19: {  	s7 =	sld [smem:$0x3F91]  }
0x1a: {  	s8 =	sadd.s32 $0xFFFFE003, lr  }
0x1b: {  	s9 =	sadd.s32 $0xFFFFFEF7, lr;
	s5 =	simm.s32 $0xFFFFFFFF;
	p2 =	slt.u32 s8, $0xFFFFF086  }
0x1c: {  	p1 =	slt.u32 s9, $0xF7A;
	s5 =	simm.s32 @!p2 $0x0  }
0x1d: {  	s5 =	simm.s32 @p1 $0x1;
	p0 =	seq.s32 s7, s2  }
0x1e: {  	s7 =	smul.u32 @!p0 $0xF7A, s2;
	p2 =	seq.s32 @!p0 s5, $0x0  }
0x1f: {  	s9 =	smul.u32 $0xF7A, s1;
	s8 =	simm.s32 @!p0 $0x1BF5;
	p2 =	por !p2, p0  }
0x20: {  	[sflag:s8] =	ssyncset.s32 @!p0 $0xFFFFF086;
	s6 =	sadd.s32 @!p0 s3, s7;
	s7 =	simm.s32 @!p0 $0x108  }
0x21: {  	s3 =	sadd.s32 s3, s9;
	s6 =	sadd.s32 @!p0 $0x88, s6;
	s7 =	simm.s32 @p2 $0x1082  }
0x22: {  	[simem:s7], [sflag:s8] =	dma.local @!p0 [hbm:s6], $0xF7A  }
0x23: {  	s9 =	sor.u32 $0xD0000000, s2;
	s6 =	simm.s32 $0x108;
	_ =	swait.ge @!p0 [sflag:s8], $0x0  }
0x24: {  	s3 =	sadd.s32 $0x88, s3;
	s6 =	simm.s32 @!p1 $0x1082;
	[sflag:s4] =	ssyncset.s32 $0xFFFFF086  }
0x25: {  	[simem:s6], [sflag:s4] =	dma.local [hbm:s3], $0xF7A  }
0x26: {  	[smem:$0x3F91] =	sst s1;
	(tag) =	ssettag s2;
	_ =	strace s9  }
0x27: {  	s1 =	sld [smem:$0x3FA1]  }
0x28: {  	s2 =	sld [smem:$0x3FA2]  }
0x29: {  	s4 =	sld [smem:$0x3FA4]  }
0x2a: {  	p0 =	seq.s32 s5, $0x0;
	s5 =	sld [smem:$0x3FA5]  }
0x2b: {  	s6 =	sld [smem:$0x3FA6]  }
0x2c: {  	s7 =	sld [smem:$0x3FA7]  }
0x2d: {  	s3 =	simm.s32 $0x108;
	s8 =	sld [smem:$0x3FA8]  }
0x2e: {  	s3 =	simm.s32 @!p0 $0x1082;
	s9 =	sld [smem:$0x3FA9]  }
0x2f: {  	lr =	sadd.s32 s0, s3;
	s0 =	sld [smem:$0x3FA0]  }
0x30: {  	s3 =	sld [smem:$0x3FA3]  }
0x31: {  	[smem:$0x3FAC] =	sst s10  }
0x32: {  	s10 =	sld [smem:$0x3FAA];
	_ =	sdelay $0x3  }
0x33: {  	p0 =	seq.s32 s10, $0x1;
	s10 =	sld [smem:$0x3FAC];
	_ =	sdelay $0x3  }
0x34: {  	[smem:$0x3FAC] =	sst s10  }
0x35: {  	s10 =	sld [smem:$0x3FAB];
	_ =	sdelay $0x3  }
0x36: {  	p1 =	seq.s32 s10, $0x1;
	s10 =	sld [smem:$0x3FAC];
	_ =	sdelay $0x3  }
0x37: {  	[smem:$0x3FAC] =	sst s10  }
0x38: {  	s10 =	sld [smem:$0x3FAD]  }
0x39: {  	_ = 	snop;
	(pc) =	sbr.ind lr, $3  }
0x3a: {  	_ = 	snop  }
0x3b: {  	_ = 	snop  }
0x3c: {  	p2 =	seq.s32 s10, $0x1;
	s10 =	sld [smem:$0x3FAC]  }
0x3d: {  	_ =	shalt  }
0x3e: {  	_ =	shalt  }
0x3f: {  	_ =	shalt  }
0x40: {  	_ =	shalt  }
0x41: {  	_ =	shalt  }
0x42: {  	_ =	shalt  }
0x43: {  	_ =	shalt  }
0x44: {  	_ =	shalt  }
0x45: {  	_ =	shalt  }
0x46: {  	_ =	shalt  }
0x47: {  	_ =	shalt  }
0x48: {  	_ =	shalt  }
0x49: {  	_ =	shalt  }
0x4a: {  	_ =	shalt  }
0x4b: {  	_ =	shalt  }
0x4c: {  	_ =	shalt  }
0x4d: {  	_ =	shalt  }
0x4e: {  	_ =	shalt  }
0x4f: {  	_ =	shalt  }
0x50: {  	_ =	shalt  }
0x51: {  	_ =	shalt  }
0x52: {  	_ =	shalt  }
0x53: {  	_ =	shalt  }
0x54: {  	_ =	shalt  }
0x55: {  	_ =	shalt  }
0x56: {  	_ =	shalt  }
0x57: {  	_ =	shalt  }
0x58: {  	_ =	shalt  }
0x59: {  	_ =	shalt  }
0x5a: {  	_ =	shalt  }
0x5b: {  	_ =	shalt  }
0x5c: {  	_ =	shalt  }
0x5d: {  	_ =	shalt  }
0x5e: {  	_ =	shalt  }
0x5f: {  	_ =	shalt  }
0x60: {  	_ =	shalt  }
0x61: {  	_ =	shalt  }
0x62: {  	_ =	shalt  }
0x63: {  	_ =	shalt  }
0x64: {  	_ =	shalt  }
0x65: {  	_ =	shalt  }
0x66: {  	_ =	shalt  }
0x67: {  	_ =	shalt  }
0x68: {  	_ =	shalt  }
0x69: {  	_ =	shalt  }
0x6a: {  	_ =	shalt  }
0x6b: {  	_ =	shalt  }
0x6c: {  	_ =	shalt  }
0x6d: {  	_ =	shalt  }
0x6e: {  	_ =	shalt  }
0x6f: {  	_ =	shalt  }
0x70: {  	_ =	shalt  }
0x71: {  	_ =	shalt  }
0x72: {  	_ =	shalt  }
0x73: {  	_ =	shalt  }
0x74: {  	_ =	shalt  }
0x75: {  	_ =	shalt  }
0x76: {  	_ =	shalt  }
0x77: {  	_ =	shalt  }
0x78: {  	_ =	shalt  }
0x79: {  	_ =	shalt  }
0x7a: {  	_ =	shalt  }
0x7b: {  	_ =	shalt  }
0x7c: {  	_ =	shalt  }
0x7d: {  	_ =	shalt  }
0x7e: {  	_ =	shalt  }
0x7f: {  	_ =	shalt  }
0x80: {  	_ =	shalt  }
0x81: {  	_ =	shalt  }
0x82: {  	_ =	shalt  }
0x83: {  	_ =	shalt  }
0x84: {  	_ =	shalt  }
0x85: {  	_ =	shalt  }
0x86: {  	_ =	shalt  }
0x87: {  	_ =	shalt  }
.Lfunc_end0:
.L_simem_size_0:
called_computation.5_lowered:
.L_overlay_start_0:
0x88: {  	s2 =	sld [smem:$0x3FD9]  }
0x89: {  	s3 =	sld [smem:$0x3FFE];
	_ =	sdelay $0x1  }
0x8a: {  	s1 =	srdreg.scid  }
0x8b: {  	s0 =	sand.u32 $0x1, s1  }
0x8c: {  	s17 =	sshll.u32 s0, $0xA;
	s2 =	sadd.s32 s3, s2  }
0x8d: {  	s2 =	sadd.s32 s2, s17  }
0x8e: {  	[smem:$0x3FB8] =	sst s2  }
0x8f: {  	_ = 	snop  }
0x90: {  	(tm) =	ssettm $0x1  }
0x91: {  	s18 =	sld [smem:$0x3FFB];
	_ =	sdelay $0x3  }
0x92: {  	_ =	strace s18  }
0x93: {  	s2 =	sld [smem:$0x3FFC];
	_ =	sdelay $0x3  }
0x94: {  	_ =	strace s2  }
0x95: {  	s2 =	sld [smem:$0x3FFD];
	_ =	sdelay $0x3  }
0x96: {  	_ =	strace s2  }
0x97: {  	_ =	strace $0x8FFFFFFF  }
0x98: {  	s19 =	sld [smem:$0x3FDB];
	_ =	sdelay $0x1  }
0x99: {  	s20 =	simm.s32 $_scs_section_size  }
0x9a: {  	s4 =	simm.s32 $_size__tile_overlayer_lowered;
	s5 =	simm.s32 $_tile_overlayer_lowered  }
0x9b: {  	s6 =	simm.s32 $0x1BFF;
	s21 =	sshll.u32 s5, $0x1;
	s3 =	sadd.s32 s20, s19  }
0x9c: {  	s22 =	simm.s32 $0x0;
	s4 =	sshll.u32 s4, $0x1;
	s5 =	sadd.s32 s21, s3  }
0x9d: {  	[timem:s22], [sflag:s6] =	dma.local [hbm:s5], s4  }
0x9e: {  	_ =	swait.ge [sflag:s6], s4  }
0x9f: {  	s4 =	ssub.s32 $0x0, s4;
	[sflag:s6] =	ssyncset.done $0x0  }
0xa0: {  	[sflag:s6] =	ssyncadd.s32 s4;
	_ =	sdelay $0x1  }
0xa1: {  	s23 =	simm.s32 $0x1B8B  }
0xa2: {  	_ =	swait.ge [sflag:s23], $0x1  }
0xa3: {  	[sflag:s23] =	ssyncset.done $0x0  }
0xa4: {  	[sflag:s23] =	ssyncadd.s32 $0xFFFFFFFF  }
0xa5: {  	s4 =	sld [smem:$0x0]  }
0xa6: {  	s5 =	sand.u32 $0xFFFFFFFE, s1  }
0xa7: {  	p0 =	sne.s32 s1, s5  }
0xa8: {  	s5 =	sshll.u32 @p0 s5, $0xE  }
0xa9: {  	s5 =	sadd.s32 @p0 $0x11B8D, s5;
	s6 =	sshll.u32 @p0 s4, $0x11  }
0xaa: {  	s5 =	sor.u32 @p0 s6, s5  }
0xab: {  	[sflag:s5] =	ssyncadd.remote.s32 @p0 $0x1;
	_ =	sdelay $0x1  }
0xac: {  	s5 =	simm.s32 @p0 $0x1B8D  }
0xad: {  	_ =	swait.eq @p0 [sflag:s5], $0x1  }
0xae: {  	[sflag:s5] =	ssyncadd.s32 @p0 $0xFFFFFFFF  }
0xaf: {  	s6 =	sshll.u32 @!p0 s1, $0xE  }
0xb0: {  	s6 =	sor.u32 @!p0 $0x4000, s6;
	s5 =	simm.s32 @!p0 $0x1B8D  }
0xb1: {  	s4 =	sshll.u32 @!p0 s4, $0x11;
	s6 =	sadd.s32 @!p0 $0x11B8D, s6;
	_ =	swait.eq @!p0 [sflag:s5], $0x1  }
0xb2: {  	s4 =	sor.u32 @!p0 s4, s6;
	[sflag:s5] =	ssyncadd.s32 @!p0 $0xFFFFFFFF  }
0xb3: {  	s25 =	simm.s32 $0x1B8E;
	s24 =	sld [smem:$0x3FFE];
	[sflag:s4] =	ssyncadd.remote.s32 @!p0 $0x1  }
0xb4: {  	s26 =	simm.s32 $execute0_lowered;
	[smem:$0x3FD2] =	sst s25  }
0xb5: {  	s5 =	sshll.u32 s26, $0x1;
	_ =	strace $0x80000055;
	[dreg:$0x1] =	wrdreg $0xFFFFFFFF  }
0xb6: {  	s28 =	simm.s32 $_size_execute0_lowered;
	s3 =	sadd.s32 s3, s5;
	[dreg:$0x0] =	wrdreg $0x0  }
0xb7: {  	s5 =	sshll.u32 s28, $0x1;
	[dreg:$0x2] =	wrdreg s3  }
0xb8: {  	[dreg:$0x3] =	wrdreg s5  }
0xb9: {  	[dreg:$0x4] =	wrdreg $0xC0  }
0xba: {  	_ =	task [dreg:s22], $0x5FFFF  }
0xbb: {  	[dreg:$0x1] =	wrdreg $0xFFFFFFFF  }
0xbc: {  	[dreg:$0x0] =	wrdreg $0x60  }
0xbd: {  	[dreg:$0x2] =	wrdreg s24  }
0xbe: {  	[dreg:$0x3] =	wrdreg $0x0  }
0xbf: {  	[dreg:$0x4] =	wrdreg $0xC  }
0xc0: {  	_ =	task.clear_ibuf [dreg:s22], $0x5FFFF;
	_ =	strace $0x90000055  }
0xc1: {  	s29 =	simm.s32 $0xC;
	_ =	strace $0x80000057  }
0xc2: {  	_ =	swait.ge [sflag:s29], $0x1  }
0xc3: {  	[sflag:s29] =	ssyncadd.s32 $0xFFFFFFFF  }
0xc4: {  	_ =	strace $0x90000057  }
0xc5: {  	_ =	sfence  }
0xc6: {  	s30 =	sld [smem:$0x0];
	_ =	sdelay $0x2  }
0xc7: {  	s31 =	sshll.u32 s1, $0xD;
	s1 =	sshrl.u32 s1, $0x2  }
0xc8: {  	s4 =	sand.u32 $0x4000, s31;
	s1 =	sadd.s32 s1, s30  }
0xc9: {  	s0 =	sor.u32 s4, s0;
	s1 =	sshll.u32 s1, $0x11  }
0xca: {  	s0 =	sor.u32 s1, s0  }
0xcb: {  	s0 =	sadd.s32 $0x8F2B, s0  }
0xcc: {  	[sflag:s0] =	ssyncadd.remote.s32 $0x1  }
0xcd: {  	_ =	sfence.sel $0xFFFF  }
0xce: {  	[dreg:$0x0] =	wrdreg $0xFFFFFFFF;
	(pc) =	sbr.abs _section_cstart, $3  }
0xcf: {  	[dreg:$0x1] =	wrdreg $0xFFFFFFFF  }
0xd0: {  	_ =	task.clear_ibuf [dreg:s22], $0x2FFFF;
	_ =	strace $0x9FFFFFFF  }
0xd1: {  	(tm) =	ssettm $0x7FFFFFFF  }
tec
execute0_lowered:
.L_overlay_start_1:
0x0: {  	(tag) =	ssettag $0x1  }
0x1: {  	s4 =	rddreg [dreg:$0x0]  }
0x2: {  	s2 =	rddreg [dreg:$0x1];
	s1 =	stileid.u32  }
0x3: {  	s3 =	simm.s32 $0x0;
	s5 =	srdreg.scid;
	s12 =	smul.u32 $0x14000, s1  }
0x4: {  	[smem:$0x7FF] =	sst s3;
	s8 =	smul.u32 $0x50000, s1  }
0x5: {  	s13 =	sand.u32 $0x1, s5;
	s14 =	sadd.s32 $0xA7200, s4;
	s19 =	smul.u32 $0x1400, s1  }
0x6: {  	s15 =	sadd.s32 $0x2B4200, s4;
	s7 =	sshll.u32 s1, $0x1;
	s6 =	smul.u32 $0x140000, s13  }
0x7: {  	s22 =	sshll.u32 s1, $0x6;
	_ =	strace $0x80000056;
	s20 =	smul.u32 $0xA00, s13  }
0x8: {  	s9 =	ssub.s32 $0x2, s13;
	s7 =	sor.u32 s13, s7;
	s13 =	smul.u32 $0xA000, s13  }
0x9: {  	s21 =	sshrl.u32 s12, $0x3;
	s10 =	sshrl.u32 s9, $0x1;
	s11 =	smul.u32 $0xA00, s7  }
0xa: {  	s8 =	sshrl.u32 s8, $0x2;
	s7 =	smul.u32 $0xA000, s7;
	s5 =	sadd.s32 s21, s4  }
0xb: {  	s6 =	sadd.s32 s12, s6;
	s17 =	ssub.s32 s9, s10;
	s18 =	sadd.s32 s8, s2  }
0xc: {  	s28 =	sadd.s32 s20, s19;
	s12 =	sadd.s32 s12, s14;
	s19 =	simm.s32 $0x14080  }
0xd: {  	s20 =	simm.s32 $0x18100;
	s21 =	simm.s32 $0x1;
	s6 =	sshrl.u32 s6, $0x3  }
0xe: {  	s23 =	sshrl.u32 s11, $0x3;
	s7 =	sadd.s32 s14, s7;
	s24 =	sor.u32 $0x80, s11  }
0xf: {  	s11 =	smax.u32 s17, $0x1;
	s29 =	sor.u32 $0x180, s28;
	s12 =	sadd.s32 s13, s12  }
0x10: {  	s17 =	simm.s32 $0x14000;
	s16 =	sadd.s32 s6, s4;
	s4 =	sadd.s32 $0x2F200, s5  }
0x11: {  	s5 =	sor.u32 $0x1C05, s22;
	s6 =	sadd.s32 s15, s23;
	s25 =	sshrl.u32 s24, $0x3  }
0x12: {  	s26 =	sshll.u32 s24, $0x4;
	s30 =	sshrl.u32 s29, $0x3;
	s12 =	sadd.s32 $0x1800, s12  }
0x13: {  	s22 =	simm.s32 $0x80;
	s23 =	simm.s32 $0x2;
	s24 =	simm.s32 $0x3  }
0x14: {  	s8 =	sadd.s32 s15, s25;
	s9 =	sadd.s32 s14, s26;
	s10 =	sadd.s32 $0x1E7200, s16  }
0x15: {  	s16 =	sor.u32 $0x100, s28;
	s13 =	sadd.s32 s30, s15;
	s25 =	simm.s32 $0x4  }
0x16: {  	s26 =	simm.s32 $0x0;
	s31 =	sshrl.u32 s16, $0x3;
	s16 =	simm.s32 $0x5  }
0x17: {  	s14 =	sadd.s32 s31, s15;
	s15 =	sshrl.u32 s18, $0x3;
	s18 =	simm.s32 $0x14100  }
.LBB2_1:
0x18: {  	[spmem:s15], [sflag:s5] =	dma.local [hbm:s4], $0x2800  }
0x19: {  	_ =	swait.ge [sflag:s16], $0x2800  }
0x1a: {  	[sflag:s16] =	ssyncset.done $0x0  }
0x1b: {  	[sflag:s16] =	ssyncadd.s32 $0xFFFFD800  }
0x1c: {  	[bflag:$0x0] =	sbarrier.arrive $0xFFFF  }
0x1d: {  	[tilespmem:s17], [sflag:$0x1] =	stream.linear.gather [hbm4b:s6+s3], $0x80, $0x38;
	[tilespmem:$0x1C100] =	vst v63  }
0x1e: {  	_ = 	snop  }
0x1f: {  	[tilespmem:s18], [sflag:$0x1] =	stream.linear.gather [hbm4b:s7+s3], $0x4000, $0x38;
	[tilespmem:$0x1C100] =	vst v63  }
0x20: {  	_ = 	snop  }
0x21: {  	[tilespmem:s19], [sflag:$0x2] =	stream.linear.gather [hbm4b:s8+s3], $0x80, $0x38;
	[tilespmem:$0x1C100] =	vst v63  }
0x22: {  	_ = 	snop  }
0x23: {  	[tilespmem:s20], [sflag:$0x2] =	stream.linear.gather [hbm4b:s9+s3], $0x4000, $0x38;
	[tilespmem:$0x1C100] =	vst v63  }
0x24: {  	_ =	swait.ge [sflag:s21], $0x80  }
0x25: {  	[sflag:s21] =	ssyncset.done $0x0  }
0x26: {  	[sflag:s21] =	ssyncadd.s32 $0xFFFFFF80  }
0x27: {  	_ =	swait.ge [sflag:s21], $0x4000  }
0x28: {  	[sflag:s21] =	ssyncset.done $0x0  }
0x29: {  	[sflag:s21] =	ssyncadd.s32 $0xFFFFC000  }
0x2a: {  	[spmem:s2] =	stream.indirect.scatter.add.f32 [tilespmem:s18], [sflag:$0x3], $0x80, s17, s22, $0xb8;
	[tilespmem:$0x1C100] =	vst v63  }
0x2b: {  	_ =	swait.ge [sflag:s23], $0x80  }
0x2c: {  	[sflag:s23] =	ssyncset.done $0x0  }
0x2d: {  	[sflag:s23] =	ssyncadd.s32 $0xFFFFFF80  }
0x2e: {  	_ =	swait.ge [sflag:s23], $0x4000  }
0x2f: {  	[sflag:s23] =	ssyncset.done $0x0  }
0x30: {  	[sflag:s23] =	ssyncadd.s32 $0xFFFFC000  }
0x31: {  	[spmem:s2] =	stream.indirect.scatter.add.f32 [tilespmem:s20], [sflag:$0x4], $0x80, s19, s22, $0xb8;
	[tilespmem:$0x1C100] =	vst v63  }
0x32: {  	_ =	swait.ge [sflag:s24], $0x4000  }
0x33: {  	[sflag:s24] =	ssyncset.done $0x0  }
0x34: {  	s28 =	sadd.s32 $0x0, s14;
	[sflag:s24] =	ssyncadd.s32 $0xFFFFC000  }
0x35: {  	[tilespmem:s17], [sflag:$0x1] =	stream.linear.gather [hbm4b:s28+s3], $0x80, $0x38;
	[tilespmem:$0x1C100] =	vst v63  }
0x36: {  	s28 =	sadd.s32 $0xFFFFF800, s12  }
0x37: {  	[tilespmem:s18], [sflag:$0x1] =	stream.linear.gather [hbm4b:s28+s3], $0x4000, $0x38;
	[tilespmem:$0x1C100] =	vst v63  }
0x38: {  	_ =	swait.ge [sflag:s25], $0x4000  }
0x39: {  	[sflag:s25] =	ssyncset.done $0x0  }
0x3a: {  	s28 =	sadd.s32 $0x0, s13;
	[sflag:s25] =	ssyncadd.s32 $0xFFFFC000  }
0x3b: {  	[tilespmem:s19], [sflag:$0x2] =	stream.linear.gather [hbm4b:s28+s3], $0x80, $0x38;
	[tilespmem:$0x1C100] =	vst v63  }
0x3c: {  	s29 =	sadd.s32 $0x1000, s12;
	s30 =	smov.u32 s12;
	s28 =	simm.s32 $0x20  }
.LBB2_2:
0x3d: {  	[tilespmem:s20], [sflag:$0x2] =	stream.linear.gather [hbm4b:s30+s3], $0x4000, $0x38;
	[tilespmem:$0x1C100] =	vst v63  }
0x3e: {  	s31 =	smov.u32 s28;
	s30 =	smov.u32 s29  }
0x3f: {  	p0 =	sne.s32 s28, $0x100;
	s28 =	sadd.s32 $0x20, s28;
	_ =	swait.ge [sflag:s21], $0x80  }
0x40: {  	[sflag:s21] =	ssyncset.done $0x0  }
0x41: {  	[sflag:s21] =	ssyncadd.s32 $0xFFFFFF80  }
0x42: {  	_ =	swait.ge [sflag:s21], $0x4000  }
0x43: {  	[sflag:s21] =	ssyncset.done $0x0  }
0x44: {  	[sflag:s21] =	ssyncadd.s32 $0xFFFFC000  }
0x45: {  	[spmem:s2] =	stream.indirect.scatter.add.f32 [tilespmem:s18], [sflag:$0x3], $0x80, s17, s22, $0xb8;
	[tilespmem:$0x1C100] =	vst v63  }
0x46: {  	_ =	swait.ge [sflag:s23], $0x80  }
0x47: {  	[sflag:s23] =	ssyncset.done $0x0  }
0x48: {  	[sflag:s23] =	ssyncadd.s32 $0xFFFFFF80  }
0x49: {  	_ =	swait.ge [sflag:s23], $0x4000  }
0x4a: {  	[sflag:s23] =	ssyncset.done $0x0  }
0x4b: {  	[sflag:s23] =	ssyncadd.s32 $0xFFFFC000  }
0x4c: {  	[spmem:s2] =	stream.indirect.scatter.add.f32 [tilespmem:s20], [sflag:$0x4], $0x80, s19, s22, $0xb8;
	[tilespmem:$0x1C100] =	vst v63  }
0x4d: {  	_ =	swait.ge [sflag:s24], $0x4000  }
0x4e: {  	[sflag:s24] =	ssyncset.done $0x0  }
0x4f: {  	s0 =	sadd.s32 s31, s14;
	[sflag:s24] =	ssyncadd.s32 $0xFFFFC000  }
0x50: {  	[tilespmem:s17], [sflag:$0x1] =	stream.linear.gather [hbm4b:s0+s3], $0x80, $0x38;
	[tilespmem:$0x1C100] =	vst v63  }
0x51: {  	s0 =	sadd.s32 $0xFFFFF800, s29  }
0x52: {  	[tilespmem:s18], [sflag:$0x1] =	stream.linear.gather [hbm4b:s0+s3], $0x4000, $0x38;
	[tilespmem:$0x1C100] =	vst v63  }
.Ltmp0:
0x53: {  	_ =	swait.ge [sflag:s25], $0x4000;
	(pc) =	sbr.rel @p0 .LBB2_2-.Ltmp0, $4  }
0x54: {  	[sflag:s25] =	ssyncset.done $0x0  }
0x55: {  	s0 =	sadd.s32 s31, s13;
	[sflag:s25] =	ssyncadd.s32 $0xFFFFC000  }
0x56: {  	[tilespmem:s19], [sflag:$0x2] =	stream.linear.gather [hbm4b:s0+s3], $0x80, $0x38;
	[tilespmem:$0x1C100] =	vst v63  }
0x57: {  	s29 =	sadd.s32 $0x1000, s29  }
0x58: {  	[tilespmem:s20], [sflag:$0x2] =	stream.linear.gather [hbm4b:s30+s3], $0x4000, $0x38;
	[tilespmem:$0x1C100] =	vst v63  }
0x59: {  	_ =	swait.ge [sflag:s21], $0x80  }
0x5a: {  	[sflag:s21] =	ssyncset.done $0x0  }
0x5b: {  	[sflag:s21] =	ssyncadd.s32 $0xFFFFFF80  }
0x5c: {  	_ =	swait.ge [sflag:s21], $0x4000  }
0x5d: {  	[sflag:s21] =	ssyncset.done $0x0  }
0x5e: {  	[sflag:s21] =	ssyncadd.s32 $0xFFFFC000  }
0x5f: {  	[spmem:s2] =	stream.indirect.scatter.add.f32 [tilespmem:s18], [sflag:$0x3], $0x80, s17, s22, $0xb8;
	[tilespmem:$0x1C100] =	vst v63  }
0x60: {  	_ =	swait.ge [sflag:s23], $0x80  }
0x61: {  	[sflag:s23] =	ssyncset.done $0x0  }
0x62: {  	[sflag:s23] =	ssyncadd.s32 $0xFFFFFF80  }
0x63: {  	_ =	swait.ge [sflag:s23], $0x4000  }
0x64: {  	[sflag:s23] =	ssyncset.done $0x0  }
0x65: {  	[sflag:s23] =	ssyncadd.s32 $0xFFFFC000  }
0x66: {  	[spmem:s2] =	stream.indirect.scatter.add.f32 [tilespmem:s20], [sflag:$0x4], $0x80, s19, s22, $0xb8;
	[tilespmem:$0x1C100] =	vst v63  }
0x67: {  	_ =	swait.ge [sflag:s24], $0x4000  }
0x68: {  	[sflag:s24] =	ssyncset.done $0x0  }
0x69: {  	[sflag:s24] =	ssyncadd.s32 $0xFFFFC000  }
0x6a: {  	_ =	swait.ge [sflag:s25], $0x4000  }
0x6b: {  	s26 =	sadd.s32 $0x1, s26;
	[sflag:s25] =	ssyncset.done $0x0  }
0x6c: {  	p0 =	sne.s32 s26, s11;
	[sflag:s25] =	ssyncadd.s32 $0xFFFFC000  }
.Ltmp1:
0x6d: {  	[bflag:$0x0] =	sbarrier.arrive $0xFFFF;
	(pc) =	sbr.rel @p0 .LBB2_1-.Ltmp1, $4  }
0x6e: {  	[hbm:s10], [sflag:s5] =	dma.local [spmem:s15], $0x2800  }
0x6f: {  	_ =	swait.ge [sflag:s16], $0x2800  }
0x70: {  	[sflag:s16] =	ssyncset.done $0x0  }
0x71: {  	[sflag:s16] =	ssyncadd.s32 $0xFFFFD800  }
0x72: {  	_ =	sfence.sel $0x180000  }
0x73: {  	[bflag:$0x0] =	sbarrier.arrive $0xFFFF  }
0x74: {  	_ =	strace $0x90000056  }
0x75: {  	[bflag:$0x2] =	sbarrier.arrive $0xFFFF  }
0x76: {  	p0 =	sne.s32 s1, $0x0;
	s0 =	rddreg [dreg:$0x2]  }
0x77: {  	s0 =	sadd.s32 @!p0 $0x100000, s0  }
0x78: {  	[sflag:s0] =	ssyncadd.tile.s32 @!p0 $0x1;
	_ =	shalt  }
.Lfunc_end2:
_tile_overlayer_lowered:
.L_overlay_start_2:
0x79: {  	(tag) =	ssettag $0x2  }
0x7a: {  	s0 =	rddreg [dreg:$0x0];
	s2 =	stileid.u32  }
0x7b: {  	s1 =	rddreg [dreg:$0x1];
	p0 =	sne.s32 s2, $0x0  }
0x7c: {  	s3 =	rddreg [dreg:$0x2];
	[bflag:$0x3] =	sbarrier.arrive $0xFFFF;
	s2 =	simm.s32 @!p0 $0x1C05  }
0x7d: {  	[timem:s3], [sflag:s2] =	dma.local @!p0 [hbm:s0], s1  }
0x7e: {  	s0 =	simm.s32 @!p0 $0x5  }
0x7f: {  	_ =	swait.ge @!p0 [sflag:s0], s1  }
0x80: {  	s1 =	ssub.s32 @!p0 $0x0, s1;
	[sflag:s0] =	ssyncset.done @!p0 $0x0  }
0x81: {  	[sflag:s0] =	ssyncadd.s32 @!p0 s1  }
0x82: {  	[bflag:$0x3] =	sbarrier.arrive $0xFFFF  }
0x83: {  	_ =	shalt  }

// kernel: kernel.34.cloned.1.call-start
scs
__scs_entry_jumppad:
0x0: {  	(pc) =	sbr.rel $0x88, $3  }
0x1: {  	(tag) =	ssettag $0x0;
	lr =	simm.s32 $0x1  }
0x2: {  	[smem:$0x3F91] =	sst lr;
	_ =	strace $0xD0000000  }
0x3: {  	_ = 	snop  }
0x4: {  	_ = 	snop  }
0x5: {  	_ = 	snop  }
0x6: {  	_ = 	snop  }
0x7: {  	_ = 	snop  }
__scs_overlays_trampoline_lowered:
0x8: {  	[smem:$0x3FA0] =	sst s0  }
0x9: {  	[smem:$0x3FA1] =	sst s1  }
0xa: {  	[smem:$0x3FA2] =	sst s2  }
0xb: {  	[smem:$0x3FA3] =	sst s3  }
0xc: {  	[smem:$0x3FA4] =	sst s4  }
0xd: {  	[smem:$0x3FA5] =	sst s5  }
0xe: {  	[smem:$0x3FA6] =	sst s6  }
0xf: {  	[smem:$0x3FA7] =	sst s7  }
0x10: {  	[smem:$0x3FA8] =	sst s8  }
0x11: {  	[smem:$0x3FA9] =	sst s9;
	s0 =	simm.s32 @!p0 $0x0  }
0x12: {  	s1 =	sld [smem:$0x3F8F];
	s0 =	simm.s32 @p0 $0x1  }
0x13: {  	[smem:$0x3FAA] =	sst s0;
	s0 =	simm.s32 @!p1 $0x0  }
0x14: {  	s2 =	sld [smem:$0x3F8E];
	s0 =	simm.s32 @p1 $0x1  }
0x15: {  	[smem:$0x3FAB] =	sst s0;
	s0 =	simm.s32 @!p2 $0x0  }
0x16: {  	s3 =	sld [smem:$0x3FDB];
	s0 =	simm.s32 @p2 $0x1  }
0x17: {  	s4 =	simm.s32 $0x1BF5;
	[smem:$0x3FAD] =	sst s0  }
0x18: {  	s0 =	sld [smem:$0x3F90];
	_ =	swait.ge [sflag:s4], $0x0  }
0x19: {  	s7 =	sld [smem:$0x3F91]  }
0x1a: {  	s8 =	sadd.s32 $0xFFFFE003, lr  }
0x1b: {  	s9 =	sadd.s32 $0xFFFFFEF7, lr;
	s5 =	simm.s32 $0xFFFFFFFF;
	p2 =	slt.u32 s8, $0xFFFFF086  }
0x1c: {  	p1 =	slt.u32 s9, $0xF7A;
	s5 =	simm.s32 @!p2 $0x0  }
0x1d: {  	s5 =	simm.s32 @p1 $0x1;
	p0 =	seq.s32 s7, s2  }
0x1e: {  	s7 =	smul.u32 @!p0 $0xF7A, s2;
	p2 =	seq.s32 @!p0 s5, $0x0  }
0x1f: {  	s9 =	smul.u32 $0xF7A, s1;
	s8 =	simm.s32 @!p0 $0x1BF5;
	p2 =	por !p2, p0  }
0x20: {  	[sflag:s8] =	ssyncset.s32 @!p0 $0xFFFFF086;
	s6 =	sadd.s32 @!p0 s3, s7;
	s7 =	simm.s32 @!p0 $0x108  }
0x21: {  	s3 =	sadd.s32 s3, s9;
	s6 =	sadd.s32 @!p0 $0x88, s6;
	s7 =	simm.s32 @p2 $0x1082  }
0x22: {  	[simem:s7], [sflag:s8] =	dma.local @!p0 [hbm:s6], $0xF7A  }
0x23: {  	s9 =	sor.u32 $0xD0000000, s2;
	s6 =	simm.s32 $0x108;
	_ =	swait.ge @!p0 [sflag:s8], $0x0  }
0x24: {  	s3 =	sadd.s32 $0x88, s3;
	s6 =	simm.s32 @!p1 $0x1082;
	[sflag:s4] =	ssyncset.s32 $0xFFFFF086  }
0x25: {  	[simem:s6], [sflag:s4] =	dma.local [hbm:s3], $0xF7A  }
0x26: {  	[smem:$0x3F91] =	sst s1;
	(tag) =	ssettag s2;
	_ =	strace s9  }
0x27: {  	s1 =	sld [smem:$0x3FA1]  }
0x28: {  	s2 =	sld [smem:$0x3FA2]  }
0x29: {  	s4 =	sld [smem:$0x3FA4]  }
0x2a: {  	p0 =	seq.s32 s5, $0x0;
	s5 =	sld [smem:$0x3FA5]  }
0x2b: {  	s6 =	sld [smem:$0x3FA6]  }
0x2c: {  	s7 =	sld [smem:$0x3FA7]  }
0x2d: {  	s3 =	simm.s32 $0x108;
	s8 =	sld [smem:$0x3FA8]  }
0x2e: {  	s3 =	simm.s32 @!p0 $0x1082;
	s9 =	sld [smem:$0x3FA9]  }
0x2f: {  	lr =	sadd.s32 s0, s3;
	s0 =	sld [smem:$0x3FA0]  }
0x30: {  	s3 =	sld [smem:$0x3FA3]  }
0x31: {  	[smem:$0x3FAC] =	sst s10  }
0x32: {  	s10 =	sld [smem:$0x3FAA];
	_ =	sdelay $0x3  }
0x33: {  	p0 =	seq.s32 s10, $0x1;
	s10 =	sld [smem:$0x3FAC];
	_ =	sdelay $0x3  }
0x34: {  	[smem:$0x3FAC] =	sst s10  }
0x35: {  	s10 =	sld [smem:$0x3FAB];
	_ =	sdelay $0x3  }
0x36: {  	p1 =	seq.s32 s10, $0x1;
	s10 =	sld [smem:$0x3FAC];
	_ =	sdelay $0x3  }
0x37: {  	[smem:$0x3FAC] =	sst s10  }
0x38: {  	s10 =	sld [smem:$0x3FAD]  }
0x39: {  	_ = 	snop;
	(pc) =	sbr.ind lr, $3  }
0x3a: {  	_ = 	snop  }
0x3b: {  	_ = 	snop  }
0x3c: {  	p2 =	seq.s32 s10, $0x1;
	s10 =	sld [smem:$0x3FAC]  }
0x3d: {  	_ =	shalt  }
0x3e: {  	_ =	shalt  }
0x3f: {  	_ =	shalt  }
0x40: {  	_ =	shalt  }
0x41: {  	_ =	shalt  }
0x42: {  	_ =	shalt  }
0x43: {  	_ =	shalt  }
0x44: {  	_ =	shalt  }
0x45: {  	_ =	shalt  }
0x46: {  	_ =	shalt  }
0x47: {  	_ =	shalt  }
0x48: {  	_ =	shalt  }
0x49: {  	_ =	shalt  }
0x4a: {  	_ =	shalt  }
0x4b: {  	_ =	shalt  }
0x4c: {  	_ =	shalt  }
0x4d: {  	_ =	shalt  }
0x4e: {  	_ =	shalt  }
0x4f: {  	_ =	shalt  }
0x50: {  	_ =	shalt  }
0x51: {  	_ =	shalt  }
0x52: {  	_ =	shalt  }
0x53: {  	_ =	shalt  }
0x54: {  	_ =	shalt  }
0x55: {  	_ =	shalt  }
0x56: {  	_ =	shalt  }
0x57: {  	_ =	shalt  }
0x58: {  	_ =	shalt  }
0x59: {  	_ =	shalt  }
0x5a: {  	_ =	shalt  }
0x5b: {  	_ =	shalt  }
0x5c: {  	_ =	shalt  }
0x5d: {  	_ =	shalt  }
0x5e: {  	_ =	shalt  }
0x5f: {  	_ =	shalt  }
0x60: {  	_ =	shalt  }
0x61: {  	_ =	shalt  }
0x62: {  	_ =	shalt  }
0x63: {  	_ =	shalt  }
0x64: {  	_ =	shalt  }
0x65: {  	_ =	shalt  }
0x66: {  	_ =	shalt  }
0x67: {  	_ =	shalt  }
0x68: {  	_ =	shalt  }
0x69: {  	_ =	shalt  }
0x6a: {  	_ =	shalt  }
0x6b: {  	_ =	shalt  }
0x6c: {  	_ =	shalt  }
0x6d: {  	_ =	shalt  }
0x6e: {  	_ =	shalt  }
0x6f: {  	_ =	shalt  }
0x70: {  	_ =	shalt  }
0x71: {  	_ =	shalt  }
0x72: {  	_ =	shalt  }
0x73: {  	_ =	shalt  }
0x74: {  	_ =	shalt  }
0x75: {  	_ =	shalt  }
0x76: {  	_ =	shalt  }
0x77: {  	_ =	shalt  }
0x78: {  	_ =	shalt  }
0x79: {  	_ =	shalt  }
0x7a: {  	_ =	shalt  }
0x7b: {  	_ =	shalt  }
0x7c: {  	_ =	shalt  }
0x7d: {  	_ =	shalt  }
0x7e: {  	_ =	shalt  }
0x7f: {  	_ =	shalt  }
0x80: {  	_ =	shalt  }
0x81: {  	_ =	shalt  }
0x82: {  	_ =	shalt  }
0x83: {  	_ =	shalt  }
0x84: {  	_ =	shalt  }
0x85: {  	_ =	shalt  }
0x86: {  	_ =	shalt  }
0x87: {  	_ =	shalt  }
.Lfunc_end0:
.L_simem_size_0:
called_computation.6_lowered:
.L_overlay_start_0:
0x88: {  	s2 =	sld [smem:$0x3FD9]  }
0x89: {  	s3 =	sld [smem:$0x3FFE];
	_ =	sdelay $0x1  }
0x8a: {  	s1 =	srdreg.scid  }
0x8b: {  	s0 =	sand.u32 $0x1, s1  }
0x8c: {  	s17 =	sshll.u32 s0, $0xA;
	s2 =	sadd.s32 s3, s2  }
0x8d: {  	s2 =	sadd.s32 s2, s17  }
0x8e: {  	[smem:$0x3FB8] =	sst s2  }
0x8f: {  	_ = 	snop  }
0x90: {  	(tm) =	ssettm $0x1  }
0x91: {  	s18 =	sld [smem:$0x3FFB];
	_ =	sdelay $0x3  }
0x92: {  	_ =	strace s18  }
0x93: {  	s2 =	sld [smem:$0x3FFC];
	_ =	sdelay $0x3  }
0x94: {  	_ =	strace s2  }
0x95: {  	s2 =	sld [smem:$0x3FFD];
	_ =	sdelay $0x3  }
0x96: {  	_ =	strace s2  }
0x97: {  	_ =	strace $0x8FFFFFFF  }
0x98: {  	s19 =	sld [smem:$0x3FDB];
	_ =	sdelay $0x1  }
0x99: {  	s20 =	simm.s32 $_scs_section_size  }
0x9a: {  	s4 =	simm.s32 $_size__tile_overlayer_lowered;
	s5 =	simm.s32 $_tile_overlayer_lowered  }
0x9b: {  	s6 =	simm.s32 $0x1BFF;
	s21 =	sshll.u32 s5, $0x1;
	s3 =	sadd.s32 s20, s19  }
0x9c: {  	s22 =	simm.s32 $0x0;
	s4 =	sshll.u32 s4, $0x1;
	s5 =	sadd.s32 s21, s3  }
0x9d: {  	[timem:s22], [sflag:s6] =	dma.local [hbm:s5], s4  }
0x9e: {  	_ =	swait.ge [sflag:s6], s4  }
0x9f: {  	s4 =	ssub.s32 $0x0, s4;
	[sflag:s6] =	ssyncset.done $0x0  }
0xa0: {  	[sflag:s6] =	ssyncadd.s32 s4;
	_ =	sdelay $0x1  }
0xa1: {  	s23 =	simm.s32 $0x1B8B  }
0xa2: {  	_ =	swait.ge [sflag:s23], $0x1  }
0xa3: {  	[sflag:s23] =	ssyncset.done $0x0  }
0xa4: {  	[sflag:s23] =	ssyncadd.s32 $0xFFFFFFFF  }
0xa5: {  	s4 =	sld [smem:$0x0]  }
0xa6: {  	s5 =	sand.u32 $0xFFFFFFFE, s1  }
0xa7: {  	p0 =	sne.s32 s1, s5  }
0xa8: {  	s5 =	sshll.u32 @p0 s5, $0xE  }
0xa9: {  	s5 =	sadd.s32 @p0 $0x11B8D, s5;
	s6 =	sshll.u32 @p0 s4, $0x11  }
0xaa: {  	s5 =	sor.u32 @p0 s6, s5  }
0xab: {  	[sflag:s5] =	ssyncadd.remote.s32 @p0 $0x1;
	_ =	sdelay $0x1  }
0xac: {  	s5 =	simm.s32 @p0 $0x1B8D  }
0xad: {  	_ =	swait.eq @p0 [sflag:s5], $0x1  }
0xae: {  	[sflag:s5] =	ssyncadd.s32 @p0 $0xFFFFFFFF  }
0xaf: {  	s6 =	sshll.u32 @!p0 s1, $0xE  }
0xb0: {  	s6 =	sor.u32 @!p0 $0x4000, s6;
	s5 =	simm.s32 @!p0 $0x1B8D  }
0xb1: {  	s4 =	sshll.u32 @!p0 s4, $0x11;
	s6 =	sadd.s32 @!p0 $0x11B8D, s6;
	_ =	swait.eq @!p0 [sflag:s5], $0x1  }
0xb2: {  	s4 =	sor.u32 @!p0 s4, s6;
	[sflag:s5] =	ssyncadd.s32 @!p0 $0xFFFFFFFF  }
0xb3: {  	s25 =	simm.s32 $0x1B8E;
	s24 =	sld [smem:$0x3FFE];
	[sflag:s4] =	ssyncadd.remote.s32 @!p0 $0x1  }
0xb4: {  	s26 =	simm.s32 $execute0_lowered;
	[smem:$0x3FD2] =	sst s25  }
0xb5: {  	s5 =	sshll.u32 s26, $0x1;
	_ =	strace $0x80000058;
	[dreg:$0x1] =	wrdreg $0xFFFFFFFF  }
0xb6: {  	s28 =	simm.s32 $_size_execute0_lowered;
	s3 =	sadd.s32 s3, s5;
	[dreg:$0x0] =	wrdreg $0x0  }
0xb7: {  	s5 =	sshll.u32 s28, $0x1;
	[dreg:$0x2] =	wrdreg s3  }
0xb8: {  	[dreg:$0x3] =	wrdreg s5  }
0xb9: {  	[dreg:$0x4] =	wrdreg $0xC0  }
0xba: {  	_ =	task [dreg:s22], $0x5FFFF  }
0xbb: {  	[dreg:$0x1] =	wrdreg $0xFFFFFFFF  }
0xbc: {  	[dreg:$0x0] =	wrdreg $0x60  }
0xbd: {  	[dreg:$0x2] =	wrdreg s24  }
0xbe: {  	[dreg:$0x3] =	wrdreg $0x0  }
0xbf: {  	[dreg:$0x4] =	wrdreg $0xB  }
0xc0: {  	_ =	task.clear_ibuf [dreg:s22], $0x5FFFF;
	_ =	strace $0x90000058  }
0xc1: {  	s29 =	simm.s32 $0xB;
	_ =	strace $0x8000005A  }
0xc2: {  	_ =	swait.ge [sflag:s29], $0x1  }
0xc3: {  	[sflag:s29] =	ssyncadd.s32 $0xFFFFFFFF  }
0xc4: {  	_ =	strace $0x9000005A  }
0xc5: {  	_ =	sfence  }
0xc6: {  	s30 =	sld [smem:$0x0];
	_ =	sdelay $0x2  }
0xc7: {  	s31 =	sshll.u32 s1, $0xD;
	s1 =	sshrl.u32 s1, $0x2  }
0xc8: {  	s4 =	sand.u32 $0x4000, s31;
	s1 =	sadd.s32 s1, s30  }
0xc9: {  	s0 =	sor.u32 s4, s0;
	s1 =	sshll.u32 s1, $0x11  }
0xca: {  	s0 =	sor.u32 s1, s0  }
0xcb: {  	s0 =	sadd.s32 $0x8F2B, s0  }
0xcc: {  	[sflag:s0] =	ssyncadd.remote.s32 $0x1  }
0xcd: {  	_ =	sfence.sel $0xFFFF  }
0xce: {  	[dreg:$0x0] =	wrdreg $0xFFFFFFFF;
	(pc) =	sbr.abs _section_cstart, $3  }
0xcf: {  	[dreg:$0x1] =	wrdreg $0xFFFFFFFF  }
0xd0: {  	_ =	task.clear_ibuf [dreg:s22], $0x2FFFF;
	_ =	strace $0x9FFFFFFF  }
0xd1: {  	(tm) =	ssettm $0x7FFFFFFF  }
tec
execute0_lowered:
.L_overlay_start_1:
0x0: {  	(tag) =	ssettag $0x1  }
0x1: {  	s4 =	rddreg [dreg:$0x0]  }
0x2: {  	s2 =	rddreg [dreg:$0x1];
	s1 =	stileid.u32  }
0x3: {  	s3 =	simm.s32 $0x0;
	s5 =	srdreg.scid;
	s12 =	smul.u32 $0x14000, s1  }
0x4: {  	[smem:$0x7FF] =	sst s3;
	s8 =	smul.u32 $0x50000, s1  }
0x5: {  	s13 =	sand.u32 $0x1, s5;
	s14 =	sadd.s32 $0x2B9200, s4;
	s19 =	smul.u32 $0x1400, s1  }
0x6: {  	s15 =	sadd.s32 $0x2B6A00, s4;
	s7 =	sshll.u32 s1, $0x1;
	s6 =	smul.u32 $0x140000, s13  }
0x7: {  	s22 =	sshll.u32 s1, $0x6;
	_ =	strace $0x80000059;
	s20 =	smul.u32 $0xA00, s13  }
0x8: {  	s9 =	ssub.s32 $0x2, s13;
	s7 =	sor.u32 s13, s7;
	s13 =	smul.u32 $0xA000, s13  }
0x9: {  	s21 =	sshrl.u32 s12, $0x3;
	s10 =	sshrl.u32 s9, $0x1;
	s11 =	smul.u32 $0xA00, s7  }
0xa: {  	s8 =	sshrl.u32 s8, $0x2;
	s7 =	smul.u32 $0xA000, s7;
	s5 =	sadd.s32 s21, s4  }
0xb: {  	s6 =	sadd.s32 s12, s6;
	s17 =	ssub.s32 s9, s10;
	s18 =	sadd.s32 s8, s2  }
0xc: {  	s28 =	sadd.s32 s20, s19;
	s12 =	sadd.s32 s12, s14;
	s19 =	simm.s32 $0x14080  }
0xd: {  	s20 =	simm.s32 $0x18100;
	s21 =	simm.s32 $0x1;
	s6 =	sshrl.u32 s6, $0x3  }
0xe: {  	s23 =	sshrl.u32 s11, $0x3;
	s7 =	sadd.s32 s14, s7;
	s24 =	sor.u32 $0x80, s11  }
0xf: {  	s11 =	smax.u32 s17, $0x1;
	s29 =	sor.u32 $0x180, s28;
	s12 =	sadd.s32 s13, s12  }
0x10: {  	s17 =	simm.s32 $0x14000;
	s16 =	sadd.s32 s6, s4;
	s4 =	sadd.s32 $0x2F200, s5  }
0x11: {  	s5 =	sor.u32 $0x1C05, s22;
	s6 =	sadd.s32 s15, s23;
	s25 =	sshrl.u32 s24, $0x3  }
0x12: {  	s26 =	sshll.u32 s24, $0x4;
	s30 =	sshrl.u32 s29, $0x3;
	s12 =	sadd.s32 $0x1800, s12  }
0x13: {  	s22 =	simm.s32 $0x80;
	s23 =	simm.s32 $0x2;
	s24 =	simm.s32 $0x3  }
0x14: {  	s8 =	sadd.s32 s15, s25;
	s9 =	sadd.s32 s14, s26;
	s10 =	sadd.s32 $0x237200, s16  }
0x15: {  	s16 =	sor.u32 $0x100, s28;
	s13 =	sadd.s32 s30, s15;
	s25 =	simm.s32 $0x4  }
0x16: {  	s26 =	simm.s32 $0x0;
	s31 =	sshrl.u32 s16, $0x3;
	s16 =	simm.s32 $0x5  }
0x17: {  	s14 =	sadd.s32 s31, s15;
	s15 =	sshrl.u32 s18, $0x3;
	s18 =	simm.s32 $0x14100  }
.LBB2_1:
0x18: {  	[spmem:s15], [sflag:s5] =	dma.local [hbm:s4], $0x2800  }
0x19: {  	_ =	swait.ge [sflag:s16], $0x2800  }
0x1a: {  	[sflag:s16] =	ssyncset.done $0x0  }
0x1b: {  	[sflag:s16] =	ssyncadd.s32 $0xFFFFD800  }
0x1c: {  	[bflag:$0x0] =	sbarrier.arrive $0xFFFF  }
0x1d: {  	[tilespmem:s17], [sflag:$0x1] =	stream.linear.gather [hbm4b:s6+s3], $0x80, $0x38;
	[tilespmem:$0x1C100] =	vst v63  }
0x1e: {  	_ = 	snop  }
0x1f: {  	[tilespmem:s18], [sflag:$0x1] =	stream.linear.gather [hbm4b:s7+s3], $0x4000, $0x38;
	[tilespmem:$0x1C100] =	vst v63  }
0x20: {  	_ = 	snop  }
0x21: {  	[tilespmem:s19], [sflag:$0x2] =	stream.linear.gather [hbm4b:s8+s3], $0x80, $0x38;
	[tilespmem:$0x1C100] =	vst v63  }
0x22: {  	_ = 	snop  }
0x23: {  	[tilespmem:s20], [sflag:$0x2] =	stream.linear.gather [hbm4b:s9+s3], $0x4000, $0x38;
	[tilespmem:$0x1C100] =	vst v63  }
0x24: {  	_ =	swait.ge [sflag:s21], $0x80  }
0x25: {  	[sflag:s21] =	ssyncset.done $0x0  }
0x26: {  	[sflag:s21] =	ssyncadd.s32 $0xFFFFFF80  }
0x27: {  	_ =	swait.ge [sflag:s21], $0x4000  }
0x28: {  	[sflag:s21] =	ssyncset.done $0x0  }
0x29: {  	[sflag:s21] =	ssyncadd.s32 $0xFFFFC000  }
0x2a: {  	[spmem:s2] =	stream.indirect.scatter.add.f32 [tilespmem:s18], [sflag:$0x3], $0x80, s17, s22, $0xb8;
	[tilespmem:$0x1C100] =	vst v63  }
0x2b: {  	_ =	swait.ge [sflag:s23], $0x80  }
0x2c: {  	[sflag:s23] =	ssyncset.done $0x0  }
0x2d: {  	[sflag:s23] =	ssyncadd.s32 $0xFFFFFF80  }
0x2e: {  	_ =	swait.ge [sflag:s23], $0x4000  }
0x2f: {  	[sflag:s23] =	ssyncset.done $0x0  }
0x30: {  	[sflag:s23] =	ssyncadd.s32 $0xFFFFC000  }
0x31: {  	[spmem:s2] =	stream.indirect.scatter.add.f32 [tilespmem:s20], [sflag:$0x4], $0x80, s19, s22, $0xb8;
	[tilespmem:$0x1C100] =	vst v63  }
0x32: {  	_ =	swait.ge [sflag:s24], $0x4000  }
0x33: {  	[sflag:s24] =	ssyncset.done $0x0  }
0x34: {  	s28 =	sadd.s32 $0x0, s14;
	[sflag:s24] =	ssyncadd.s32 $0xFFFFC000  }
0x35: {  	[tilespmem:s17], [sflag:$0x1] =	stream.linear.gather [hbm4b:s28+s3], $0x80, $0x38;
	[tilespmem:$0x1C100] =	vst v63  }
0x36: {  	s28 =	sadd.s32 $0xFFFFF800, s12  }
0x37: {  	[tilespmem:s18], [sflag:$0x1] =	stream.linear.gather [hbm4b:s28+s3], $0x4000, $0x38;
	[tilespmem:$0x1C100] =	vst v63  }
0x38: {  	_ =	swait.ge [sflag:s25], $0x4000  }
0x39: {  	[sflag:s25] =	ssyncset.done $0x0  }
0x3a: {  	s28 =	sadd.s32 $0x0, s13;
	[sflag:s25] =	ssyncadd.s32 $0xFFFFC000  }
0x3b: {  	[tilespmem:s19], [sflag:$0x2] =	stream.linear.gather [hbm4b:s28+s3], $0x80, $0x38;
	[tilespmem:$0x1C100] =	vst v63  }
0x3c: {  	s29 =	sadd.s32 $0x1000, s12;
	s30 =	smov.u32 s12;
	s28 =	simm.s32 $0x20  }
.LBB2_2:
0x3d: {  	[tilespmem:s20], [sflag:$0x2] =	stream.linear.gather [hbm4b:s30+s3], $0x4000, $0x38;
	[tilespmem:$0x1C100] =	vst v63  }
0x3e: {  	s31 =	smov.u32 s28;
	s30 =	smov.u32 s29  }
0x3f: {  	p0 =	sne.s32 s28, $0x100;
	s28 =	sadd.s32 $0x20, s28;
	_ =	swait.ge [sflag:s21], $0x80  }
0x40: {  	[sflag:s21] =	ssyncset.done $0x0  }
0x41: {  	[sflag:s21] =	ssyncadd.s32 $0xFFFFFF80  }
0x42: {  	_ =	swait.ge [sflag:s21], $0x4000  }
0x43: {  	[sflag:s21] =	ssyncset.done $0x0  }
0x44: {  	[sflag:s21] =	ssyncadd.s32 $0xFFFFC000  }
0x45: {  	[spmem:s2] =	stream.indirect.scatter.add.f32 [tilespmem:s18], [sflag:$0x3], $0x80, s17, s22, $0xb8;
	[tilespmem:$0x1C100] =	vst v63  }
0x46: {  	_ =	swait.ge [sflag:s23], $0x80  }
0x47: {  	[sflag:s23] =	ssyncset.done $0x0  }
0x48: {  	[sflag:s23] =	ssyncadd.s32 $0xFFFFFF80  }
0x49: {  	_ =	swait.ge [sflag:s23], $0x4000  }
0x4a: {  	[sflag:s23] =	ssyncset.done $0x0  }
0x4b: {  	[sflag:s23] =	ssyncadd.s32 $0xFFFFC000  }
0x4c: {  	[spmem:s2] =	stream.indirect.scatter.add.f32 [tilespmem:s20], [sflag:$0x4], $0x80, s19, s22, $0xb8;
	[tilespmem:$0x1C100] =	vst v63  }
0x4d: {  	_ =	swait.ge [sflag:s24], $0x4000  }
0x4e: {  	[sflag:s24] =	ssyncset.done $0x0  }
0x4f: {  	s0 =	sadd.s32 s31, s14;
	[sflag:s24] =	ssyncadd.s32 $0xFFFFC000  }
0x50: {  	[tilespmem:s17], [sflag:$0x1] =	stream.linear.gather [hbm4b:s0+s3], $0x80, $0x38;
	[tilespmem:$0x1C100] =	vst v63  }
0x51: {  	s0 =	sadd.s32 $0xFFFFF800, s29  }
0x52: {  	[tilespmem:s18], [sflag:$0x1] =	stream.linear.gather [hbm4b:s0+s3], $0x4000, $0x38;
	[tilespmem:$0x1C100] =	vst v63  }
.Ltmp0:
0x53: {  	_ =	swait.ge [sflag:s25], $0x4000;
	(pc) =	sbr.rel @p0 .LBB2_2-.Ltmp0, $4  }
0x54: {  	[sflag:s25] =	ssyncset.done $0x0  }
0x55: {  	s0 =	sadd.s32 s31, s13;
	[sflag:s25] =	ssyncadd.s32 $0xFFFFC000  }
0x56: {  	[tilespmem:s19], [sflag:$0x2] =	stream.linear.gather [hbm4b:s0+s3], $0x80, $0x38;
	[tilespmem:$0x1C100] =	vst v63  }
0x57: {  	s29 =	sadd.s32 $0x1000, s29  }
0x58: {  	[tilespmem:s20], [sflag:$0x2] =	stream.linear.gather [hbm4b:s30+s3], $0x4000, $0x38;
	[tilespmem:$0x1C100] =	vst v63  }
0x59: {  	_ =	swait.ge [sflag:s21], $0x80  }
0x5a: {  	[sflag:s21] =	ssyncset.done $0x0  }
0x5b: {  	[sflag:s21] =	ssyncadd.s32 $0xFFFFFF80  }
0x5c: {  	_ =	swait.ge [sflag:s21], $0x4000  }
0x5d: {  	[sflag:s21] =	ssyncset.done $0x0  }
0x5e: {  	[sflag:s21] =	ssyncadd.s32 $0xFFFFC000  }
0x5f: {  	[spmem:s2] =	stream.indirect.scatter.add.f32 [tilespmem:s18], [sflag:$0x3], $0x80, s17, s22, $0xb8;
	[tilespmem:$0x1C100] =	vst v63  }
0x60: {  	_ =	swait.ge [sflag:s23], $0x80  }
0x61: {  	[sflag:s23] =	ssyncset.done $0x0  }
0x62: {  	[sflag:s23] =	ssyncadd.s32 $0xFFFFFF80  }
0x63: {  	_ =	swait.ge [sflag:s23], $0x4000  }
0x64: {  	[sflag:s23] =	ssyncset.done $0x0  }
0x65: {  	[sflag:s23] =	ssyncadd.s32 $0xFFFFC000  }
0x66: {  	[spmem:s2] =	stream.indirect.scatter.add.f32 [tilespmem:s20], [sflag:$0x4], $0x80, s19, s22, $0xb8;
	[tilespmem:$0x1C100] =	vst v63  }
0x67: {  	_ =	swait.ge [sflag:s24], $0x4000  }
0x68: {  	[sflag:s24] =	ssyncset.done $0x0  }
0x69: {  	[sflag:s24] =	ssyncadd.s32 $0xFFFFC000  }
0x6a: {  	_ =	swait.ge [sflag:s25], $0x4000  }
0x6b: {  	s26 =	sadd.s32 $0x1, s26;
	[sflag:s25] =	ssyncset.done $0x0  }
0x6c: {  	p0 =	sne.s32 s26, s11;
	[sflag:s25] =	ssyncadd.s32 $0xFFFFC000  }
.Ltmp1:
0x6d: {  	[bflag:$0x0] =	sbarrier.arrive $0xFFFF;
	(pc) =	sbr.rel @p0 .LBB2_1-.Ltmp1, $4  }
0x6e: {  	[hbm:s10], [sflag:s5] =	dma.local [spmem:s15], $0x2800  }
0x6f: {  	_ =	swait.ge [sflag:s16], $0x2800  }
0x70: {  	[sflag:s16] =	ssyncset.done $0x0  }
0x71: {  	[sflag:s16] =	ssyncadd.s32 $0xFFFFD800  }
0x72: {  	_ =	sfence.sel $0x180000  }
0x73: {  	[bflag:$0x0] =	sbarrier.arrive $0xFFFF  }
0x74: {  	_ =	strace $0x90000059  }
0x75: {  	[bflag:$0x2] =	sbarrier.arrive $0xFFFF  }
0x76: {  	p0 =	sne.s32 s1, $0x0;
	s0 =	rddreg [dreg:$0x2]  }
0x77: {  	s0 =	sadd.s32 @!p0 $0x100000, s0  }
0x78: {  	[sflag:s0] =	ssyncadd.tile.s32 @!p0 $0x1;
	_ =	shalt  }
.Lfunc_end2:
_tile_overlayer_lowered:
.L_overlay_start_2:
0x79: {  	(tag) =	ssettag $0x2  }
0x7a: {  	s0 =	rddreg [dreg:$0x0];
	s2 =	stileid.u32  }
0x7b: {  	s1 =	rddreg [dreg:$0x1];
	p0 =	sne.s32 s2, $0x0  }
0x7c: {  	s3 =	rddreg [dreg:$0x2];
	[bflag:$0x3] =	sbarrier.arrive $0xFFFF;
	s2 =	simm.s32 @!p0 $0x1C05  }
0x7d: {  	[timem:s3], [sflag:s2] =	dma.local @!p0 [hbm:s0], s1  }
0x7e: {  	s0 =	simm.s32 @!p0 $0x5  }
0x7f: {  	_ =	swait.ge @!p0 [sflag:s0], s1  }
0x80: {  	s1 =	ssub.s32 @!p0 $0x0, s1;
	[sflag:s0] =	ssyncset.done @!p0 $0x0  }
0x81: {  	[sflag:s0] =	ssyncadd.s32 @!p0 s1  }
0x82: {  	[bflag:$0x3] =	sbarrier.arrive $0xFFFF  }
0x83: {  	_ =	shalt  }

// kernel: kernel.37.cloned.1.call-start
scs
__scs_entry_jumppad:
0x0: {  	(pc) =	sbr.rel $0x88, $3  }
0x1: {  	(tag) =	ssettag $0x0;
	lr =	simm.s32 $0x1  }
0x2: {  	[smem:$0x3F91] =	sst lr;
	_ =	strace $0xD0000000  }
0x3: {  	_ = 	snop  }
0x4: {  	_ = 	snop  }
0x5: {  	_ = 	snop  }
0x6: {  	_ = 	snop  }
0x7: {  	_ = 	snop  }
__scs_overlays_trampoline_lowered:
0x8: {  	[smem:$0x3FA0] =	sst s0  }
0x9: {  	[smem:$0x3FA1] =	sst s1  }
0xa: {  	[smem:$0x3FA2] =	sst s2  }
0xb: {  	[smem:$0x3FA3] =	sst s3  }
0xc: {  	[smem:$0x3FA4] =	sst s4  }
0xd: {  	[smem:$0x3FA5] =	sst s5  }
0xe: {  	[smem:$0x3FA6] =	sst s6  }
0xf: {  	[smem:$0x3FA7] =	sst s7  }
0x10: {  	[smem:$0x3FA8] =	sst s8  }
0x11: {  	[smem:$0x3FA9] =	sst s9;
	s0 =	simm.s32 @!p0 $0x0  }
0x12: {  	s1 =	sld [smem:$0x3F8F];
	s0 =	simm.s32 @p0 $0x1  }
0x13: {  	[smem:$0x3FAA] =	sst s0;
	s0 =	simm.s32 @!p1 $0x0  }
0x14: {  	s2 =	sld [smem:$0x3F8E];
	s0 =	simm.s32 @p1 $0x1  }
0x15: {  	[smem:$0x3FAB] =	sst s0;
	s0 =	simm.s32 @!p2 $0x0  }
0x16: {  	s3 =	sld [smem:$0x3FDB];
	s0 =	simm.s32 @p2 $0x1  }
0x17: {  	s4 =	simm.s32 $0x1BF5;
	[smem:$0x3FAD] =	sst s0  }
0x18: {  	s0 =	sld [smem:$0x3F90];
	_ =	swait.ge [sflag:s4], $0x0  }
0x19: {  	s7 =	sld [smem:$0x3F91]  }
0x1a: {  	s8 =	sadd.s32 $0xFFFFE003, lr  }
0x1b: {  	s9 =	sadd.s32 $0xFFFFFEF7, lr;
	s5 =	simm.s32 $0xFFFFFFFF;
	p2 =	slt.u32 s8, $0xFFFFF086  }
0x1c: {  	p1 =	slt.u32 s9, $0xF7A;
	s5 =	simm.s32 @!p2 $0x0  }
0x1d: {  	s5 =	simm.s32 @p1 $0x1;
	p0 =	seq.s32 s7, s2  }
0x1e: {  	s7 =	smul.u32 @!p0 $0xF7A, s2;
	p2 =	seq.s32 @!p0 s5, $0x0  }
0x1f: {  	s9 =	smul.u32 $0xF7A, s1;
	s8 =	simm.s32 @!p0 $0x1BF5;
	p2 =	por !p2, p0  }
0x20: {  	[sflag:s8] =	ssyncset.s32 @!p0 $0xFFFFF086;
	s6 =	sadd.s32 @!p0 s3, s7;
	s7 =	simm.s32 @!p0 $0x108  }
0x21: {  	s3 =	sadd.s32 s3, s9;
	s6 =	sadd.s32 @!p0 $0x88, s6;
	s7 =	simm.s32 @p2 $0x1082  }
0x22: {  	[simem:s7], [sflag:s8] =	dma.local @!p0 [hbm:s6], $0xF7A  }
0x23: {  	s9 =	sor.u32 $0xD0000000, s2;
	s6 =	simm.s32 $0x108;
	_ =	swait.ge @!p0 [sflag:s8], $0x0  }
0x24: {  	s3 =	sadd.s32 $0x88, s3;
	s6 =	simm.s32 @!p1 $0x1082;
	[sflag:s4] =	ssyncset.s32 $0xFFFFF086  }
0x25: {  	[simem:s6], [sflag:s4] =	dma.local [hbm:s3], $0xF7A  }
0x26: {  	[smem:$0x3F91] =	sst s1;
	(tag) =	ssettag s2;
	_ =	strace s9  }
0x27: {  	s1 =	sld [smem:$0x3FA1]  }
0x28: {  	s2 =	sld [smem:$0x3FA2]  }
0x29: {  	s4 =	sld [smem:$0x3FA4]  }
0x2a: {  	p0 =	seq.s32 s5, $0x0;
	s5 =	sld [smem:$0x3FA5]  }
0x2b: {  	s6 =	sld [smem:$0x3FA6]  }
0x2c: {  	s7 =	sld [smem:$0x3FA7]  }
0x2d: {  	s3 =	simm.s32 $0x108;
	s8 =	sld [smem:$0x3FA8]  }
0x2e: {  	s3 =	simm.s32 @!p0 $0x1082;
	s9 =	sld [smem:$0x3FA9]  }
0x2f: {  	lr =	sadd.s32 s0, s3;
	s0 =	sld [smem:$0x3FA0]  }
0x30: {  	s3 =	sld [smem:$0x3FA3]  }
0x31: {  	[smem:$0x3FAC] =	sst s10  }
0x32: {  	s10 =	sld [smem:$0x3FAA];
	_ =	sdelay $0x3  }
0x33: {  	p0 =	seq.s32 s10, $0x1;
	s10 =	sld [smem:$0x3FAC];
	_ =	sdelay $0x3  }
0x34: {  	[smem:$0x3FAC] =	sst s10  }
0x35: {  	s10 =	sld [smem:$0x3FAB];
	_ =	sdelay $0x3  }
0x36: {  	p1 =	seq.s32 s10, $0x1;
	s10 =	sld [smem:$0x3FAC];
	_ =	sdelay $0x3  }
0x37: {  	[smem:$0x3FAC] =	sst s10  }
0x38: {  	s10 =	sld [smem:$0x3FAD]  }
0x39: {  	_ = 	snop;
	(pc) =	sbr.ind lr, $3  }
0x3a: {  	_ = 	snop  }
0x3b: {  	_ = 	snop  }
0x3c: {  	p2 =	seq.s32 s10, $0x1;
	s10 =	sld [smem:$0x3FAC]  }
0x3d: {  	_ =	shalt  }
0x3e: {  	_ =	shalt  }
0x3f: {  	_ =	shalt  }
0x40: {  	_ =	shalt  }
0x41: {  	_ =	shalt  }
0x42: {  	_ =	shalt  }
0x43: {  	_ =	shalt  }
0x44: {  	_ =	shalt  }
0x45: {  	_ =	shalt  }
0x46: {  	_ =	shalt  }
0x47: {  	_ =	shalt  }
0x48: {  	_ =	shalt  }
0x49: {  	_ =	shalt  }
0x4a: {  	_ =	shalt  }
0x4b: {  	_ =	shalt  }
0x4c: {  	_ =	shalt  }
0x4d: {  	_ =	shalt  }
0x4e: {  	_ =	shalt  }
0x4f: {  	_ =	shalt  }
0x50: {  	_ =	shalt  }
0x51: {  	_ =	shalt  }
0x52: {  	_ =	shalt  }
0x53: {  	_ =	shalt  }
0x54: {  	_ =	shalt  }
0x55: {  	_ =	shalt  }
0x56: {  	_ =	shalt  }
0x57: {  	_ =	shalt  }
0x58: {  	_ =	shalt  }
0x59: {  	_ =	shalt  }
0x5a: {  	_ =	shalt  }
0x5b: {  	_ =	shalt  }
0x5c: {  	_ =	shalt  }
0x5d: {  	_ =	shalt  }
0x5e: {  	_ =	shalt  }
0x5f: {  	_ =	shalt  }
0x60: {  	_ =	shalt  }
0x61: {  	_ =	shalt  }
0x62: {  	_ =	shalt  }
0x63: {  	_ =	shalt  }
0x64: {  	_ =	shalt  }
0x65: {  	_ =	shalt  }
0x66: {  	_ =	shalt  }
0x67: {  	_ =	shalt  }
0x68: {  	_ =	shalt  }
0x69: {  	_ =	shalt  }
0x6a: {  	_ =	shalt  }
0x6b: {  	_ =	shalt  }
0x6c: {  	_ =	shalt  }
0x6d: {  	_ =	shalt  }
0x6e: {  	_ =	shalt  }
0x6f: {  	_ =	shalt  }
0x70: {  	_ =	shalt  }
0x71: {  	_ =	shalt  }
0x72: {  	_ =	shalt  }
0x73: {  	_ =	shalt  }
0x74: {  	_ =	shalt  }
0x75: {  	_ =	shalt  }
0x76: {  	_ =	shalt  }
0x77: {  	_ =	shalt  }
0x78: {  	_ =	shalt  }
0x79: {  	_ =	shalt  }
0x7a: {  	_ =	shalt  }
0x7b: {  	_ =	shalt  }
0x7c: {  	_ =	shalt  }
0x7d: {  	_ =	shalt  }
0x7e: {  	_ =	shalt  }
0x7f: {  	_ =	shalt  }
0x80: {  	_ =	shalt  }
0x81: {  	_ =	shalt  }
0x82: {  	_ =	shalt  }
0x83: {  	_ =	shalt  }
0x84: {  	_ =	shalt  }
0x85: {  	_ =	shalt  }
0x86: {  	_ =	shalt  }
0x87: {  	_ =	shalt  }
.Lfunc_end0:
.L_simem_size_0:
called_computation.7_lowered:
.L_overlay_start_0:
0x88: {  	s2 =	sld [smem:$0x3FD9]  }
0x89: {  	s3 =	sld [smem:$0x3FFE];
	_ =	sdelay $0x1  }
0x8a: {  	s1 =	srdreg.scid  }
0x8b: {  	s0 =	sand.u32 $0x1, s1  }
0x8c: {  	s17 =	sshll.u32 s0, $0xA;
	s2 =	sadd.s32 s3, s2  }
0x8d: {  	s2 =	sadd.s32 s2, s17  }
0x8e: {  	[smem:$0x3FB8] =	sst s2  }
0x8f: {  	_ = 	snop  }
0x90: {  	(tm) =	ssettm $0x1  }
0x91: {  	s18 =	sld [smem:$0x3FFB];
	_ =	sdelay $0x3  }
0x92: {  	_ =	strace s18  }
0x93: {  	s2 =	sld [smem:$0x3FFC];
	_ =	sdelay $0x3  }
0x94: {  	_ =	strace s2  }
0x95: {  	s2 =	sld [smem:$0x3FFD];
	_ =	sdelay $0x3  }
0x96: {  	_ =	strace s2  }
0x97: {  	_ =	strace $0x8FFFFFFF  }
0x98: {  	s19 =	sld [smem:$0x3FDB];
	_ =	sdelay $0x1  }
0x99: {  	s20 =	simm.s32 $_scs_section_size  }
0x9a: {  	s4 =	simm.s32 $_size__tile_overlayer_lowered;
	s5 =	simm.s32 $_tile_overlayer_lowered  }
0x9b: {  	s6 =	simm.s32 $0x1BFF;
	s21 =	sshll.u32 s5, $0x1;
	s3 =	sadd.s32 s20, s19  }
0x9c: {  	s22 =	simm.s32 $0x0;
	s4 =	sshll.u32 s4, $0x1;
	s5 =	sadd.s32 s21, s3  }
0x9d: {  	[timem:s22], [sflag:s6] =	dma.local [hbm:s5], s4  }
0x9e: {  	_ =	swait.ge [sflag:s6], s4  }
0x9f: {  	s4 =	ssub.s32 $0x0, s4;
	[sflag:s6] =	ssyncset.done $0x0  }
0xa0: {  	[sflag:s6] =	ssyncadd.s32 s4;
	_ =	sdelay $0x1  }
0xa1: {  	s23 =	simm.s32 $0x1B8B  }
0xa2: {  	_ =	swait.ge [sflag:s23], $0x1  }
0xa3: {  	[sflag:s23] =	ssyncset.done $0x0  }
0xa4: {  	[sflag:s23] =	ssyncadd.s32 $0xFFFFFFFF  }
0xa5: {  	s4 =	sld [smem:$0x0]  }
0xa6: {  	s5 =	sand.u32 $0xFFFFFFFE, s1  }
0xa7: {  	p0 =	sne.s32 s1, s5  }
0xa8: {  	s5 =	sshll.u32 @p0 s5, $0xE  }
0xa9: {  	s5 =	sadd.s32 @p0 $0x11B8D, s5;
	s6 =	sshll.u32 @p0 s4, $0x11  }
0xaa: {  	s5 =	sor.u32 @p0 s6, s5  }
0xab: {  	[sflag:s5] =	ssyncadd.remote.s32 @p0 $0x1;
	_ =	sdelay $0x1  }
0xac: {  	s5 =	simm.s32 @p0 $0x1B8D  }
0xad: {  	_ =	swait.eq @p0 [sflag:s5], $0x1  }
0xae: {  	[sflag:s5] =	ssyncadd.s32 @p0 $0xFFFFFFFF  }
0xaf: {  	s6 =	sshll.u32 @!p0 s1, $0xE  }
0xb0: {  	s6 =	sor.u32 @!p0 $0x4000, s6;
	s5 =	simm.s32 @!p0 $0x1B8D  }
0xb1: {  	s4 =	sshll.u32 @!p0 s4, $0x11;
	s6 =	sadd.s32 @!p0 $0x11B8D, s6;
	_ =	swait.eq @!p0 [sflag:s5], $0x1  }
0xb2: {  	s4 =	sor.u32 @!p0 s4, s6;
	[sflag:s5] =	ssyncadd.s32 @!p0 $0xFFFFFFFF  }
0xb3: {  	s25 =	simm.s32 $0x1B8E;
	s24 =	sld [smem:$0x3FFE];
	[sflag:s4] =	ssyncadd.remote.s32 @!p0 $0x1  }
0xb4: {  	s26 =	simm.s32 $execute0_lowered;
	[smem:$0x3FD2] =	sst s25  }
0xb5: {  	s5 =	sshll.u32 s26, $0x1;
	_ =	strace $0x8000005B;
	[dreg:$0x1] =	wrdreg $0xFFFFFFFF  }
0xb6: {  	s28 =	simm.s32 $_size_execute0_lowered;
	s3 =	sadd.s32 s3, s5;
	[dreg:$0x0] =	wrdreg $0x0  }
0xb7: {  	s5 =	sshll.u32 s28, $0x1;
	[dreg:$0x2] =	wrdreg s3  }
0xb8: {  	[dreg:$0x3] =	wrdreg s5  }
0xb9: {  	[dreg:$0x4] =	wrdreg $0xC0  }
0xba: {  	_ =	task [dreg:s22], $0x5FFFF  }
0xbb: {  	[dreg:$0x1] =	wrdreg $0xFFFFFFFF  }
0xbc: {  	[dreg:$0x0] =	wrdreg $0x60  }
0xbd: {  	[dreg:$0x2] =	wrdreg s24  }
0xbe: {  	[dreg:$0x3] =	wrdreg $0x0  }
0xbf: {  	[dreg:$0x4] =	wrdreg $0xA  }
0xc0: {  	_ =	task.clear_ibuf [dreg:s22], $0x5FFFF;
	_ =	strace $0x9000005B  }
0xc1: {  	s29 =	simm.s32 $0xA;
	_ =	strace $0x8000005D  }
0xc2: {  	_ =	swait.ge [sflag:s29], $0x1  }
0xc3: {  	[sflag:s29] =	ssyncadd.s32 $0xFFFFFFFF  }
0xc4: {  	_ =	strace $0x9000005D  }
0xc5: {  	_ =	sfence  }
0xc6: {  	s30 =	sld [smem:$0x0];
	_ =	sdelay $0x2  }
0xc7: {  	s31 =	sshll.u32 s1, $0xD;
	s1 =	sshrl.u32 s1, $0x2  }
0xc8: {  	s4 =	sand.u32 $0x4000, s31;
	s1 =	sadd.s32 s1, s30  }
0xc9: {  	s0 =	sor.u32 s4, s0;
	s1 =	sshll.u32 s1, $0x11  }
0xca: {  	s0 =	sor.u32 s1, s0  }
0xcb: {  	s0 =	sadd.s32 $0x8F2B, s0  }
0xcc: {  	[sflag:s0] =	ssyncadd.remote.s32 $0x1  }
0xcd: {  	_ =	sfence.sel $0xFFFF  }
0xce: {  	[dreg:$0x0] =	wrdreg $0xFFFFFFFF;
	(pc) =	sbr.abs _section_cstart, $3  }
0xcf: {  	[dreg:$0x1] =	wrdreg $0xFFFFFFFF  }
0xd0: {  	_ =	task.clear_ibuf [dreg:s22], $0x2FFFF;
	_ =	strace $0x9FFFFFFF  }
0xd1: {  	(tm) =	ssettm $0x7FFFFFFF  }
tec
execute0_lowered:
.L_overlay_start_1:
0x0: {  	(tag) =	ssettag $0x1  }
0x1: {  	s0 =	rddreg [dreg:$0x0]  }
0x2: {  	s2 =	rddreg [dreg:$0x1]  }
0x3: {  	s16 =	stileid.u32;
	s1 =	srdreg.scid;
	s3 =	simm.s32 $0x0  }
0x4: {  	s28 =	simm.s32 $0x3;
	s29 =	simm.s32 $0x4;
	s5 =	smul.u32 $0x14000, s16  }
0x5: {  	s30 =	simm.s32 $0x14000;
	s1 =	sand.u32 $0x1, s1;
	s15 =	smul.u32 $0x50000, s16  }
0x6: {  	[smem:$0x7FF] =	sst s3;
	s7 =	sadd.s32 $0x3F9200, s0;
	s13 =	smul.u32 $0x1220, s16  }
0x7: {  	s9 =	sshll.u32 s16, $0x1;
	s19 =	sshll.u32 s16, $0x6;
	s16 =	smul.u32 $0x12200, s16  }
0x8: {  	s4 =	sadd.s32 $0x7B9200, s0;
	s6 =	smul.u32 $0x140000, s1;
	s9 =	sor.u32 s1, s9  }
0x9: {  	_ =	strace $0x8000005C;
	s17 =	ssub.s32 $0x2, s1;
	s18 =	smul.u32 $0x910, s9  }
0xa: {  	s8 =	sshrl.u32 s5, $0x3;
	s10 =	sshrl.u32 s17, $0x1;
	s20 =	smul.u32 $0x9100, s9  }
0xb: {  	s5 =	sadd.s32 s5, s6;
	s14 =	sadd.s32 s8, s0;
	s8 =	sshrl.u32 s15, $0x2  }
0xc: {  	s5 =	sshrl.u32 s5, $0x3;
	s15 =	sadd.s32 s8, s2;
	s6 =	sadd.s32 $0x2F200, s14  }
0xd: {  	s21 =	sshrl.u32 s18, $0x3;
	s11 =	sadd.s32 $0x80, s18;
	s14 =	smul.u32 $0x910, s1  }
0xe: {  	s8 =	sadd.s32 s7, s20;
	s12 =	sadd.s32 $0x900, s18;
	s1 =	smul.u32 $0x9100, s1  }
0xf: {  	s20 =	simm.s32 $0x14080;
	s0 =	sadd.s32 s5, s0;
	s5 =	ssub.s32 s17, s10  }
0x10: {  	[dreg:$0x3] =	wrdreg s6;
	s6 =	sor.u32 $0x1C05, s19;
	s9 =	sadd.s32 s4, s21  }
0x11: {  	[dreg:$0x5] =	wrdreg s8;
	s22 =	sshrl.u32 s11, $0x3;
	s24 =	sshll.u32 s11, $0x4  }
0x12: {  	s25 =	sshrl.u32 s12, $0x3;
	s12 =	sshll.u32 s12, $0x4;
	s18 =	sshrl.u32 s15, $0x3  }
0x13: {  	s19 =	simm.s32 $0x5;
	s21 =	simm.s32 $0x14180;
	[dreg:$0x4] =	wrdreg s9  }
0x14: {  	s23 =	sadd.s32 s4, s22;
	s10 =	sadd.s32 s7, s24;
	s11 =	sadd.s32 s4, s25  }
0x15: {  	s17 =	sadd.s32 s14, s13;
	s12 =	sadd.s32 s7, s12;
	s7 =	sadd.s32 s16, s7  }
0x16: {  	s13 =	sadd.s32 $0x7BB800, s0;
	s22 =	simm.s32 $0x14100;
	s24 =	simm.s32 $0x1  }
0x17: {  	s25 =	simm.s32 $0x80;
	s0 =	simm.s32 $0x0;
	[dreg:$0x6] =	wrdreg s23  }
0x18: {  	s14 =	sadd.s32 $0x180, s17;
	s26 =	sadd.s32 s1, s7;
	s17 =	sadd.s32 $0x100, s17  }
0x19: {  	s23 =	simm.s32 $0x18180;
	s31 =	sshrl.u32 s14, $0x3;
	s14 =	smax.u32 s5, $0x1  }
0x1a: {  	s7 =	sadd.s32 $0x1800, s26;
	s26 =	simm.s32 $0x2;
	s16 =	sadd.s32 s31, s4  }
.LBB2_1:
0x1b: {  	s1 =	rddreg [dreg:$0x3]  }
0x1c: {  	[spmem:s18], [sflag:s6] =	dma.local [hbm:s1], $0x2800  }
0x1d: {  	_ =	swait.ge [sflag:s19], $0x2800  }
0x1e: {  	[sflag:s19] =	ssyncset.done $0x0  }
0x1f: {  	[sflag:s19] =	ssyncadd.s32 $0xFFFFD800  }
0x20: {  	[bflag:$0x0] =	sbarrier.arrive $0xFFFF  }
0x21: {  	s9 =	rddreg [dreg:$0x4]  }
0x22: {  	[tilespmem:s20], [sflag:$0x1] =	stream.linear.gather [hbm4b:s9+s3], $0x80, $0x38;
	[tilespmem:$0x1C180] =	vst v63  }
0x23: {  	s15 =	rddreg [dreg:$0x5]  }
0x24: {  	[tilespmem:s21], [sflag:$0x1] =	stream.linear.gather [hbm4b:s15+s3], $0x4000, $0x38;
	[tilespmem:$0x1C180] =	vst v63  }
0x25: {  	s5 =	rddreg [dreg:$0x6]  }
0x26: {  	[tilespmem:s22], [sflag:$0x2] =	stream.linear.gather [hbm4b:s5+s3], $0x80, $0x38;
	[tilespmem:$0x1C180] =	vst v63  }
0x27: {  	_ = 	snop  }
0x28: {  	[tilespmem:s23], [sflag:$0x2] =	stream.linear.gather [hbm4b:s10+s3], $0x4000, $0x38;
	[tilespmem:$0x1C180] =	vst v63  }
0x29: {  	_ =	swait.ge [sflag:s24], $0x80  }
0x2a: {  	[sflag:s24] =	ssyncset.done $0x0  }
0x2b: {  	[sflag:s24] =	ssyncadd.s32 $0xFFFFFF80  }
0x2c: {  	_ =	swait.ge [sflag:s24], $0x4000  }
0x2d: {  	[sflag:s24] =	ssyncset.done $0x0  }
0x2e: {  	[sflag:s24] =	ssyncadd.s32 $0xFFFFC000  }
0x2f: {  	[spmem:s2] =	stream.indirect.scatter.add.f32 [tilespmem:s21], [sflag:$0x3], $0x80, s20, s25, $0xb8;
	[tilespmem:$0x1C180] =	vst v63  }
0x30: {  	_ =	swait.ge [sflag:s26], $0x80  }
0x31: {  	[sflag:s26] =	ssyncset.done $0x0  }
0x32: {  	[sflag:s26] =	ssyncadd.s32 $0xFFFFFF80  }
0x33: {  	_ =	swait.ge [sflag:s26], $0x4000  }
0x34: {  	[sflag:s26] =	ssyncset.done $0x0  }
0x35: {  	[sflag:s26] =	ssyncadd.s32 $0xFFFFC000  }
0x36: {  	[spmem:s2] =	stream.indirect.scatter.add.f32 [tilespmem:s23], [sflag:$0x4], $0x80, s22, s25, $0xb8;
	[tilespmem:$0x1C180] =	vst v63  }
0x37: {  	_ =	swait.ge [sflag:s28], $0x4000  }
0x38: {  	s8 =	sshrl.u32 s17, $0x3;
	[sflag:s28] =	ssyncset.done $0x0  }
0x39: {  	s1 =	sadd.s32 s4, s8;
	[sflag:s28] =	ssyncadd.s32 $0xFFFFC000  }
0x3a: {  	[tilespmem:s20], [sflag:$0x1] =	stream.linear.gather [hbm4b:s1+s3], $0x80, $0x38;
	[tilespmem:$0x1C180] =	vst v63  }
0x3b: {  	s9 =	sadd.s32 $0xFFFFF800, s7  }
0x3c: {  	[tilespmem:s21], [sflag:$0x1] =	stream.linear.gather [hbm4b:s9+s3], $0x4000, $0x38;
	[tilespmem:$0x1C180] =	vst v63  }
0x3d: {  	_ =	swait.ge [sflag:s29], $0x4000  }
0x3e: {  	[sflag:s29] =	ssyncset.done $0x0  }
0x3f: {  	s31 =	sadd.s32 $0x1000, s7;
	s15 =	sadd.s32 $0x0, s16;
	[sflag:s29] =	ssyncadd.s32 $0xFFFFC000  }
0x40: {  	[tilespmem:s22], [sflag:$0x2] =	stream.linear.gather [hbm4b:s15+s3], $0x80, $0x38;
	[tilespmem:$0x1C180] =	vst v63  }
0x41: {  	s5 =	sadd.s32 $0x100, s17;
	s1 =	simm.s32 $0x20;
	s15 =	smov.u32 s7  }
.LBB2_2:
0x42: {  	[tilespmem:s23], [sflag:$0x2] =	stream.linear.gather [hbm4b:s15+s3], $0x4000, $0x38;
	[tilespmem:$0x1C180] =	vst v63  }
0x43: {  	s8 =	smov.u32 s1;
	s15 =	smov.u32 s31  }
0x44: {  	p0 =	sne.s32 s1, $0xE0;
	s1 =	sadd.s32 $0x20, s1;
	_ =	swait.ge [sflag:s24], $0x80  }
0x45: {  	[sflag:s24] =	ssyncset.done $0x0  }
0x46: {  	[sflag:s24] =	ssyncadd.s32 $0xFFFFFF80  }
0x47: {  	_ =	swait.ge [sflag:s24], $0x4000  }
0x48: {  	[sflag:s24] =	ssyncset.done $0x0  }
0x49: {  	[sflag:s24] =	ssyncadd.s32 $0xFFFFC000  }
0x4a: {  	[spmem:s2] =	stream.indirect.scatter.add.f32 [tilespmem:s21], [sflag:$0x3], $0x80, s20, s25, $0xb8;
	[tilespmem:$0x1C180] =	vst v63  }
0x4b: {  	_ =	swait.ge [sflag:s26], $0x80  }
0x4c: {  	[sflag:s26] =	ssyncset.done $0x0  }
0x4d: {  	[sflag:s26] =	ssyncadd.s32 $0xFFFFFF80  }
0x4e: {  	_ =	swait.ge [sflag:s26], $0x4000  }
0x4f: {  	[sflag:s26] =	ssyncset.done $0x0  }
0x50: {  	[sflag:s26] =	ssyncadd.s32 $0xFFFFC000  }
0x51: {  	[spmem:s2] =	stream.indirect.scatter.add.f32 [tilespmem:s23], [sflag:$0x4], $0x80, s22, s25, $0xb8;
	[tilespmem:$0x1C180] =	vst v63  }
0x52: {  	_ =	swait.ge [sflag:s28], $0x4000  }
0x53: {  	s9 =	sshrl.u32 s5, $0x3;
	[sflag:s28] =	ssyncset.done $0x0  }
0x54: {  	s9 =	sadd.s32 s4, s9;
	[sflag:s28] =	ssyncadd.s32 $0xFFFFC000  }
0x55: {  	[tilespmem:s20], [sflag:$0x1] =	stream.linear.gather [hbm4b:s9+s3], $0x80, $0x38;
	[tilespmem:$0x1C180] =	vst v63  }
0x56: {  	s9 =	sadd.s32 $0xFFFFF800, s31  }
0x57: {  	[tilespmem:s21], [sflag:$0x1] =	stream.linear.gather [hbm4b:s9+s3], $0x4000, $0x38;
	[tilespmem:$0x1C180] =	vst v63  }
.Ltmp0:
0x58: {  	_ =	swait.ge [sflag:s29], $0x4000;
	(pc) =	sbr.rel @p0 .LBB2_2-.Ltmp0, $4  }
0x59: {  	[sflag:s29] =	ssyncset.done $0x0  }
0x5a: {  	s8 =	sadd.s32 s8, s16;
	[sflag:s29] =	ssyncadd.s32 $0xFFFFC000  }
0x5b: {  	[tilespmem:s22], [sflag:$0x2] =	stream.linear.gather [hbm4b:s8+s3], $0x80, $0x38;
	[tilespmem:$0x1C180] =	vst v63  }
0x5c: {  	s5 =	sadd.s32 $0x100, s5;
	s31 =	sadd.s32 $0x1000, s31  }
0x5d: {  	[tilespmem:s23], [sflag:$0x2] =	stream.linear.gather [hbm4b:s15+s3], $0x4000, $0x38;
	[tilespmem:$0x1C180] =	vst v63  }
0x5e: {  	_ =	swait.ge [sflag:s24], $0x80  }
0x5f: {  	[sflag:s24] =	ssyncset.done $0x0  }
0x60: {  	[sflag:s24] =	ssyncadd.s32 $0xFFFFFF80  }
0x61: {  	_ =	swait.ge [sflag:s24], $0x4000  }
0x62: {  	[sflag:s24] =	ssyncset.done $0x0  }
0x63: {  	[sflag:s24] =	ssyncadd.s32 $0xFFFFC000  }
0x64: {  	[spmem:s2] =	stream.indirect.scatter.add.f32 [tilespmem:s21], [sflag:$0x3], $0x80, s20, s25, $0xb8;
	[tilespmem:$0x1C180] =	vst v63  }
0x65: {  	_ =	swait.ge [sflag:s26], $0x80  }
0x66: {  	[sflag:s26] =	ssyncset.done $0x0  }
0x67: {  	[sflag:s26] =	ssyncadd.s32 $0xFFFFFF80  }
0x68: {  	_ =	swait.ge [sflag:s26], $0x4000  }
0x69: {  	[sflag:s26] =	ssyncset.done $0x0  }
0x6a: {  	[sflag:s26] =	ssyncadd.s32 $0xFFFFC000  }
0x6b: {  	[spmem:s2] =	stream.indirect.scatter.add.f32 [tilespmem:s23], [sflag:$0x4], $0x80, s22, s25, $0xb8;
	[tilespmem:$0x1C180] =	vst v63  }
0x6c: {  	_ =	swait.ge [sflag:s28], $0x4000  }
0x6d: {  	[sflag:s28] =	ssyncset.done $0x0  }
0x6e: {  	[sflag:s28] =	ssyncadd.s32 $0xFFFFC000  }
0x6f: {  	_ =	swait.ge [sflag:s29], $0x4000  }
0x70: {  	[sflag:s29] =	ssyncset.done $0x0  }
0x71: {  	[sflag:s29] =	ssyncadd.s32 $0xFFFFC000  }
0x72: {  	[tilespmem:s30], [sflag:$0x5] =	stream.linear.gather [hbm4b:s11+s3], $0x10, $0x38;
	[tilespmem:$0x1C180] =	vst v63  }
0x73: {  	_ =	swait.ge [sflag:s19], $0x10  }
0x74: {  	[sflag:s19] =	ssyncset.done $0x0  }
0x75: {  	[sflag:s19] =	ssyncadd.s32 $0xFFFFFFF0  }
0x76: {  	[tilespmem:s21], [sflag:$0x5] =	stream.linear.gather [hbm4b:s12+s3], $0x800, $0x38;
	[tilespmem:$0x1C180] =	vst v63  }
0x77: {  	_ =	swait.ge [sflag:s19], $0x800  }
0x78: {  	[sflag:s19] =	ssyncset.done $0x0  }
0x79: {  	s1 =	simm.s32 $0x10;
	[sflag:s19] =	ssyncadd.s32 $0xFFFFF800  }
0x7a: {  	[spmem:s2] =	stream.indirect.scatter.add.f32 [tilespmem:s21], [sflag:$0x5], $0x80, s30, s1, $0xb8;
	[tilespmem:$0x1C180] =	vst v63  }
0x7b: {  	_ =	swait.ge [sflag:s19], $0x800  }
0x7c: {  	s0 =	sadd.s32 $0x1, s0;
	[sflag:s19] =	ssyncset.done $0x0  }
0x7d: {  	p0 =	sne.s32 s0, s14;
	[sflag:s19] =	ssyncadd.s32 $0xFFFFF800  }
.Ltmp1:
0x7e: {  	[bflag:$0x0] =	sbarrier.arrive $0xFFFF;
	(pc) =	sbr.rel @p0 .LBB2_1-.Ltmp1, $4  }
0x7f: {  	[hbm:s13], [sflag:s6] =	dma.local [spmem:s18], $0x2800  }
0x80: {  	_ =	swait.ge [sflag:s19], $0x2800  }
0x81: {  	[sflag:s19] =	ssyncset.done $0x0  }
0x82: {  	[sflag:s19] =	ssyncadd.s32 $0xFFFFD800  }
0x83: {  	_ =	sfence.sel $0x180000  }
0x84: {  	[bflag:$0x0] =	sbarrier.arrive $0xFFFF  }
0x85: {  	_ =	strace $0x9000005C  }
0x86: {  	s0 =	stileid.u32;
	[bflag:$0x2] =	sbarrier.arrive $0xFFFF  }
0x87: {  	p0 =	sne.s32 s0, $0x0;
	s0 =	rddreg [dreg:$0x2]  }
0x88: {  	s0 =	sadd.s32 @!p0 $0x100000, s0  }
0x89: {  	[sflag:s0] =	ssyncadd.tile.s32 @!p0 $0x1;
	_ =	shalt  }
.Lfunc_end2:
_tile_overlayer_lowered:
.L_overlay_start_2:
0x8a: {  	(tag) =	ssettag $0x2  }
0x8b: {  	s0 =	rddreg [dreg:$0x0];
	s2 =	stileid.u32  }
0x8c: {  	s1 =	rddreg [dreg:$0x1];
	p0 =	sne.s32 s2, $0x0  }
0x8d: {  	s3 =	rddreg [dreg:$0x2];
	[bflag:$0x3] =	sbarrier.arrive $0xFFFF;
	s2 =	simm.s32 @!p0 $0x1C05  }
0x8e: {  	[timem:s3], [sflag:s2] =	dma.local @!p0 [hbm:s0], s1  }
0x8f: {  	s0 =	simm.s32 @!p0 $0x5  }
0x90: {  	_ =	swait.ge @!p0 [sflag:s0], s1  }
0x91: {  	s1 =	ssub.s32 @!p0 $0x0, s1;
	[sflag:s0] =	ssyncset.done @!p0 $0x0  }
0x92: {  	[sflag:s0] =	ssyncadd.s32 @!p0 s1  }
0x93: {  	[bflag:$0x3] =	sbarrier.arrive $0xFFFF  }
0x94: {  	_ =	shalt  }

</sc_bundles>
